<compile_context>
chip_gen: v7x
topology: tpu7x:2x2x1
jax: 0.10.2.dev20260603
libtpu: 0.0.44.dev20260713+nightly
codegen_flags: <defaults>
</compile_context>

<pallas_src>
import jax
import jax.numpy as jnp
from jax import lax
from jax.experimental import pallas as pl
from jax.experimental.pallas import tpu as pltpu
from jax.experimental.pallas import tpu_sc as plsc

_NC = 2
_NS = 16
_BN = 1000
_BB = 64


_K = 128
_Q1_FRAC = 0.23


def _make_seg_sum(n_pad, d, e):
    nw = _NC * _NS
    assert e % (nw * _K) == 0 and n_pad % (_NS * _BB) == 0 and d % 128 == 0
    chunks_per_pair = e // (_NS * _K)
    q1 = max(1, round(chunks_per_pair * _Q1_FRAC))
    q0 = chunks_per_pair - q1
    rpt = n_pad // _NS
    nb = rpt // _BB

    mesh = plsc.VectorSubcoreMesh(core_axis_name="c", subcore_axis_name="s")

    out_type = jax.ShapeDtypeStruct((_NC, n_pad, d), jnp.float32)
    scratch = [
        pltpu.VMEM((_K,), jnp.int32),
        pltpu.VMEM((_K,), jnp.int32),
        pltpu.VMEM((_K, d), jnp.float32),
        pltpu.SemaphoreType.DMA,
        pltpu.VMEM((_K,), jnp.int32),
        pltpu.VMEM((_K,), jnp.int32),
        pltpu.VMEM((_K, d), jnp.float32),
        pltpu.SemaphoreType.DMA,
        pltpu.VMEM((_BB, d), jnp.float32),
        pltpu.VMEM_SHARED((n_pad, d), jnp.float32),
    ]

    def body(h_hbm, src_hbm, dst_hbm, zb_hbm, acc_out,
             s0, d0, r0, g0, s1, d1, r1, g1, fbuf, facc):
        cid = lax.axis_index("c")
        sid = lax.axis_index("s")
        wid = sid * _NC + cid
        bufs = ((s0, d0, r0, g0), (s1, d1, r1, g1))

        pltpu.sync_copy(zb_hbm, fbuf)

        def zero_blk(j, carry):
            blk = pl.ds(sid * rpt + j * _BB, _BB)
            pltpu.sync_copy(fbuf, facc.at[blk])
            return carry

        lax.fori_loop(0, nb, zero_blk, 0)
        plsc.subcore_barrier()

        def fetch(base0, j, p):
            sb, db, _, gb = bufs[p]
            base = base0 + j * _K
            pltpu.sync_copy(src_hbm.at[pl.ds(base, _K)], sb)
            pltpu.sync_copy(dst_hbm.at[pl.ds(base, _K)], db)
            pltpu.async_copy(h_hbm.at[sb], bufs[p][2], gb)

        def consume(p):
            sb, db, rb, gb = bufs[p]
            pltpu.make_async_copy(h_hbm.at[sb], rb, gb).wait()
            pltpu.sync_copy(rb, facc.at[db], add=True)

        def run_pipe(base0, n_chunks):
            fetch(base0, 0, 0)
            pairs = (n_chunks - 1) // 2

            def pair_step(t, carry):
                j = 2 * t
                fetch(base0, j + 1, 1)
                consume(0)
                fetch(base0, j + 2, 0)
                consume(1)
                return carry

            lax.fori_loop(0, pairs, pair_step, 0)
            for j in range(2 * pairs, n_chunks):
                p = j % 2
                if j + 1 < n_chunks:
                    fetch(base0, j + 1, 1 - p)
                consume(p)

        @pl.when(cid == 0)
        def _():
            run_pipe(sid * q0 * _K, q0)

        @pl.when(cid == 1)
        def _():
            run_pipe((_NS * q0 + sid * q1) * _K, q1)

        plsc.subcore_barrier()

        def wb_blk(j, carry):
            blk = pl.ds(sid * rpt + j * _BB, _BB)
            pltpu.sync_copy(facc.at[blk], fbuf)
            pltpu.sync_copy(fbuf, acc_out.at[cid, blk])
            return carry

        lax.fori_loop(0, nb, wb_blk, 0)

    return pl.kernel(body, out_type=out_type, mesh=mesh, scratch_types=scratch)


def _make_counts(n_pad, d, e):
    nw = _NC * _NS
    e_per_w = e // nw
    n_chunks = e_per_w // _K
    rpt = n_pad // _NS
    nb = rpt // _BB

    mesh = plsc.VectorSubcoreMesh(core_axis_name="c", subcore_axis_name="s")

    out_type = (jax.ShapeDtypeStruct((_NC, n_pad, d), jnp.float32),
                jax.ShapeDtypeStruct((_NC, n_pad, d), jnp.float32))
    scratch = [
        pltpu.VMEM((_K,), jnp.int32),
        pltpu.SemaphoreType.DMA,
        pltpu.VMEM((_K,), jnp.int32),
        pltpu.SemaphoreType.DMA,
        pltpu.VMEM((_K, d), jnp.float32),
        pltpu.VMEM((_BB, d), jnp.float32),
        pltpu.VMEM_SHARED((n_pad, d), jnp.float32),
    ]

    def body(sd_hbm, td_hbm, zb_hbm, on_hbm, cs_out, ct_out, d0, i0, d1, i1,
             ones_v, fbuf, cacc):
        cid = lax.axis_index("c")
        sid = lax.axis_index("s")
        wid = sid * _NC + cid
        base0 = wid * e_per_w
        bufs = ((d0, i0), (d1, i1))

        pltpu.sync_copy(on_hbm, ones_v)

        for dst_hbm, out in ((sd_hbm, cs_out), (td_hbm, ct_out)):
            pltpu.sync_copy(zb_hbm, fbuf)

            def zero_blk(j, carry):
                blk = pl.ds(sid * rpt + j * _BB, _BB)
                pltpu.sync_copy(fbuf, cacc.at[blk])
                return carry

            lax.fori_loop(0, nb, zero_blk, 0)
            plsc.subcore_barrier()

            def fetch(j, p):
                db, ib = bufs[p]
                base = base0 + j * _K
                pltpu.async_copy(dst_hbm.at[pl.ds(base, _K)], db, ib)

            def consume(j, p):
                db, ib = bufs[p]
                base = base0 + j * _K
                pltpu.make_async_copy(dst_hbm.at[pl.ds(base, _K)], db,
                                      ib).wait()
                pltpu.sync_copy(ones_v, cacc.at[db], add=True)

            fetch(0, 0)
            pairs = (n_chunks - 1) // 2

            def pair_step(t, carry):
                j = 2 * t
                fetch(j + 1, 1)
                consume(j, 0)
                fetch(j + 2, 0)
                consume(j + 1, 1)
                return carry

            lax.fori_loop(0, pairs, pair_step, 0)
            for j in range(2 * pairs, n_chunks):
                p = j % 2
                if j + 1 < n_chunks:
                    fetch(j + 1, 1 - p)
                consume(j, p)
            plsc.subcore_barrier()

            def wb_blk(j, carry):
                blk = pl.ds(sid * rpt + j * _BB, _BB)
                pltpu.sync_copy(cacc.at[blk], fbuf)
                pltpu.sync_copy(fbuf, out.at[cid, blk])
                return carry

            lax.fori_loop(0, nb, wb_blk, 0)
            plsc.subcore_barrier()

    return pl.kernel(body, out_type=out_type, mesh=mesh, scratch_types=scratch)


def _dotT(a, w):
    return lax.dot_general(a, w, (((1,), (1,)), ((), ())),
                           preferred_element_type=jnp.float32,
                           precision=lax.Precision.HIGHEST)


def _tc_layer_pre(acc, cnt, h, wl, wr, bl):
    n, d = h.shape
    grid = n // _BN

    def body(acc_ref, cnt_ref, h_ref, wl_ref, wr_ref, bl_ref, pre_ref, st_ref):
        i = pl.program_id(0)
        s = acc_ref[0] + acc_ref[1]
        c = jnp.sum(cnt_ref[0] + cnt_ref[1], axis=1, keepdims=True) * (1.0 / d)
        inv = 1.0 / jnp.maximum(c, 1.0)
        mean = s * inv
        pre = _dotT(mean, wl_ref[...]) + _dotT(h_ref[...], wr_ref[...]) + bl_ref[...]
        pre_ref[...] = pre
        srow = jnp.sum(pre, axis=0, keepdims=True)
        qrow = jnp.sum(pre * pre, axis=0, keepdims=True)
        upd = jnp.concatenate([srow, qrow, jnp.zeros((6, d), jnp.float32)],
                              axis=0)
        prev = jnp.where(i == 0, jnp.zeros_like(upd), st_ref[...])
        st_ref[...] = prev + upd

    return pl.pallas_call(
        body,
        grid=(grid,),
        in_specs=[
            pl.BlockSpec((_NC, _BN, d), lambda i: (0, i, 0)),
            pl.BlockSpec((_NC, _BN, d), lambda i: (0, i, 0)),
            pl.BlockSpec((_BN, d), lambda i: (i, 0)),
            pl.BlockSpec((d, d), lambda i: (0, 0)),
            pl.BlockSpec((d, d), lambda i: (0, 0)),
            pl.BlockSpec((1, d), lambda i: (0, 0)),
        ],
        out_specs=[
            pl.BlockSpec((_BN, d), lambda i: (i, 0)),
            pl.BlockSpec((8, d), lambda i: (0, 0)),
        ],
        out_shape=[
            jax.ShapeDtypeStruct((n, d), jnp.float32),
            jax.ShapeDtypeStruct((8, d), jnp.float32),
        ],
    )(acc, cnt, h, wl, wr, bl)


def _bn_relu_block(pre_ref, st_ref, g_ref, be_ref, n):
    m = st_ref[0:1, :] * (1.0 / n)
    ex2 = st_ref[1:2, :] * (1.0 / n)
    v = ex2 - m * m
    scale = lax.rsqrt(v + 1e-5) * g_ref[...]
    return jnp.maximum((pre_ref[...] - m) * scale + be_ref[...], 0.0)


def _tc_bn_relu(pre, st, g, be):
    n, d = pre.shape
    grid = n // _BN

    def body(pre_ref, st_ref, g_ref, be_ref, out_ref):
        out_ref[...] = _bn_relu_block(pre_ref, st_ref, g_ref, be_ref, n)

    return pl.pallas_call(
        body,
        grid=(grid,),
        in_specs=[
            pl.BlockSpec((_BN, d), lambda i: (i, 0)),
            pl.BlockSpec((8, d), lambda i: (0, 0)),
            pl.BlockSpec((1, d), lambda i: (0, 0)),
            pl.BlockSpec((1, d), lambda i: (0, 0)),
        ],
        out_specs=pl.BlockSpec((_BN, d), lambda i: (i, 0)),
        out_shape=jax.ShapeDtypeStruct((n, d), jnp.float32),
    )(pre, st, g, be)


def _tc_bn_relu_fin(pre, st, g, be, wf, bf):
    n, d = pre.shape
    grid = n // _BN

    def body(pre_ref, st_ref, g_ref, be_ref, wf_ref, bf_ref, out_ref):
        hblk = _bn_relu_block(pre_ref, st_ref, g_ref, be_ref, n)
        out_ref[...] = _dotT(hblk, wf_ref[...]) + bf_ref[...]

    return pl.pallas_call(
        body,
        grid=(grid,),
        in_specs=[
            pl.BlockSpec((_BN, d), lambda i: (i, 0)),
            pl.BlockSpec((8, d), lambda i: (0, 0)),
            pl.BlockSpec((1, d), lambda i: (0, 0)),
            pl.BlockSpec((1, d), lambda i: (0, 0)),
            pl.BlockSpec((d, d), lambda i: (0, 0)),
            pl.BlockSpec((1, d), lambda i: (0, 0)),
        ],
        out_specs=pl.BlockSpec((_BN, d), lambda i: (i, 0)),
        out_shape=jax.ShapeDtypeStruct((n, d), jnp.float32),
    )(pre, st, g, be, wf, bf)


def kernel(x, edge_index_spatial, edge_index_temporal,
           Wl0, bl0, Wr0, g0, be0,
           Wl1, bl1, Wr1, g1, be1,
           Wl2, bl2, Wr2, g2, be2,
           Wl3, bl3, Wr3, g3, be3,
           Wfin, bfin):
    n, d = x.shape
    e = edge_index_spatial.shape[1]
    n_pad = -(-n // (_NS * _BB)) * _NS * _BB
    e_pad = -(-e // (_NC * _NS * _K)) * _NC * _NS * _K
    pz = jnp.zeros((e_pad - e,), jnp.int32)
    pn = jnp.full((e_pad - e,), n, jnp.int32)
    ss, sd = edge_index_spatial[0], edge_index_spatial[1]
    ts, td = edge_index_temporal[0], edge_index_temporal[1]
    ss, sd = jnp.concatenate([ss, pz]), jnp.concatenate([sd, pn])
    ts, td = jnp.concatenate([ts, pz]), jnp.concatenate([td, pn])
    r1 = lambda v: jnp.reshape(v, (1, d))
    zb = jnp.zeros((_BB, d), jnp.float32)
    on = jnp.ones((_K, d), jnp.float32)

    seg = _make_seg_sum(n_pad, d, e_pad)
    cnt_s, cnt_t = _make_counts(n_pad, d, e_pad)(sd, td, zb, on)

    acc = seg(x, ss, sd, zb)
    pre, st = _tc_layer_pre(acc, cnt_s, x, Wl0, Wr0, r1(bl0))
    h = _tc_bn_relu(pre, st, r1(g0), r1(be0))

    acc = seg(h, ss, sd, zb)
    pre, st = _tc_layer_pre(acc, cnt_s, h, Wl1, Wr1, r1(bl1))
    h = _tc_bn_relu(pre, st, r1(g1), r1(be1))

    acc = seg(h, ts, td, zb)
    pre, st = _tc_layer_pre(acc, cnt_t, h, Wl2, Wr2, r1(bl2))
    h = _tc_bn_relu(pre, st, r1(g2), r1(be2))

    acc = seg(h, ts, td, zb)
    pre, st = _tc_layer_pre(acc, cnt_t, h, Wl3, Wr3, r1(bl3))
    return _tc_bn_relu_fin(pre, st, r1(g3), r1(be3), Wfin, r1(bfin))

# --- scband reference (transcript-rebuilt; emitter-appended) ---
"""Pipeline reference for scband-sage-44487271252165 (READ-ONLY COPY).

The authoritative reference and input builder live on the scoring server;
editing this copy changes nothing except your own understanding.
"""

import jax, jax.numpy as jnp
import numpy as np


def _sage_conv(x, src, dst, Wl, bl, Wr):
    # PyG SAGEConv (aggr='mean', root_weight=True, normalize=False):
    #   out = lin_l(mean_{j in N(i)} x_j) + lin_r(x_i)
    n = x.shape[0]
    msg = x[src]
    s = jax.ops.segment_sum(msg, dst, num_segments=n)
    c = jax.ops.segment_sum(jnp.ones((src.shape[0],), x.dtype), dst, num_segments=n)
    mean = s / jnp.maximum(c, 1.0)[:, None]
    return mean @ Wl.T + bl + x @ Wr.T


def _bn(x, g, b, eps=1e-5):
    # BatchNorm1d over the node dimension (training-mode batch statistics)
    m = jnp.mean(x, axis=0)
    v = jnp.var(x, axis=0)
    return (x - m) * jax.lax.rsqrt(v + eps) * g + b


def setup_inputs(seed: int = 0) -> dict:
    key = jax.random.key(seed)
    N, D, E = 10000, 128, 320000
    inp = {}
    inp["x"] = jax.random.normal(jax.random.fold_in(key, 0), (N, D), jnp.float32)
    inp["edge_index_spatial"] = jax.random.randint(jax.random.fold_in(key, 1), (2, E), 0, N, jnp.int32)
    inp["edge_index_temporal"] = jax.random.randint(jax.random.fold_in(key, 2), (2, E), 0, N, jnp.int32)
    cnt = 3
    for i in range(4):
        for name, shape in [(f"Wl{i}", (D, D)), (f"bl{i}", (D,)), (f"Wr{i}", (D, D)), (f"g{i}", (D,)), (f"be{i}", (D,))]:
            if name.startswith("W"):
                inp[name] = jax.random.normal(jax.random.fold_in(key, cnt), shape, jnp.float32) * 0.05
            elif name.startswith("g"):
                inp[name] = jnp.ones(shape, jnp.float32)
            else:
                inp[name] = jnp.zeros(shape, jnp.float32)
            cnt += 1
    inp["Wfin"] = jax.random.normal(jax.random.fold_in(key, cnt), (D, D), jnp.float32) * 0.05
    inp["bfin"] = jnp.zeros((D,), jnp.float32)
    return inp


def reference(x, edge_index_spatial, edge_index_temporal,
              Wl0, bl0, Wr0, g0, be0,
              Wl1, bl1, Wr1, g1, be1,
              Wl2, bl2, Wr2, g2, be2,
              Wl3, bl3, Wr3, g3, be3,
              Wfin, bfin):
    ss, sd = edge_index_spatial[0], edge_index_spatial[1]
    ts, td = edge_index_temporal[0], edge_index_temporal[1]
    h = jax.nn.relu(_bn(_sage_conv(x, ss, sd, Wl0, bl0, Wr0), g0, be0))
    h = jax.nn.relu(_bn(_sage_conv(h, ss, sd, Wl1, bl1, Wr1), g1, be1))
    h = jax.nn.relu(_bn(_sage_conv(h, ts, td, Wl2, bl2, Wr2), g2, be2))
    h = jax.nn.relu(_bn(_sage_conv(h, ts, td, Wl3, bl3, Wr3), g3, be3))
    return h @ Wfin.T + bfin

if __name__ == "__main__":
    import jax
    _d = setup_inputs()
    print(jax.jit(kernel)(*tuple(_d.values())))

</pallas_src>

<mosaic_0001>
#map = affine_map<(d0, d1) -> (0, 0)>
#map1 = affine_map<(d0, d1) -> (0)>
#map2 = affine_map<(d0, d1) -> (0, 0, 0)>
module attributes {stable_mosaic.version = 14 : i64} {
  func.func @body(%arg0: i32, %arg1: i32, %arg2: memref<10000x128xf32, #tpu.memory_space<hbm>>, %arg3: memref<323584xi32, #tpu.memory_space<hbm>>, %arg4: memref<323584xi32, #tpu.memory_space<hbm>>, %arg5: memref<64x128xf32, #tpu.memory_space<hbm>>, %arg6: memref<2x10240x128xf32, #tpu.memory_space<hbm>>, %arg7: memref<128xi32, #tpu.memory_space<vmem>>, %arg8: memref<128xi32, #tpu.memory_space<vmem>>, %arg9: memref<128x128xf32, #tpu.memory_space<vmem>>, %arg10: memref<!tpu.dma_semaphore, #tpu.memory_space<semaphore_mem>>, %arg11: memref<128xi32, #tpu.memory_space<vmem>>, %arg12: memref<128xi32, #tpu.memory_space<vmem>>, %arg13: memref<128x128xf32, #tpu.memory_space<vmem>>, %arg14: memref<!tpu.dma_semaphore, #tpu.memory_space<semaphore_mem>>, %arg15: memref<64x128xf32, #tpu.memory_space<vmem>>, %arg16: memref<10240x128xf32, #tpu.memory_space<vmem_shared>>) attributes {dimension_semantics = [#tpu.dimension_semantics<core_parallel>, #tpu.dimension_semantics<subcore_parallel>], iteration_bounds = array<i64: 2, 16>, scalar_prefetch = 0 : i64, scratch_operands = 10 : i64, tpu.core_type = #tpu.core_type<sc_vector_subcore>, window_params = [{transform_indices = #map}, {transform_indices = #map1}, {transform_indices = #map1}, {transform_indices = #map}, {transform_indices = #map2}]} {
    %mul3A = arith.constant 2 : i32
    %mul3A_0 = arith.muli %arg1, %mul3A : i32
    %add3A = arith.addi %mul3A_0, %arg0 : i32
    "tpu.region"() ({
      %run_scoped3A = tpu.sem_alloc : memref<!tpu.dma_semaphore, #tpu.memory_space<semaphore_mem>>
      tpu.enqueue_dma source(%arg5 : memref<64x128xf32, #tpu.memory_space<hbm>>) target(%arg15 : memref<64x128xf32, #tpu.memory_space<vmem>>) target_semaphore(%run_scoped3A : memref<!tpu.dma_semaphore, #tpu.memory_space<semaphore_mem>>)
      tpu.wait_dma2 semaphore(%run_scoped3A : memref<!tpu.dma_semaphore, #tpu.memory_space<semaphore_mem>>) src(%arg5 : memref<64x128xf32, #tpu.memory_space<hbm>>) dst(%arg15 : memref<64x128xf32, #tpu.memory_space<vmem>>)
      tpu.yield
    }) : () -> ()
    %scan3A = arith.constant 0 : i32
    %scan3A_1 = arith.constant 0 : i32
    %scan3A_2 = arith.constant 10 : i32
    %scan3A_3 = arith.addi %scan3A_1, %scan3A_2 : i32
    %scan3A_4 = arith.constant 1 : i32
    scf.for %scan3A_20 = %scan3A_1 to %scan3A_3 step %scan3A_4  : i32 {
      %mul3A_21 = arith.constant 640 : i32
      %mul3A_22 = arith.muli %arg1, %mul3A_21 : i32
      %mul3A_23 = arith.constant 64 : i32
      %mul3A_24 = arith.muli %scan3A_20, %mul3A_23 : i32
      %add3A_25 = arith.addi %mul3A_22, %mul3A_24 : i32
      "tpu.region"() ({
        %run_scoped3A = tpu.sem_alloc : memref<!tpu.dma_semaphore, #tpu.memory_space<semaphore_mem>>
        %dma_start3A = arith.constant 0 : i32
        %dma_start3A_26 = tpu.memref_slice %arg16[%add3A_25, %dma_start3A] : memref<10240x128xf32, #tpu.memory_space<vmem_shared>> -> memref<64x128xf32, #tpu.memory_space<vmem_shared>>
        %dma_start3A_27 = arith.constant 0 : i32
        %dma_start3A_28 = tpu.memref_slice %arg16[%add3A_25, %dma_start3A_27] : memref<10240x128xf32, #tpu.memory_space<vmem_shared>> -> memref<64x128xf32, #tpu.memory_space<vmem_shared>>
        tpu.enqueue_dma source(%arg15 : memref<64x128xf32, #tpu.memory_space<vmem>>) target(%dma_start3A_28 : memref<64x128xf32, #tpu.memory_space<vmem_shared>>) target_semaphore(%run_scoped3A : memref<!tpu.dma_semaphore, #tpu.memory_space<semaphore_mem>>)
        %dma_wait3A = arith.constant 0 : i32
        %dma_wait3A_29 = tpu.memref_slice %arg16[%add3A_25, %dma_wait3A] : memref<10240x128xf32, #tpu.memory_space<vmem_shared>> -> memref<64x128xf32, #tpu.memory_space<vmem_shared>>
        %dma_wait3A_30 = arith.constant 0 : i32
        %dma_wait3A_31 = tpu.memref_slice %arg16[%add3A_25, %dma_wait3A_30] : memref<10240x128xf32, #tpu.memory_space<vmem_shared>> -> memref<64x128xf32, #tpu.memory_space<vmem_shared>>
        tpu.wait_dma2 semaphore(%run_scoped3A : memref<!tpu.dma_semaphore, #tpu.memory_space<semaphore_mem>>) src(%arg15 : memref<64x128xf32, #tpu.memory_space<vmem>>) dst(%dma_wait3A_31 : memref<64x128xf32, #tpu.memory_space<vmem_shared>>)
        tpu.yield
      }) : () -> ()
    }
    %scan3A_5 = arith.constant 10 : i32
    %barrier3A = arith.constant 0 : index
    tpu.barrier barrier_id(%barrier3A)
    %eq3A = arith.constant 0 : i32
    %eq3A_6 = arith.cmpi eq, %arg0, %eq3A : i32
    %convert_element_type3A = arith.extui %eq3A_6 : i1 to i32
    %cond3A = arith.constant 0 : i32
    %cond3A_7 = arith.cmpi ne, %convert_element_type3A, %cond3A : i32
    scf.if %cond3A_7 {
      %mul3A_20 = arith.constant 122 : i32
      %mul3A_21 = arith.muli %arg1, %mul3A_20 : i32
      %mul3A_22 = arith.constant 128 : i32
      %mul3A_23 = arith.muli %mul3A_21, %mul3A_22 : i32
      %add3A_24 = arith.constant 0 : i32
      %add3A_25 = arith.addi %mul3A_23, %add3A_24 : i32
      "tpu.region"() ({
        %run_scoped3A = tpu.sem_alloc : memref<!tpu.dma_semaphore, #tpu.memory_space<semaphore_mem>>
        %dma_start3A_44 = tpu.memref_slice %arg3[%add3A_25] : memref<323584xi32, #tpu.memory_space<hbm>> -> memref<128xi32, #tpu.memory_space<hbm>>
        %dma_start3A_45 = tpu.memref_slice %arg3[%add3A_25] : memref<323584xi32, #tpu.memory_space<hbm>> -> memref<128xi32, #tpu.memory_space<hbm>>
        tpu.enqueue_dma source(%dma_start3A_45 : memref<128xi32, #tpu.memory_space<hbm>>) target(%arg7 : memref<128xi32, #tpu.memory_space<vmem>>) target_semaphore(%run_scoped3A : memref<!tpu.dma_semaphore, #tpu.memory_space<semaphore_mem>>)
        %dma_wait3A_46 = tpu.memref_slice %arg3[%add3A_25] : memref<323584xi32, #tpu.memory_space<hbm>> -> memref<128xi32, #tpu.memory_space<hbm>>
        %dma_wait3A_47 = tpu.memref_slice %arg3[%add3A_25] : memref<323584xi32, #tpu.memory_space<hbm>> -> memref<128xi32, #tpu.memory_space<hbm>>
        tpu.wait_dma2 semaphore(%run_scoped3A : memref<!tpu.dma_semaphore, #tpu.memory_space<semaphore_mem>>) src(%dma_wait3A_47 : memref<128xi32, #tpu.memory_space<hbm>>) dst(%arg7 : memref<128xi32, #tpu.memory_space<vmem>>)
        tpu.yield
      }) : () -> ()
      "tpu.region"() ({
        %run_scoped3A = tpu.sem_alloc : memref<!tpu.dma_semaphore, #tpu.memory_space<semaphore_mem>>
        %dma_start3A_44 = tpu.memref_slice %arg4[%add3A_25] : memref<323584xi32, #tpu.memory_space<hbm>> -> memref<128xi32, #tpu.memory_space<hbm>>
        %dma_start3A_45 = tpu.memref_slice %arg4[%add3A_25] : memref<323584xi32, #tpu.memory_space<hbm>> -> memref<128xi32, #tpu.memory_space<hbm>>
        tpu.enqueue_dma source(%dma_start3A_45 : memref<128xi32, #tpu.memory_space<hbm>>) target(%arg8 : memref<128xi32, #tpu.memory_space<vmem>>) target_semaphore(%run_scoped3A : memref<!tpu.dma_semaphore, #tpu.memory_space<semaphore_mem>>)
        %dma_wait3A_46 = tpu.memref_slice %arg4[%add3A_25] : memref<323584xi32, #tpu.memory_space<hbm>> -> memref<128xi32, #tpu.memory_space<hbm>>
        %dma_wait3A_47 = tpu.memref_slice %arg4[%add3A_25] : memref<323584xi32, #tpu.memory_space<hbm>> -> memref<128xi32, #tpu.memory_space<hbm>>
        tpu.wait_dma2 semaphore(%run_scoped3A : memref<!tpu.dma_semaphore, #tpu.memory_space<semaphore_mem>>) src(%dma_wait3A_47 : memref<128xi32, #tpu.memory_space<hbm>>) dst(%arg8 : memref<128xi32, #tpu.memory_space<vmem>>)
        tpu.yield
      }) : () -> ()
      %dma_start3A = arith.constant 0 : i32
      %dma_start3A_26 = arith.constant 0 : i32
      %dma_start3A_27 = tpu.memref_slice %arg2[%dma_start3A, %dma_start3A_26] : memref<10000x128xf32, #tpu.memory_space<hbm>> -> memref<10000x128xf32, #tpu.memory_space<hbm>>
      tpu.enqueue_indirect_dma source(%dma_start3A_27 : memref<10000x128xf32, #tpu.memory_space<hbm>>) target(%arg9 : memref<128x128xf32, #tpu.memory_space<vmem>>) offsets(%arg7 : memref<128xi32, #tpu.memory_space<vmem>>) semaphore(%arg10 : memref<!tpu.dma_semaphore, #tpu.memory_space<semaphore_mem>>)
      %scan3A_28 = arith.constant 0 : i32
      %scan3A_29 = arith.constant 0 : i32
      %scan3A_30 = arith.constant 60 : i32
      %scan3A_31 = arith.addi %scan3A_29, %scan3A_30 : i32
      %scan3A_32 = arith.constant 1 : i32
      scf.for %scan3A_44 = %scan3A_29 to %scan3A_31 step %scan3A_32  : i32 {
        %mul3A_45 = arith.constant 2 : i32
        %mul3A_46 = arith.muli %mul3A_45, %scan3A_44 : i32
        %add3A_47 = arith.constant 1 : i32
        %add3A_48 = arith.addi %mul3A_46, %add3A_47 : i32
        %mul3A_49 = arith.constant 128 : i32
        %mul3A_50 = arith.muli %add3A_48, %mul3A_49 : i32
        %add3A_51 = arith.addi %mul3A_23, %mul3A_50 : i32
        "tpu.region"() ({
          %run_scoped3A = tpu.sem_alloc : memref<!tpu.dma_semaphore, #tpu.memory_space<semaphore_mem>>
          %dma_start3A_69 = tpu.memref_slice %arg3[%add3A_51] : memref<323584xi32, #tpu.memory_space<hbm>> -> memref<128xi32, #tpu.memory_space<hbm>>
          %dma_start3A_70 = tpu.memref_slice %arg3[%add3A_51] : memref<323584xi32, #tpu.memory_space<hbm>> -> memref<128xi32, #tpu.memory_space<hbm>>
          tpu.enqueue_dma source(%dma_start3A_70 : memref<128xi32, #tpu.memory_space<hbm>>) target(%arg11 : memref<128xi32, #tpu.memory_space<vmem>>) target_semaphore(%run_scoped3A : memref<!tpu.dma_semaphore, #tpu.memory_space<semaphore_mem>>)
          %dma_wait3A_71 = tpu.memref_slice %arg3[%add3A_51] : memref<323584xi32, #tpu.memory_space<hbm>> -> memref<128xi32, #tpu.memory_space<hbm>>
          %dma_wait3A_72 = tpu.memref_slice %arg3[%add3A_51] : memref<323584xi32, #tpu.memory_space<hbm>> -> memref<128xi32, #tpu.memory_space<hbm>>
          tpu.wait_dma2 semaphore(%run_scoped3A : memref<!tpu.dma_semaphore, #tpu.memory_space<semaphore_mem>>) src(%dma_wait3A_72 : memref<128xi32, #tpu.memory_space<hbm>>) dst(%arg11 : memref<128xi32, #tpu.memory_space<vmem>>)
          tpu.yield
        }) : () -> ()
        "tpu.region"() ({
          %run_scoped3A = tpu.sem_alloc : memref<!tpu.dma_semaphore, #tpu.memory_space<semaphore_mem>>
          %dma_start3A_69 = tpu.memref_slice %arg4[%add3A_51] : memref<323584xi32, #tpu.memory_space<hbm>> -> memref<128xi32, #tpu.memory_space<hbm>>
          %dma_start3A_70 = tpu.memref_slice %arg4[%add3A_51] : memref<323584xi32, #tpu.memory_space<hbm>> -> memref<128xi32, #tpu.memory_space<hbm>>
          tpu.enqueue_dma source(%dma_start3A_70 : memref<128xi32, #tpu.memory_space<hbm>>) target(%arg12 : memref<128xi32, #tpu.memory_space<vmem>>) target_semaphore(%run_scoped3A : memref<!tpu.dma_semaphore, #tpu.memory_space<semaphore_mem>>)
          %dma_wait3A_71 = tpu.memref_slice %arg4[%add3A_51] : memref<323584xi32, #tpu.memory_space<hbm>> -> memref<128xi32, #tpu.memory_space<hbm>>
          %dma_wait3A_72 = tpu.memref_slice %arg4[%add3A_51] : memref<323584xi32, #tpu.memory_space<hbm>> -> memref<128xi32, #tpu.memory_space<hbm>>
          tpu.wait_dma2 semaphore(%run_scoped3A : memref<!tpu.dma_semaphore, #tpu.memory_space<semaphore_mem>>) src(%dma_wait3A_72 : memref<128xi32, #tpu.memory_space<hbm>>) dst(%arg12 : memref<128xi32, #tpu.memory_space<vmem>>)
          tpu.yield
        }) : () -> ()
        %dma_start3A_52 = arith.constant 0 : i32
        %dma_start3A_53 = arith.constant 0 : i32
        %dma_start3A_54 = tpu.memref_slice %arg2[%dma_start3A_52, %dma_start3A_53] : memref<10000x128xf32, #tpu.memory_space<hbm>> -> memref<10000x128xf32, #tpu.memory_space<hbm>>
        tpu.enqueue_indirect_dma source(%dma_start3A_54 : memref<10000x128xf32, #tpu.memory_space<hbm>>) target(%arg13 : memref<128x128xf32, #tpu.memory_space<vmem>>) offsets(%arg11 : memref<128xi32, #tpu.memory_space<vmem>>) semaphore(%arg14 : memref<!tpu.dma_semaphore, #tpu.memory_space<semaphore_mem>>)
        %dma_wait3A_55 = arith.constant 0 : i32
        %dma_wait3A_56 = arith.constant 0 : i32
        %dma_wait3A_57 = tpu.memref_slice %arg2[%dma_wait3A_55, %dma_wait3A_56] : memref<10000x128xf32, #tpu.memory_space<hbm>> -> memref<10000x128xf32, #tpu.memory_space<hbm>>
        tpu.wait_indirect_dma semaphore(%arg10 : memref<!tpu.dma_semaphore, #tpu.memory_space<semaphore_mem>>) src(%dma_wait3A_57 : memref<10000x128xf32, #tpu.memory_space<hbm>>) dst(%arg9 : memref<128x128xf32, #tpu.memory_space<vmem>>)
        "tpu.region"() ({
          %run_scoped3A = tpu.sem_alloc : memref<!tpu.dma_semaphore, #tpu.memory_space<semaphore_mem>>
          %dma_start3A_69 = arith.constant 0 : i32
          %dma_start3A_70 = arith.constant 0 : i32
          %dma_start3A_71 = tpu.memref_slice %arg16[%dma_start3A_69, %dma_start3A_70] : memref<10240x128xf32, #tpu.memory_space<vmem_shared>> -> memref<10240x128xf32, #tpu.memory_space<vmem_shared>>
          tpu.enqueue_indirect_dma source(%arg9 : memref<128x128xf32, #tpu.memory_space<vmem>>) target(%dma_start3A_71 : memref<10240x128xf32, #tpu.memory_space<vmem_shared>>) offsets(%arg8 : memref<128xi32, #tpu.memory_space<vmem>>) semaphore(%run_scoped3A : memref<!tpu.dma_semaphore, #tpu.memory_space<semaphore_mem>>) {add = true}
          %dma_wait3A_72 = arith.constant 0 : i32
          %dma_wait3A_73 = arith.constant 0 : i32
          %dma_wait3A_74 = tpu.memref_slice %arg16[%dma_wait3A_72, %dma_wait3A_73] : memref<10240x128xf32, #tpu.memory_space<vmem_shared>> -> memref<10240x128xf32, #tpu.memory_space<vmem_shared>>
          tpu.wait_indirect_dma semaphore(%run_scoped3A : memref<!tpu.dma_semaphore, #tpu.memory_space<semaphore_mem>>) src(%arg9 : memref<128x128xf32, #tpu.memory_space<vmem>>) dst(%dma_wait3A_74 : memref<10240x128xf32, #tpu.memory_space<vmem_shared>>)
          tpu.yield
        }) : () -> ()
        %add3A_58 = arith.constant 2 : i32
        %add3A_59 = arith.addi %mul3A_46, %add3A_58 : i32
        %mul3A_60 = arith.constant 128 : i32
        %mul3A_61 = arith.muli %add3A_59, %mul3A_60 : i32
        %add3A_62 = arith.addi %mul3A_23, %mul3A_61 : i32
        "tpu.region"() ({
          %run_scoped3A = tpu.sem_alloc : memref<!tpu.dma_semaphore, #tpu.memory_space<semaphore_mem>>
          %dma_start3A_69 = tpu.memref_slice %arg3[%add3A_62] : memref<323584xi32, #tpu.memory_space<hbm>> -> memref<128xi32, #tpu.memory_space<hbm>>
          %dma_start3A_70 = tpu.memref_slice %arg3[%add3A_62] : memref<323584xi32, #tpu.memory_space<hbm>> -> memref<128xi32, #tpu.memory_space<hbm>>
          tpu.enqueue_dma source(%dma_start3A_70 : memref<128xi32, #tpu.memory_space<hbm>>) target(%arg7 : memref<128xi32, #tpu.memory_space<vmem>>) target_semaphore(%run_scoped3A : memref<!tpu.dma_semaphore, #tpu.memory_space<semaphore_mem>>)
          %dma_wait3A_71 = tpu.memref_slice %arg3[%add3A_62] : memref<323584xi32, #tpu.memory_space<hbm>> -> memref<128xi32, #tpu.memory_space<hbm>>
          %dma_wait3A_72 = tpu.memref_slice %arg3[%add3A_62] : memref<323584xi32, #tpu.memory_space<hbm>> -> memref<128xi32, #tpu.memory_space<hbm>>
          tpu.wait_dma2 semaphore(%run_scoped3A : memref<!tpu.dma_semaphore, #tpu.memory_space<semaphore_mem>>) src(%dma_wait3A_72 : memref<128xi32, #tpu.memory_space<hbm>>) dst(%arg7 : memref<128xi32, #tpu.memory_space<vmem>>)
          tpu.yield
        }) : () -> ()
        "tpu.region"() ({
          %run_scoped3A = tpu.sem_alloc : memref<!tpu.dma_semaphore, #tpu.memory_space<semaphore_mem>>
          %dma_start3A_69 = tpu.memref_slice %arg4[%add3A_62] : memref<323584xi32, #tpu.memory_space<hbm>> -> memref<128xi32, #tpu.memory_space<hbm>>
          %dma_start3A_70 = tpu.memref_slice %arg4[%add3A_62] : memref<323584xi32, #tpu.memory_space<hbm>> -> memref<128xi32, #tpu.memory_space<hbm>>
          tpu.enqueue_dma source(%dma_start3A_70 : memref<128xi32, #tpu.memory_space<hbm>>) target(%arg8 : memref<128xi32, #tpu.memory_space<vmem>>) target_semaphore(%run_scoped3A : memref<!tpu.dma_semaphore, #tpu.memory_space<semaphore_mem>>)
          %dma_wait3A_71 = tpu.memref_slice %arg4[%add3A_62] : memref<323584xi32, #tpu.memory_space<hbm>> -> memref<128xi32, #tpu.memory_space<hbm>>
          %dma_wait3A_72 = tpu.memref_slice %arg4[%add3A_62] : memref<323584xi32, #tpu.memory_space<hbm>> -> memref<128xi32, #tpu.memory_space<hbm>>
          tpu.wait_dma2 semaphore(%run_scoped3A : memref<!tpu.dma_semaphore, #tpu.memory_space<semaphore_mem>>) src(%dma_wait3A_72 : memref<128xi32, #tpu.memory_space<hbm>>) dst(%arg8 : memref<128xi32, #tpu.memory_space<vmem>>)
          tpu.yield
        }) : () -> ()
        %dma_start3A_63 = arith.constant 0 : i32
        %dma_start3A_64 = arith.constant 0 : i32
        %dma_start3A_65 = tpu.memref_slice %arg2[%dma_start3A_63, %dma_start3A_64] : memref<10000x128xf32, #tpu.memory_space<hbm>> -> memref<10000x128xf32, #tpu.memory_space<hbm>>
        tpu.enqueue_indirect_dma source(%dma_start3A_65 : memref<10000x128xf32, #tpu.memory_space<hbm>>) target(%arg9 : memref<128x128xf32, #tpu.memory_space<vmem>>) offsets(%arg7 : memref<128xi32, #tpu.memory_space<vmem>>) semaphore(%arg10 : memref<!tpu.dma_semaphore, #tpu.memory_space<semaphore_mem>>)
        %dma_wait3A_66 = arith.constant 0 : i32
        %dma_wait3A_67 = arith.constant 0 : i32
        %dma_wait3A_68 = tpu.memref_slice %arg2[%dma_wait3A_66, %dma_wait3A_67] : memref<10000x128xf32, #tpu.memory_space<hbm>> -> memref<10000x128xf32, #tpu.memory_space<hbm>>
        tpu.wait_indirect_dma semaphore(%arg14 : memref<!tpu.dma_semaphore, #tpu.memory_space<semaphore_mem>>) src(%dma_wait3A_68 : memref<10000x128xf32, #tpu.memory_space<hbm>>) dst(%arg13 : memref<128x128xf32, #tpu.memory_space<vmem>>)
        "tpu.region"() ({
          %run_scoped3A = tpu.sem_alloc : memref<!tpu.dma_semaphore, #tpu.memory_space<semaphore_mem>>
          %dma_start3A_69 = arith.constant 0 : i32
          %dma_start3A_70 = arith.constant 0 : i32
          %dma_start3A_71 = tpu.memref_slice %arg16[%dma_start3A_69, %dma_start3A_70] : memref<10240x128xf32, #tpu.memory_space<vmem_shared>> -> memref<10240x128xf32, #tpu.memory_space<vmem_shared>>
          tpu.enqueue_indirect_dma source(%arg13 : memref<128x128xf32, #tpu.memory_space<vmem>>) target(%dma_start3A_71 : memref<10240x128xf32, #tpu.memory_space<vmem_shared>>) offsets(%arg12 : memref<128xi32, #tpu.memory_space<vmem>>) semaphore(%run_scoped3A : memref<!tpu.dma_semaphore, #tpu.memory_space<semaphore_mem>>) {add = true}
          %dma_wait3A_72 = arith.constant 0 : i32
          %dma_wait3A_73 = arith.constant 0 : i32
          %dma_wait3A_74 = tpu.memref_slice %arg16[%dma_wait3A_72, %dma_wait3A_73] : memref<10240x128xf32, #tpu.memory_space<vmem_shared>> -> memref<10240x128xf32, #tpu.memory_space<vmem_shared>>
          tpu.wait_indirect_dma semaphore(%run_scoped3A : memref<!tpu.dma_semaphore, #tpu.memory_space<semaphore_mem>>) src(%arg13 : memref<128x128xf32, #tpu.memory_space<vmem>>) dst(%dma_wait3A_74 : memref<10240x128xf32, #tpu.memory_space<vmem_shared>>)
          tpu.yield
        }) : () -> ()
      }
      %scan3A_33 = arith.constant 60 : i32
      %add3A_34 = arith.constant 15488 : i32
      %add3A_35 = arith.addi %mul3A_23, %add3A_34 : i32
      "tpu.region"() ({
        %run_scoped3A = tpu.sem_alloc : memref<!tpu.dma_semaphore, #tpu.memory_space<semaphore_mem>>
        %dma_start3A_44 = tpu.memref_slice %arg3[%add3A_35] : memref<323584xi32, #tpu.memory_space<hbm>> -> memref<128xi32, #tpu.memory_space<hbm>>
        %dma_start3A_45 = tpu.memref_slice %arg3[%add3A_35] : memref<323584xi32, #tpu.memory_space<hbm>> -> memref<128xi32, #tpu.memory_space<hbm>>
        tpu.enqueue_dma source(%dma_start3A_45 : memref<128xi32, #tpu.memory_space<hbm>>) target(%arg11 : memref<128xi32, #tpu.memory_space<vmem>>) target_semaphore(%run_scoped3A : memref<!tpu.dma_semaphore, #tpu.memory_space<semaphore_mem>>)
        %dma_wait3A_46 = tpu.memref_slice %arg3[%add3A_35] : memref<323584xi32, #tpu.memory_space<hbm>> -> memref<128xi32, #tpu.memory_space<hbm>>
        %dma_wait3A_47 = tpu.memref_slice %arg3[%add3A_35] : memref<323584xi32, #tpu.memory_space<hbm>> -> memref<128xi32, #tpu.memory_space<hbm>>
        tpu.wait_dma2 semaphore(%run_scoped3A : memref<!tpu.dma_semaphore, #tpu.memory_space<semaphore_mem>>) src(%dma_wait3A_47 : memref<128xi32, #tpu.memory_space<hbm>>) dst(%arg11 : memref<128xi32, #tpu.memory_space<vmem>>)
        tpu.yield
      }) : () -> ()
      "tpu.region"() ({
        %run_scoped3A = tpu.sem_alloc : memref<!tpu.dma_semaphore, #tpu.memory_space<semaphore_mem>>
        %dma_start3A_44 = tpu.memref_slice %arg4[%add3A_35] : memref<323584xi32, #tpu.memory_space<hbm>> -> memref<128xi32, #tpu.memory_space<hbm>>
        %dma_start3A_45 = tpu.memref_slice %arg4[%add3A_35] : memref<323584xi32, #tpu.memory_space<hbm>> -> memref<128xi32, #tpu.memory_space<hbm>>
        tpu.enqueue_dma source(%dma_start3A_45 : memref<128xi32, #tpu.memory_space<hbm>>) target(%arg12 : memref<128xi32, #tpu.memory_space<vmem>>) target_semaphore(%run_scoped3A : memref<!tpu.dma_semaphore, #tpu.memory_space<semaphore_mem>>)
        %dma_wait3A_46 = tpu.memref_slice %arg4[%add3A_35] : memref<323584xi32, #tpu.memory_space<hbm>> -> memref<128xi32, #tpu.memory_space<hbm>>
        %dma_wait3A_47 = tpu.memref_slice %arg4[%add3A_35] : memref<323584xi32, #tpu.memory_space<hbm>> -> memref<128xi32, #tpu.memory_space<hbm>>
        tpu.wait_dma2 semaphore(%run_scoped3A : memref<!tpu.dma_semaphore, #tpu.memory_space<semaphore_mem>>) src(%dma_wait3A_47 : memref<128xi32, #tpu.memory_space<hbm>>) dst(%arg12 : memref<128xi32, #tpu.memory_space<vmem>>)
        tpu.yield
      }) : () -> ()
      %dma_start3A_36 = arith.constant 0 : i32
      %dma_start3A_37 = arith.constant 0 : i32
      %dma_start3A_38 = tpu.memref_slice %arg2[%dma_start3A_36, %dma_start3A_37] : memref<10000x128xf32, #tpu.memory_space<hbm>> -> memref<10000x128xf32, #tpu.memory_space<hbm>>
      tpu.enqueue_indirect_dma source(%dma_start3A_38 : memref<10000x128xf32, #tpu.memory_space<hbm>>) target(%arg13 : memref<128x128xf32, #tpu.memory_space<vmem>>) offsets(%arg11 : memref<128xi32, #tpu.memory_space<vmem>>) semaphore(%arg14 : memref<!tpu.dma_semaphore, #tpu.memory_space<semaphore_mem>>)
      %dma_wait3A = arith.constant 0 : i32
      %dma_wait3A_39 = arith.constant 0 : i32
      %dma_wait3A_40 = tpu.memref_slice %arg2[%dma_wait3A, %dma_wait3A_39] : memref<10000x128xf32, #tpu.memory_space<hbm>> -> memref<10000x128xf32, #tpu.memory_space<hbm>>
      tpu.wait_indirect_dma semaphore(%arg10 : memref<!tpu.dma_semaphore, #tpu.memory_space<semaphore_mem>>) src(%dma_wait3A_40 : memref<10000x128xf32, #tpu.memory_space<hbm>>) dst(%arg9 : memref<128x128xf32, #tpu.memory_space<vmem>>)
      "tpu.region"() ({
        %run_scoped3A = tpu.sem_alloc : memref<!tpu.dma_semaphore, #tpu.memory_space<semaphore_mem>>
        %dma_start3A_44 = arith.constant 0 : i32
        %dma_start3A_45 = arith.constant 0 : i32
        %dma_start3A_46 = tpu.memref_slice %arg16[%dma_start3A_44, %dma_start3A_45] : memref<10240x128xf32, #tpu.memory_space<vmem_shared>> -> memref<10240x128xf32, #tpu.memory_space<vmem_shared>>
        tpu.enqueue_indirect_dma source(%arg9 : memref<128x128xf32, #tpu.memory_space<vmem>>) target(%dma_start3A_46 : memref<10240x128xf32, #tpu.memory_space<vmem_shared>>) offsets(%arg8 : memref<128xi32, #tpu.memory_space<vmem>>) semaphore(%run_scoped3A : memref<!tpu.dma_semaphore, #tpu.memory_space<semaphore_mem>>) {add = true}
        %dma_wait3A_47 = arith.constant 0 : i32
        %dma_wait3A_48 = arith.constant 0 : i32
        %dma_wait3A_49 = tpu.memref_slice %arg16[%dma_wait3A_47, %dma_wait3A_48] : memref<10240x128xf32, #tpu.memory_space<vmem_shared>> -> memref<10240x128xf32, #tpu.memory_space<vmem_shared>>
        tpu.wait_indirect_dma semaphore(%run_scoped3A : memref<!tpu.dma_semaphore, #tpu.memory_space<semaphore_mem>>) src(%arg9 : memref<128x128xf32, #tpu.memory_space<vmem>>) dst(%dma_wait3A_49 : memref<10240x128xf32, #tpu.memory_space<vmem_shared>>)
        tpu.yield
      }) : () -> ()
      %dma_wait3A_41 = arith.constant 0 : i32
      %dma_wait3A_42 = arith.constant 0 : i32
      %dma_wait3A_43 = tpu.memref_slice %arg2[%dma_wait3A_41, %dma_wait3A_42] : memref<10000x128xf32, #tpu.memory_space<hbm>> -> memref<10000x128xf32, #tpu.memory_space<hbm>>
      tpu.wait_indirect_dma semaphore(%arg14 : memref<!tpu.dma_semaphore, #tpu.memory_space<semaphore_mem>>) src(%dma_wait3A_43 : memref<10000x128xf32, #tpu.memory_space<hbm>>) dst(%arg13 : memref<128x128xf32, #tpu.memory_space<vmem>>)
      "tpu.region"() ({
        %run_scoped3A = tpu.sem_alloc : memref<!tpu.dma_semaphore, #tpu.memory_space<semaphore_mem>>
        %dma_start3A_44 = arith.constant 0 : i32
        %dma_start3A_45 = arith.constant 0 : i32
        %dma_start3A_46 = tpu.memref_slice %arg16[%dma_start3A_44, %dma_start3A_45] : memref<10240x128xf32, #tpu.memory_space<vmem_shared>> -> memref<10240x128xf32, #tpu.memory_space<vmem_shared>>
        tpu.enqueue_indirect_dma source(%arg13 : memref<128x128xf32, #tpu.memory_space<vmem>>) target(%dma_start3A_46 : memref<10240x128xf32, #tpu.memory_space<vmem_shared>>) offsets(%arg12 : memref<128xi32, #tpu.memory_space<vmem>>) semaphore(%run_scoped3A : memref<!tpu.dma_semaphore, #tpu.memory_space<semaphore_mem>>) {add = true}
        %dma_wait3A_47 = arith.constant 0 : i32
        %dma_wait3A_48 = arith.constant 0 : i32
        %dma_wait3A_49 = tpu.memref_slice %arg16[%dma_wait3A_47, %dma_wait3A_48] : memref<10240x128xf32, #tpu.memory_space<vmem_shared>> -> memref<10240x128xf32, #tpu.memory_space<vmem_shared>>
        tpu.wait_indirect_dma semaphore(%run_scoped3A : memref<!tpu.dma_semaphore, #tpu.memory_space<semaphore_mem>>) src(%arg13 : memref<128x128xf32, #tpu.memory_space<vmem>>) dst(%dma_wait3A_49 : memref<10240x128xf32, #tpu.memory_space<vmem_shared>>)
        tpu.yield
      }) : () -> ()
    } else {
    }
    %eq3A_8 = arith.constant 1 : i32
    %eq3A_9 = arith.cmpi eq, %arg0, %eq3A_8 : i32
    %convert_element_type3A_10 = arith.extui %eq3A_9 : i1 to i32
    %cond3A_11 = arith.constant 0 : i32
    %cond3A_12 = arith.cmpi ne, %convert_element_type3A_10, %cond3A_11 : i32
    scf.if %cond3A_12 {
      %mul3A_20 = arith.constant 36 : i32
      %mul3A_21 = arith.muli %arg1, %mul3A_20 : i32
      %add3A_22 = arith.constant 1952 : i32
      %add3A_23 = arith.addi %add3A_22, %mul3A_21 : i32
      %mul3A_24 = arith.constant 128 : i32
      %mul3A_25 = arith.muli %add3A_23, %mul3A_24 : i32
      %add3A_26 = arith.constant 0 : i32
      %add3A_27 = arith.addi %mul3A_25, %add3A_26 : i32
      "tpu.region"() ({
        %run_scoped3A = tpu.sem_alloc : memref<!tpu.dma_semaphore, #tpu.memory_space<semaphore_mem>>
        %dma_start3A_46 = tpu.memref_slice %arg3[%add3A_27] : memref<323584xi32, #tpu.memory_space<hbm>> -> memref<128xi32, #tpu.memory_space<hbm>>
        %dma_start3A_47 = tpu.memref_slice %arg3[%add3A_27] : memref<323584xi32, #tpu.memory_space<hbm>> -> memref<128xi32, #tpu.memory_space<hbm>>
        tpu.enqueue_dma source(%dma_start3A_47 : memref<128xi32, #tpu.memory_space<hbm>>) target(%arg7 : memref<128xi32, #tpu.memory_space<vmem>>) target_semaphore(%run_scoped3A : memref<!tpu.dma_semaphore, #tpu.memory_space<semaphore_mem>>)
        %dma_wait3A_48 = tpu.memref_slice %arg3[%add3A_27] : memref<323584xi32, #tpu.memory_space<hbm>> -> memref<128xi32, #tpu.memory_space<hbm>>
        %dma_wait3A_49 = tpu.memref_slice %arg3[%add3A_27] : memref<323584xi32, #tpu.memory_space<hbm>> -> memref<128xi32, #tpu.memory_space<hbm>>
        tpu.wait_dma2 semaphore(%run_scoped3A : memref<!tpu.dma_semaphore, #tpu.memory_space<semaphore_mem>>) src(%dma_wait3A_49 : memref<128xi32, #tpu.memory_space<hbm>>) dst(%arg7 : memref<128xi32, #tpu.memory_space<vmem>>)
        tpu.yield
      }) : () -> ()
      "tpu.region"() ({
        %run_scoped3A = tpu.sem_alloc : memref<!tpu.dma_semaphore, #tpu.memory_space<semaphore_mem>>
        %dma_start3A_46 = tpu.memref_slice %arg4[%add3A_27] : memref<323584xi32, #tpu.memory_space<hbm>> -> memref<128xi32, #tpu.memory_space<hbm>>
        %dma_start3A_47 = tpu.memref_slice %arg4[%add3A_27] : memref<323584xi32, #tpu.memory_space<hbm>> -> memref<128xi32, #tpu.memory_space<hbm>>
        tpu.enqueue_dma source(%dma_start3A_47 : memref<128xi32, #tpu.memory_space<hbm>>) target(%arg8 : memref<128xi32, #tpu.memory_space<vmem>>) target_semaphore(%run_scoped3A : memref<!tpu.dma_semaphore, #tpu.memory_space<semaphore_mem>>)
        %dma_wait3A_48 = tpu.memref_slice %arg4[%add3A_27] : memref<323584xi32, #tpu.memory_space<hbm>> -> memref<128xi32, #tpu.memory_space<hbm>>
        %dma_wait3A_49 = tpu.memref_slice %arg4[%add3A_27] : memref<323584xi32, #tpu.memory_space<hbm>> -> memref<128xi32, #tpu.memory_space<hbm>>
        tpu.wait_dma2 semaphore(%run_scoped3A : memref<!tpu.dma_semaphore, #tpu.memory_space<semaphore_mem>>) src(%dma_wait3A_49 : memref<128xi32, #tpu.memory_space<hbm>>) dst(%arg8 : memref<128xi32, #tpu.memory_space<vmem>>)
        tpu.yield
      }) : () -> ()
      %dma_start3A = arith.constant 0 : i32
      %dma_start3A_28 = arith.constant 0 : i32
      %dma_start3A_29 = tpu.memref_slice %arg2[%dma_start3A, %dma_start3A_28] : memref<10000x128xf32, #tpu.memory_space<hbm>> -> memref<10000x128xf32, #tpu.memory_space<hbm>>
      tpu.enqueue_indirect_dma source(%dma_start3A_29 : memref<10000x128xf32, #tpu.memory_space<hbm>>) target(%arg9 : memref<128x128xf32, #tpu.memory_space<vmem>>) offsets(%arg7 : memref<128xi32, #tpu.memory_space<vmem>>) semaphore(%arg10 : memref<!tpu.dma_semaphore, #tpu.memory_space<semaphore_mem>>)
      %scan3A_30 = arith.constant 0 : i32
      %scan3A_31 = arith.constant 0 : i32
      %scan3A_32 = arith.constant 17 : i32
      %scan3A_33 = arith.addi %scan3A_31, %scan3A_32 : i32
      %scan3A_34 = arith.constant 1 : i32
      scf.for %scan3A_46 = %scan3A_31 to %scan3A_33 step %scan3A_34  : i32 {
        %mul3A_47 = arith.constant 2 : i32
        %mul3A_48 = arith.muli %mul3A_47, %scan3A_46 : i32
        %add3A_49 = arith.constant 1 : i32
        %add3A_50 = arith.addi %mul3A_48, %add3A_49 : i32
        %mul3A_51 = arith.constant 128 : i32
        %mul3A_52 = arith.muli %add3A_50, %mul3A_51 : i32
        %add3A_53 = arith.addi %mul3A_25, %mul3A_52 : i32
        "tpu.region"() ({
          %run_scoped3A = tpu.sem_alloc : memref<!tpu.dma_semaphore, #tpu.memory_space<semaphore_mem>>
          %dma_start3A_71 = tpu.memref_slice %arg3[%add3A_53] : memref<323584xi32, #tpu.memory_space<hbm>> -> memref<128xi32, #tpu.memory_space<hbm>>
          %dma_start3A_72 = tpu.memref_slice %arg3[%add3A_53] : memref<323584xi32, #tpu.memory_space<hbm>> -> memref<128xi32, #tpu.memory_space<hbm>>
          tpu.enqueue_dma source(%dma_start3A_72 : memref<128xi32, #tpu.memory_space<hbm>>) target(%arg11 : memref<128xi32, #tpu.memory_space<vmem>>) target_semaphore(%run_scoped3A : memref<!tpu.dma_semaphore, #tpu.memory_space<semaphore_mem>>)
          %dma_wait3A_73 = tpu.memref_slice %arg3[%add3A_53] : memref<323584xi32, #tpu.memory_space<hbm>> -> memref<128xi32, #tpu.memory_space<hbm>>
          %dma_wait3A_74 = tpu.memref_slice %arg3[%add3A_53] : memref<323584xi32, #tpu.memory_space<hbm>> -> memref<128xi32, #tpu.memory_space<hbm>>
          tpu.wait_dma2 semaphore(%run_scoped3A : memref<!tpu.dma_semaphore, #tpu.memory_space<semaphore_mem>>) src(%dma_wait3A_74 : memref<128xi32, #tpu.memory_space<hbm>>) dst(%arg11 : memref<128xi32, #tpu.memory_space<vmem>>)
          tpu.yield
        }) : () -> ()
        "tpu.region"() ({
          %run_scoped3A = tpu.sem_alloc : memref<!tpu.dma_semaphore, #tpu.memory_space<semaphore_mem>>
          %dma_start3A_71 = tpu.memref_slice %arg4[%add3A_53] : memref<323584xi32, #tpu.memory_space<hbm>> -> memref<128xi32, #tpu.memory_space<hbm>>
          %dma_start3A_72 = tpu.memref_slice %arg4[%add3A_53] : memref<323584xi32, #tpu.memory_space<hbm>> -> memref<128xi32, #tpu.memory_space<hbm>>
          tpu.enqueue_dma source(%dma_start3A_72 : memref<128xi32, #tpu.memory_space<hbm>>) target(%arg12 : memref<128xi32, #tpu.memory_space<vmem>>) target_semaphore(%run_scoped3A : memref<!tpu.dma_semaphore, #tpu.memory_space<semaphore_mem>>)
          %dma_wait3A_73 = tpu.memref_slice %arg4[%add3A_53] : memref<323584xi32, #tpu.memory_space<hbm>> -> memref<128xi32, #tpu.memory_space<hbm>>
          %dma_wait3A_74 = tpu.memref_slice %arg4[%add3A_53] : memref<323584xi32, #tpu.memory_space<hbm>> -> memref<128xi32, #tpu.memory_space<hbm>>
          tpu.wait_dma2 semaphore(%run_scoped3A : memref<!tpu.dma_semaphore, #tpu.memory_space<semaphore_mem>>) src(%dma_wait3A_74 : memref<128xi32, #tpu.memory_space<hbm>>) dst(%arg12 : memref<128xi32, #tpu.memory_space<vmem>>)
          tpu.yield
        }) : () -> ()
        %dma_start3A_54 = arith.constant 0 : i32
        %dma_start3A_55 = arith.constant 0 : i32
        %dma_start3A_56 = tpu.memref_slice %arg2[%dma_start3A_54, %dma_start3A_55] : memref<10000x128xf32, #tpu.memory_space<hbm>> -> memref<10000x128xf32, #tpu.memory_space<hbm>>
        tpu.enqueue_indirect_dma source(%dma_start3A_56 : memref<10000x128xf32, #tpu.memory_space<hbm>>) target(%arg13 : memref<128x128xf32, #tpu.memory_space<vmem>>) offsets(%arg11 : memref<128xi32, #tpu.memory_space<vmem>>) semaphore(%arg14 : memref<!tpu.dma_semaphore, #tpu.memory_space<semaphore_mem>>)
        %dma_wait3A_57 = arith.constant 0 : i32
        %dma_wait3A_58 = arith.constant 0 : i32
        %dma_wait3A_59 = tpu.memref_slice %arg2[%dma_wait3A_57, %dma_wait3A_58] : memref<10000x128xf32, #tpu.memory_space<hbm>> -> memref<10000x128xf32, #tpu.memory_space<hbm>>
        tpu.wait_indirect_dma semaphore(%arg10 : memref<!tpu.dma_semaphore, #tpu.memory_space<semaphore_mem>>) src(%dma_wait3A_59 : memref<10000x128xf32, #tpu.memory_space<hbm>>) dst(%arg9 : memref<128x128xf32, #tpu.memory_space<vmem>>)
        "tpu.region"() ({
          %run_scoped3A = tpu.sem_alloc : memref<!tpu.dma_semaphore, #tpu.memory_space<semaphore_mem>>
          %dma_start3A_71 = arith.constant 0 : i32
          %dma_start3A_72 = arith.constant 0 : i32
          %dma_start3A_73 = tpu.memref_slice %arg16[%dma_start3A_71, %dma_start3A_72] : memref<10240x128xf32, #tpu.memory_space<vmem_shared>> -> memref<10240x128xf32, #tpu.memory_space<vmem_shared>>
          tpu.enqueue_indirect_dma source(%arg9 : memref<128x128xf32, #tpu.memory_space<vmem>>) target(%dma_start3A_73 : memref<10240x128xf32, #tpu.memory_space<vmem_shared>>) offsets(%arg8 : memref<128xi32, #tpu.memory_space<vmem>>) semaphore(%run_scoped3A : memref<!tpu.dma_semaphore, #tpu.memory_space<semaphore_mem>>) {add = true}
          %dma_wait3A_74 = arith.constant 0 : i32
          %dma_wait3A_75 = arith.constant 0 : i32
          %dma_wait3A_76 = tpu.memref_slice %arg16[%dma_wait3A_74, %dma_wait3A_75] : memref<10240x128xf32, #tpu.memory_space<vmem_shared>> -> memref<10240x128xf32, #tpu.memory_space<vmem_shared>>
          tpu.wait_indirect_dma semaphore(%run_scoped3A : memref<!tpu.dma_semaphore, #tpu.memory_space<semaphore_mem>>) src(%arg9 : memref<128x128xf32, #tpu.memory_space<vmem>>) dst(%dma_wait3A_76 : memref<10240x128xf32, #tpu.memory_space<vmem_shared>>)
          tpu.yield
        }) : () -> ()
        %add3A_60 = arith.constant 2 : i32
        %add3A_61 = arith.addi %mul3A_48, %add3A_60 : i32
        %mul3A_62 = arith.constant 128 : i32
        %mul3A_63 = arith.muli %add3A_61, %mul3A_62 : i32
        %add3A_64 = arith.addi %mul3A_25, %mul3A_63 : i32
        "tpu.region"() ({
          %run_scoped3A = tpu.sem_alloc : memref<!tpu.dma_semaphore, #tpu.memory_space<semaphore_mem>>
          %dma_start3A_71 = tpu.memref_slice %arg3[%add3A_64] : memref<323584xi32, #tpu.memory_space<hbm>> -> memref<128xi32, #tpu.memory_space<hbm>>
          %dma_start3A_72 = tpu.memref_slice %arg3[%add3A_64] : memref<323584xi32, #tpu.memory_space<hbm>> -> memref<128xi32, #tpu.memory_space<hbm>>
          tpu.enqueue_dma source(%dma_start3A_72 : memref<128xi32, #tpu.memory_space<hbm>>) target(%arg7 : memref<128xi32, #tpu.memory_space<vmem>>) target_semaphore(%run_scoped3A : memref<!tpu.dma_semaphore, #tpu.memory_space<semaphore_mem>>)
          %dma_wait3A_73 = tpu.memref_slice %arg3[%add3A_64] : memref<323584xi32, #tpu.memory_space<hbm>> -> memref<128xi32, #tpu.memory_space<hbm>>
          %dma_wait3A_74 = tpu.memref_slice %arg3[%add3A_64] : memref<323584xi32, #tpu.memory_space<hbm>> -> memref<128xi32, #tpu.memory_space<hbm>>
          tpu.wait_dma2 semaphore(%run_scoped3A : memref<!tpu.dma_semaphore, #tpu.memory_space<semaphore_mem>>) src(%dma_wait3A_74 : memref<128xi32, #tpu.memory_space<hbm>>) dst(%arg7 : memref<128xi32, #tpu.memory_space<vmem>>)
          tpu.yield
        }) : () -> ()
        "tpu.region"() ({
          %run_scoped3A = tpu.sem_alloc : memref<!tpu.dma_semaphore, #tpu.memory_space<semaphore_mem>>
          %dma_start3A_71 = tpu.memref_slice %arg4[%add3A_64] : memref<323584xi32, #tpu.memory_space<hbm>> -> memref<128xi32, #tpu.memory_space<hbm>>
          %dma_start3A_72 = tpu.memref_slice %arg4[%add3A_64] : memref<323584xi32, #tpu.memory_space<hbm>> -> memref<128xi32, #tpu.memory_space<hbm>>
          tpu.enqueue_dma source(%dma_start3A_72 : memref<128xi32, #tpu.memory_space<hbm>>) target(%arg8 : memref<128xi32, #tpu.memory_space<vmem>>) target_semaphore(%run_scoped3A : memref<!tpu.dma_semaphore, #tpu.memory_space<semaphore_mem>>)
          %dma_wait3A_73 = tpu.memref_slice %arg4[%add3A_64] : memref<323584xi32, #tpu.memory_space<hbm>> -> memref<128xi32, #tpu.memory_space<hbm>>
          %dma_wait3A_74 = tpu.memref_slice %arg4[%add3A_64] : memref<323584xi32, #tpu.memory_space<hbm>> -> memref<128xi32, #tpu.memory_space<hbm>>
          tpu.wait_dma2 semaphore(%run_scoped3A : memref<!tpu.dma_semaphore, #tpu.memory_space<semaphore_mem>>) src(%dma_wait3A_74 : memref<128xi32, #tpu.memory_space<hbm>>) dst(%arg8 : memref<128xi32, #tpu.memory_space<vmem>>)
          tpu.yield
        }) : () -> ()
        %dma_start3A_65 = arith.constant 0 : i32
        %dma_start3A_66 = arith.constant 0 : i32
        %dma_start3A_67 = tpu.memref_slice %arg2[%dma_start3A_65, %dma_start3A_66] : memref<10000x128xf32, #tpu.memory_space<hbm>> -> memref<10000x128xf32, #tpu.memory_space<hbm>>
        tpu.enqueue_indirect_dma source(%dma_start3A_67 : memref<10000x128xf32, #tpu.memory_space<hbm>>) target(%arg9 : memref<128x128xf32, #tpu.memory_space<vmem>>) offsets(%arg7 : memref<128xi32, #tpu.memory_space<vmem>>) semaphore(%arg10 : memref<!tpu.dma_semaphore, #tpu.memory_space<semaphore_mem>>)
        %dma_wait3A_68 = arith.constant 0 : i32
        %dma_wait3A_69 = arith.constant 0 : i32
        %dma_wait3A_70 = tpu.memref_slice %arg2[%dma_wait3A_68, %dma_wait3A_69] : memref<10000x128xf32, #tpu.memory_space<hbm>> -> memref<10000x128xf32, #tpu.memory_space<hbm>>
        tpu.wait_indirect_dma semaphore(%arg14 : memref<!tpu.dma_semaphore, #tpu.memory_space<semaphore_mem>>) src(%dma_wait3A_70 : memref<10000x128xf32, #tpu.memory_space<hbm>>) dst(%arg13 : memref<128x128xf32, #tpu.memory_space<vmem>>)
        "tpu.region"() ({
          %run_scoped3A = tpu.sem_alloc : memref<!tpu.dma_semaphore, #tpu.memory_space<semaphore_mem>>
          %dma_start3A_71 = arith.constant 0 : i32
          %dma_start3A_72 = arith.constant 0 : i32
          %dma_start3A_73 = tpu.memref_slice %arg16[%dma_start3A_71, %dma_start3A_72] : memref<10240x128xf32, #tpu.memory_space<vmem_shared>> -> memref<10240x128xf32, #tpu.memory_space<vmem_shared>>
          tpu.enqueue_indirect_dma source(%arg13 : memref<128x128xf32, #tpu.memory_space<vmem>>) target(%dma_start3A_73 : memref<10240x128xf32, #tpu.memory_space<vmem_shared>>) offsets(%arg12 : memref<128xi32, #tpu.memory_space<vmem>>) semaphore(%run_scoped3A : memref<!tpu.dma_semaphore, #tpu.memory_space<semaphore_mem>>) {add = true}
          %dma_wait3A_74 = arith.constant 0 : i32
          %dma_wait3A_75 = arith.constant 0 : i32
          %dma_wait3A_76 = tpu.memref_slice %arg16[%dma_wait3A_74, %dma_wait3A_75] : memref<10240x128xf32, #tpu.memory_space<vmem_shared>> -> memref<10240x128xf32, #tpu.memory_space<vmem_shared>>
          tpu.wait_indirect_dma semaphore(%run_scoped3A : memref<!tpu.dma_semaphore, #tpu.memory_space<semaphore_mem>>) src(%arg13 : memref<128x128xf32, #tpu.memory_space<vmem>>) dst(%dma_wait3A_76 : memref<10240x128xf32, #tpu.memory_space<vmem_shared>>)
          tpu.yield
        }) : () -> ()
      }
      %scan3A_35 = arith.constant 17 : i32
      %add3A_36 = arith.constant 4480 : i32
      %add3A_37 = arith.addi %mul3A_25, %add3A_36 : i32
      "tpu.region"() ({
        %run_scoped3A = tpu.sem_alloc : memref<!tpu.dma_semaphore, #tpu.memory_space<semaphore_mem>>
        %dma_start3A_46 = tpu.memref_slice %arg3[%add3A_37] : memref<323584xi32, #tpu.memory_space<hbm>> -> memref<128xi32, #tpu.memory_space<hbm>>
        %dma_start3A_47 = tpu.memref_slice %arg3[%add3A_37] : memref<323584xi32, #tpu.memory_space<hbm>> -> memref<128xi32, #tpu.memory_space<hbm>>
        tpu.enqueue_dma source(%dma_start3A_47 : memref<128xi32, #tpu.memory_space<hbm>>) target(%arg11 : memref<128xi32, #tpu.memory_space<vmem>>) target_semaphore(%run_scoped3A : memref<!tpu.dma_semaphore, #tpu.memory_space<semaphore_mem>>)
        %dma_wait3A_48 = tpu.memref_slice %arg3[%add3A_37] : memref<323584xi32, #tpu.memory_space<hbm>> -> memref<128xi32, #tpu.memory_space<hbm>>
        %dma_wait3A_49 = tpu.memref_slice %arg3[%add3A_37] : memref<323584xi32, #tpu.memory_space<hbm>> -> memref<128xi32, #tpu.memory_space<hbm>>
        tpu.wait_dma2 semaphore(%run_scoped3A : memref<!tpu.dma_semaphore, #tpu.memory_space<semaphore_mem>>) src(%dma_wait3A_49 : memref<128xi32, #tpu.memory_space<hbm>>) dst(%arg11 : memref<128xi32, #tpu.memory_space<vmem>>)
        tpu.yield
      }) : () -> ()
      "tpu.region"() ({
        %run_scoped3A = tpu.sem_alloc : memref<!tpu.dma_semaphore, #tpu.memory_space<semaphore_mem>>
        %dma_start3A_46 = tpu.memref_slice %arg4[%add3A_37] : memref<323584xi32, #tpu.memory_space<hbm>> -> memref<128xi32, #tpu.memory_space<hbm>>
        %dma_start3A_47 = tpu.memref_slice %arg4[%add3A_37] : memref<323584xi32, #tpu.memory_space<hbm>> -> memref<128xi32, #tpu.memory_space<hbm>>
        tpu.enqueue_dma source(%dma_start3A_47 : memref<128xi32, #tpu.memory_space<hbm>>) target(%arg12 : memref<128xi32, #tpu.memory_space<vmem>>) target_semaphore(%run_scoped3A : memref<!tpu.dma_semaphore, #tpu.memory_space<semaphore_mem>>)
        %dma_wait3A_48 = tpu.memref_slice %arg4[%add3A_37] : memref<323584xi32, #tpu.memory_space<hbm>> -> memref<128xi32, #tpu.memory_space<hbm>>
        %dma_wait3A_49 = tpu.memref_slice %arg4[%add3A_37] : memref<323584xi32, #tpu.memory_space<hbm>> -> memref<128xi32, #tpu.memory_space<hbm>>
        tpu.wait_dma2 semaphore(%run_scoped3A : memref<!tpu.dma_semaphore, #tpu.memory_space<semaphore_mem>>) src(%dma_wait3A_49 : memref<128xi32, #tpu.memory_space<hbm>>) dst(%arg12 : memref<128xi32, #tpu.memory_space<vmem>>)
        tpu.yield
      }) : () -> ()
      %dma_start3A_38 = arith.constant 0 : i32
      %dma_start3A_39 = arith.constant 0 : i32
      %dma_start3A_40 = tpu.memref_slice %arg2[%dma_start3A_38, %dma_start3A_39] : memref<10000x128xf32, #tpu.memory_space<hbm>> -> memref<10000x128xf32, #tpu.memory_space<hbm>>
      tpu.enqueue_indirect_dma source(%dma_start3A_40 : memref<10000x128xf32, #tpu.memory_space<hbm>>) target(%arg13 : memref<128x128xf32, #tpu.memory_space<vmem>>) offsets(%arg11 : memref<128xi32, #tpu.memory_space<vmem>>) semaphore(%arg14 : memref<!tpu.dma_semaphore, #tpu.memory_space<semaphore_mem>>)
      %dma_wait3A = arith.constant 0 : i32
      %dma_wait3A_41 = arith.constant 0 : i32
      %dma_wait3A_42 = tpu.memref_slice %arg2[%dma_wait3A, %dma_wait3A_41] : memref<10000x128xf32, #tpu.memory_space<hbm>> -> memref<10000x128xf32, #tpu.memory_space<hbm>>
      tpu.wait_indirect_dma semaphore(%arg10 : memref<!tpu.dma_semaphore, #tpu.memory_space<semaphore_mem>>) src(%dma_wait3A_42 : memref<10000x128xf32, #tpu.memory_space<hbm>>) dst(%arg9 : memref<128x128xf32, #tpu.memory_space<vmem>>)
      "tpu.region"() ({
        %run_scoped3A = tpu.sem_alloc : memref<!tpu.dma_semaphore, #tpu.memory_space<semaphore_mem>>
        %dma_start3A_46 = arith.constant 0 : i32
        %dma_start3A_47 = arith.constant 0 : i32
        %dma_start3A_48 = tpu.memref_slice %arg16[%dma_start3A_46, %dma_start3A_47] : memref<10240x128xf32, #tpu.memory_space<vmem_shared>> -> memref<10240x128xf32, #tpu.memory_space<vmem_shared>>
        tpu.enqueue_indirect_dma source(%arg9 : memref<128x128xf32, #tpu.memory_space<vmem>>) target(%dma_start3A_48 : memref<10240x128xf32, #tpu.memory_space<vmem_shared>>) offsets(%arg8 : memref<128xi32, #tpu.memory_space<vmem>>) semaphore(%run_scoped3A : memref<!tpu.dma_semaphore, #tpu.memory_space<semaphore_mem>>) {add = true}
        %dma_wait3A_49 = arith.constant 0 : i32
        %dma_wait3A_50 = arith.constant 0 : i32
        %dma_wait3A_51 = tpu.memref_slice %arg16[%dma_wait3A_49, %dma_wait3A_50] : memref<10240x128xf32, #tpu.memory_space<vmem_shared>> -> memref<10240x128xf32, #tpu.memory_space<vmem_shared>>
        tpu.wait_indirect_dma semaphore(%run_scoped3A : memref<!tpu.dma_semaphore, #tpu.memory_space<semaphore_mem>>) src(%arg9 : memref<128x128xf32, #tpu.memory_space<vmem>>) dst(%dma_wait3A_51 : memref<10240x128xf32, #tpu.memory_space<vmem_shared>>)
        tpu.yield
      }) : () -> ()
      %dma_wait3A_43 = arith.constant 0 : i32
      %dma_wait3A_44 = arith.constant 0 : i32
      %dma_wait3A_45 = tpu.memref_slice %arg2[%dma_wait3A_43, %dma_wait3A_44] : memref<10000x128xf32, #tpu.memory_space<hbm>> -> memref<10000x128xf32, #tpu.memory_space<hbm>>
      tpu.wait_indirect_dma semaphore(%arg14 : memref<!tpu.dma_semaphore, #tpu.memory_space<semaphore_mem>>) src(%dma_wait3A_45 : memref<10000x128xf32, #tpu.memory_space<hbm>>) dst(%arg13 : memref<128x128xf32, #tpu.memory_space<vmem>>)
      "tpu.region"() ({
        %run_scoped3A = tpu.sem_alloc : memref<!tpu.dma_semaphore, #tpu.memory_space<semaphore_mem>>
        %dma_start3A_46 = arith.constant 0 : i32
        %dma_start3A_47 = arith.constant 0 : i32
        %dma_start3A_48 = tpu.memref_slice %arg16[%dma_start3A_46, %dma_start3A_47] : memref<10240x128xf32, #tpu.memory_space<vmem_shared>> -> memref<10240x128xf32, #tpu.memory_space<vmem_shared>>
        tpu.enqueue_indirect_dma source(%arg13 : memref<128x128xf32, #tpu.memory_space<vmem>>) target(%dma_start3A_48 : memref<10240x128xf32, #tpu.memory_space<vmem_shared>>) offsets(%arg12 : memref<128xi32, #tpu.memory_space<vmem>>) semaphore(%run_scoped3A : memref<!tpu.dma_semaphore, #tpu.memory_space<semaphore_mem>>) {add = true}
        %dma_wait3A_49 = arith.constant 0 : i32
        %dma_wait3A_50 = arith.constant 0 : i32
        %dma_wait3A_51 = tpu.memref_slice %arg16[%dma_wait3A_49, %dma_wait3A_50] : memref<10240x128xf32, #tpu.memory_space<vmem_shared>> -> memref<10240x128xf32, #tpu.memory_space<vmem_shared>>
        tpu.wait_indirect_dma semaphore(%run_scoped3A : memref<!tpu.dma_semaphore, #tpu.memory_space<semaphore_mem>>) src(%arg13 : memref<128x128xf32, #tpu.memory_space<vmem>>) dst(%dma_wait3A_51 : memref<10240x128xf32, #tpu.memory_space<vmem_shared>>)
        tpu.yield
      }) : () -> ()
    } else {
    }
    %barrier3A_13 = arith.constant 0 : index
    tpu.barrier barrier_id(%barrier3A_13)
    %scan3A_14 = arith.constant 0 : i32
    %scan3A_15 = arith.constant 0 : i32
    %scan3A_16 = arith.constant 10 : i32
    %scan3A_17 = arith.addi %scan3A_15, %scan3A_16 : i32
    %scan3A_18 = arith.constant 1 : i32
    scf.for %scan3A_20 = %scan3A_15 to %scan3A_17 step %scan3A_18  : i32 {
      %mul3A_21 = arith.constant 640 : i32
      %mul3A_22 = arith.muli %arg1, %mul3A_21 : i32
      %mul3A_23 = arith.constant 64 : i32
      %mul3A_24 = arith.muli %scan3A_20, %mul3A_23 : i32
      %add3A_25 = arith.addi %mul3A_22, %mul3A_24 : i32
      "tpu.region"() ({
        %run_scoped3A = tpu.sem_alloc : memref<!tpu.dma_semaphore, #tpu.memory_space<semaphore_mem>>
        %dma_start3A = arith.constant 0 : i32
        %dma_start3A_26 = tpu.memref_slice %arg16[%add3A_25, %dma_start3A] : memref<10240x128xf32, #tpu.memory_space<vmem_shared>> -> memref<64x128xf32, #tpu.memory_space<vmem_shared>>
        %dma_start3A_27 = arith.constant 0 : i32
        %dma_start3A_28 = tpu.memref_slice %arg16[%add3A_25, %dma_start3A_27] : memref<10240x128xf32, #tpu.memory_space<vmem_shared>> -> memref<64x128xf32, #tpu.memory_space<vmem_shared>>
        tpu.enqueue_dma source(%dma_start3A_28 : memref<64x128xf32, #tpu.memory_space<vmem_shared>>) target(%arg15 : memref<64x128xf32, #tpu.memory_space<vmem>>) target_semaphore(%run_scoped3A : memref<!tpu.dma_semaphore, #tpu.memory_space<semaphore_mem>>)
        %dma_wait3A = arith.constant 0 : i32
        %dma_wait3A_29 = tpu.memref_slice %arg16[%add3A_25, %dma_wait3A] : memref<10240x128xf32, #tpu.memory_space<vmem_shared>> -> memref<64x128xf32, #tpu.memory_space<vmem_shared>>
        %dma_wait3A_30 = arith.constant 0 : i32
        %dma_wait3A_31 = tpu.memref_slice %arg16[%add3A_25, %dma_wait3A_30] : memref<10240x128xf32, #tpu.memory_space<vmem_shared>> -> memref<64x128xf32, #tpu.memory_space<vmem_shared>>
        tpu.wait_dma2 semaphore(%run_scoped3A : memref<!tpu.dma_semaphore, #tpu.memory_space<semaphore_mem>>) src(%dma_wait3A_31 : memref<64x128xf32, #tpu.memory_space<vmem_shared>>) dst(%arg15 : memref<64x128xf32, #tpu.memory_space<vmem>>)
        tpu.yield
      }) : () -> ()
      "tpu.region"() ({
        %run_scoped3A = tpu.sem_alloc : memref<!tpu.dma_semaphore, #tpu.memory_space<semaphore_mem>>
        %dma_start3A = arith.constant 0 : i32
        %dma_start3A_26 = tpu.memref_slice %arg6[%arg0, %add3A_25, %dma_start3A] : memref<2x10240x128xf32, #tpu.memory_space<hbm>> -> memref<1x64x128xf32, #tpu.memory_space<hbm>>
        %dma_start3A_27 = tpu.memref_squeeze %dma_start3A_26 : memref<1x64x128xf32, #tpu.memory_space<hbm>> -> memref<64x128xf32, #tpu.memory_space<hbm>>
        %dma_start3A_28 = arith.constant 0 : i32
        %dma_start3A_29 = tpu.memref_slice %arg6[%arg0, %add3A_25, %dma_start3A_28] : memref<2x10240x128xf32, #tpu.memory_space<hbm>> -> memref<1x64x128xf32, #tpu.memory_space<hbm>>
        %dma_start3A_30 = tpu.memref_squeeze %dma_start3A_29 : memref<1x64x128xf32, #tpu.memory_space<hbm>> -> memref<64x128xf32, #tpu.memory_space<hbm>>
        tpu.enqueue_dma source(%arg15 : memref<64x128xf32, #tpu.memory_space<vmem>>) target(%dma_start3A_30 : memref<64x128xf32, #tpu.memory_space<hbm>>) target_semaphore(%run_scoped3A : memref<!tpu.dma_semaphore, #tpu.memory_space<semaphore_mem>>)
        %dma_wait3A = arith.constant 0 : i32
        %dma_wait3A_31 = tpu.memref_slice %arg6[%arg0, %add3A_25, %dma_wait3A] : memref<2x10240x128xf32, #tpu.memory_space<hbm>> -> memref<1x64x128xf32, #tpu.memory_space<hbm>>
        %dma_wait3A_32 = tpu.memref_squeeze %dma_wait3A_31 : memref<1x64x128xf32, #tpu.memory_space<hbm>> -> memref<64x128xf32, #tpu.memory_space<hbm>>
        %dma_wait3A_33 = arith.constant 0 : i32
        %dma_wait3A_34 = tpu.memref_slice %arg6[%arg0, %add3A_25, %dma_wait3A_33] : memref<2x10240x128xf32, #tpu.memory_space<hbm>> -> memref<1x64x128xf32, #tpu.memory_space<hbm>>
        %dma_wait3A_35 = tpu.memref_squeeze %dma_wait3A_34 : memref<1x64x128xf32, #tpu.memory_space<hbm>> -> memref<64x128xf32, #tpu.memory_space<hbm>>
        tpu.wait_dma2 semaphore(%run_scoped3A : memref<!tpu.dma_semaphore, #tpu.memory_space<semaphore_mem>>) src(%arg15 : memref<64x128xf32, #tpu.memory_space<vmem>>) dst(%dma_wait3A_35 : memref<64x128xf32, #tpu.memory_space<hbm>>)
        tpu.yield
      }) : () -> ()
    }
    %scan3A_19 = arith.constant 10 : i32
    return
  }
}

#map = affine_map<(d0, d1) -> (0, 0)>
#map1 = affine_map<(d0, d1) -> (0)>
#map2 = affine_map<(d0, d1) -> (0, 0, 0)>
module attributes {stable_mosaic.version = 14 : i64} {
  func.func @body(%arg0: i32, %arg1: i32, %arg2: memref<10000x128xf32, #tpu.memory_space<hbm>>, %arg3: memref<323584xi32, #tpu.memory_space<hbm>>, %arg4: memref<323584xi32, #tpu.memory_space<hbm>>, %arg5: memref<64x128xf32, #tpu.memory_space<hbm>>, %arg6: memref<2x10240x128xf32, #tpu.memory_space<hbm>>, %arg7: memref<128xi32, #tpu.memory_space<vmem>>, %arg8: memref<128xi32, #tpu.memory_space<vmem>>, %arg9: memref<128x128xf32, #tpu.memory_space<vmem>>, %arg10: memref<!tpu.dma_semaphore, #tpu.memory_space<semaphore_mem>>, %arg11: memref<128xi32, #tpu.memory_space<vmem>>, %arg12: memref<128xi32, #tpu.memory_space<vmem>>, %arg13: memref<128x128xf32, #tpu.memory_space<vmem>>, %arg14: memref<!tpu.dma_semaphore, #tpu.memory_space<semaphore_mem>>, %arg15: memref<64x128xf32, #tpu.memory_space<vmem>>, %arg16: memref<10240x128xf32, #tpu.memory_space<vmem_shared>>) attributes {dimension_semantics = [#tpu.dimension_semantics<core_parallel>, #tpu.dimension_semantics<subcore_parallel>], iteration_bounds = array<i64: 2, 16>, scalar_prefetch = 0 : i64, scratch_operands = 10 : i64, tpu.core_type = #tpu.core_type<sc_vector_subcore>, window_params = [{transform_indices = #map}, {transform_indices = #map1}, {transform_indices = #map1}, {transform_indices = #map}, {transform_indices = #map2}]} {
    %mul3A = arith.constant 2 : i32
    %mul3A_0 = arith.muli %arg1, %mul3A : i32
    %add3A = arith.addi %mul3A_0, %arg0 : i32
    "tpu.region"() ({
      %run_scoped3A = tpu.sem_alloc : memref<!tpu.dma_semaphore, #tpu.memory_space<semaphore_mem>>
      tpu.enqueue_dma source(%arg5 : memref<64x128xf32, #tpu.memory_space<hbm>>) target(%arg15 : memref<64x128xf32, #tpu.memory_space<vmem>>) target_semaphore(%run_scoped3A : memref<!tpu.dma_semaphore, #tpu.memory_space<semaphore_mem>>)
      tpu.wait_dma2 semaphore(%run_scoped3A : memref<!tpu.dma_semaphore, #tpu.memory_space<semaphore_mem>>) src(%arg5 : memref<64x128xf32, #tpu.memory_space<hbm>>) dst(%arg15 : memref<64x128xf32, #tpu.memory_space<vmem>>)
      tpu.yield
    }) : () -> ()
    %scan3A = arith.constant 0 : i32
    %scan3A_1 = arith.constant 0 : i32
    %scan3A_2 = arith.constant 10 : i32
    %scan3A_3 = arith.addi %scan3A_1, %scan3A_2 : i32
    %scan3A_4 = arith.constant 1 : i32
    scf.for %scan3A_20 = %scan3A_1 to %scan3A_3 step %scan3A_4  : i32 {
      %mul3A_21 = arith.constant 640 : i32
      %mul3A_22 = arith.muli %arg1, %mul3A_21 : i32
      %mul3A_23 = arith.constant 64 : i32
      %mul3A_24 = arith.muli %scan3A_20, %mul3A_23 : i32
      %add3A_25 = arith.addi %mul3A_22, %mul3A_24 : i32
      "tpu.region"() ({
        %run_scoped3A = tpu.sem_alloc : memref<!tpu.dma_semaphore, #tpu.memory_space<semaphore_mem>>
        %dma_start3A = arith.constant 0 : i32
        %dma_start3A_26 = tpu.memref_slice %arg16[%add3A_25, %dma_start3A] : memref<10240x128xf32, #tpu.memory_space<vmem_shared>> -> memref<64x128xf32, #tpu.memory_space<vmem_shared>>
        %dma_start3A_27 = arith.constant 0 : i32
        %dma_start3A_28 = tpu.memref_slice %arg16[%add3A_25, %dma_start3A_27] : memref<10240x128xf32, #tpu.memory_space<vmem_shared>> -> memref<64x128xf32, #tpu.memory_space<vmem_shared>>
        tpu.enqueue_dma source(%arg15 : memref<64x128xf32, #tpu.memory_space<vmem>>) target(%dma_start3A_28 : memref<64x128xf32, #tpu.memory_space<vmem_shared>>) target_semaphore(%run_scoped3A : memref<!tpu.dma_semaphore, #tpu.memory_space<semaphore_mem>>)
        %dma_wait3A = arith.constant 0 : i32
        %dma_wait3A_29 = tpu.memref_slice %arg16[%add3A_25, %dma_wait3A] : memref<10240x128xf32, #tpu.memory_space<vmem_shared>> -> memref<64x128xf32, #tpu.memory_space<vmem_shared>>
        %dma_wait3A_30 = arith.constant 0 : i32
        %dma_wait3A_31 = tpu.memref_slice %arg16[%add3A_25, %dma_wait3A_30] : memref<10240x128xf32, #tpu.memory_space<vmem_shared>> -> memref<64x128xf32, #tpu.memory_space<vmem_shared>>
        tpu.wait_dma2 semaphore(%run_scoped3A : memref<!tpu.dma_semaphore, #tpu.memory_space<semaphore_mem>>) src(%arg15 : memref<64x128xf32, #tpu.memory_space<vmem>>) dst(%dma_wait3A_31 : memref<64x128xf32, #tpu.memory_space<vmem_shared>>)
        tpu.yield
      }) : () -> ()
    }
    %scan3A_5 = arith.constant 10 : i32
    %barrier3A = arith.constant 0 : index
    tpu.barrier barrier_id(%barrier3A)
    %eq3A = arith.constant 0 : i32
    %eq3A_6 = arith.cmpi eq, %arg0, %eq3A : i32
    %convert_element_type3A = arith.extui %eq3A_6 : i1 to i32
    %cond3A = arith.constant 0 : i32
    %cond3A_7 = arith.cmpi ne, %convert_element_type3A, %cond3A : i32
    scf.if %cond3A_7 {
      %mul3A_20 = arith.constant 122 : i32
      %mul3A_21 = arith.muli %arg1, %mul3A_20 : i32
      %mul3A_22 = arith.constant 128 : i32
      %mul3A_23 = arith.muli %mul3A_21, %mul3A_22 : i32
      %add3A_24 = arith.constant 0 : i32
      %add3A_25 = arith.addi %mul3A_23, %add3A_24 : i32
      "tpu.region"() ({
        %run_scoped3A = tpu.sem_alloc : memref<!tpu.dma_semaphore, #tpu.memory_space<semaphore_mem>>
        %dma_start3A_44 = tpu.memref_slice %arg3[%add3A_25] : memref<323584xi32, #tpu.memory_space<hbm>> -> memref<128xi32, #tpu.memory_space<hbm>>
        %dma_start3A_45 = tpu.memref_slice %arg3[%add3A_25] : memref<323584xi32, #tpu.memory_space<hbm>> -> memref<128xi32, #tpu.memory_space<hbm>>
        tpu.enqueue_dma source(%dma_start3A_45 : memref<128xi32, #tpu.memory_space<hbm>>) target(%arg7 : memref<128xi32, #tpu.memory_space<vmem>>) target_semaphore(%run_scoped3A : memref<!tpu.dma_semaphore, #tpu.memory_space<semaphore_mem>>)
        %dma_wait3A_46 = tpu.memref_slice %arg3[%add3A_25] : memref<323584xi32, #tpu.memory_space<hbm>> -> memref<128xi32, #tpu.memory_space<hbm>>
        %dma_wait3A_47 = tpu.memref_slice %arg3[%add3A_25] : memref<323584xi32, #tpu.memory_space<hbm>> -> memref<128xi32, #tpu.memory_space<hbm>>
        tpu.wait_dma2 semaphore(%run_scoped3A : memref<!tpu.dma_semaphore, #tpu.memory_space<semaphore_mem>>) src(%dma_wait3A_47 : memref<128xi32, #tpu.memory_space<hbm>>) dst(%arg7 : memref<128xi32, #tpu.memory_space<vmem>>)
        tpu.yield
      }) : () -> ()
      "tpu.region"() ({
        %run_scoped3A = tpu.sem_alloc : memref<!tpu.dma_semaphore, #tpu.memory_space<semaphore_mem>>
        %dma_start3A_44 = tpu.memref_slice %arg4[%add3A_25] : memref<323584xi32, #tpu.memory_space<hbm>> -> memref<128xi32, #tpu.memory_space<hbm>>
        %dma_start3A_45 = tpu.memref_slice %arg4[%add3A_25] : memref<323584xi32, #tpu.memory_space<hbm>> -> memref<128xi32, #tpu.memory_space<hbm>>
        tpu.enqueue_dma source(%dma_start3A_45 : memref<128xi32, #tpu.memory_space<hbm>>) target(%arg8 : memref<128xi32, #tpu.memory_space<vmem>>) target_semaphore(%run_scoped3A : memref<!tpu.dma_semaphore, #tpu.memory_space<semaphore_mem>>)
        %dma_wait3A_46 = tpu.memref_slice %arg4[%add3A_25] : memref<323584xi32, #tpu.memory_space<hbm>> -> memref<128xi32, #tpu.memory_space<hbm>>
        %dma_wait3A_47 = tpu.memref_slice %arg4[%add3A_25] : memref<323584xi32, #tpu.memory_space<hbm>> -> memref<128xi32, #tpu.memory_space<hbm>>
        tpu.wait_dma2 semaphore(%run_scoped3A : memref<!tpu.dma_semaphore, #tpu.memory_space<semaphore_mem>>) src(%dma_wait3A_47 : memref<128xi32, #tpu.memory_space<hbm>>) dst(%arg8 : memref<128xi32, #tpu.memory_space<vmem>>)
        tpu.yield
      }) : () -> ()
      %dma_start3A = arith.constant 0 : i32
      %dma_start3A_26 = arith.constant 0 : i32
      %dma_start3A_27 = tpu.memref_slice %arg2[%dma_start3A, %dma_start3A_26] : memref<10000x128xf32, #tpu.memory_space<hbm>> -> memref<10000x128xf32, #tpu.memory_space<hbm>>
      tpu.enqueue_indirect_dma source(%dma_start3A_27 : memref<10000x128xf32, #tpu.memory_space<hbm>>) target(%arg9 : memref<128x128xf32, #tpu.memory_space<vmem>>) offsets(%arg7 : memref<128xi32, #tpu.memory_space<vmem>>) semaphore(%arg10 : memref<!tpu.dma_semaphore, #tpu.memory_space<semaphore_mem>>)
      %scan3A_28 = arith.constant 0 : i32
      %scan3A_29 = arith.constant 0 : i32
      %scan3A_30 = arith.constant 60 : i32
      %scan3A_31 = arith.addi %scan3A_29, %scan3A_30 : i32
      %scan3A_32 = arith.constant 1 : i32
      scf.for %scan3A_44 = %scan3A_29 to %scan3A_31 step %scan3A_32  : i32 {
        %mul3A_45 = arith.constant 2 : i32
        %mul3A_46 = arith.muli %mul3A_45, %scan3A_44 : i32
        %add3A_47 = arith.constant 1 : i32
        %add3A_48 = arith.addi %mul3A_46, %add3A_47 : i32
        %mul3A_49 = arith.constant 128 : i32
        %mul3A_50 = arith.muli %add3A_48, %mul3A_49 : i32
        %add3A_51 = arith.addi %mul3A_23, %mul3A_50 : i32
        "tpu.region"() ({
          %run_scoped3A = tpu.sem_alloc : memref<!tpu.dma_semaphore, #tpu.memory_space<semaphore_mem>>
          %dma_start3A_69 = tpu.memref_slice %arg3[%add3A_51] : memref<323584xi32, #tpu.memory_space<hbm>> -> memref<128xi32, #tpu.memory_space<hbm>>
          %dma_start3A_70 = tpu.memref_slice %arg3[%add3A_51] : memref<323584xi32, #tpu.memory_space<hbm>> -> memref<128xi32, #tpu.memory_space<hbm>>
          tpu.enqueue_dma source(%dma_start3A_70 : memref<128xi32, #tpu.memory_space<hbm>>) target(%arg11 : memref<128xi32, #tpu.memory_space<vmem>>) target_semaphore(%run_scoped3A : memref<!tpu.dma_semaphore, #tpu.memory_space<semaphore_mem>>)
          %dma_wait3A_71 = tpu.memref_slice %arg3[%add3A_51] : memref<323584xi32, #tpu.memory_space<hbm>> -> memref<128xi32, #tpu.memory_space<hbm>>
          %dma_wait3A_72 = tpu.memref_slice %arg3[%add3A_51] : memref<323584xi32, #tpu.memory_space<hbm>> -> memref<128xi32, #tpu.memory_space<hbm>>
          tpu.wait_dma2 semaphore(%run_scoped3A : memref<!tpu.dma_semaphore, #tpu.memory_space<semaphore_mem>>) src(%dma_wait3A_72 : memref<128xi32, #tpu.memory_space<hbm>>) dst(%arg11 : memref<128xi32, #tpu.memory_space<vmem>>)
          tpu.yield
        }) : () -> ()
        "tpu.region"() ({
          %run_scoped3A = tpu.sem_alloc : memref<!tpu.dma_semaphore, #tpu.memory_space<semaphore_mem>>
          %dma_start3A_69 = tpu.memref_slice %arg4[%add3A_51] : memref<323584xi32, #tpu.memory_space<hbm>> -> memref<128xi32, #tpu.memory_space<hbm>>
          %dma_start3A_70 = tpu.memref_slice %arg4[%add3A_51] : memref<323584xi32, #tpu.memory_space<hbm>> -> memref<128xi32, #tpu.memory_space<hbm>>
          tpu.enqueue_dma source(%dma_start3A_70 : memref<128xi32, #tpu.memory_space<hbm>>) target(%arg12 : memref<128xi32, #tpu.memory_space<vmem>>) target_semaphore(%run_scoped3A : memref<!tpu.dma_semaphore, #tpu.memory_space<semaphore_mem>>)
          %dma_wait3A_71 = tpu.memref_slice %arg4[%add3A_51] : memref<323584xi32, #tpu.memory_space<hbm>> -> memref<128xi32, #tpu.memory_space<hbm>>
          %dma_wait3A_72 = tpu.memref_slice %arg4[%add3A_51] : memref<323584xi32, #tpu.memory_space<hbm>> -> memref<128xi32, #tpu.memory_space<hbm>>
          tpu.wait_dma2 semaphore(%run_scoped3A : memref<!tpu.dma_semaphore, #tpu.memory_space<semaphore_mem>>) src(%dma_wait3A_72 : memref<128xi32, #tpu.memory_space<hbm>>) dst(%arg12 : memref<128xi32, #tpu.memory_space<vmem>>)
          tpu.yield
        }) : () -> ()
        %dma_start3A_52 = arith.constant 0 : i32
        %dma_start3A_53 = arith.constant 0 : i32
        %dma_start3A_54 = tpu.memref_slice %arg2[%dma_start3A_52, %dma_start3A_53] : memref<10000x128xf32, #tpu.memory_space<hbm>> -> memref<10000x128xf32, #tpu.memory_space<hbm>>
        tpu.enqueue_indirect_dma source(%dma_start3A_54 : memref<10000x128xf32, #tpu.memory_space<hbm>>) target(%arg13 : memref<128x128xf32, #tpu.memory_space<vmem>>) offsets(%arg11 : memref<128xi32, #tpu.memory_space<vmem>>) semaphore(%arg14 : memref<!tpu.dma_semaphore, #tpu.memory_space<semaphore_mem>>)
        %dma_wait3A_55 = arith.constant 0 : i32
        %dma_wait3A_56 = arith.constant 0 : i32
        %dma_wait3A_57 = tpu.memref_slice %arg2[%dma_wait3A_55, %dma_wait3A_56] : memref<10000x128xf32, #tpu.memory_space<hbm>> -> memref<10000x128xf32, #tpu.memory_space<hbm>>
        tpu.wait_indirect_dma semaphore(%arg10 : memref<!tpu.dma_semaphore, #tpu.memory_space<semaphore_mem>>) src(%dma_wait3A_57 : memref<10000x128xf32, #tpu.memory_space<hbm>>) dst(%arg9 : memref<128x128xf32, #tpu.memory_space<vmem>>)
        "tpu.region"() ({
          %run_scoped3A = tpu.sem_alloc : memref<!tpu.dma_semaphore, #tpu.memory_space<semaphore_mem>>
          %dma_start3A_69 = arith.constant 0 : i32
          %dma_start3A_70 = arith.constant 0 : i32
          %dma_start3A_71 = tpu.memref_slice %arg16[%dma_start3A_69, %dma_start3A_70] : memref<10240x128xf32, #tpu.memory_space<vmem_shared>> -> memref<10240x128xf32, #tpu.memory_space<vmem_shared>>
          tpu.enqueue_indirect_dma source(%arg9 : memref<128x128xf32, #tpu.memory_space<vmem>>) target(%dma_start3A_71 : memref<10240x128xf32, #tpu.memory_space<vmem_shared>>) offsets(%arg8 : memref<128xi32, #tpu.memory_space<vmem>>) semaphore(%run_scoped3A : memref<!tpu.dma_semaphore, #tpu.memory_space<semaphore_mem>>) {add = true}
          %dma_wait3A_72 = arith.constant 0 : i32
          %dma_wait3A_73 = arith.constant 0 : i32
          %dma_wait3A_74 = tpu.memref_slice %arg16[%dma_wait3A_72, %dma_wait3A_73] : memref<10240x128xf32, #tpu.memory_space<vmem_shared>> -> memref<10240x128xf32, #tpu.memory_space<vmem_shared>>
          tpu.wait_indirect_dma semaphore(%run_scoped3A : memref<!tpu.dma_semaphore, #tpu.memory_space<semaphore_mem>>) src(%arg9 : memref<128x128xf32, #tpu.memory_space<vmem>>) dst(%dma_wait3A_74 : memref<10240x128xf32, #tpu.memory_space<vmem_shared>>)
          tpu.yield
        }) : () -> ()
        %add3A_58 = arith.constant 2 : i32
        %add3A_59 = arith.addi %mul3A_46, %add3A_58 : i32
        %mul3A_60 = arith.constant 128 : i32
        %mul3A_61 = arith.muli %add3A_59, %mul3A_60 : i32
        %add3A_62 = arith.addi %mul3A_23, %mul3A_61 : i32
        "tpu.region"() ({
          %run_scoped3A = tpu.sem_alloc : memref<!tpu.dma_semaphore, #tpu.memory_space<semaphore_mem>>
          %dma_start3A_69 = tpu.memref_slice %arg3[%add3A_62] : memref<323584xi32, #tpu.memory_space<hbm>> -> memref<128xi32, #tpu.memory_space<hbm>>
          %dma_start3A_70 = tpu.memref_slice %arg3[%add3A_62] : memref<323584xi32, #tpu.memory_space<hbm>> -> memref<128xi32, #tpu.memory_space<hbm>>
          tpu.enqueue_dma source(%dma_start3A_70 : memref<128xi32, #tpu.memory_space<hbm>>) target(%arg7 : memref<128xi32, #tpu.memory_space<vmem>>) target_semaphore(%run_scoped3A : memref<!tpu.dma_semaphore, #tpu.memory_space<semaphore_mem>>)
          %dma_wait3A_71 = tpu.memref_slice %arg3[%add3A_62] : memref<323584xi32, #tpu.memory_space<hbm>> -> memref<128xi32, #tpu.memory_space<hbm>>
          %dma_wait3A_72 = tpu.memref_slice %arg3[%add3A_62] : memref<323584xi32, #tpu.memory_space<hbm>> -> memref<128xi32, #tpu.memory_space<hbm>>
          tpu.wait_dma2 semaphore(%run_scoped3A : memref<!tpu.dma_semaphore, #tpu.memory_space<semaphore_mem>>) src(%dma_wait3A_72 : memref<128xi32, #tpu.memory_space<hbm>>) dst(%arg7 : memref<128xi32, #tpu.memory_space<vmem>>)
          tpu.yield
        }) : () -> ()
        "tpu.region"() ({
          %run_scoped3A = tpu.sem_alloc : memref<!tpu.dma_semaphore, #tpu.memory_space<semaphore_mem>>
          %dma_start3A_69 = tpu.memref_slice %arg4[%add3A_62] : memref<323584xi32, #tpu.memory_space<hbm>> -> memref<128xi32, #tpu.memory_space<hbm>>
          %dma_start3A_70 = tpu.memref_slice %arg4[%add3A_62] : memref<323584xi32, #tpu.memory_space<hbm>> -> memref<128xi32, #tpu.memory_space<hbm>>
          tpu.enqueue_dma source(%dma_start3A_70 : memref<128xi32, #tpu.memory_space<hbm>>) target(%arg8 : memref<128xi32, #tpu.memory_space<vmem>>) target_semaphore(%run_scoped3A : memref<!tpu.dma_semaphore, #tpu.memory_space<semaphore_mem>>)
          %dma_wait3A_71 = tpu.memref_slice %arg4[%add3A_62] : memref<323584xi32, #tpu.memory_space<hbm>> -> memref<128xi32, #tpu.memory_space<hbm>>
          %dma_wait3A_72 = tpu.memref_slice %arg4[%add3A_62] : memref<323584xi32, #tpu.memory_space<hbm>> -> memref<128xi32, #tpu.memory_space<hbm>>
          tpu.wait_dma2 semaphore(%run_scoped3A : memref<!tpu.dma_semaphore, #tpu.memory_space<semaphore_mem>>) src(%dma_wait3A_72 : memref<128xi32, #tpu.memory_space<hbm>>) dst(%arg8 : memref<128xi32, #tpu.memory_space<vmem>>)
          tpu.yield
        }) : () -> ()
        %dma_start3A_63 = arith.constant 0 : i32
        %dma_start3A_64 = arith.constant 0 : i32
        %dma_start3A_65 = tpu.memref_slice %arg2[%dma_start3A_63, %dma_start3A_64] : memref<10000x128xf32, #tpu.memory_space<hbm>> -> memref<10000x128xf32, #tpu.memory_space<hbm>>
        tpu.enqueue_indirect_dma source(%dma_start3A_65 : memref<10000x128xf32, #tpu.memory_space<hbm>>) target(%arg9 : memref<128x128xf32, #tpu.memory_space<vmem>>) offsets(%arg7 : memref<128xi32, #tpu.memory_space<vmem>>) semaphore(%arg10 : memref<!tpu.dma_semaphore, #tpu.memory_space<semaphore_mem>>)
        %dma_wait3A_66 = arith.constant 0 : i32
        %dma_wait3A_67 = arith.constant 0 : i32
        %dma_wait3A_68 = tpu.memref_slice %arg2[%dma_wait3A_66, %dma_wait3A_67] : memref<10000x128xf32, #tpu.memory_space<hbm>> -> memref<10000x128xf32, #tpu.memory_space<hbm>>
        tpu.wait_indirect_dma semaphore(%arg14 : memref<!tpu.dma_semaphore, #tpu.memory_space<semaphore_mem>>) src(%dma_wait3A_68 : memref<10000x128xf32, #tpu.memory_space<hbm>>) dst(%arg13 : memref<128x128xf32, #tpu.memory_space<vmem>>)
        "tpu.region"() ({
          %run_scoped3A = tpu.sem_alloc : memref<!tpu.dma_semaphore, #tpu.memory_space<semaphore_mem>>
          %dma_start3A_69 = arith.constant 0 : i32
          %dma_start3A_70 = arith.constant 0 : i32
          %dma_start3A_71 = tpu.memref_slice %arg16[%dma_start3A_69, %dma_start3A_70] : memref<10240x128xf32, #tpu.memory_space<vmem_shared>> -> memref<10240x128xf32, #tpu.memory_space<vmem_shared>>
          tpu.enqueue_indirect_dma source(%arg13 : memref<128x128xf32, #tpu.memory_space<vmem>>) target(%dma_start3A_71 : memref<10240x128xf32, #tpu.memory_space<vmem_shared>>) offsets(%arg12 : memref<128xi32, #tpu.memory_space<vmem>>) semaphore(%run_scoped3A : memref<!tpu.dma_semaphore, #tpu.memory_space<semaphore_mem>>) {add = true}
          %dma_wait3A_72 = arith.constant 0 : i32
          %dma_wait3A_73 = arith.constant 0 : i32
          %dma_wait3A_74 = tpu.memref_slice %arg16[%dma_wait3A_72, %dma_wait3A_73] : memref<10240x128xf32, #tpu.memory_space<vmem_shared>> -> memref<10240x128xf32, #tpu.memory_space<vmem_shared>>
          tpu.wait_indirect_dma semaphore(%run_scoped3A : memref<!tpu.dma_semaphore, #tpu.memory_space<semaphore_mem>>) src(%arg13 : memref<128x128xf32, #tpu.memory_space<vmem>>) dst(%dma_wait3A_74 : memref<10240x128xf32, #tpu.memory_space<vmem_shared>>)
          tpu.yield
        }) : () -> ()
      }
      %scan3A_33 = arith.constant 60 : i32
      %add3A_34 = arith.constant 15488 : i32
      %add3A_35 = arith.addi %mul3A_23, %add3A_34 : i32
      "tpu.region"() ({
        %run_scoped3A = tpu.sem_alloc : memref<!tpu.dma_semaphore, #tpu.memory_space<semaphore_mem>>
        %dma_start3A_44 = tpu.memref_slice %arg3[%add3A_35] : memref<323584xi32, #tpu.memory_space<hbm>> -> memref<128xi32, #tpu.memory_space<hbm>>
        %dma_start3A_45 = tpu.memref_slice %arg3[%add3A_35] : memref<323584xi32, #tpu.memory_space<hbm>> -> memref<128xi32, #tpu.memory_space<hbm>>
        tpu.enqueue_dma source(%dma_start3A_45 : memref<128xi32, #tpu.memory_space<hbm>>) target(%arg11 : memref<128xi32, #tpu.memory_space<vmem>>) target_semaphore(%run_scoped3A : memref<!tpu.dma_semaphore, #tpu.memory_space<semaphore_mem>>)
        %dma_wait3A_46 = tpu.memref_slice %arg3[%add3A_35] : memref<323584xi32, #tpu.memory_space<hbm>> -> memref<128xi32, #tpu.memory_space<hbm>>
        %dma_wait3A_47 = tpu.memref_slice %arg3[%add3A_35] : memref<323584xi32, #tpu.memory_space<hbm>> -> memref<128xi32, #tpu.memory_space<hbm>>
        tpu.wait_dma2 semaphore(%run_scoped3A : memref<!tpu.dma_semaphore, #tpu.memory_space<semaphore_mem>>) src(%dma_wait3A_47 : memref<128xi32, #tpu.memory_space<hbm>>) dst(%arg11 : memref<128xi32, #tpu.memory_space<vmem>>)
        tpu.yield
      }) : () -> ()
      "tpu.region"() ({
        %run_scoped3A = tpu.sem_alloc : memref<!tpu.dma_semaphore, #tpu.memory_space<semaphore_mem>>
        %dma_start3A_44 = tpu.memref_slice %arg4[%add3A_35] : memref<323584xi32, #tpu.memory_space<hbm>> -> memref<128xi32, #tpu.memory_space<hbm>>
        %dma_start3A_45 = tpu.memref_slice %arg4[%add3A_35] : memref<323584xi32, #tpu.memory_space<hbm>> -> memref<128xi32, #tpu.memory_space<hbm>>
        tpu.enqueue_dma source(%dma_start3A_45 : memref<128xi32, #tpu.memory_space<hbm>>) target(%arg12 : memref<128xi32, #tpu.memory_space<vmem>>) target_semaphore(%run_scoped3A : memref<!tpu.dma_semaphore, #tpu.memory_space<semaphore_mem>>)
        %dma_wait3A_46 = tpu.memref_slice %arg4[%add3A_35] : memref<323584xi32, #tpu.memory_space<hbm>> -> memref<128xi32, #tpu.memory_space<hbm>>
        %dma_wait3A_47 = tpu.memref_slice %arg4[%add3A_35] : memref<323584xi32, #tpu.memory_space<hbm>> -> memref<128xi32, #tpu.memory_space<hbm>>
        tpu.wait_dma2 semaphore(%run_scoped3A : memref<!tpu.dma_semaphore, #tpu.memory_space<semaphore_mem>>) src(%dma_wait3A_47 : memref<128xi32, #tpu.memory_space<hbm>>) dst(%arg12 : memref<128xi32, #tpu.memory_space<vmem>>)
        tpu.yield
      }) : () -> ()
      %dma_start3A_36 = arith.constant 0 : i32
      %dma_start3A_37 = arith.constant 0 : i32
      %dma_start3A_38 = tpu.memref_slice %arg2[%dma_start3A_36, %dma_start3A_37] : memref<10000x128xf32, #tpu.memory_space<hbm>> -> memref<10000x128xf32, #tpu.memory_space<hbm>>
      tpu.enqueue_indirect_dma source(%dma_start3A_38 : memref<10000x128xf32, #tpu.memory_space<hbm>>) target(%arg13 : memref<128x128xf32, #tpu.memory_space<vmem>>) offsets(%arg11 : memref<128xi32, #tpu.memory_space<vmem>>) semaphore(%arg14 : memref<!tpu.dma_semaphore, #tpu.memory_space<semaphore_mem>>)
      %dma_wait3A = arith.constant 0 : i32
      %dma_wait3A_39 = arith.constant 0 : i32
      %dma_wait3A_40 = tpu.memref_slice %arg2[%dma_wait3A, %dma_wait3A_39] : memref<10000x128xf32, #tpu.memory_space<hbm>> -> memref<10000x128xf32, #tpu.memory_space<hbm>>
      tpu.wait_indirect_dma semaphore(%arg10 : memref<!tpu.dma_semaphore, #tpu.memory_space<semaphore_mem>>) src(%dma_wait3A_40 : memref<10000x128xf32, #tpu.memory_space<hbm>>) dst(%arg9 : memref<128x128xf32, #tpu.memory_space<vmem>>)
      "tpu.region"() ({
        %run_scoped3A = tpu.sem_alloc : memref<!tpu.dma_semaphore, #tpu.memory_space<semaphore_mem>>
        %dma_start3A_44 = arith.constant 0 : i32
        %dma_start3A_45 = arith.constant 0 : i32
        %dma_start3A_46 = tpu.memref_slice %arg16[%dma_start3A_44, %dma_start3A_45] : memref<10240x128xf32, #tpu.memory_space<vmem_shared>> -> memref<10240x128xf32, #tpu.memory_space<vmem_shared>>
        tpu.enqueue_indirect_dma source(%arg9 : memref<128x128xf32, #tpu.memory_space<vmem>>) target(%dma_start3A_46 : memref<10240x128xf32, #tpu.memory_space<vmem_shared>>) offsets(%arg8 : memref<128xi32, #tpu.memory_space<vmem>>) semaphore(%run_scoped3A : memref<!tpu.dma_semaphore, #tpu.memory_space<semaphore_mem>>) {add = true}
        %dma_wait3A_47 = arith.constant 0 : i32
        %dma_wait3A_48 = arith.constant 0 : i32
        %dma_wait3A_49 = tpu.memref_slice %arg16[%dma_wait3A_47, %dma_wait3A_48] : memref<10240x128xf32, #tpu.memory_space<vmem_shared>> -> memref<10240x128xf32, #tpu.memory_space<vmem_shared>>
        tpu.wait_indirect_dma semaphore(%run_scoped3A : memref<!tpu.dma_semaphore, #tpu.memory_space<semaphore_mem>>) src(%arg9 : memref<128x128xf32, #tpu.memory_space<vmem>>) dst(%dma_wait3A_49 : memref<10240x128xf32, #tpu.memory_space<vmem_shared>>)
        tpu.yield
      }) : () -> ()
      %dma_wait3A_41 = arith.constant 0 : i32
      %dma_wait3A_42 = arith.constant 0 : i32
      %dma_wait3A_43 = tpu.memref_slice %arg2[%dma_wait3A_41, %dma_wait3A_42] : memref<10000x128xf32, #tpu.memory_space<hbm>> -> memref<10000x128xf32, #tpu.memory_space<hbm>>
      tpu.wait_indirect_dma semaphore(%arg14 : memref<!tpu.dma_semaphore, #tpu.memory_space<semaphore_mem>>) src(%dma_wait3A_43 : memref<10000x128xf32, #tpu.memory_space<hbm>>) dst(%arg13 : memref<128x128xf32, #tpu.memory_space<vmem>>)
      "tpu.region"() ({
        %run_scoped3A = tpu.sem_alloc : memref<!tpu.dma_semaphore, #tpu.memory_space<semaphore_mem>>
        %dma_start3A_44 = arith.constant 0 : i32
        %dma_start3A_45 = arith.constant 0 : i32
        %dma_start3A_46 = tpu.memref_slice %arg16[%dma_start3A_44, %dma_start3A_45] : memref<10240x128xf32, #tpu.memory_space<vmem_shared>> -> memref<10240x128xf32, #tpu.memory_space<vmem_shared>>
        tpu.enqueue_indirect_dma source(%arg13 : memref<128x128xf32, #tpu.memory_space<vmem>>) target(%dma_start3A_46 : memref<10240x128xf32, #tpu.memory_space<vmem_shared>>) offsets(%arg12 : memref<128xi32, #tpu.memory_space<vmem>>) semaphore(%run_scoped3A : memref<!tpu.dma_semaphore, #tpu.memory_space<semaphore_mem>>) {add = true}
        %dma_wait3A_47 = arith.constant 0 : i32
        %dma_wait3A_48 = arith.constant 0 : i32
        %dma_wait3A_49 = tpu.memref_slice %arg16[%dma_wait3A_47, %dma_wait3A_48] : memref<10240x128xf32, #tpu.memory_space<vmem_shared>> -> memref<10240x128xf32, #tpu.memory_space<vmem_shared>>
        tpu.wait_indirect_dma semaphore(%run_scoped3A : memref<!tpu.dma_semaphore, #tpu.memory_space<semaphore_mem>>) src(%arg13 : memref<128x128xf32, #tpu.memory_space<vmem>>) dst(%dma_wait3A_49 : memref<10240x128xf32, #tpu.memory_space<vmem_shared>>)
        tpu.yield
      }) : () -> ()
    } else {
    }
    %eq3A_8 = arith.constant 1 : i32
    %eq3A_9 = arith.cmpi eq, %arg0, %eq3A_8 : i32
    %convert_element_type3A_10 = arith.extui %eq3A_9 : i1 to i32
    %cond3A_11 = arith.constant 0 : i32
    %cond3A_12 = arith.cmpi ne, %convert_element_type3A_10, %cond3A_11 : i32
    scf.if %cond3A_12 {
      %mul3A_20 = arith.constant 36 : i32
      %mul3A_21 = arith.muli %arg1, %mul3A_20 : i32
      %add3A_22 = arith.constant 1952 : i32
      %add3A_23 = arith.addi %add3A_22, %mul3A_21 : i32
      %mul3A_24 = arith.constant 128 : i32
      %mul3A_25 = arith.muli %add3A_23, %mul3A_24 : i32
      %add3A_26 = arith.constant 0 : i32
      %add3A_27 = arith.addi %mul3A_25, %add3A_26 : i32
      "tpu.region"() ({
        %run_scoped3A = tpu.sem_alloc : memref<!tpu.dma_semaphore, #tpu.memory_space<semaphore_mem>>
        %dma_start3A_46 = tpu.memref_slice %arg3[%add3A_27] : memref<323584xi32, #tpu.memory_space<hbm>> -> memref<128xi32, #tpu.memory_space<hbm>>
        %dma_start3A_47 = tpu.memref_slice %arg3[%add3A_27] : memref<323584xi32, #tpu.memory_space<hbm>> -> memref<128xi32, #tpu.memory_space<hbm>>
        tpu.enqueue_dma source(%dma_start3A_47 : memref<128xi32, #tpu.memory_space<hbm>>) target(%arg7 : memref<128xi32, #tpu.memory_space<vmem>>) target_semaphore(%run_scoped3A : memref<!tpu.dma_semaphore, #tpu.memory_space<semaphore_mem>>)
        %dma_wait3A_48 = tpu.memref_slice %arg3[%add3A_27] : memref<323584xi32, #tpu.memory_space<hbm>> -> memref<128xi32, #tpu.memory_space<hbm>>
        %dma_wait3A_49 = tpu.memref_slice %arg3[%add3A_27] : memref<323584xi32, #tpu.memory_space<hbm>> -> memref<128xi32, #tpu.memory_space<hbm>>
        tpu.wait_dma2 semaphore(%run_scoped3A : memref<!tpu.dma_semaphore, #tpu.memory_space<semaphore_mem>>) src(%dma_wait3A_49 : memref<128xi32, #tpu.memory_space<hbm>>) dst(%arg7 : memref<128xi32, #tpu.memory_space<vmem>>)
        tpu.yield
      }) : () -> ()
      "tpu.region"() ({
        %run_scoped3A = tpu.sem_alloc : memref<!tpu.dma_semaphore, #tpu.memory_space<semaphore_mem>>
        %dma_start3A_46 = tpu.memref_slice %arg4[%add3A_27] : memref<323584xi32, #tpu.memory_space<hbm>> -> memref<128xi32, #tpu.memory_space<hbm>>
        %dma_start3A_47 = tpu.memref_slice %arg4[%add3A_27] : memref<323584xi32, #tpu.memory_space<hbm>> -> memref<128xi32, #tpu.memory_space<hbm>>
        tpu.enqueue_dma source(%dma_start3A_47 : memref<128xi32, #tpu.memory_space<hbm>>) target(%arg8 : memref<128xi32, #tpu.memory_space<vmem>>) target_semaphore(%run_scoped3A : memref<!tpu.dma_semaphore, #tpu.memory_space<semaphore_mem>>)
        %dma_wait3A_48 = tpu.memref_slice %arg4[%add3A_27] : memref<323584xi32, #tpu.memory_space<hbm>> -> memref<128xi32, #tpu.memory_space<hbm>>
        %dma_wait3A_49 = tpu.memref_slice %arg4[%add3A_27] : memref<323584xi32, #tpu.memory_space<hbm>> -> memref<128xi32, #tpu.memory_space<hbm>>
        tpu.wait_dma2 semaphore(%run_scoped3A : memref<!tpu.dma_semaphore, #tpu.memory_space<semaphore_mem>>) src(%dma_wait3A_49 : memref<128xi32, #tpu.memory_space<hbm>>) dst(%arg8 : memref<128xi32, #tpu.memory_space<vmem>>)
        tpu.yield
      }) : () -> ()
      %dma_start3A = arith.constant 0 : i32
      %dma_start3A_28 = arith.constant 0 : i32
      %dma_start3A_29 = tpu.memref_slice %arg2[%dma_start3A, %dma_start3A_28] : memref<10000x128xf32, #tpu.memory_space<hbm>> -> memref<10000x128xf32, #tpu.memory_space<hbm>>
      tpu.enqueue_indirect_dma source(%dma_start3A_29 : memref<10000x128xf32, #tpu.memory_space<hbm>>) target(%arg9 : memref<128x128xf32, #tpu.memory_space<vmem>>) offsets(%arg7 : memref<128xi32, #tpu.memory_space<vmem>>) semaphore(%arg10 : memref<!tpu.dma_semaphore, #tpu.memory_space<semaphore_mem>>)
      %scan3A_30 = arith.constant 0 : i32
      %scan3A_31 = arith.constant 0 : i32
      %scan3A_32 = arith.constant 17 : i32
      %scan3A_33 = arith.addi %scan3A_31, %scan3A_32 : i32
      %scan3A_34 = arith.constant 1 : i32
      scf.for %scan3A_46 = %scan3A_31 to %scan3A_33 step %scan3A_34  : i32 {
        %mul3A_47 = arith.constant 2 : i32
        %mul3A_48 = arith.muli %mul3A_47, %scan3A_46 : i32
        %add3A_49 = arith.constant 1 : i32
        %add3A_50 = arith.addi %mul3A_48, %add3A_49 : i32
        %mul3A_51 = arith.constant 128 : i32
        %mul3A_52 = arith.muli %add3A_50, %mul3A_51 : i32
        %add3A_53 = arith.addi %mul3A_25, %mul3A_52 : i32
        "tpu.region"() ({
          %run_scoped3A = tpu.sem_alloc : memref<!tpu.dma_semaphore, #tpu.memory_space<semaphore_mem>>
          %dma_start3A_71 = tpu.memref_slice %arg3[%add3A_53] : memref<323584xi32, #tpu.memory_space<hbm>> -> memref<128xi32, #tpu.memory_space<hbm>>
          %dma_start3A_72 = tpu.memref_slice %arg3[%add3A_53] : memref<323584xi32, #tpu.memory_space<hbm>> -> memref<128xi32, #tpu.memory_space<hbm>>
          tpu.enqueue_dma source(%dma_start3A_72 : memref<128xi32, #tpu.memory_space<hbm>>) target(%arg11 : memref<128xi32, #tpu.memory_space<vmem>>) target_semaphore(%run_scoped3A : memref<!tpu.dma_semaphore, #tpu.memory_space<semaphore_mem>>)
          %dma_wait3A_73 = tpu.memref_slice %arg3[%add3A_53] : memref<323584xi32, #tpu.memory_space<hbm>> -> memref<128xi32, #tpu.memory_space<hbm>>
          %dma_wait3A_74 = tpu.memref_slice %arg3[%add3A_53] : memref<323584xi32, #tpu.memory_space<hbm>> -> memref<128xi32, #tpu.memory_space<hbm>>
          tpu.wait_dma2 semaphore(%run_scoped3A : memref<!tpu.dma_semaphore, #tpu.memory_space<semaphore_mem>>) src(%dma_wait3A_74 : memref<128xi32, #tpu.memory_space<hbm>>) dst(%arg11 : memref<128xi32, #tpu.memory_space<vmem>>)
          tpu.yield
        }) : () -> ()
        "tpu.region"() ({
          %run_scoped3A = tpu.sem_alloc : memref<!tpu.dma_semaphore, #tpu.memory_space<semaphore_mem>>
          %dma_start3A_71 = tpu.memref_slice %arg4[%add3A_53] : memref<323584xi32, #tpu.memory_space<hbm>> -> memref<128xi32, #tpu.memory_space<hbm>>
          %dma_start3A_72 = tpu.memref_slice %arg4[%add3A_53] : memref<323584xi32, #tpu.memory_space<hbm>> -> memref<128xi32, #tpu.memory_space<hbm>>
          tpu.enqueue_dma source(%dma_start3A_72 : memref<128xi32, #tpu.memory_space<hbm>>) target(%arg12 : memref<128xi32, #tpu.memory_space<vmem>>) target_semaphore(%run_scoped3A : memref<!tpu.dma_semaphore, #tpu.memory_space<semaphore_mem>>)
          %dma_wait3A_73 = tpu.memref_slice %arg4[%add3A_53] : memref<323584xi32, #tpu.memory_space<hbm>> -> memref<128xi32, #tpu.memory_space<hbm>>
          %dma_wait3A_74 = tpu.memref_slice %arg4[%add3A_53] : memref<323584xi32, #tpu.memory_space<hbm>> -> memref<128xi32, #tpu.memory_space<hbm>>
          tpu.wait_dma2 semaphore(%run_scoped3A : memref<!tpu.dma_semaphore, #tpu.memory_space<semaphore_mem>>) src(%dma_wait3A_74 : memref<128xi32, #tpu.memory_space<hbm>>) dst(%arg12 : memref<128xi32, #tpu.memory_space<vmem>>)
          tpu.yield
        }) : () -> ()
        %dma_start3A_54 = arith.constant 0 : i32
        %dma_start3A_55 = arith.constant 0 : i32
        %dma_start3A_56 = tpu.memref_slice %arg2[%dma_start3A_54, %dma_start3A_55] : memref<10000x128xf32, #tpu.memory_space<hbm>> -> memref<10000x128xf32, #tpu.memory_space<hbm>>
        tpu.enqueue_indirect_dma source(%dma_start3A_56 : memref<10000x128xf32, #tpu.memory_space<hbm>>) target(%arg13 : memref<128x128xf32, #tpu.memory_space<vmem>>) offsets(%arg11 : memref<128xi32, #tpu.memory_space<vmem>>) semaphore(%arg14 : memref<!tpu.dma_semaphore, #tpu.memory_space<semaphore_mem>>)
        %dma_wait3A_57 = arith.constant 0 : i32
        %dma_wait3A_58 = arith.constant 0 : i32
        %dma_wait3A_59 = tpu.memref_slice %arg2[%dma_wait3A_57, %dma_wait3A_58] : memref<10000x128xf32, #tpu.memory_space<hbm>> -> memref<10000x128xf32, #tpu.memory_space<hbm>>
        tpu.wait_indirect_dma semaphore(%arg10 : memref<!tpu.dma_semaphore, #tpu.memory_space<semaphore_mem>>) src(%dma_wait3A_59 : memref<10000x128xf32, #tpu.memory_space<hbm>>) dst(%arg9 : memref<128x128xf32, #tpu.memory_space<vmem>>)
        "tpu.region"() ({
          %run_scoped3A = tpu.sem_alloc : memref<!tpu.dma_semaphore, #tpu.memory_space<semaphore_mem>>
          %dma_start3A_71 = arith.constant 0 : i32
          %dma_start3A_72 = arith.constant 0 : i32
          %dma_start3A_73 = tpu.memref_slice %arg16[%dma_start3A_71, %dma_start3A_72] : memref<10240x128xf32, #tpu.memory_space<vmem_shared>> -> memref<10240x128xf32, #tpu.memory_space<vmem_shared>>
          tpu.enqueue_indirect_dma source(%arg9 : memref<128x128xf32, #tpu.memory_space<vmem>>) target(%dma_start3A_73 : memref<10240x128xf32, #tpu.memory_space<vmem_shared>>) offsets(%arg8 : memref<128xi32, #tpu.memory_space<vmem>>) semaphore(%run_scoped3A : memref<!tpu.dma_semaphore, #tpu.memory_space<semaphore_mem>>) {add = true}
          %dma_wait3A_74 = arith.constant 0 : i32
          %dma_wait3A_75 = arith.constant 0 : i32
          %dma_wait3A_76 = tpu.memref_slice %arg16[%dma_wait3A_74, %dma_wait3A_75] : memref<10240x128xf32, #tpu.memory_space<vmem_shared>> -> memref<10240x128xf32, #tpu.memory_space<vmem_shared>>
          tpu.wait_indirect_dma semaphore(%run_scoped3A : memref<!tpu.dma_semaphore, #tpu.memory_space<semaphore_mem>>) src(%arg9 : memref<128x128xf32, #tpu.memory_space<vmem>>) dst(%dma_wait3A_76 : memref<10240x128xf32, #tpu.memory_space<vmem_shared>>)
          tpu.yield
        }) : () -> ()
        %add3A_60 = arith.constant 2 : i32
        %add3A_61 = arith.addi %mul3A_48, %add3A_60 : i32
        %mul3A_62 = arith.constant 128 : i32
        %mul3A_63 = arith.muli %add3A_61, %mul3A_62 : i32
        %add3A_64 = arith.addi %mul3A_25, %mul3A_63 : i32
        "tpu.region"() ({
          %run_scoped3A = tpu.sem_alloc : memref<!tpu.dma_semaphore, #tpu.memory_space<semaphore_mem>>
          %dma_start3A_71 = tpu.memref_slice %arg3[%add3A_64] : memref<323584xi32, #tpu.memory_space<hbm>> -> memref<128xi32, #tpu.memory_space<hbm>>
          %dma_start3A_72 = tpu.memref_slice %arg3[%add3A_64] : memref<323584xi32, #tpu.memory_space<hbm>> -> memref<128xi32, #tpu.memory_space<hbm>>
          tpu.enqueue_dma source(%dma_start3A_72 : memref<128xi32, #tpu.memory_space<hbm>>) target(%arg7 : memref<128xi32, #tpu.memory_space<vmem>>) target_semaphore(%run_scoped3A : memref<!tpu.dma_semaphore, #tpu.memory_space<semaphore_mem>>)
          %dma_wait3A_73 = tpu.memref_slice %arg3[%add3A_64] : memref<323584xi32, #tpu.memory_space<hbm>> -> memref<128xi32, #tpu.memory_space<hbm>>
          %dma_wait3A_74 = tpu.memref_slice %arg3[%add3A_64] : memref<323584xi32, #tpu.memory_space<hbm>> -> memref<128xi32, #tpu.memory_space<hbm>>
          tpu.wait_dma2 semaphore(%run_scoped3A : memref<!tpu.dma_semaphore, #tpu.memory_space<semaphore_mem>>) src(%dma_wait3A_74 : memref<128xi32, #tpu.memory_space<hbm>>) dst(%arg7 : memref<128xi32, #tpu.memory_space<vmem>>)
          tpu.yield
        }) : () -> ()
        "tpu.region"() ({
          %run_scoped3A = tpu.sem_alloc : memref<!tpu.dma_semaphore, #tpu.memory_space<semaphore_mem>>
          %dma_start3A_71 = tpu.memref_slice %arg4[%add3A_64] : memref<323584xi32, #tpu.memory_space<hbm>> -> memref<128xi32, #tpu.memory_space<hbm>>
          %dma_start3A_72 = tpu.memref_slice %arg4[%add3A_64] : memref<323584xi32, #tpu.memory_space<hbm>> -> memref<128xi32, #tpu.memory_space<hbm>>
          tpu.enqueue_dma source(%dma_start3A_72 : memref<128xi32, #tpu.memory_space<hbm>>) target(%arg8 : memref<128xi32, #tpu.memory_space<vmem>>) target_semaphore(%run_scoped3A : memref<!tpu.dma_semaphore, #tpu.memory_space<semaphore_mem>>)
          %dma_wait3A_73 = tpu.memref_slice %arg4[%add3A_64] : memref<323584xi32, #tpu.memory_space<hbm>> -> memref<128xi32, #tpu.memory_space<hbm>>
          %dma_wait3A_74 = tpu.memref_slice %arg4[%add3A_64] : memref<323584xi32, #tpu.memory_space<hbm>> -> memref<128xi32, #tpu.memory_space<hbm>>
          tpu.wait_dma2 semaphore(%run_scoped3A : memref<!tpu.dma_semaphore, #tpu.memory_space<semaphore_mem>>) src(%dma_wait3A_74 : memref<128xi32, #tpu.memory_space<hbm>>) dst(%arg8 : memref<128xi32, #tpu.memory_space<vmem>>)
          tpu.yield
        }) : () -> ()
        %dma_start3A_65 = arith.constant 0 : i32
        %dma_start3A_66 = arith.constant 0 : i32
        %dma_start3A_67 = tpu.memref_slice %arg2[%dma_start3A_65, %dma_start3A_66] : memref<10000x128xf32, #tpu.memory_space<hbm>> -> memref<10000x128xf32, #tpu.memory_space<hbm>>
        tpu.enqueue_indirect_dma source(%dma_start3A_67 : memref<10000x128xf32, #tpu.memory_space<hbm>>) target(%arg9 : memref<128x128xf32, #tpu.memory_space<vmem>>) offsets(%arg7 : memref<128xi32, #tpu.memory_space<vmem>>) semaphore(%arg10 : memref<!tpu.dma_semaphore, #tpu.memory_space<semaphore_mem>>)
        %dma_wait3A_68 = arith.constant 0 : i32
        %dma_wait3A_69 = arith.constant 0 : i32
        %dma_wait3A_70 = tpu.memref_slice %arg2[%dma_wait3A_68, %dma_wait3A_69] : memref<10000x128xf32, #tpu.memory_space<hbm>> -> memref<10000x128xf32, #tpu.memory_space<hbm>>
        tpu.wait_indirect_dma semaphore(%arg14 : memref<!tpu.dma_semaphore, #tpu.memory_space<semaphore_mem>>) src(%dma_wait3A_70 : memref<10000x128xf32, #tpu.memory_space<hbm>>) dst(%arg13 : memref<128x128xf32, #tpu.memory_space<vmem>>)
        "tpu.region"() ({
          %run_scoped3A = tpu.sem_alloc : memref<!tpu.dma_semaphore, #tpu.memory_space<semaphore_mem>>
          %dma_start3A_71 = arith.constant 0 : i32
          %dma_start3A_72 = arith.constant 0 : i32
          %dma_start3A_73 = tpu.memref_slice %arg16[%dma_start3A_71, %dma_start3A_72] : memref<10240x128xf32, #tpu.memory_space<vmem_shared>> -> memref<10240x128xf32, #tpu.memory_space<vmem_shared>>
          tpu.enqueue_indirect_dma source(%arg13 : memref<128x128xf32, #tpu.memory_space<vmem>>) target(%dma_start3A_73 : memref<10240x128xf32, #tpu.memory_space<vmem_shared>>) offsets(%arg12 : memref<128xi32, #tpu.memory_space<vmem>>) semaphore(%run_scoped3A : memref<!tpu.dma_semaphore, #tpu.memory_space<semaphore_mem>>) {add = true}
          %dma_wait3A_74 = arith.constant 0 : i32
          %dma_wait3A_75 = arith.constant 0 : i32
          %dma_wait3A_76 = tpu.memref_slice %arg16[%dma_wait3A_74, %dma_wait3A_75] : memref<10240x128xf32, #tpu.memory_space<vmem_shared>> -> memref<10240x128xf32, #tpu.memory_space<vmem_shared>>
          tpu.wait_indirect_dma semaphore(%run_scoped3A : memref<!tpu.dma_semaphore, #tpu.memory_space<semaphore_mem>>) src(%arg13 : memref<128x128xf32, #tpu.memory_space<vmem>>) dst(%dma_wait3A_76 : memref<10240x128xf32, #tpu.memory_space<vmem_shared>>)
          tpu.yield
        }) : () -> ()
      }
      %scan3A_35 = arith.constant 17 : i32
      %add3A_36 = arith.constant 4480 : i32
      %add3A_37 = arith.addi %mul3A_25, %add3A_36 : i32
      "tpu.region"() ({
        %run_scoped3A = tpu.sem_alloc : memref<!tpu.dma_semaphore, #tpu.memory_space<semaphore_mem>>
        %dma_start3A_46 = tpu.memref_slice %arg3[%add3A_37] : memref<323584xi32, #tpu.memory_space<hbm>> -> memref<128xi32, #tpu.memory_space<hbm>>
        %dma_start3A_47 = tpu.memref_slice %arg3[%add3A_37] : memref<323584xi32, #tpu.memory_space<hbm>> -> memref<128xi32, #tpu.memory_space<hbm>>
        tpu.enqueue_dma source(%dma_start3A_47 : memref<128xi32, #tpu.memory_space<hbm>>) target(%arg11 : memref<128xi32, #tpu.memory_space<vmem>>) target_semaphore(%run_scoped3A : memref<!tpu.dma_semaphore, #tpu.memory_space<semaphore_mem>>)
        %dma_wait3A_48 = tpu.memref_slice %arg3[%add3A_37] : memref<323584xi32, #tpu.memory_space<hbm>> -> memref<128xi32, #tpu.memory_space<hbm>>
        %dma_wait3A_49 = tpu.memref_slice %arg3[%add3A_37] : memref<323584xi32, #tpu.memory_space<hbm>> -> memref<128xi32, #tpu.memory_space<hbm>>
        tpu.wait_dma2 semaphore(%run_scoped3A : memref<!tpu.dma_semaphore, #tpu.memory_space<semaphore_mem>>) src(%dma_wait3A_49 : memref<128xi32, #tpu.memory_space<hbm>>) dst(%arg11 : memref<128xi32, #tpu.memory_space<vmem>>)
        tpu.yield
      }) : () -> ()
      "tpu.region"() ({
        %run_scoped3A = tpu.sem_alloc : memref<!tpu.dma_semaphore, #tpu.memory_space<semaphore_mem>>
        %dma_start3A_46 = tpu.memref_slice %arg4[%add3A_37] : memref<323584xi32, #tpu.memory_space<hbm>> -> memref<128xi32, #tpu.memory_space<hbm>>
        %dma_start3A_47 = tpu.memref_slice %arg4[%add3A_37] : memref<323584xi32, #tpu.memory_space<hbm>> -> memref<128xi32, #tpu.memory_space<hbm>>
        tpu.enqueue_dma source(%dma_start3A_47 : memref<128xi32, #tpu.memory_space<hbm>>) target(%arg12 : memref<128xi32, #tpu.memory_space<vmem>>) target_semaphore(%run_scoped3A : memref<!tpu.dma_semaphore, #tpu.memory_space<semaphore_mem>>)
        %dma_wait3A_48 = tpu.memref_slice %arg4[%add3A_37] : memref<323584xi32, #tpu.memory_space<hbm>> -> memref<128xi32, #tpu.memory_space<hbm>>
        %dma_wait3A_49 = tpu.memref_slice %arg4[%add3A_37] : memref<323584xi32, #tpu.memory_space<hbm>> -> memref<128xi32, #tpu.memory_space<hbm>>
        tpu.wait_dma2 semaphore(%run_scoped3A : memref<!tpu.dma_semaphore, #tpu.memory_space<semaphore_mem>>) src(%dma_wait3A_49 : memref<128xi32, #tpu.memory_space<hbm>>) dst(%arg12 : memref<128xi32, #tpu.memory_space<vmem>>)
        tpu.yield
      }) : () -> ()
      %dma_start3A_38 = arith.constant 0 : i32
      %dma_start3A_39 = arith.constant 0 : i32
      %dma_start3A_40 = tpu.memref_slice %arg2[%dma_start3A_38, %dma_start3A_39] : memref<10000x128xf32, #tpu.memory_space<hbm>> -> memref<10000x128xf32, #tpu.memory_space<hbm>>
      tpu.enqueue_indirect_dma source(%dma_start3A_40 : memref<10000x128xf32, #tpu.memory_space<hbm>>) target(%arg13 : memref<128x128xf32, #tpu.memory_space<vmem>>) offsets(%arg11 : memref<128xi32, #tpu.memory_space<vmem>>) semaphore(%arg14 : memref<!tpu.dma_semaphore, #tpu.memory_space<semaphore_mem>>)
      %dma_wait3A = arith.constant 0 : i32
      %dma_wait3A_41 = arith.constant 0 : i32
      %dma_wait3A_42 = tpu.memref_slice %arg2[%dma_wait3A, %dma_wait3A_41] : memref<10000x128xf32, #tpu.memory_space<hbm>> -> memref<10000x128xf32, #tpu.memory_space<hbm>>
      tpu.wait_indirect_dma semaphore(%arg10 : memref<!tpu.dma_semaphore, #tpu.memory_space<semaphore_mem>>) src(%dma_wait3A_42 : memref<10000x128xf32, #tpu.memory_space<hbm>>) dst(%arg9 : memref<128x128xf32, #tpu.memory_space<vmem>>)
      "tpu.region"() ({
        %run_scoped3A = tpu.sem_alloc : memref<!tpu.dma_semaphore, #tpu.memory_space<semaphore_mem>>
        %dma_start3A_46 = arith.constant 0 : i32
        %dma_start3A_47 = arith.constant 0 : i32
        %dma_start3A_48 = tpu.memref_slice %arg16[%dma_start3A_46, %dma_start3A_47] : memref<10240x128xf32, #tpu.memory_space<vmem_shared>> -> memref<10240x128xf32, #tpu.memory_space<vmem_shared>>
        tpu.enqueue_indirect_dma source(%arg9 : memref<128x128xf32, #tpu.memory_space<vmem>>) target(%dma_start3A_48 : memref<10240x128xf32, #tpu.memory_space<vmem_shared>>) offsets(%arg8 : memref<128xi32, #tpu.memory_space<vmem>>) semaphore(%run_scoped3A : memref<!tpu.dma_semaphore, #tpu.memory_space<semaphore_mem>>) {add = true}
        %dma_wait3A_49 = arith.constant 0 : i32
        %dma_wait3A_50 = arith.constant 0 : i32
        %dma_wait3A_51 = tpu.memref_slice %arg16[%dma_wait3A_49, %dma_wait3A_50] : memref<10240x128xf32, #tpu.memory_space<vmem_shared>> -> memref<10240x128xf32, #tpu.memory_space<vmem_shared>>
        tpu.wait_indirect_dma semaphore(%run_scoped3A : memref<!tpu.dma_semaphore, #tpu.memory_space<semaphore_mem>>) src(%arg9 : memref<128x128xf32, #tpu.memory_space<vmem>>) dst(%dma_wait3A_51 : memref<10240x128xf32, #tpu.memory_space<vmem_shared>>)
        tpu.yield
      }) : () -> ()
      %dma_wait3A_43 = arith.constant 0 : i32
      %dma_wait3A_44 = arith.constant 0 : i32
      %dma_wait3A_45 = tpu.memref_slice %arg2[%dma_wait3A_43, %dma_wait3A_44] : memref<10000x128xf32, #tpu.memory_space<hbm>> -> memref<10000x128xf32, #tpu.memory_space<hbm>>
      tpu.wait_indirect_dma semaphore(%arg14 : memref<!tpu.dma_semaphore, #tpu.memory_space<semaphore_mem>>) src(%dma_wait3A_45 : memref<10000x128xf32, #tpu.memory_space<hbm>>) dst(%arg13 : memref<128x128xf32, #tpu.memory_space<vmem>>)
      "tpu.region"() ({
        %run_scoped3A = tpu.sem_alloc : memref<!tpu.dma_semaphore, #tpu.memory_space<semaphore_mem>>
        %dma_start3A_46 = arith.constant 0 : i32
        %dma_start3A_47 = arith.constant 0 : i32
        %dma_start3A_48 = tpu.memref_slice %arg16[%dma_start3A_46, %dma_start3A_47] : memref<10240x128xf32, #tpu.memory_space<vmem_shared>> -> memref<10240x128xf32, #tpu.memory_space<vmem_shared>>
        tpu.enqueue_indirect_dma source(%arg13 : memref<128x128xf32, #tpu.memory_space<vmem>>) target(%dma_start3A_48 : memref<10240x128xf32, #tpu.memory_space<vmem_shared>>) offsets(%arg12 : memref<128xi32, #tpu.memory_space<vmem>>) semaphore(%run_scoped3A : memref<!tpu.dma_semaphore, #tpu.memory_space<semaphore_mem>>) {add = true}
        %dma_wait3A_49 = arith.constant 0 : i32
        %dma_wait3A_50 = arith.constant 0 : i32
        %dma_wait3A_51 = tpu.memref_slice %arg16[%dma_wait3A_49, %dma_wait3A_50] : memref<10240x128xf32, #tpu.memory_space<vmem_shared>> -> memref<10240x128xf32, #tpu.memory_space<vmem_shared>>
        tpu.wait_indirect_dma semaphore(%run_scoped3A : memref<!tpu.dma_semaphore, #tpu.memory_space<semaphore_mem>>) src(%arg13 : memref<128x128xf32, #tpu.memory_space<vmem>>) dst(%dma_wait3A_51 : memref<10240x128xf32, #tpu.memory_space<vmem_shared>>)
        tpu.yield
      }) : () -> ()
    } else {
    }
    %barrier3A_13 = arith.constant 0 : index
    tpu.barrier barrier_id(%barrier3A_13)
    %scan3A_14 = arith.constant 0 : i32
    %scan3A_15 = arith.constant 0 : i32
    %scan3A_16 = arith.constant 10 : i32
    %scan3A_17 = arith.addi %scan3A_15, %scan3A_16 : i32
    %scan3A_18 = arith.constant 1 : i32
    scf.for %scan3A_20 = %scan3A_15 to %scan3A_17 step %scan3A_18  : i32 {
      %mul3A_21 = arith.constant 640 : i32
      %mul3A_22 = arith.muli %arg1, %mul3A_21 : i32
      %mul3A_23 = arith.constant 64 : i32
      %mul3A_24 = arith.muli %scan3A_20, %mul3A_23 : i32
      %add3A_25 = arith.addi %mul3A_22, %mul3A_24 : i32
      "tpu.region"() ({
        %run_scoped3A = tpu.sem_alloc : memref<!tpu.dma_semaphore, #tpu.memory_space<semaphore_mem>>
        %dma_start3A = arith.constant 0 : i32
        %dma_start3A_26 = tpu.memref_slice %arg16[%add3A_25, %dma_start3A] : memref<10240x128xf32, #tpu.memory_space<vmem_shared>> -> memref<64x128xf32, #tpu.memory_space<vmem_shared>>
        %dma_start3A_27 = arith.constant 0 : i32
        %dma_start3A_28 = tpu.memref_slice %arg16[%add3A_25, %dma_start3A_27] : memref<10240x128xf32, #tpu.memory_space<vmem_shared>> -> memref<64x128xf32, #tpu.memory_space<vmem_shared>>
        tpu.enqueue_dma source(%dma_start3A_28 : memref<64x128xf32, #tpu.memory_space<vmem_shared>>) target(%arg15 : memref<64x128xf32, #tpu.memory_space<vmem>>) target_semaphore(%run_scoped3A : memref<!tpu.dma_semaphore, #tpu.memory_space<semaphore_mem>>)
        %dma_wait3A = arith.constant 0 : i32
        %dma_wait3A_29 = tpu.memref_slice %arg16[%add3A_25, %dma_wait3A] : memref<10240x128xf32, #tpu.memory_space<vmem_shared>> -> memref<64x128xf32, #tpu.memory_space<vmem_shared>>
        %dma_wait3A_30 = arith.constant 0 : i32
        %dma_wait3A_31 = tpu.memref_slice %arg16[%add3A_25, %dma_wait3A_30] : memref<10240x128xf32, #tpu.memory_space<vmem_shared>> -> memref<64x128xf32, #tpu.memory_space<vmem_shared>>
        tpu.wait_dma2 semaphore(%run_scoped3A : memref<!tpu.dma_semaphore, #tpu.memory_space<semaphore_mem>>) src(%dma_wait3A_31 : memref<64x128xf32, #tpu.memory_space<vmem_shared>>) dst(%arg15 : memref<64x128xf32, #tpu.memory_space<vmem>>)
        tpu.yield
      }) : () -> ()
      "tpu.region"() ({
        %run_scoped3A = tpu.sem_alloc : memref<!tpu.dma_semaphore, #tpu.memory_space<semaphore_mem>>
        %dma_start3A = arith.constant 0 : i32
        %dma_start3A_26 = tpu.memref_slice %arg6[%arg0, %add3A_25, %dma_start3A] : memref<2x10240x128xf32, #tpu.memory_space<hbm>> -> memref<1x64x128xf32, #tpu.memory_space<hbm>>
        %dma_start3A_27 = tpu.memref_squeeze %dma_start3A_26 : memref<1x64x128xf32, #tpu.memory_space<hbm>> -> memref<64x128xf32, #tpu.memory_space<hbm>>
        %dma_start3A_28 = arith.constant 0 : i32
        %dma_start3A_29 = tpu.memref_slice %arg6[%arg0, %add3A_25, %dma_start3A_28] : memref<2x10240x128xf32, #tpu.memory_space<hbm>> -> memref<1x64x128xf32, #tpu.memory_space<hbm>>
        %dma_start3A_30 = tpu.memref_squeeze %dma_start3A_29 : memref<1x64x128xf32, #tpu.memory_space<hbm>> -> memref<64x128xf32, #tpu.memory_space<hbm>>
        tpu.enqueue_dma source(%arg15 : memref<64x128xf32, #tpu.memory_space<vmem>>) target(%dma_start3A_30 : memref<64x128xf32, #tpu.memory_space<hbm>>) target_semaphore(%run_scoped3A : memref<!tpu.dma_semaphore, #tpu.memory_space<semaphore_mem>>)
        %dma_wait3A = arith.constant 0 : i32
        %dma_wait3A_31 = tpu.memref_slice %arg6[%arg0, %add3A_25, %dma_wait3A] : memref<2x10240x128xf32, #tpu.memory_space<hbm>> -> memref<1x64x128xf32, #tpu.memory_space<hbm>>
        %dma_wait3A_32 = tpu.memref_squeeze %dma_wait3A_31 : memref<1x64x128xf32, #tpu.memory_space<hbm>> -> memref<64x128xf32, #tpu.memory_space<hbm>>
        %dma_wait3A_33 = arith.constant 0 : i32
        %dma_wait3A_34 = tpu.memref_slice %arg6[%arg0, %add3A_25, %dma_wait3A_33] : memref<2x10240x128xf32, #tpu.memory_space<hbm>> -> memref<1x64x128xf32, #tpu.memory_space<hbm>>
        %dma_wait3A_35 = tpu.memref_squeeze %dma_wait3A_34 : memref<1x64x128xf32, #tpu.memory_space<hbm>> -> memref<64x128xf32, #tpu.memory_space<hbm>>
        tpu.wait_dma2 semaphore(%run_scoped3A : memref<!tpu.dma_semaphore, #tpu.memory_space<semaphore_mem>>) src(%arg15 : memref<64x128xf32, #tpu.memory_space<vmem>>) dst(%dma_wait3A_35 : memref<64x128xf32, #tpu.memory_space<hbm>>)
        tpu.yield
      }) : () -> ()
    }
    %scan3A_19 = arith.constant 10 : i32
    return
  }
}

#map = affine_map<(d0, d1) -> (0)>
#map1 = affine_map<(d0, d1) -> (0, 0)>
#map2 = affine_map<(d0, d1) -> (0, 0, 0)>
module attributes {stable_mosaic.version = 14 : i64} {
  func.func @body(%arg0: i32, %arg1: i32, %arg2: memref<323584xi32, #tpu.memory_space<hbm>>, %arg3: memref<323584xi32, #tpu.memory_space<hbm>>, %arg4: memref<64x128xf32, #tpu.memory_space<hbm>>, %arg5: memref<128x128xf32, #tpu.memory_space<hbm>>, %arg6: memref<2x10240x128xf32, #tpu.memory_space<hbm>>, %arg7: memref<2x10240x128xf32, #tpu.memory_space<hbm>>, %arg8: memref<128xi32, #tpu.memory_space<vmem>>, %arg9: memref<!tpu.dma_semaphore, #tpu.memory_space<semaphore_mem>>, %arg10: memref<128xi32, #tpu.memory_space<vmem>>, %arg11: memref<!tpu.dma_semaphore, #tpu.memory_space<semaphore_mem>>, %arg12: memref<128x128xf32, #tpu.memory_space<vmem>>, %arg13: memref<64x128xf32, #tpu.memory_space<vmem>>, %arg14: memref<10240x128xf32, #tpu.memory_space<vmem_shared>>) attributes {dimension_semantics = [#tpu.dimension_semantics<core_parallel>, #tpu.dimension_semantics<subcore_parallel>], iteration_bounds = array<i64: 2, 16>, scalar_prefetch = 0 : i64, scratch_operands = 7 : i64, tpu.core_type = #tpu.core_type<sc_vector_subcore>, window_params = [{transform_indices = #map}, {transform_indices = #map}, {transform_indices = #map1}, {transform_indices = #map1}, {transform_indices = #map2}, {transform_indices = #map2}]} {
    %mul3A = arith.constant 2 : i32
    %mul3A_0 = arith.muli %arg1, %mul3A : i32
    %add3A = arith.addi %mul3A_0, %arg0 : i32
    %mul3A_1 = arith.constant 10112 : i32
    %mul3A_2 = arith.muli %add3A, %mul3A_1 : i32
    "tpu.region"() ({
      %run_scoped3A = tpu.sem_alloc : memref<!tpu.dma_semaphore, #tpu.memory_space<semaphore_mem>>
      tpu.enqueue_dma source(%arg5 : memref<128x128xf32, #tpu.memory_space<hbm>>) target(%arg12 : memref<128x128xf32, #tpu.memory_space<vmem>>) target_semaphore(%run_scoped3A : memref<!tpu.dma_semaphore, #tpu.memory_space<semaphore_mem>>)
      tpu.wait_dma2 semaphore(%run_scoped3A : memref<!tpu.dma_semaphore, #tpu.memory_space<semaphore_mem>>) src(%arg5 : memref<128x128xf32, #tpu.memory_space<hbm>>) dst(%arg12 : memref<128x128xf32, #tpu.memory_space<vmem>>)
      tpu.yield
    }) : () -> ()
    "tpu.region"() ({
      %run_scoped3A = tpu.sem_alloc : memref<!tpu.dma_semaphore, #tpu.memory_space<semaphore_mem>>
      tpu.enqueue_dma source(%arg4 : memref<64x128xf32, #tpu.memory_space<hbm>>) target(%arg13 : memref<64x128xf32, #tpu.memory_space<vmem>>) target_semaphore(%run_scoped3A : memref<!tpu.dma_semaphore, #tpu.memory_space<semaphore_mem>>)
      tpu.wait_dma2 semaphore(%run_scoped3A : memref<!tpu.dma_semaphore, #tpu.memory_space<semaphore_mem>>) src(%arg4 : memref<64x128xf32, #tpu.memory_space<hbm>>) dst(%arg13 : memref<64x128xf32, #tpu.memory_space<vmem>>)
      tpu.yield
    }) : () -> ()
    %scan3A = arith.constant 0 : i32
    %scan3A_3 = arith.constant 0 : i32
    %scan3A_4 = arith.constant 10 : i32
    %scan3A_5 = arith.addi %scan3A_3, %scan3A_4 : i32
    %scan3A_6 = arith.constant 1 : i32
    scf.for %scan3A_57 = %scan3A_3 to %scan3A_5 step %scan3A_6  : i32 {
      %mul3A_58 = arith.constant 640 : i32
      %mul3A_59 = arith.muli %arg1, %mul3A_58 : i32
      %mul3A_60 = arith.constant 64 : i32
      %mul3A_61 = arith.muli %scan3A_57, %mul3A_60 : i32
      %add3A_62 = arith.addi %mul3A_59, %mul3A_61 : i32
      "tpu.region"() ({
        %run_scoped3A = tpu.sem_alloc : memref<!tpu.dma_semaphore, #tpu.memory_space<semaphore_mem>>
        %dma_start3A_63 = arith.constant 0 : i32
        %dma_start3A_64 = tpu.memref_slice %arg14[%add3A_62, %dma_start3A_63] : memref<10240x128xf32, #tpu.memory_space<vmem_shared>> -> memref<64x128xf32, #tpu.memory_space<vmem_shared>>
        %dma_start3A_65 = arith.constant 0 : i32
        %dma_start3A_66 = tpu.memref_slice %arg14[%add3A_62, %dma_start3A_65] : memref<10240x128xf32, #tpu.memory_space<vmem_shared>> -> memref<64x128xf32, #tpu.memory_space<vmem_shared>>
        tpu.enqueue_dma source(%arg13 : memref<64x128xf32, #tpu.memory_space<vmem>>) target(%dma_start3A_66 : memref<64x128xf32, #tpu.memory_space<vmem_shared>>) target_semaphore(%run_scoped3A : memref<!tpu.dma_semaphore, #tpu.memory_space<semaphore_mem>>)
        %dma_wait3A_67 = arith.constant 0 : i32
        %dma_wait3A_68 = tpu.memref_slice %arg14[%add3A_62, %dma_wait3A_67] : memref<10240x128xf32, #tpu.memory_space<vmem_shared>> -> memref<64x128xf32, #tpu.memory_space<vmem_shared>>
        %dma_wait3A_69 = arith.constant 0 : i32
        %dma_wait3A_70 = tpu.memref_slice %arg14[%add3A_62, %dma_wait3A_69] : memref<10240x128xf32, #tpu.memory_space<vmem_shared>> -> memref<64x128xf32, #tpu.memory_space<vmem_shared>>
        tpu.wait_dma2 semaphore(%run_scoped3A : memref<!tpu.dma_semaphore, #tpu.memory_space<semaphore_mem>>) src(%arg13 : memref<64x128xf32, #tpu.memory_space<vmem>>) dst(%dma_wait3A_70 : memref<64x128xf32, #tpu.memory_space<vmem_shared>>)
        tpu.yield
      }) : () -> ()
    }
    %scan3A_7 = arith.constant 10 : i32
    %barrier3A = arith.constant 0 : index
    tpu.barrier barrier_id(%barrier3A)
    %add3A_8 = arith.constant 0 : i32
    %add3A_9 = arith.addi %mul3A_2, %add3A_8 : i32
    %dma_start3A = tpu.memref_slice %arg2[%add3A_9] : memref<323584xi32, #tpu.memory_space<hbm>> -> memref<128xi32, #tpu.memory_space<hbm>>
    %dma_start3A_10 = tpu.memref_slice %arg2[%add3A_9] : memref<323584xi32, #tpu.memory_space<hbm>> -> memref<128xi32, #tpu.memory_space<hbm>>
    tpu.enqueue_dma source(%dma_start3A_10 : memref<128xi32, #tpu.memory_space<hbm>>) target(%arg8 : memref<128xi32, #tpu.memory_space<vmem>>) target_semaphore(%arg9 : memref<!tpu.dma_semaphore, #tpu.memory_space<semaphore_mem>>)
    %scan3A_11 = arith.constant 0 : i32
    %scan3A_12 = arith.constant 0 : i32
    %scan3A_13 = arith.constant 39 : i32
    %scan3A_14 = arith.addi %scan3A_12, %scan3A_13 : i32
    %scan3A_15 = arith.constant 1 : i32
    scf.for %scan3A_57 = %scan3A_12 to %scan3A_14 step %scan3A_15  : i32 {
      %mul3A_58 = arith.constant 2 : i32
      %mul3A_59 = arith.muli %mul3A_58, %scan3A_57 : i32
      %add3A_60 = arith.constant 1 : i32
      %add3A_61 = arith.addi %mul3A_59, %add3A_60 : i32
      %mul3A_62 = arith.constant 128 : i32
      %mul3A_63 = arith.muli %add3A_61, %mul3A_62 : i32
      %add3A_64 = arith.addi %mul3A_2, %mul3A_63 : i32
      %dma_start3A_65 = tpu.memref_slice %arg2[%add3A_64] : memref<323584xi32, #tpu.memory_space<hbm>> -> memref<128xi32, #tpu.memory_space<hbm>>
      %dma_start3A_66 = tpu.memref_slice %arg2[%add3A_64] : memref<323584xi32, #tpu.memory_space<hbm>> -> memref<128xi32, #tpu.memory_space<hbm>>
      tpu.enqueue_dma source(%dma_start3A_66 : memref<128xi32, #tpu.memory_space<hbm>>) target(%arg10 : memref<128xi32, #tpu.memory_space<vmem>>) target_semaphore(%arg11 : memref<!tpu.dma_semaphore, #tpu.memory_space<semaphore_mem>>)
      %mul3A_67 = arith.constant 128 : i32
      %mul3A_68 = arith.muli %mul3A_59, %mul3A_67 : i32
      %add3A_69 = arith.addi %mul3A_2, %mul3A_68 : i32
      %dma_wait3A_70 = tpu.memref_slice %arg2[%add3A_69] : memref<323584xi32, #tpu.memory_space<hbm>> -> memref<128xi32, #tpu.memory_space<hbm>>
      %dma_wait3A_71 = tpu.memref_slice %arg2[%add3A_69] : memref<323584xi32, #tpu.memory_space<hbm>> -> memref<128xi32, #tpu.memory_space<hbm>>
      tpu.wait_dma2 semaphore(%arg9 : memref<!tpu.dma_semaphore, #tpu.memory_space<semaphore_mem>>) src(%dma_wait3A_71 : memref<128xi32, #tpu.memory_space<hbm>>) dst(%arg8 : memref<128xi32, #tpu.memory_space<vmem>>)
      "tpu.region"() ({
        %run_scoped3A = tpu.sem_alloc : memref<!tpu.dma_semaphore, #tpu.memory_space<semaphore_mem>>
        %dma_start3A_86 = arith.constant 0 : i32
        %dma_start3A_87 = arith.constant 0 : i32
        %dma_start3A_88 = tpu.memref_slice %arg14[%dma_start3A_86, %dma_start3A_87] : memref<10240x128xf32, #tpu.memory_space<vmem_shared>> -> memref<10240x128xf32, #tpu.memory_space<vmem_shared>>
        tpu.enqueue_indirect_dma source(%arg12 : memref<128x128xf32, #tpu.memory_space<vmem>>) target(%dma_start3A_88 : memref<10240x128xf32, #tpu.memory_space<vmem_shared>>) offsets(%arg8 : memref<128xi32, #tpu.memory_space<vmem>>) semaphore(%run_scoped3A : memref<!tpu.dma_semaphore, #tpu.memory_space<semaphore_mem>>) {add = true}
        %dma_wait3A_89 = arith.constant 0 : i32
        %dma_wait3A_90 = arith.constant 0 : i32
        %dma_wait3A_91 = tpu.memref_slice %arg14[%dma_wait3A_89, %dma_wait3A_90] : memref<10240x128xf32, #tpu.memory_space<vmem_shared>> -> memref<10240x128xf32, #tpu.memory_space<vmem_shared>>
        tpu.wait_indirect_dma semaphore(%run_scoped3A : memref<!tpu.dma_semaphore, #tpu.memory_space<semaphore_mem>>) src(%arg12 : memref<128x128xf32, #tpu.memory_space<vmem>>) dst(%dma_wait3A_91 : memref<10240x128xf32, #tpu.memory_space<vmem_shared>>)
        tpu.yield
      }) : () -> ()
      %add3A_72 = arith.constant 2 : i32
      %add3A_73 = arith.addi %mul3A_59, %add3A_72 : i32
      %mul3A_74 = arith.constant 128 : i32
      %mul3A_75 = arith.muli %add3A_73, %mul3A_74 : i32
      %add3A_76 = arith.addi %mul3A_2, %mul3A_75 : i32
      %dma_start3A_77 = tpu.memref_slice %arg2[%add3A_76] : memref<323584xi32, #tpu.memory_space<hbm>> -> memref<128xi32, #tpu.memory_space<hbm>>
      %dma_start3A_78 = tpu.memref_slice %arg2[%add3A_76] : memref<323584xi32, #tpu.memory_space<hbm>> -> memref<128xi32, #tpu.memory_space<hbm>>
      tpu.enqueue_dma source(%dma_start3A_78 : memref<128xi32, #tpu.memory_space<hbm>>) target(%arg8 : memref<128xi32, #tpu.memory_space<vmem>>) target_semaphore(%arg9 : memref<!tpu.dma_semaphore, #tpu.memory_space<semaphore_mem>>)
      %add3A_79 = arith.constant 1 : i32
      %add3A_80 = arith.addi %mul3A_59, %add3A_79 : i32
      %mul3A_81 = arith.constant 128 : i32
      %mul3A_82 = arith.muli %add3A_80, %mul3A_81 : i32
      %add3A_83 = arith.addi %mul3A_2, %mul3A_82 : i32
      %dma_wait3A_84 = tpu.memref_slice %arg2[%add3A_83] : memref<323584xi32, #tpu.memory_space<hbm>> -> memref<128xi32, #tpu.memory_space<hbm>>
      %dma_wait3A_85 = tpu.memref_slice %arg2[%add3A_83] : memref<323584xi32, #tpu.memory_space<hbm>> -> memref<128xi32, #tpu.memory_space<hbm>>
      tpu.wait_dma2 semaphore(%arg11 : memref<!tpu.dma_semaphore, #tpu.memory_space<semaphore_mem>>) src(%dma_wait3A_85 : memref<128xi32, #tpu.memory_space<hbm>>) dst(%arg10 : memref<128xi32, #tpu.memory_space<vmem>>)
      "tpu.region"() ({
        %run_scoped3A = tpu.sem_alloc : memref<!tpu.dma_semaphore, #tpu.memory_space<semaphore_mem>>
        %dma_start3A_86 = arith.constant 0 : i32
        %dma_start3A_87 = arith.constant 0 : i32
        %dma_start3A_88 = tpu.memref_slice %arg14[%dma_start3A_86, %dma_start3A_87] : memref<10240x128xf32, #tpu.memory_space<vmem_shared>> -> memref<10240x128xf32, #tpu.memory_space<vmem_shared>>
        tpu.enqueue_indirect_dma source(%arg12 : memref<128x128xf32, #tpu.memory_space<vmem>>) target(%dma_start3A_88 : memref<10240x128xf32, #tpu.memory_space<vmem_shared>>) offsets(%arg10 : memref<128xi32, #tpu.memory_space<vmem>>) semaphore(%run_scoped3A : memref<!tpu.dma_semaphore, #tpu.memory_space<semaphore_mem>>) {add = true}
        %dma_wait3A_89 = arith.constant 0 : i32
        %dma_wait3A_90 = arith.constant 0 : i32
        %dma_wait3A_91 = tpu.memref_slice %arg14[%dma_wait3A_89, %dma_wait3A_90] : memref<10240x128xf32, #tpu.memory_space<vmem_shared>> -> memref<10240x128xf32, #tpu.memory_space<vmem_shared>>
        tpu.wait_indirect_dma semaphore(%run_scoped3A : memref<!tpu.dma_semaphore, #tpu.memory_space<semaphore_mem>>) src(%arg12 : memref<128x128xf32, #tpu.memory_space<vmem>>) dst(%dma_wait3A_91 : memref<10240x128xf32, #tpu.memory_space<vmem_shared>>)
        tpu.yield
      }) : () -> ()
    }
    %scan3A_16 = arith.constant 39 : i32
    %add3A_17 = arith.constant 9984 : i32
    %add3A_18 = arith.addi %mul3A_2, %add3A_17 : i32
    %dma_wait3A = tpu.memref_slice %arg2[%add3A_18] : memref<323584xi32, #tpu.memory_space<hbm>> -> memref<128xi32, #tpu.memory_space<hbm>>
    %dma_wait3A_19 = tpu.memref_slice %arg2[%add3A_18] : memref<323584xi32, #tpu.memory_space<hbm>> -> memref<128xi32, #tpu.memory_space<hbm>>
    tpu.wait_dma2 semaphore(%arg9 : memref<!tpu.dma_semaphore, #tpu.memory_space<semaphore_mem>>) src(%dma_wait3A_19 : memref<128xi32, #tpu.memory_space<hbm>>) dst(%arg8 : memref<128xi32, #tpu.memory_space<vmem>>)
    "tpu.region"() ({
      %run_scoped3A = tpu.sem_alloc : memref<!tpu.dma_semaphore, #tpu.memory_space<semaphore_mem>>
      %dma_start3A_57 = arith.constant 0 : i32
      %dma_start3A_58 = arith.constant 0 : i32
      %dma_start3A_59 = tpu.memref_slice %arg14[%dma_start3A_57, %dma_start3A_58] : memref<10240x128xf32, #tpu.memory_space<vmem_shared>> -> memref<10240x128xf32, #tpu.memory_space<vmem_shared>>
      tpu.enqueue_indirect_dma source(%arg12 : memref<128x128xf32, #tpu.memory_space<vmem>>) target(%dma_start3A_59 : memref<10240x128xf32, #tpu.memory_space<vmem_shared>>) offsets(%arg8 : memref<128xi32, #tpu.memory_space<vmem>>) semaphore(%run_scoped3A : memref<!tpu.dma_semaphore, #tpu.memory_space<semaphore_mem>>) {add = true}
      %dma_wait3A_60 = arith.constant 0 : i32
      %dma_wait3A_61 = arith.constant 0 : i32
      %dma_wait3A_62 = tpu.memref_slice %arg14[%dma_wait3A_60, %dma_wait3A_61] : memref<10240x128xf32, #tpu.memory_space<vmem_shared>> -> memref<10240x128xf32, #tpu.memory_space<vmem_shared>>
      tpu.wait_indirect_dma semaphore(%run_scoped3A : memref<!tpu.dma_semaphore, #tpu.memory_space<semaphore_mem>>) src(%arg12 : memref<128x128xf32, #tpu.memory_space<vmem>>) dst(%dma_wait3A_62 : memref<10240x128xf32, #tpu.memory_space<vmem_shared>>)
      tpu.yield
    }) : () -> ()
    %barrier3A_20 = arith.constant 0 : index
    tpu.barrier barrier_id(%barrier3A_20)
    %scan3A_21 = arith.constant 0 : i32
    %scan3A_22 = arith.constant 0 : i32
    %scan3A_23 = arith.constant 10 : i32
    %scan3A_24 = arith.addi %scan3A_22, %scan3A_23 : i32
    %scan3A_25 = arith.constant 1 : i32
    scf.for %scan3A_57 = %scan3A_22 to %scan3A_24 step %scan3A_25  : i32 {
      %mul3A_58 = arith.constant 640 : i32
      %mul3A_59 = arith.muli %arg1, %mul3A_58 : i32
      %mul3A_60 = arith.constant 64 : i32
      %mul3A_61 = arith.muli %scan3A_57, %mul3A_60 : i32
      %add3A_62 = arith.addi %mul3A_59, %mul3A_61 : i32
      "tpu.region"() ({
        %run_scoped3A = tpu.sem_alloc : memref<!tpu.dma_semaphore, #tpu.memory_space<semaphore_mem>>
        %dma_start3A_63 = arith.constant 0 : i32
        %dma_start3A_64 = tpu.memref_slice %arg14[%add3A_62, %dma_start3A_63] : memref<10240x128xf32, #tpu.memory_space<vmem_shared>> -> memref<64x128xf32, #tpu.memory_space<vmem_shared>>
        %dma_start3A_65 = arith.constant 0 : i32
        %dma_start3A_66 = tpu.memref_slice %arg14[%add3A_62, %dma_start3A_65] : memref<10240x128xf32, #tpu.memory_space<vmem_shared>> -> memref<64x128xf32, #tpu.memory_space<vmem_shared>>
        tpu.enqueue_dma source(%dma_start3A_66 : memref<64x128xf32, #tpu.memory_space<vmem_shared>>) target(%arg13 : memref<64x128xf32, #tpu.memory_space<vmem>>) target_semaphore(%run_scoped3A : memref<!tpu.dma_semaphore, #tpu.memory_space<semaphore_mem>>)
        %dma_wait3A_67 = arith.constant 0 : i32
        %dma_wait3A_68 = tpu.memref_slice %arg14[%add3A_62, %dma_wait3A_67] : memref<10240x128xf32, #tpu.memory_space<vmem_shared>> -> memref<64x128xf32, #tpu.memory_space<vmem_shared>>
        %dma_wait3A_69 = arith.constant 0 : i32
        %dma_wait3A_70 = tpu.memref_slice %arg14[%add3A_62, %dma_wait3A_69] : memref<10240x128xf32, #tpu.memory_space<vmem_shared>> -> memref<64x128xf32, #tpu.memory_space<vmem_shared>>
        tpu.wait_dma2 semaphore(%run_scoped3A : memref<!tpu.dma_semaphore, #tpu.memory_space<semaphore_mem>>) src(%dma_wait3A_70 : memref<64x128xf32, #tpu.memory_space<vmem_shared>>) dst(%arg13 : memref<64x128xf32, #tpu.memory_space<vmem>>)
        tpu.yield
      }) : () -> ()
      "tpu.region"() ({
        %run_scoped3A = tpu.sem_alloc : memref<!tpu.dma_semaphore, #tpu.memory_space<semaphore_mem>>
        %dma_start3A_63 = arith.constant 0 : i32
        %dma_start3A_64 = tpu.memref_slice %arg6[%arg0, %add3A_62, %dma_start3A_63] : memref<2x10240x128xf32, #tpu.memory_space<hbm>> -> memref<1x64x128xf32, #tpu.memory_space<hbm>>
        %dma_start3A_65 = tpu.memref_squeeze %dma_start3A_64 : memref<1x64x128xf32, #tpu.memory_space<hbm>> -> memref<64x128xf32, #tpu.memory_space<hbm>>
        %dma_start3A_66 = arith.constant 0 : i32
        %dma_start3A_67 = tpu.memref_slice %arg6[%arg0, %add3A_62, %dma_start3A_66] : memref<2x10240x128xf32, #tpu.memory_space<hbm>> -> memref<1x64x128xf32, #tpu.memory_space<hbm>>
        %dma_start3A_68 = tpu.memref_squeeze %dma_start3A_67 : memref<1x64x128xf32, #tpu.memory_space<hbm>> -> memref<64x128xf32, #tpu.memory_space<hbm>>
        tpu.enqueue_dma source(%arg13 : memref<64x128xf32, #tpu.memory_space<vmem>>) target(%dma_start3A_68 : memref<64x128xf32, #tpu.memory_space<hbm>>) target_semaphore(%run_scoped3A : memref<!tpu.dma_semaphore, #tpu.memory_space<semaphore_mem>>)
        %dma_wait3A_69 = arith.constant 0 : i32
        %dma_wait3A_70 = tpu.memref_slice %arg6[%arg0, %add3A_62, %dma_wait3A_69] : memref<2x10240x128xf32, #tpu.memory_space<hbm>> -> memref<1x64x128xf32, #tpu.memory_space<hbm>>
        %dma_wait3A_71 = tpu.memref_squeeze %dma_wait3A_70 : memref<1x64x128xf32, #tpu.memory_space<hbm>> -> memref<64x128xf32, #tpu.memory_space<hbm>>
        %dma_wait3A_72 = arith.constant 0 : i32
        %dma_wait3A_73 = tpu.memref_slice %arg6[%arg0, %add3A_62, %dma_wait3A_72] : memref<2x10240x128xf32, #tpu.memory_space<hbm>> -> memref<1x64x128xf32, #tpu.memory_space<hbm>>
        %dma_wait3A_74 = tpu.memref_squeeze %dma_wait3A_73 : memref<1x64x128xf32, #tpu.memory_space<hbm>> -> memref<64x128xf32, #tpu.memory_space<hbm>>
        tpu.wait_dma2 semaphore(%run_scoped3A : memref<!tpu.dma_semaphore, #tpu.memory_space<semaphore_mem>>) src(%arg13 : memref<64x128xf32, #tpu.memory_space<vmem>>) dst(%dma_wait3A_74 : memref<64x128xf32, #tpu.memory_space<hbm>>)
        tpu.yield
      }) : () -> ()
    }
    %scan3A_26 = arith.constant 10 : i32
    %barrier3A_27 = arith.constant 0 : index
    tpu.barrier barrier_id(%barrier3A_27)
    "tpu.region"() ({
      %run_scoped3A = tpu.sem_alloc : memref<!tpu.dma_semaphore, #tpu.memory_space<semaphore_mem>>
      tpu.enqueue_dma source(%arg4 : memref<64x128xf32, #tpu.memory_space<hbm>>) target(%arg13 : memref<64x128xf32, #tpu.memory_space<vmem>>) target_semaphore(%run_scoped3A : memref<!tpu.dma_semaphore, #tpu.memory_space<semaphore_mem>>)
      tpu.wait_dma2 semaphore(%run_scoped3A : memref<!tpu.dma_semaphore, #tpu.memory_space<semaphore_mem>>) src(%arg4 : memref<64x128xf32, #tpu.memory_space<hbm>>) dst(%arg13 : memref<64x128xf32, #tpu.memory_space<vmem>>)
      tpu.yield
    }) : () -> ()
    %scan3A_28 = arith.constant 0 : i32
    %scan3A_29 = arith.constant 0 : i32
    %scan3A_30 = arith.constant 10 : i32
    %scan3A_31 = arith.addi %scan3A_29, %scan3A_30 : i32
    %scan3A_32 = arith.constant 1 : i32
    scf.for %scan3A_57 = %scan3A_29 to %scan3A_31 step %scan3A_32  : i32 {
      %mul3A_58 = arith.constant 640 : i32
      %mul3A_59 = arith.muli %arg1, %mul3A_58 : i32
      %mul3A_60 = arith.constant 64 : i32
      %mul3A_61 = arith.muli %scan3A_57, %mul3A_60 : i32
      %add3A_62 = arith.addi %mul3A_59, %mul3A_61 : i32
      "tpu.region"() ({
        %run_scoped3A = tpu.sem_alloc : memref<!tpu.dma_semaphore, #tpu.memory_space<semaphore_mem>>
        %dma_start3A_63 = arith.constant 0 : i32
        %dma_start3A_64 = tpu.memref_slice %arg14[%add3A_62, %dma_start3A_63] : memref<10240x128xf32, #tpu.memory_space<vmem_shared>> -> memref<64x128xf32, #tpu.memory_space<vmem_shared>>
        %dma_start3A_65 = arith.constant 0 : i32
        %dma_start3A_66 = tpu.memref_slice %arg14[%add3A_62, %dma_start3A_65] : memref<10240x128xf32, #tpu.memory_space<vmem_shared>> -> memref<64x128xf32, #tpu.memory_space<vmem_shared>>
        tpu.enqueue_dma source(%arg13 : memref<64x128xf32, #tpu.memory_space<vmem>>) target(%dma_start3A_66 : memref<64x128xf32, #tpu.memory_space<vmem_shared>>) target_semaphore(%run_scoped3A : memref<!tpu.dma_semaphore, #tpu.memory_space<semaphore_mem>>)
        %dma_wait3A_67 = arith.constant 0 : i32
        %dma_wait3A_68 = tpu.memref_slice %arg14[%add3A_62, %dma_wait3A_67] : memref<10240x128xf32, #tpu.memory_space<vmem_shared>> -> memref<64x128xf32, #tpu.memory_space<vmem_shared>>
        %dma_wait3A_69 = arith.constant 0 : i32
        %dma_wait3A_70 = tpu.memref_slice %arg14[%add3A_62, %dma_wait3A_69] : memref<10240x128xf32, #tpu.memory_space<vmem_shared>> -> memref<64x128xf32, #tpu.memory_space<vmem_shared>>
        tpu.wait_dma2 semaphore(%run_scoped3A : memref<!tpu.dma_semaphore, #tpu.memory_space<semaphore_mem>>) src(%arg13 : memref<64x128xf32, #tpu.memory_space<vmem>>) dst(%dma_wait3A_70 : memref<64x128xf32, #tpu.memory_space<vmem_shared>>)
        tpu.yield
      }) : () -> ()
    }
    %scan3A_33 = arith.constant 10 : i32
    %barrier3A_34 = arith.constant 0 : index
    tpu.barrier barrier_id(%barrier3A_34)
    %add3A_35 = arith.constant 0 : i32
    %add3A_36 = arith.addi %mul3A_2, %add3A_35 : i32
    %dma_start3A_37 = tpu.memref_slice %arg3[%add3A_36] : memref<323584xi32, #tpu.memory_space<hbm>> -> memref<128xi32, #tpu.memory_space<hbm>>
    %dma_start3A_38 = tpu.memref_slice %arg3[%add3A_36] : memref<323584xi32, #tpu.memory_space<hbm>> -> memref<128xi32, #tpu.memory_space<hbm>>
    tpu.enqueue_dma source(%dma_start3A_38 : memref<128xi32, #tpu.memory_space<hbm>>) target(%arg8 : memref<128xi32, #tpu.memory_space<vmem>>) target_semaphore(%arg9 : memref<!tpu.dma_semaphore, #tpu.memory_space<semaphore_mem>>)
    %scan3A_39 = arith.constant 0 : i32
    %scan3A_40 = arith.constant 0 : i32
    %scan3A_41 = arith.constant 39 : i32
    %scan3A_42 = arith.addi %scan3A_40, %scan3A_41 : i32
    %scan3A_43 = arith.constant 1 : i32
    scf.for %scan3A_57 = %scan3A_40 to %scan3A_42 step %scan3A_43  : i32 {
      %mul3A_58 = arith.constant 2 : i32
      %mul3A_59 = arith.muli %mul3A_58, %scan3A_57 : i32
      %add3A_60 = arith.constant 1 : i32
      %add3A_61 = arith.addi %mul3A_59, %add3A_60 : i32
      %mul3A_62 = arith.constant 128 : i32
      %mul3A_63 = arith.muli %add3A_61, %mul3A_62 : i32
      %add3A_64 = arith.addi %mul3A_2, %mul3A_63 : i32
      %dma_start3A_65 = tpu.memref_slice %arg3[%add3A_64] : memref<323584xi32, #tpu.memory_space<hbm>> -> memref<128xi32, #tpu.memory_space<hbm>>
      %dma_start3A_66 = tpu.memref_slice %arg3[%add3A_64] : memref<323584xi32, #tpu.memory_space<hbm>> -> memref<128xi32, #tpu.memory_space<hbm>>
      tpu.enqueue_dma source(%dma_start3A_66 : memref<128xi32, #tpu.memory_space<hbm>>) target(%arg10 : memref<128xi32, #tpu.memory_space<vmem>>) target_semaphore(%arg11 : memref<!tpu.dma_semaphore, #tpu.memory_space<semaphore_mem>>)
      %mul3A_67 = arith.constant 128 : i32
      %mul3A_68 = arith.muli %mul3A_59, %mul3A_67 : i32
      %add3A_69 = arith.addi %mul3A_2, %mul3A_68 : i32
      %dma_wait3A_70 = tpu.memref_slice %arg3[%add3A_69] : memref<323584xi32, #tpu.memory_space<hbm>> -> memref<128xi32, #tpu.memory_space<hbm>>
      %dma_wait3A_71 = tpu.memref_slice %arg3[%add3A_69] : memref<323584xi32, #tpu.memory_space<hbm>> -> memref<128xi32, #tpu.memory_space<hbm>>
      tpu.wait_dma2 semaphore(%arg9 : memref<!tpu.dma_semaphore, #tpu.memory_space<semaphore_mem>>) src(%dma_wait3A_71 : memref<128xi32, #tpu.memory_space<hbm>>) dst(%arg8 : memref<128xi32, #tpu.memory_space<vmem>>)
      "tpu.region"() ({
        %run_scoped3A = tpu.sem_alloc : memref<!tpu.dma_semaphore, #tpu.memory_space<semaphore_mem>>
        %dma_start3A_86 = arith.constant 0 : i32
        %dma_start3A_87 = arith.constant 0 : i32
        %dma_start3A_88 = tpu.memref_slice %arg14[%dma_start3A_86, %dma_start3A_87] : memref<10240x128xf32, #tpu.memory_space<vmem_shared>> -> memref<10240x128xf32, #tpu.memory_space<vmem_shared>>
        tpu.enqueue_indirect_dma source(%arg12 : memref<128x128xf32, #tpu.memory_space<vmem>>) target(%dma_start3A_88 : memref<10240x128xf32, #tpu.memory_space<vmem_shared>>) offsets(%arg8 : memref<128xi32, #tpu.memory_space<vmem>>) semaphore(%run_scoped3A : memref<!tpu.dma_semaphore, #tpu.memory_space<semaphore_mem>>) {add = true}
        %dma_wait3A_89 = arith.constant 0 : i32
        %dma_wait3A_90 = arith.constant 0 : i32
        %dma_wait3A_91 = tpu.memref_slice %arg14[%dma_wait3A_89, %dma_wait3A_90] : memref<10240x128xf32, #tpu.memory_space<vmem_shared>> -> memref<10240x128xf32, #tpu.memory_space<vmem_shared>>
        tpu.wait_indirect_dma semaphore(%run_scoped3A : memref<!tpu.dma_semaphore, #tpu.memory_space<semaphore_mem>>) src(%arg12 : memref<128x128xf32, #tpu.memory_space<vmem>>) dst(%dma_wait3A_91 : memref<10240x128xf32, #tpu.memory_space<vmem_shared>>)
        tpu.yield
      }) : () -> ()
      %add3A_72 = arith.constant 2 : i32
      %add3A_73 = arith.addi %mul3A_59, %add3A_72 : i32
      %mul3A_74 = arith.constant 128 : i32
      %mul3A_75 = arith.muli %add3A_73, %mul3A_74 : i32
      %add3A_76 = arith.addi %mul3A_2, %mul3A_75 : i32
      %dma_start3A_77 = tpu.memref_slice %arg3[%add3A_76] : memref<323584xi32, #tpu.memory_space<hbm>> -> memref<128xi32, #tpu.memory_space<hbm>>
      %dma_start3A_78 = tpu.memref_slice %arg3[%add3A_76] : memref<323584xi32, #tpu.memory_space<hbm>> -> memref<128xi32, #tpu.memory_space<hbm>>
      tpu.enqueue_dma source(%dma_start3A_78 : memref<128xi32, #tpu.memory_space<hbm>>) target(%arg8 : memref<128xi32, #tpu.memory_space<vmem>>) target_semaphore(%arg9 : memref<!tpu.dma_semaphore, #tpu.memory_space<semaphore_mem>>)
      %add3A_79 = arith.constant 1 : i32
      %add3A_80 = arith.addi %mul3A_59, %add3A_79 : i32
      %mul3A_81 = arith.constant 128 : i32
      %mul3A_82 = arith.muli %add3A_80, %mul3A_81 : i32
      %add3A_83 = arith.addi %mul3A_2, %mul3A_82 : i32
      %dma_wait3A_84 = tpu.memref_slice %arg3[%add3A_83] : memref<323584xi32, #tpu.memory_space<hbm>> -> memref<128xi32, #tpu.memory_space<hbm>>
      %dma_wait3A_85 = tpu.memref_slice %arg3[%add3A_83] : memref<323584xi32, #tpu.memory_space<hbm>> -> memref<128xi32, #tpu.memory_space<hbm>>
      tpu.wait_dma2 semaphore(%arg11 : memref<!tpu.dma_semaphore, #tpu.memory_space<semaphore_mem>>) src(%dma_wait3A_85 : memref<128xi32, #tpu.memory_space<hbm>>) dst(%arg10 : memref<128xi32, #tpu.memory_space<vmem>>)
      "tpu.region"() ({
        %run_scoped3A = tpu.sem_alloc : memref<!tpu.dma_semaphore, #tpu.memory_space<semaphore_mem>>
        %dma_start3A_86 = arith.constant 0 : i32
        %dma_start3A_87 = arith.constant 0 : i32
        %dma_start3A_88 = tpu.memref_slice %arg14[%dma_start3A_86, %dma_start3A_87] : memref<10240x128xf32, #tpu.memory_space<vmem_shared>> -> memref<10240x128xf32, #tpu.memory_space<vmem_shared>>
        tpu.enqueue_indirect_dma source(%arg12 : memref<128x128xf32, #tpu.memory_space<vmem>>) target(%dma_start3A_88 : memref<10240x128xf32, #tpu.memory_space<vmem_shared>>) offsets(%arg10 : memref<128xi32, #tpu.memory_space<vmem>>) semaphore(%run_scoped3A : memref<!tpu.dma_semaphore, #tpu.memory_space<semaphore_mem>>) {add = true}
        %dma_wait3A_89 = arith.constant 0 : i32
        %dma_wait3A_90 = arith.constant 0 : i32
        %dma_wait3A_91 = tpu.memref_slice %arg14[%dma_wait3A_89, %dma_wait3A_90] : memref<10240x128xf32, #tpu.memory_space<vmem_shared>> -> memref<10240x128xf32, #tpu.memory_space<vmem_shared>>
        tpu.wait_indirect_dma semaphore(%run_scoped3A : memref<!tpu.dma_semaphore, #tpu.memory_space<semaphore_mem>>) src(%arg12 : memref<128x128xf32, #tpu.memory_space<vmem>>) dst(%dma_wait3A_91 : memref<10240x128xf32, #tpu.memory_space<vmem_shared>>)
        tpu.yield
      }) : () -> ()
    }
    %scan3A_44 = arith.constant 39 : i32
    %add3A_45 = arith.constant 9984 : i32
    %add3A_46 = arith.addi %mul3A_2, %add3A_45 : i32
    %dma_wait3A_47 = tpu.memref_slice %arg3[%add3A_46] : memref<323584xi32, #tpu.memory_space<hbm>> -> memref<128xi32, #tpu.memory_space<hbm>>
    %dma_wait3A_48 = tpu.memref_slice %arg3[%add3A_46] : memref<323584xi32, #tpu.memory_space<hbm>> -> memref<128xi32, #tpu.memory_space<hbm>>
    tpu.wait_dma2 semaphore(%arg9 : memref<!tpu.dma_semaphore, #tpu.memory_space<semaphore_mem>>) src(%dma_wait3A_48 : memref<128xi32, #tpu.memory_space<hbm>>) dst(%arg8 : memref<128xi32, #tpu.memory_space<vmem>>)
    "tpu.region"() ({
      %run_scoped3A = tpu.sem_alloc : memref<!tpu.dma_semaphore, #tpu.memory_space<semaphore_mem>>
      %dma_start3A_57 = arith.constant 0 : i32
      %dma_start3A_58 = arith.constant 0 : i32
      %dma_start3A_59 = tpu.memref_slice %arg14[%dma_start3A_57, %dma_start3A_58] : memref<10240x128xf32, #tpu.memory_space<vmem_shared>> -> memref<10240x128xf32, #tpu.memory_space<vmem_shared>>
      tpu.enqueue_indirect_dma source(%arg12 : memref<128x128xf32, #tpu.memory_space<vmem>>) target(%dma_start3A_59 : memref<10240x128xf32, #tpu.memory_space<vmem_shared>>) offsets(%arg8 : memref<128xi32, #tpu.memory_space<vmem>>) semaphore(%run_scoped3A : memref<!tpu.dma_semaphore, #tpu.memory_space<semaphore_mem>>) {add = true}
      %dma_wait3A_60 = arith.constant 0 : i32
      %dma_wait3A_61 = arith.constant 0 : i32
      %dma_wait3A_62 = tpu.memref_slice %arg14[%dma_wait3A_60, %dma_wait3A_61] : memref<10240x128xf32, #tpu.memory_space<vmem_shared>> -> memref<10240x128xf32, #tpu.memory_space<vmem_shared>>
      tpu.wait_indirect_dma semaphore(%run_scoped3A : memref<!tpu.dma_semaphore, #tpu.memory_space<semaphore_mem>>) src(%arg12 : memref<128x128xf32, #tpu.memory_space<vmem>>) dst(%dma_wait3A_62 : memref<10240x128xf32, #tpu.memory_space<vmem_shared>>)
      tpu.yield
    }) : () -> ()
    %barrier3A_49 = arith.constant 0 : index
    tpu.barrier barrier_id(%barrier3A_49)
    %scan3A_50 = arith.constant 0 : i32
    %scan3A_51 = arith.constant 0 : i32
    %scan3A_52 = arith.constant 10 : i32
    %scan3A_53 = arith.addi %scan3A_51, %scan3A_52 : i32
    %scan3A_54 = arith.constant 1 : i32
    scf.for %scan3A_57 = %scan3A_51 to %scan3A_53 step %scan3A_54  : i32 {
      %mul3A_58 = arith.constant 640 : i32
      %mul3A_59 = arith.muli %arg1, %mul3A_58 : i32
      %mul3A_60 = arith.constant 64 : i32
      %mul3A_61 = arith.muli %scan3A_57, %mul3A_60 : i32
      %add3A_62 = arith.addi %mul3A_59, %mul3A_61 : i32
      "tpu.region"() ({
        %run_scoped3A = tpu.sem_alloc : memref<!tpu.dma_semaphore, #tpu.memory_space<semaphore_mem>>
        %dma_start3A_63 = arith.constant 0 : i32
        %dma_start3A_64 = tpu.memref_slice %arg14[%add3A_62, %dma_start3A_63] : memref<10240x128xf32, #tpu.memory_space<vmem_shared>> -> memref<64x128xf32, #tpu.memory_space<vmem_shared>>
        %dma_start3A_65 = arith.constant 0 : i32
        %dma_start3A_66 = tpu.memref_slice %arg14[%add3A_62, %dma_start3A_65] : memref<10240x128xf32, #tpu.memory_space<vmem_shared>> -> memref<64x128xf32, #tpu.memory_space<vmem_shared>>
        tpu.enqueue_dma source(%dma_start3A_66 : memref<64x128xf32, #tpu.memory_space<vmem_shared>>) target(%arg13 : memref<64x128xf32, #tpu.memory_space<vmem>>) target_semaphore(%run_scoped3A : memref<!tpu.dma_semaphore, #tpu.memory_space<semaphore_mem>>)
        %dma_wait3A_67 = arith.constant 0 : i32
        %dma_wait3A_68 = tpu.memref_slice %arg14[%add3A_62, %dma_wait3A_67] : memref<10240x128xf32, #tpu.memory_space<vmem_shared>> -> memref<64x128xf32, #tpu.memory_space<vmem_shared>>
        %dma_wait3A_69 = arith.constant 0 : i32
        %dma_wait3A_70 = tpu.memref_slice %arg14[%add3A_62, %dma_wait3A_69] : memref<10240x128xf32, #tpu.memory_space<vmem_shared>> -> memref<64x128xf32, #tpu.memory_space<vmem_shared>>
        tpu.wait_dma2 semaphore(%run_scoped3A : memref<!tpu.dma_semaphore, #tpu.memory_space<semaphore_mem>>) src(%dma_wait3A_70 : memref<64x128xf32, #tpu.memory_space<vmem_shared>>) dst(%arg13 : memref<64x128xf32, #tpu.memory_space<vmem>>)
        tpu.yield
      }) : () -> ()
      "tpu.region"() ({
        %run_scoped3A = tpu.sem_alloc : memref<!tpu.dma_semaphore, #tpu.memory_space<semaphore_mem>>
        %dma_start3A_63 = arith.constant 0 : i32
        %dma_start3A_64 = tpu.memref_slice %arg7[%arg0, %add3A_62, %dma_start3A_63] : memref<2x10240x128xf32, #tpu.memory_space<hbm>> -> memref<1x64x128xf32, #tpu.memory_space<hbm>>
        %dma_start3A_65 = tpu.memref_squeeze %dma_start3A_64 : memref<1x64x128xf32, #tpu.memory_space<hbm>> -> memref<64x128xf32, #tpu.memory_space<hbm>>
        %dma_start3A_66 = arith.constant 0 : i32
        %dma_start3A_67 = tpu.memref_slice %arg7[%arg0, %add3A_62, %dma_start3A_66] : memref<2x10240x128xf32, #tpu.memory_space<hbm>> -> memref<1x64x128xf32, #tpu.memory_space<hbm>>
        %dma_start3A_68 = tpu.memref_squeeze %dma_start3A_67 : memref<1x64x128xf32, #tpu.memory_space<hbm>> -> memref<64x128xf32, #tpu.memory_space<hbm>>
        tpu.enqueue_dma source(%arg13 : memref<64x128xf32, #tpu.memory_space<vmem>>) target(%dma_start3A_68 : memref<64x128xf32, #tpu.memory_space<hbm>>) target_semaphore(%run_scoped3A : memref<!tpu.dma_semaphore, #tpu.memory_space<semaphore_mem>>)
        %dma_wait3A_69 = arith.constant 0 : i32
        %dma_wait3A_70 = tpu.memref_slice %arg7[%arg0, %add3A_62, %dma_wait3A_69] : memref<2x10240x128xf32, #tpu.memory_space<hbm>> -> memref<1x64x128xf32, #tpu.memory_space<hbm>>
        %dma_wait3A_71 = tpu.memref_squeeze %dma_wait3A_70 : memref<1x64x128xf32, #tpu.memory_space<hbm>> -> memref<64x128xf32, #tpu.memory_space<hbm>>
        %dma_wait3A_72 = arith.constant 0 : i32
        %dma_wait3A_73 = tpu.memref_slice %arg7[%arg0, %add3A_62, %dma_wait3A_72] : memref<2x10240x128xf32, #tpu.memory_space<hbm>> -> memref<1x64x128xf32, #tpu.memory_space<hbm>>
        %dma_wait3A_74 = tpu.memref_squeeze %dma_wait3A_73 : memref<1x64x128xf32, #tpu.memory_space<hbm>> -> memref<64x128xf32, #tpu.memory_space<hbm>>
        tpu.wait_dma2 semaphore(%run_scoped3A : memref<!tpu.dma_semaphore, #tpu.memory_space<semaphore_mem>>) src(%arg13 : memref<64x128xf32, #tpu.memory_space<vmem>>) dst(%dma_wait3A_74 : memref<64x128xf32, #tpu.memory_space<hbm>>)
        tpu.yield
      }) : () -> ()
    }
    %scan3A_55 = arith.constant 10 : i32
    %barrier3A_56 = arith.constant 0 : index
    tpu.barrier barrier_id(%barrier3A_56)
    return
  }
}

#map = affine_map<(d0, d1) -> (0, 0)>
#map1 = affine_map<(d0, d1) -> (0)>
#map2 = affine_map<(d0, d1) -> (0, 0, 0)>
module attributes {stable_mosaic.version = 14 : i64} {
  func.func @body(%arg0: i32, %arg1: i32, %arg2: memref<10000x128xf32, #tpu.memory_space<hbm>>, %arg3: memref<323584xi32, #tpu.memory_space<hbm>>, %arg4: memref<323584xi32, #tpu.memory_space<hbm>>, %arg5: memref<64x128xf32, #tpu.memory_space<hbm>>, %arg6: memref<2x10240x128xf32, #tpu.memory_space<hbm>>, %arg7: memref<128xi32, #tpu.memory_space<vmem>>, %arg8: memref<128xi32, #tpu.memory_space<vmem>>, %arg9: memref<128x128xf32, #tpu.memory_space<vmem>>, %arg10: memref<!tpu.dma_semaphore, #tpu.memory_space<semaphore_mem>>, %arg11: memref<128xi32, #tpu.memory_space<vmem>>, %arg12: memref<128xi32, #tpu.memory_space<vmem>>, %arg13: memref<128x128xf32, #tpu.memory_space<vmem>>, %arg14: memref<!tpu.dma_semaphore, #tpu.memory_space<semaphore_mem>>, %arg15: memref<64x128xf32, #tpu.memory_space<vmem>>, %arg16: memref<10240x128xf32, #tpu.memory_space<vmem_shared>>) attributes {dimension_semantics = [#tpu.dimension_semantics<core_parallel>, #tpu.dimension_semantics<subcore_parallel>], iteration_bounds = array<i64: 2, 16>, scalar_prefetch = 0 : i64, scratch_operands = 10 : i64, tpu.core_type = #tpu.core_type<sc_vector_subcore>, window_params = [{transform_indices = #map}, {transform_indices = #map1}, {transform_indices = #map1}, {transform_indices = #map}, {transform_indices = #map2}]} {
    %mul3A = arith.constant 2 : i32
    %mul3A_0 = arith.muli %arg1, %mul3A : i32
    %add3A = arith.addi %mul3A_0, %arg0 : i32
    "tpu.region"() ({
      %run_scoped3A = tpu.sem_alloc : memref<!tpu.dma_semaphore, #tpu.memory_space<semaphore_mem>>
      tpu.enqueue_dma source(%arg5 : memref<64x128xf32, #tpu.memory_space<hbm>>) target(%arg15 : memref<64x128xf32, #tpu.memory_space<vmem>>) target_semaphore(%run_scoped3A : memref<!tpu.dma_semaphore, #tpu.memory_space<semaphore_mem>>)
      tpu.wait_dma2 semaphore(%run_scoped3A : memref<!tpu.dma_semaphore, #tpu.memory_space<semaphore_mem>>) src(%arg5 : memref<64x128xf32, #tpu.memory_space<hbm>>) dst(%arg15 : memref<64x128xf32, #tpu.memory_space<vmem>>)
      tpu.yield
    }) : () -> ()
    %scan3A = arith.constant 0 : i32
    %scan3A_1 = arith.constant 0 : i32
    %scan3A_2 = arith.constant 10 : i32
    %scan3A_3 = arith.addi %scan3A_1, %scan3A_2 : i32
    %scan3A_4 = arith.constant 1 : i32
    scf.for %scan3A_20 = %scan3A_1 to %scan3A_3 step %scan3A_4  : i32 {
      %mul3A_21 = arith.constant 640 : i32
      %mul3A_22 = arith.muli %arg1, %mul3A_21 : i32
      %mul3A_23 = arith.constant 64 : i32
      %mul3A_24 = arith.muli %scan3A_20, %mul3A_23 : i32
      %add3A_25 = arith.addi %mul3A_22, %mul3A_24 : i32
      "tpu.region"() ({
        %run_scoped3A = tpu.sem_alloc : memref<!tpu.dma_semaphore, #tpu.memory_space<semaphore_mem>>
        %dma_start3A = arith.constant 0 : i32
        %dma_start3A_26 = tpu.memref_slice %arg16[%add3A_25, %dma_start3A] : memref<10240x128xf32, #tpu.memory_space<vmem_shared>> -> memref<64x128xf32, #tpu.memory_space<vmem_shared>>
        %dma_start3A_27 = arith.constant 0 : i32
        %dma_start3A_28 = tpu.memref_slice %arg16[%add3A_25, %dma_start3A_27] : memref<10240x128xf32, #tpu.memory_space<vmem_shared>> -> memref<64x128xf32, #tpu.memory_space<vmem_shared>>
        tpu.enqueue_dma source(%arg15 : memref<64x128xf32, #tpu.memory_space<vmem>>) target(%dma_start3A_28 : memref<64x128xf32, #tpu.memory_space<vmem_shared>>) target_semaphore(%run_scoped3A : memref<!tpu.dma_semaphore, #tpu.memory_space<semaphore_mem>>)
        %dma_wait3A = arith.constant 0 : i32
        %dma_wait3A_29 = tpu.memref_slice %arg16[%add3A_25, %dma_wait3A] : memref<10240x128xf32, #tpu.memory_space<vmem_shared>> -> memref<64x128xf32, #tpu.memory_space<vmem_shared>>
        %dma_wait3A_30 = arith.constant 0 : i32
        %dma_wait3A_31 = tpu.memref_slice %arg16[%add3A_25, %dma_wait3A_30] : memref<10240x128xf32, #tpu.memory_space<vmem_shared>> -> memref<64x128xf32, #tpu.memory_space<vmem_shared>>
        tpu.wait_dma2 semaphore(%run_scoped3A : memref<!tpu.dma_semaphore, #tpu.memory_space<semaphore_mem>>) src(%arg15 : memref<64x128xf32, #tpu.memory_space<vmem>>) dst(%dma_wait3A_31 : memref<64x128xf32, #tpu.memory_space<vmem_shared>>)
        tpu.yield
      }) : () -> ()
    }
    %scan3A_5 = arith.constant 10 : i32
    %barrier3A = arith.constant 0 : index
    tpu.barrier barrier_id(%barrier3A)
    %eq3A = arith.constant 0 : i32
    %eq3A_6 = arith.cmpi eq, %arg0, %eq3A : i32
    %convert_element_type3A = arith.extui %eq3A_6 : i1 to i32
    %cond3A = arith.constant 0 : i32
    %cond3A_7 = arith.cmpi ne, %convert_element_type3A, %cond3A : i32
    scf.if %cond3A_7 {
      %mul3A_20 = arith.constant 122 : i32
      %mul3A_21 = arith.muli %arg1, %mul3A_20 : i32
      %mul3A_22 = arith.constant 128 : i32
      %mul3A_23 = arith.muli %mul3A_21, %mul3A_22 : i32
      %add3A_24 = arith.constant 0 : i32
      %add3A_25 = arith.addi %mul3A_23, %add3A_24 : i32
      "tpu.region"() ({
        %run_scoped3A = tpu.sem_alloc : memref<!tpu.dma_semaphore, #tpu.memory_space<semaphore_mem>>
        %dma_start3A_44 = tpu.memref_slice %arg3[%add3A_25] : memref<323584xi32, #tpu.memory_space<hbm>> -> memref<128xi32, #tpu.memory_space<hbm>>
        %dma_start3A_45 = tpu.memref_slice %arg3[%add3A_25] : memref<323584xi32, #tpu.memory_space<hbm>> -> memref<128xi32, #tpu.memory_space<hbm>>
        tpu.enqueue_dma source(%dma_start3A_45 : memref<128xi32, #tpu.memory_space<hbm>>) target(%arg7 : memref<128xi32, #tpu.memory_space<vmem>>) target_semaphore(%run_scoped3A : memref<!tpu.dma_semaphore, #tpu.memory_space<semaphore_mem>>)
        %dma_wait3A_46 = tpu.memref_slice %arg3[%add3A_25] : memref<323584xi32, #tpu.memory_space<hbm>> -> memref<128xi32, #tpu.memory_space<hbm>>
        %dma_wait3A_47 = tpu.memref_slice %arg3[%add3A_25] : memref<323584xi32, #tpu.memory_space<hbm>> -> memref<128xi32, #tpu.memory_space<hbm>>
        tpu.wait_dma2 semaphore(%run_scoped3A : memref<!tpu.dma_semaphore, #tpu.memory_space<semaphore_mem>>) src(%dma_wait3A_47 : memref<128xi32, #tpu.memory_space<hbm>>) dst(%arg7 : memref<128xi32, #tpu.memory_space<vmem>>)
        tpu.yield
      }) : () -> ()
      "tpu.region"() ({
        %run_scoped3A = tpu.sem_alloc : memref<!tpu.dma_semaphore, #tpu.memory_space<semaphore_mem>>
        %dma_start3A_44 = tpu.memref_slice %arg4[%add3A_25] : memref<323584xi32, #tpu.memory_space<hbm>> -> memref<128xi32, #tpu.memory_space<hbm>>
        %dma_start3A_45 = tpu.memref_slice %arg4[%add3A_25] : memref<323584xi32, #tpu.memory_space<hbm>> -> memref<128xi32, #tpu.memory_space<hbm>>
        tpu.enqueue_dma source(%dma_start3A_45 : memref<128xi32, #tpu.memory_space<hbm>>) target(%arg8 : memref<128xi32, #tpu.memory_space<vmem>>) target_semaphore(%run_scoped3A : memref<!tpu.dma_semaphore, #tpu.memory_space<semaphore_mem>>)
        %dma_wait3A_46 = tpu.memref_slice %arg4[%add3A_25] : memref<323584xi32, #tpu.memory_space<hbm>> -> memref<128xi32, #tpu.memory_space<hbm>>
        %dma_wait3A_47 = tpu.memref_slice %arg4[%add3A_25] : memref<323584xi32, #tpu.memory_space<hbm>> -> memref<128xi32, #tpu.memory_space<hbm>>
        tpu.wait_dma2 semaphore(%run_scoped3A : memref<!tpu.dma_semaphore, #tpu.memory_space<semaphore_mem>>) src(%dma_wait3A_47 : memref<128xi32, #tpu.memory_space<hbm>>) dst(%arg8 : memref<128xi32, #tpu.memory_space<vmem>>)
        tpu.yield
      }) : () -> ()
      %dma_start3A = arith.constant 0 : i32
      %dma_start3A_26 = arith.constant 0 : i32
      %dma_start3A_27 = tpu.memref_slice %arg2[%dma_start3A, %dma_start3A_26] : memref<10000x128xf32, #tpu.memory_space<hbm>> -> memref<10000x128xf32, #tpu.memory_space<hbm>>
      tpu.enqueue_indirect_dma source(%dma_start3A_27 : memref<10000x128xf32, #tpu.memory_space<hbm>>) target(%arg9 : memref<128x128xf32, #tpu.memory_space<vmem>>) offsets(%arg7 : memref<128xi32, #tpu.memory_space<vmem>>) semaphore(%arg10 : memref<!tpu.dma_semaphore, #tpu.memory_space<semaphore_mem>>)
      %scan3A_28 = arith.constant 0 : i32
      %scan3A_29 = arith.constant 0 : i32
      %scan3A_30 = arith.constant 60 : i32
      %scan3A_31 = arith.addi %scan3A_29, %scan3A_30 : i32
      %scan3A_32 = arith.constant 1 : i32
      scf.for %scan3A_44 = %scan3A_29 to %scan3A_31 step %scan3A_32  : i32 {
        %mul3A_45 = arith.constant 2 : i32
        %mul3A_46 = arith.muli %mul3A_45, %scan3A_44 : i32
        %add3A_47 = arith.constant 1 : i32
        %add3A_48 = arith.addi %mul3A_46, %add3A_47 : i32
        %mul3A_49 = arith.constant 128 : i32
        %mul3A_50 = arith.muli %add3A_48, %mul3A_49 : i32
        %add3A_51 = arith.addi %mul3A_23, %mul3A_50 : i32
        "tpu.region"() ({
          %run_scoped3A = tpu.sem_alloc : memref<!tpu.dma_semaphore, #tpu.memory_space<semaphore_mem>>
          %dma_start3A_69 = tpu.memref_slice %arg3[%add3A_51] : memref<323584xi32, #tpu.memory_space<hbm>> -> memref<128xi32, #tpu.memory_space<hbm>>
          %dma_start3A_70 = tpu.memref_slice %arg3[%add3A_51] : memref<323584xi32, #tpu.memory_space<hbm>> -> memref<128xi32, #tpu.memory_space<hbm>>
          tpu.enqueue_dma source(%dma_start3A_70 : memref<128xi32, #tpu.memory_space<hbm>>) target(%arg11 : memref<128xi32, #tpu.memory_space<vmem>>) target_semaphore(%run_scoped3A : memref<!tpu.dma_semaphore, #tpu.memory_space<semaphore_mem>>)
          %dma_wait3A_71 = tpu.memref_slice %arg3[%add3A_51] : memref<323584xi32, #tpu.memory_space<hbm>> -> memref<128xi32, #tpu.memory_space<hbm>>
          %dma_wait3A_72 = tpu.memref_slice %arg3[%add3A_51] : memref<323584xi32, #tpu.memory_space<hbm>> -> memref<128xi32, #tpu.memory_space<hbm>>
          tpu.wait_dma2 semaphore(%run_scoped3A : memref<!tpu.dma_semaphore, #tpu.memory_space<semaphore_mem>>) src(%dma_wait3A_72 : memref<128xi32, #tpu.memory_space<hbm>>) dst(%arg11 : memref<128xi32, #tpu.memory_space<vmem>>)
          tpu.yield
        }) : () -> ()
        "tpu.region"() ({
          %run_scoped3A = tpu.sem_alloc : memref<!tpu.dma_semaphore, #tpu.memory_space<semaphore_mem>>
          %dma_start3A_69 = tpu.memref_slice %arg4[%add3A_51] : memref<323584xi32, #tpu.memory_space<hbm>> -> memref<128xi32, #tpu.memory_space<hbm>>
          %dma_start3A_70 = tpu.memref_slice %arg4[%add3A_51] : memref<323584xi32, #tpu.memory_space<hbm>> -> memref<128xi32, #tpu.memory_space<hbm>>
          tpu.enqueue_dma source(%dma_start3A_70 : memref<128xi32, #tpu.memory_space<hbm>>) target(%arg12 : memref<128xi32, #tpu.memory_space<vmem>>) target_semaphore(%run_scoped3A : memref<!tpu.dma_semaphore, #tpu.memory_space<semaphore_mem>>)
          %dma_wait3A_71 = tpu.memref_slice %arg4[%add3A_51] : memref<323584xi32, #tpu.memory_space<hbm>> -> memref<128xi32, #tpu.memory_space<hbm>>
          %dma_wait3A_72 = tpu.memref_slice %arg4[%add3A_51] : memref<323584xi32, #tpu.memory_space<hbm>> -> memref<128xi32, #tpu.memory_space<hbm>>
          tpu.wait_dma2 semaphore(%run_scoped3A : memref<!tpu.dma_semaphore, #tpu.memory_space<semaphore_mem>>) src(%dma_wait3A_72 : memref<128xi32, #tpu.memory_space<hbm>>) dst(%arg12 : memref<128xi32, #tpu.memory_space<vmem>>)
          tpu.yield
        }) : () -> ()
        %dma_start3A_52 = arith.constant 0 : i32
        %dma_start3A_53 = arith.constant 0 : i32
        %dma_start3A_54 = tpu.memref_slice %arg2[%dma_start3A_52, %dma_start3A_53] : memref<10000x128xf32, #tpu.memory_space<hbm>> -> memref<10000x128xf32, #tpu.memory_space<hbm>>
        tpu.enqueue_indirect_dma source(%dma_start3A_54 : memref<10000x128xf32, #tpu.memory_space<hbm>>) target(%arg13 : memref<128x128xf32, #tpu.memory_space<vmem>>) offsets(%arg11 : memref<128xi32, #tpu.memory_space<vmem>>) semaphore(%arg14 : memref<!tpu.dma_semaphore, #tpu.memory_space<semaphore_mem>>)
        %dma_wait3A_55 = arith.constant 0 : i32
        %dma_wait3A_56 = arith.constant 0 : i32
        %dma_wait3A_57 = tpu.memref_slice %arg2[%dma_wait3A_55, %dma_wait3A_56] : memref<10000x128xf32, #tpu.memory_space<hbm>> -> memref<10000x128xf32, #tpu.memory_space<hbm>>
        tpu.wait_indirect_dma semaphore(%arg10 : memref<!tpu.dma_semaphore, #tpu.memory_space<semaphore_mem>>) src(%dma_wait3A_57 : memref<10000x128xf32, #tpu.memory_space<hbm>>) dst(%arg9 : memref<128x128xf32, #tpu.memory_space<vmem>>)
        "tpu.region"() ({
          %run_scoped3A = tpu.sem_alloc : memref<!tpu.dma_semaphore, #tpu.memory_space<semaphore_mem>>
          %dma_start3A_69 = arith.constant 0 : i32
          %dma_start3A_70 = arith.constant 0 : i32
          %dma_start3A_71 = tpu.memref_slice %arg16[%dma_start3A_69, %dma_start3A_70] : memref<10240x128xf32, #tpu.memory_space<vmem_shared>> -> memref<10240x128xf32, #tpu.memory_space<vmem_shared>>
          tpu.enqueue_indirect_dma source(%arg9 : memref<128x128xf32, #tpu.memory_space<vmem>>) target(%dma_start3A_71 : memref<10240x128xf32, #tpu.memory_space<vmem_shared>>) offsets(%arg8 : memref<128xi32, #tpu.memory_space<vmem>>) semaphore(%run_scoped3A : memref<!tpu.dma_semaphore, #tpu.memory_space<semaphore_mem>>) {add = true}
          %dma_wait3A_72 = arith.constant 0 : i32
          %dma_wait3A_73 = arith.constant 0 : i32
          %dma_wait3A_74 = tpu.memref_slice %arg16[%dma_wait3A_72, %dma_wait3A_73] : memref<10240x128xf32, #tpu.memory_space<vmem_shared>> -> memref<10240x128xf32, #tpu.memory_space<vmem_shared>>
          tpu.wait_indirect_dma semaphore(%run_scoped3A : memref<!tpu.dma_semaphore, #tpu.memory_space<semaphore_mem>>) src(%arg9 : memref<128x128xf32, #tpu.memory_space<vmem>>) dst(%dma_wait3A_74 : memref<10240x128xf32, #tpu.memory_space<vmem_shared>>)
          tpu.yield
        }) : () -> ()
        %add3A_58 = arith.constant 2 : i32
        %add3A_59 = arith.addi %mul3A_46, %add3A_58 : i32
        %mul3A_60 = arith.constant 128 : i32
        %mul3A_61 = arith.muli %add3A_59, %mul3A_60 : i32
        %add3A_62 = arith.addi %mul3A_23, %mul3A_61 : i32
        "tpu.region"() ({
          %run_scoped3A = tpu.sem_alloc : memref<!tpu.dma_semaphore, #tpu.memory_space<semaphore_mem>>
          %dma_start3A_69 = tpu.memref_slice %arg3[%add3A_62] : memref<323584xi32, #tpu.memory_space<hbm>> -> memref<128xi32, #tpu.memory_space<hbm>>
          %dma_start3A_70 = tpu.memref_slice %arg3[%add3A_62] : memref<323584xi32, #tpu.memory_space<hbm>> -> memref<128xi32, #tpu.memory_space<hbm>>
          tpu.enqueue_dma source(%dma_start3A_70 : memref<128xi32, #tpu.memory_space<hbm>>) target(%arg7 : memref<128xi32, #tpu.memory_space<vmem>>) target_semaphore(%run_scoped3A : memref<!tpu.dma_semaphore, #tpu.memory_space<semaphore_mem>>)
          %dma_wait3A_71 = tpu.memref_slice %arg3[%add3A_62] : memref<323584xi32, #tpu.memory_space<hbm>> -> memref<128xi32, #tpu.memory_space<hbm>>
          %dma_wait3A_72 = tpu.memref_slice %arg3[%add3A_62] : memref<323584xi32, #tpu.memory_space<hbm>> -> memref<128xi32, #tpu.memory_space<hbm>>
          tpu.wait_dma2 semaphore(%run_scoped3A : memref<!tpu.dma_semaphore, #tpu.memory_space<semaphore_mem>>) src(%dma_wait3A_72 : memref<128xi32, #tpu.memory_space<hbm>>) dst(%arg7 : memref<128xi32, #tpu.memory_space<vmem>>)
          tpu.yield
        }) : () -> ()
        "tpu.region"() ({
          %run_scoped3A = tpu.sem_alloc : memref<!tpu.dma_semaphore, #tpu.memory_space<semaphore_mem>>
          %dma_start3A_69 = tpu.memref_slice %arg4[%add3A_62] : memref<323584xi32, #tpu.memory_space<hbm>> -> memref<128xi32, #tpu.memory_space<hbm>>
          %dma_start3A_70 = tpu.memref_slice %arg4[%add3A_62] : memref<323584xi32, #tpu.memory_space<hbm>> -> memref<128xi32, #tpu.memory_space<hbm>>
          tpu.enqueue_dma source(%dma_start3A_70 : memref<128xi32, #tpu.memory_space<hbm>>) target(%arg8 : memref<128xi32, #tpu.memory_space<vmem>>) target_semaphore(%run_scoped3A : memref<!tpu.dma_semaphore, #tpu.memory_space<semaphore_mem>>)
          %dma_wait3A_71 = tpu.memref_slice %arg4[%add3A_62] : memref<323584xi32, #tpu.memory_space<hbm>> -> memref<128xi32, #tpu.memory_space<hbm>>
          %dma_wait3A_72 = tpu.memref_slice %arg4[%add3A_62] : memref<323584xi32, #tpu.memory_space<hbm>> -> memref<128xi32, #tpu.memory_space<hbm>>
          tpu.wait_dma2 semaphore(%run_scoped3A : memref<!tpu.dma_semaphore, #tpu.memory_space<semaphore_mem>>) src(%dma_wait3A_72 : memref<128xi32, #tpu.memory_space<hbm>>) dst(%arg8 : memref<128xi32, #tpu.memory_space<vmem>>)
          tpu.yield
        }) : () -> ()
        %dma_start3A_63 = arith.constant 0 : i32
        %dma_start3A_64 = arith.constant 0 : i32
        %dma_start3A_65 = tpu.memref_slice %arg2[%dma_start3A_63, %dma_start3A_64] : memref<10000x128xf32, #tpu.memory_space<hbm>> -> memref<10000x128xf32, #tpu.memory_space<hbm>>
        tpu.enqueue_indirect_dma source(%dma_start3A_65 : memref<10000x128xf32, #tpu.memory_space<hbm>>) target(%arg9 : memref<128x128xf32, #tpu.memory_space<vmem>>) offsets(%arg7 : memref<128xi32, #tpu.memory_space<vmem>>) semaphore(%arg10 : memref<!tpu.dma_semaphore, #tpu.memory_space<semaphore_mem>>)
        %dma_wait3A_66 = arith.constant 0 : i32
        %dma_wait3A_67 = arith.constant 0 : i32
        %dma_wait3A_68 = tpu.memref_slice %arg2[%dma_wait3A_66, %dma_wait3A_67] : memref<10000x128xf32, #tpu.memory_space<hbm>> -> memref<10000x128xf32, #tpu.memory_space<hbm>>
        tpu.wait_indirect_dma semaphore(%arg14 : memref<!tpu.dma_semaphore, #tpu.memory_space<semaphore_mem>>) src(%dma_wait3A_68 : memref<10000x128xf32, #tpu.memory_space<hbm>>) dst(%arg13 : memref<128x128xf32, #tpu.memory_space<vmem>>)
        "tpu.region"() ({
          %run_scoped3A = tpu.sem_alloc : memref<!tpu.dma_semaphore, #tpu.memory_space<semaphore_mem>>
          %dma_start3A_69 = arith.constant 0 : i32
          %dma_start3A_70 = arith.constant 0 : i32
          %dma_start3A_71 = tpu.memref_slice %arg16[%dma_start3A_69, %dma_start3A_70] : memref<10240x128xf32, #tpu.memory_space<vmem_shared>> -> memref<10240x128xf32, #tpu.memory_space<vmem_shared>>
          tpu.enqueue_indirect_dma source(%arg13 : memref<128x128xf32, #tpu.memory_space<vmem>>) target(%dma_start3A_71 : memref<10240x128xf32, #tpu.memory_space<vmem_shared>>) offsets(%arg12 : memref<128xi32, #tpu.memory_space<vmem>>) semaphore(%run_scoped3A : memref<!tpu.dma_semaphore, #tpu.memory_space<semaphore_mem>>) {add = true}
          %dma_wait3A_72 = arith.constant 0 : i32
          %dma_wait3A_73 = arith.constant 0 : i32
          %dma_wait3A_74 = tpu.memref_slice %arg16[%dma_wait3A_72, %dma_wait3A_73] : memref<10240x128xf32, #tpu.memory_space<vmem_shared>> -> memref<10240x128xf32, #tpu.memory_space<vmem_shared>>
          tpu.wait_indirect_dma semaphore(%run_scoped3A : memref<!tpu.dma_semaphore, #tpu.memory_space<semaphore_mem>>) src(%arg13 : memref<128x128xf32, #tpu.memory_space<vmem>>) dst(%dma_wait3A_74 : memref<10240x128xf32, #tpu.memory_space<vmem_shared>>)
          tpu.yield
        }) : () -> ()
      }
      %scan3A_33 = arith.constant 60 : i32
      %add3A_34 = arith.constant 15488 : i32
      %add3A_35 = arith.addi %mul3A_23, %add3A_34 : i32
      "tpu.region"() ({
        %run_scoped3A = tpu.sem_alloc : memref<!tpu.dma_semaphore, #tpu.memory_space<semaphore_mem>>
        %dma_start3A_44 = tpu.memref_slice %arg3[%add3A_35] : memref<323584xi32, #tpu.memory_space<hbm>> -> memref<128xi32, #tpu.memory_space<hbm>>
        %dma_start3A_45 = tpu.memref_slice %arg3[%add3A_35] : memref<323584xi32, #tpu.memory_space<hbm>> -> memref<128xi32, #tpu.memory_space<hbm>>
        tpu.enqueue_dma source(%dma_start3A_45 : memref<128xi32, #tpu.memory_space<hbm>>) target(%arg11 : memref<128xi32, #tpu.memory_space<vmem>>) target_semaphore(%run_scoped3A : memref<!tpu.dma_semaphore, #tpu.memory_space<semaphore_mem>>)
        %dma_wait3A_46 = tpu.memref_slice %arg3[%add3A_35] : memref<323584xi32, #tpu.memory_space<hbm>> -> memref<128xi32, #tpu.memory_space<hbm>>
        %dma_wait3A_47 = tpu.memref_slice %arg3[%add3A_35] : memref<323584xi32, #tpu.memory_space<hbm>> -> memref<128xi32, #tpu.memory_space<hbm>>
        tpu.wait_dma2 semaphore(%run_scoped3A : memref<!tpu.dma_semaphore, #tpu.memory_space<semaphore_mem>>) src(%dma_wait3A_47 : memref<128xi32, #tpu.memory_space<hbm>>) dst(%arg11 : memref<128xi32, #tpu.memory_space<vmem>>)
        tpu.yield
      }) : () -> ()
      "tpu.region"() ({
        %run_scoped3A = tpu.sem_alloc : memref<!tpu.dma_semaphore, #tpu.memory_space<semaphore_mem>>
        %dma_start3A_44 = tpu.memref_slice %arg4[%add3A_35] : memref<323584xi32, #tpu.memory_space<hbm>> -> memref<128xi32, #tpu.memory_space<hbm>>
        %dma_start3A_45 = tpu.memref_slice %arg4[%add3A_35] : memref<323584xi32, #tpu.memory_space<hbm>> -> memref<128xi32, #tpu.memory_space<hbm>>
        tpu.enqueue_dma source(%dma_start3A_45 : memref<128xi32, #tpu.memory_space<hbm>>) target(%arg12 : memref<128xi32, #tpu.memory_space<vmem>>) target_semaphore(%run_scoped3A : memref<!tpu.dma_semaphore, #tpu.memory_space<semaphore_mem>>)
        %dma_wait3A_46 = tpu.memref_slice %arg4[%add3A_35] : memref<323584xi32, #tpu.memory_space<hbm>> -> memref<128xi32, #tpu.memory_space<hbm>>
        %dma_wait3A_47 = tpu.memref_slice %arg4[%add3A_35] : memref<323584xi32, #tpu.memory_space<hbm>> -> memref<128xi32, #tpu.memory_space<hbm>>
        tpu.wait_dma2 semaphore(%run_scoped3A : memref<!tpu.dma_semaphore, #tpu.memory_space<semaphore_mem>>) src(%dma_wait3A_47 : memref<128xi32, #tpu.memory_space<hbm>>) dst(%arg12 : memref<128xi32, #tpu.memory_space<vmem>>)
        tpu.yield
      }) : () -> ()
      %dma_start3A_36 = arith.constant 0 : i32
      %dma_start3A_37 = arith.constant 0 : i32
      %dma_start3A_38 = tpu.memref_slice %arg2[%dma_start3A_36, %dma_start3A_37] : memref<10000x128xf32, #tpu.memory_space<hbm>> -> memref<10000x128xf32, #tpu.memory_space<hbm>>
      tpu.enqueue_indirect_dma source(%dma_start3A_38 : memref<10000x128xf32, #tpu.memory_space<hbm>>) target(%arg13 : memref<128x128xf32, #tpu.memory_space<vmem>>) offsets(%arg11 : memref<128xi32, #tpu.memory_space<vmem>>) semaphore(%arg14 : memref<!tpu.dma_semaphore, #tpu.memory_space<semaphore_mem>>)
      %dma_wait3A = arith.constant 0 : i32
      %dma_wait3A_39 = arith.constant 0 : i32
      %dma_wait3A_40 = tpu.memref_slice %arg2[%dma_wait3A, %dma_wait3A_39] : memref<10000x128xf32, #tpu.memory_space<hbm>> -> memref<10000x128xf32, #tpu.memory_space<hbm>>
      tpu.wait_indirect_dma semaphore(%arg10 : memref<!tpu.dma_semaphore, #tpu.memory_space<semaphore_mem>>) src(%dma_wait3A_40 : memref<10000x128xf32, #tpu.memory_space<hbm>>) dst(%arg9 : memref<128x128xf32, #tpu.memory_space<vmem>>)
      "tpu.region"() ({
        %run_scoped3A = tpu.sem_alloc : memref<!tpu.dma_semaphore, #tpu.memory_space<semaphore_mem>>
        %dma_start3A_44 = arith.constant 0 : i32
        %dma_start3A_45 = arith.constant 0 : i32
        %dma_start3A_46 = tpu.memref_slice %arg16[%dma_start3A_44, %dma_start3A_45] : memref<10240x128xf32, #tpu.memory_space<vmem_shared>> -> memref<10240x128xf32, #tpu.memory_space<vmem_shared>>
        tpu.enqueue_indirect_dma source(%arg9 : memref<128x128xf32, #tpu.memory_space<vmem>>) target(%dma_start3A_46 : memref<10240x128xf32, #tpu.memory_space<vmem_shared>>) offsets(%arg8 : memref<128xi32, #tpu.memory_space<vmem>>) semaphore(%run_scoped3A : memref<!tpu.dma_semaphore, #tpu.memory_space<semaphore_mem>>) {add = true}
        %dma_wait3A_47 = arith.constant 0 : i32
        %dma_wait3A_48 = arith.constant 0 : i32
        %dma_wait3A_49 = tpu.memref_slice %arg16[%dma_wait3A_47, %dma_wait3A_48] : memref<10240x128xf32, #tpu.memory_space<vmem_shared>> -> memref<10240x128xf32, #tpu.memory_space<vmem_shared>>
        tpu.wait_indirect_dma semaphore(%run_scoped3A : memref<!tpu.dma_semaphore, #tpu.memory_space<semaphore_mem>>) src(%arg9 : memref<128x128xf32, #tpu.memory_space<vmem>>) dst(%dma_wait3A_49 : memref<10240x128xf32, #tpu.memory_space<vmem_shared>>)
        tpu.yield
      }) : () -> ()
      %dma_wait3A_41 = arith.constant 0 : i32
      %dma_wait3A_42 = arith.constant 0 : i32
      %dma_wait3A_43 = tpu.memref_slice %arg2[%dma_wait3A_41, %dma_wait3A_42] : memref<10000x128xf32, #tpu.memory_space<hbm>> -> memref<10000x128xf32, #tpu.memory_space<hbm>>
      tpu.wait_indirect_dma semaphore(%arg14 : memref<!tpu.dma_semaphore, #tpu.memory_space<semaphore_mem>>) src(%dma_wait3A_43 : memref<10000x128xf32, #tpu.memory_space<hbm>>) dst(%arg13 : memref<128x128xf32, #tpu.memory_space<vmem>>)
      "tpu.region"() ({
        %run_scoped3A = tpu.sem_alloc : memref<!tpu.dma_semaphore, #tpu.memory_space<semaphore_mem>>
        %dma_start3A_44 = arith.constant 0 : i32
        %dma_start3A_45 = arith.constant 0 : i32
        %dma_start3A_46 = tpu.memref_slice %arg16[%dma_start3A_44, %dma_start3A_45] : memref<10240x128xf32, #tpu.memory_space<vmem_shared>> -> memref<10240x128xf32, #tpu.memory_space<vmem_shared>>
        tpu.enqueue_indirect_dma source(%arg13 : memref<128x128xf32, #tpu.memory_space<vmem>>) target(%dma_start3A_46 : memref<10240x128xf32, #tpu.memory_space<vmem_shared>>) offsets(%arg12 : memref<128xi32, #tpu.memory_space<vmem>>) semaphore(%run_scoped3A : memref<!tpu.dma_semaphore, #tpu.memory_space<semaphore_mem>>) {add = true}
        %dma_wait3A_47 = arith.constant 0 : i32
        %dma_wait3A_48 = arith.constant 0 : i32
        %dma_wait3A_49 = tpu.memref_slice %arg16[%dma_wait3A_47, %dma_wait3A_48] : memref<10240x128xf32, #tpu.memory_space<vmem_shared>> -> memref<10240x128xf32, #tpu.memory_space<vmem_shared>>
        tpu.wait_indirect_dma semaphore(%run_scoped3A : memref<!tpu.dma_semaphore, #tpu.memory_space<semaphore_mem>>) src(%arg13 : memref<128x128xf32, #tpu.memory_space<vmem>>) dst(%dma_wait3A_49 : memref<10240x128xf32, #tpu.memory_space<vmem_shared>>)
        tpu.yield
      }) : () -> ()
    } else {
    }
    %eq3A_8 = arith.constant 1 : i32
    %eq3A_9 = arith.cmpi eq, %arg0, %eq3A_8 : i32
    %convert_element_type3A_10 = arith.extui %eq3A_9 : i1 to i32
    %cond3A_11 = arith.constant 0 : i32
    %cond3A_12 = arith.cmpi ne, %convert_element_type3A_10, %cond3A_11 : i32
    scf.if %cond3A_12 {
      %mul3A_20 = arith.constant 36 : i32
      %mul3A_21 = arith.muli %arg1, %mul3A_20 : i32
      %add3A_22 = arith.constant 1952 : i32
      %add3A_23 = arith.addi %add3A_22, %mul3A_21 : i32
      %mul3A_24 = arith.constant 128 : i32
      %mul3A_25 = arith.muli %add3A_23, %mul3A_24 : i32
      %add3A_26 = arith.constant 0 : i32
      %add3A_27 = arith.addi %mul3A_25, %add3A_26 : i32
      "tpu.region"() ({
        %run_scoped3A = tpu.sem_alloc : memref<!tpu.dma_semaphore, #tpu.memory_space<semaphore_mem>>
        %dma_start3A_46 = tpu.memref_slice %arg3[%add3A_27] : memref<323584xi32, #tpu.memory_space<hbm>> -> memref<128xi32, #tpu.memory_space<hbm>>
        %dma_start3A_47 = tpu.memref_slice %arg3[%add3A_27] : memref<323584xi32, #tpu.memory_space<hbm>> -> memref<128xi32, #tpu.memory_space<hbm>>
        tpu.enqueue_dma source(%dma_start3A_47 : memref<128xi32, #tpu.memory_space<hbm>>) target(%arg7 : memref<128xi32, #tpu.memory_space<vmem>>) target_semaphore(%run_scoped3A : memref<!tpu.dma_semaphore, #tpu.memory_space<semaphore_mem>>)
        %dma_wait3A_48 = tpu.memref_slice %arg3[%add3A_27] : memref<323584xi32, #tpu.memory_space<hbm>> -> memref<128xi32, #tpu.memory_space<hbm>>
        %dma_wait3A_49 = tpu.memref_slice %arg3[%add3A_27] : memref<323584xi32, #tpu.memory_space<hbm>> -> memref<128xi32, #tpu.memory_space<hbm>>
        tpu.wait_dma2 semaphore(%run_scoped3A : memref<!tpu.dma_semaphore, #tpu.memory_space<semaphore_mem>>) src(%dma_wait3A_49 : memref<128xi32, #tpu.memory_space<hbm>>) dst(%arg7 : memref<128xi32, #tpu.memory_space<vmem>>)
        tpu.yield
      }) : () -> ()
      "tpu.region"() ({
        %run_scoped3A = tpu.sem_alloc : memref<!tpu.dma_semaphore, #tpu.memory_space<semaphore_mem>>
        %dma_start3A_46 = tpu.memref_slice %arg4[%add3A_27] : memref<323584xi32, #tpu.memory_space<hbm>> -> memref<128xi32, #tpu.memory_space<hbm>>
        %dma_start3A_47 = tpu.memref_slice %arg4[%add3A_27] : memref<323584xi32, #tpu.memory_space<hbm>> -> memref<128xi32, #tpu.memory_space<hbm>>
        tpu.enqueue_dma source(%dma_start3A_47 : memref<128xi32, #tpu.memory_space<hbm>>) target(%arg8 : memref<128xi32, #tpu.memory_space<vmem>>) target_semaphore(%run_scoped3A : memref<!tpu.dma_semaphore, #tpu.memory_space<semaphore_mem>>)
        %dma_wait3A_48 = tpu.memref_slice %arg4[%add3A_27] : memref<323584xi32, #tpu.memory_space<hbm>> -> memref<128xi32, #tpu.memory_space<hbm>>
        %dma_wait3A_49 = tpu.memref_slice %arg4[%add3A_27] : memref<323584xi32, #tpu.memory_space<hbm>> -> memref<128xi32, #tpu.memory_space<hbm>>
        tpu.wait_dma2 semaphore(%run_scoped3A : memref<!tpu.dma_semaphore, #tpu.memory_space<semaphore_mem>>) src(%dma_wait3A_49 : memref<128xi32, #tpu.memory_space<hbm>>) dst(%arg8 : memref<128xi32, #tpu.memory_space<vmem>>)
        tpu.yield
      }) : () -> ()
      %dma_start3A = arith.constant 0 : i32
      %dma_start3A_28 = arith.constant 0 : i32
      %dma_start3A_29 = tpu.memref_slice %arg2[%dma_start3A, %dma_start3A_28] : memref<10000x128xf32, #tpu.memory_space<hbm>> -> memref<10000x128xf32, #tpu.memory_space<hbm>>
      tpu.enqueue_indirect_dma source(%dma_start3A_29 : memref<10000x128xf32, #tpu.memory_space<hbm>>) target(%arg9 : memref<128x128xf32, #tpu.memory_space<vmem>>) offsets(%arg7 : memref<128xi32, #tpu.memory_space<vmem>>) semaphore(%arg10 : memref<!tpu.dma_semaphore, #tpu.memory_space<semaphore_mem>>)
      %scan3A_30 = arith.constant 0 : i32
      %scan3A_31 = arith.constant 0 : i32
      %scan3A_32 = arith.constant 17 : i32
      %scan3A_33 = arith.addi %scan3A_31, %scan3A_32 : i32
      %scan3A_34 = arith.constant 1 : i32
      scf.for %scan3A_46 = %scan3A_31 to %scan3A_33 step %scan3A_34  : i32 {
        %mul3A_47 = arith.constant 2 : i32
        %mul3A_48 = arith.muli %mul3A_47, %scan3A_46 : i32
        %add3A_49 = arith.constant 1 : i32
        %add3A_50 = arith.addi %mul3A_48, %add3A_49 : i32
        %mul3A_51 = arith.constant 128 : i32
        %mul3A_52 = arith.muli %add3A_50, %mul3A_51 : i32
        %add3A_53 = arith.addi %mul3A_25, %mul3A_52 : i32
        "tpu.region"() ({
          %run_scoped3A = tpu.sem_alloc : memref<!tpu.dma_semaphore, #tpu.memory_space<semaphore_mem>>
          %dma_start3A_71 = tpu.memref_slice %arg3[%add3A_53] : memref<323584xi32, #tpu.memory_space<hbm>> -> memref<128xi32, #tpu.memory_space<hbm>>
          %dma_start3A_72 = tpu.memref_slice %arg3[%add3A_53] : memref<323584xi32, #tpu.memory_space<hbm>> -> memref<128xi32, #tpu.memory_space<hbm>>
          tpu.enqueue_dma source(%dma_start3A_72 : memref<128xi32, #tpu.memory_space<hbm>>) target(%arg11 : memref<128xi32, #tpu.memory_space<vmem>>) target_semaphore(%run_scoped3A : memref<!tpu.dma_semaphore, #tpu.memory_space<semaphore_mem>>)
          %dma_wait3A_73 = tpu.memref_slice %arg3[%add3A_53] : memref<323584xi32, #tpu.memory_space<hbm>> -> memref<128xi32, #tpu.memory_space<hbm>>
          %dma_wait3A_74 = tpu.memref_slice %arg3[%add3A_53] : memref<323584xi32, #tpu.memory_space<hbm>> -> memref<128xi32, #tpu.memory_space<hbm>>
          tpu.wait_dma2 semaphore(%run_scoped3A : memref<!tpu.dma_semaphore, #tpu.memory_space<semaphore_mem>>) src(%dma_wait3A_74 : memref<128xi32, #tpu.memory_space<hbm>>) dst(%arg11 : memref<128xi32, #tpu.memory_space<vmem>>)
          tpu.yield
        }) : () -> ()
        "tpu.region"() ({
          %run_scoped3A = tpu.sem_alloc : memref<!tpu.dma_semaphore, #tpu.memory_space<semaphore_mem>>
          %dma_start3A_71 = tpu.memref_slice %arg4[%add3A_53] : memref<323584xi32, #tpu.memory_space<hbm>> -> memref<128xi32, #tpu.memory_space<hbm>>
          %dma_start3A_72 = tpu.memref_slice %arg4[%add3A_53] : memref<323584xi32, #tpu.memory_space<hbm>> -> memref<128xi32, #tpu.memory_space<hbm>>
          tpu.enqueue_dma source(%dma_start3A_72 : memref<128xi32, #tpu.memory_space<hbm>>) target(%arg12 : memref<128xi32, #tpu.memory_space<vmem>>) target_semaphore(%run_scoped3A : memref<!tpu.dma_semaphore, #tpu.memory_space<semaphore_mem>>)
          %dma_wait3A_73 = tpu.memref_slice %arg4[%add3A_53] : memref<323584xi32, #tpu.memory_space<hbm>> -> memref<128xi32, #tpu.memory_space<hbm>>
          %dma_wait3A_74 = tpu.memref_slice %arg4[%add3A_53] : memref<323584xi32, #tpu.memory_space<hbm>> -> memref<128xi32, #tpu.memory_space<hbm>>
          tpu.wait_dma2 semaphore(%run_scoped3A : memref<!tpu.dma_semaphore, #tpu.memory_space<semaphore_mem>>) src(%dma_wait3A_74 : memref<128xi32, #tpu.memory_space<hbm>>) dst(%arg12 : memref<128xi32, #tpu.memory_space<vmem>>)
          tpu.yield
        }) : () -> ()
        %dma_start3A_54 = arith.constant 0 : i32
        %dma_start3A_55 = arith.constant 0 : i32
        %dma_start3A_56 = tpu.memref_slice %arg2[%dma_start3A_54, %dma_start3A_55] : memref<10000x128xf32, #tpu.memory_space<hbm>> -> memref<10000x128xf32, #tpu.memory_space<hbm>>
        tpu.enqueue_indirect_dma source(%dma_start3A_56 : memref<10000x128xf32, #tpu.memory_space<hbm>>) target(%arg13 : memref<128x128xf32, #tpu.memory_space<vmem>>) offsets(%arg11 : memref<128xi32, #tpu.memory_space<vmem>>) semaphore(%arg14 : memref<!tpu.dma_semaphore, #tpu.memory_space<semaphore_mem>>)
        %dma_wait3A_57 = arith.constant 0 : i32
        %dma_wait3A_58 = arith.constant 0 : i32
        %dma_wait3A_59 = tpu.memref_slice %arg2[%dma_wait3A_57, %dma_wait3A_58] : memref<10000x128xf32, #tpu.memory_space<hbm>> -> memref<10000x128xf32, #tpu.memory_space<hbm>>
        tpu.wait_indirect_dma semaphore(%arg10 : memref<!tpu.dma_semaphore, #tpu.memory_space<semaphore_mem>>) src(%dma_wait3A_59 : memref<10000x128xf32, #tpu.memory_space<hbm>>) dst(%arg9 : memref<128x128xf32, #tpu.memory_space<vmem>>)
        "tpu.region"() ({
          %run_scoped3A = tpu.sem_alloc : memref<!tpu.dma_semaphore, #tpu.memory_space<semaphore_mem>>
          %dma_start3A_71 = arith.constant 0 : i32
          %dma_start3A_72 = arith.constant 0 : i32
          %dma_start3A_73 = tpu.memref_slice %arg16[%dma_start3A_71, %dma_start3A_72] : memref<10240x128xf32, #tpu.memory_space<vmem_shared>> -> memref<10240x128xf32, #tpu.memory_space<vmem_shared>>
          tpu.enqueue_indirect_dma source(%arg9 : memref<128x128xf32, #tpu.memory_space<vmem>>) target(%dma_start3A_73 : memref<10240x128xf32, #tpu.memory_space<vmem_shared>>) offsets(%arg8 : memref<128xi32, #tpu.memory_space<vmem>>) semaphore(%run_scoped3A : memref<!tpu.dma_semaphore, #tpu.memory_space<semaphore_mem>>) {add = true}
          %dma_wait3A_74 = arith.constant 0 : i32
          %dma_wait3A_75 = arith.constant 0 : i32
          %dma_wait3A_76 = tpu.memref_slice %arg16[%dma_wait3A_74, %dma_wait3A_75] : memref<10240x128xf32, #tpu.memory_space<vmem_shared>> -> memref<10240x128xf32, #tpu.memory_space<vmem_shared>>
          tpu.wait_indirect_dma semaphore(%run_scoped3A : memref<!tpu.dma_semaphore, #tpu.memory_space<semaphore_mem>>) src(%arg9 : memref<128x128xf32, #tpu.memory_space<vmem>>) dst(%dma_wait3A_76 : memref<10240x128xf32, #tpu.memory_space<vmem_shared>>)
          tpu.yield
        }) : () -> ()
        %add3A_60 = arith.constant 2 : i32
        %add3A_61 = arith.addi %mul3A_48, %add3A_60 : i32
        %mul3A_62 = arith.constant 128 : i32
        %mul3A_63 = arith.muli %add3A_61, %mul3A_62 : i32
        %add3A_64 = arith.addi %mul3A_25, %mul3A_63 : i32
        "tpu.region"() ({
          %run_scoped3A = tpu.sem_alloc : memref<!tpu.dma_semaphore, #tpu.memory_space<semaphore_mem>>
          %dma_start3A_71 = tpu.memref_slice %arg3[%add3A_64] : memref<323584xi32, #tpu.memory_space<hbm>> -> memref<128xi32, #tpu.memory_space<hbm>>
          %dma_start3A_72 = tpu.memref_slice %arg3[%add3A_64] : memref<323584xi32, #tpu.memory_space<hbm>> -> memref<128xi32, #tpu.memory_space<hbm>>
          tpu.enqueue_dma source(%dma_start3A_72 : memref<128xi32, #tpu.memory_space<hbm>>) target(%arg7 : memref<128xi32, #tpu.memory_space<vmem>>) target_semaphore(%run_scoped3A : memref<!tpu.dma_semaphore, #tpu.memory_space<semaphore_mem>>)
          %dma_wait3A_73 = tpu.memref_slice %arg3[%add3A_64] : memref<323584xi32, #tpu.memory_space<hbm>> -> memref<128xi32, #tpu.memory_space<hbm>>
          %dma_wait3A_74 = tpu.memref_slice %arg3[%add3A_64] : memref<323584xi32, #tpu.memory_space<hbm>> -> memref<128xi32, #tpu.memory_space<hbm>>
          tpu.wait_dma2 semaphore(%run_scoped3A : memref<!tpu.dma_semaphore, #tpu.memory_space<semaphore_mem>>) src(%dma_wait3A_74 : memref<128xi32, #tpu.memory_space<hbm>>) dst(%arg7 : memref<128xi32, #tpu.memory_space<vmem>>)
          tpu.yield
        }) : () -> ()
        "tpu.region"() ({
          %run_scoped3A = tpu.sem_alloc : memref<!tpu.dma_semaphore, #tpu.memory_space<semaphore_mem>>
          %dma_start3A_71 = tpu.memref_slice %arg4[%add3A_64] : memref<323584xi32, #tpu.memory_space<hbm>> -> memref<128xi32, #tpu.memory_space<hbm>>
          %dma_start3A_72 = tpu.memref_slice %arg4[%add3A_64] : memref<323584xi32, #tpu.memory_space<hbm>> -> memref<128xi32, #tpu.memory_space<hbm>>
          tpu.enqueue_dma source(%dma_start3A_72 : memref<128xi32, #tpu.memory_space<hbm>>) target(%arg8 : memref<128xi32, #tpu.memory_space<vmem>>) target_semaphore(%run_scoped3A : memref<!tpu.dma_semaphore, #tpu.memory_space<semaphore_mem>>)
          %dma_wait3A_73 = tpu.memref_slice %arg4[%add3A_64] : memref<323584xi32, #tpu.memory_space<hbm>> -> memref<128xi32, #tpu.memory_space<hbm>>
          %dma_wait3A_74 = tpu.memref_slice %arg4[%add3A_64] : memref<323584xi32, #tpu.memory_space<hbm>> -> memref<128xi32, #tpu.memory_space<hbm>>
          tpu.wait_dma2 semaphore(%run_scoped3A : memref<!tpu.dma_semaphore, #tpu.memory_space<semaphore_mem>>) src(%dma_wait3A_74 : memref<128xi32, #tpu.memory_space<hbm>>) dst(%arg8 : memref<128xi32, #tpu.memory_space<vmem>>)
          tpu.yield
        }) : () -> ()
        %dma_start3A_65 = arith.constant 0 : i32
        %dma_start3A_66 = arith.constant 0 : i32
        %dma_start3A_67 = tpu.memref_slice %arg2[%dma_start3A_65, %dma_start3A_66] : memref<10000x128xf32, #tpu.memory_space<hbm>> -> memref<10000x128xf32, #tpu.memory_space<hbm>>
        tpu.enqueue_indirect_dma source(%dma_start3A_67 : memref<10000x128xf32, #tpu.memory_space<hbm>>) target(%arg9 : memref<128x128xf32, #tpu.memory_space<vmem>>) offsets(%arg7 : memref<128xi32, #tpu.memory_space<vmem>>) semaphore(%arg10 : memref<!tpu.dma_semaphore, #tpu.memory_space<semaphore_mem>>)
        %dma_wait3A_68 = arith.constant 0 : i32
        %dma_wait3A_69 = arith.constant 0 : i32
        %dma_wait3A_70 = tpu.memref_slice %arg2[%dma_wait3A_68, %dma_wait3A_69] : memref<10000x128xf32, #tpu.memory_space<hbm>> -> memref<10000x128xf32, #tpu.memory_space<hbm>>
        tpu.wait_indirect_dma semaphore(%arg14 : memref<!tpu.dma_semaphore, #tpu.memory_space<semaphore_mem>>) src(%dma_wait3A_70 : memref<10000x128xf32, #tpu.memory_space<hbm>>) dst(%arg13 : memref<128x128xf32, #tpu.memory_space<vmem>>)
        "tpu.region"() ({
          %run_scoped3A = tpu.sem_alloc : memref<!tpu.dma_semaphore, #tpu.memory_space<semaphore_mem>>
          %dma_start3A_71 = arith.constant 0 : i32
          %dma_start3A_72 = arith.constant 0 : i32
          %dma_start3A_73 = tpu.memref_slice %arg16[%dma_start3A_71, %dma_start3A_72] : memref<10240x128xf32, #tpu.memory_space<vmem_shared>> -> memref<10240x128xf32, #tpu.memory_space<vmem_shared>>
          tpu.enqueue_indirect_dma source(%arg13 : memref<128x128xf32, #tpu.memory_space<vmem>>) target(%dma_start3A_73 : memref<10240x128xf32, #tpu.memory_space<vmem_shared>>) offsets(%arg12 : memref<128xi32, #tpu.memory_space<vmem>>) semaphore(%run_scoped3A : memref<!tpu.dma_semaphore, #tpu.memory_space<semaphore_mem>>) {add = true}
          %dma_wait3A_74 = arith.constant 0 : i32
          %dma_wait3A_75 = arith.constant 0 : i32
          %dma_wait3A_76 = tpu.memref_slice %arg16[%dma_wait3A_74, %dma_wait3A_75] : memref<10240x128xf32, #tpu.memory_space<vmem_shared>> -> memref<10240x128xf32, #tpu.memory_space<vmem_shared>>
          tpu.wait_indirect_dma semaphore(%run_scoped3A : memref<!tpu.dma_semaphore, #tpu.memory_space<semaphore_mem>>) src(%arg13 : memref<128x128xf32, #tpu.memory_space<vmem>>) dst(%dma_wait3A_76 : memref<10240x128xf32, #tpu.memory_space<vmem_shared>>)
          tpu.yield
        }) : () -> ()
      }
      %scan3A_35 = arith.constant 17 : i32
      %add3A_36 = arith.constant 4480 : i32
      %add3A_37 = arith.addi %mul3A_25, %add3A_36 : i32
      "tpu.region"() ({
        %run_scoped3A = tpu.sem_alloc : memref<!tpu.dma_semaphore, #tpu.memory_space<semaphore_mem>>
        %dma_start3A_46 = tpu.memref_slice %arg3[%add3A_37] : memref<323584xi32, #tpu.memory_space<hbm>> -> memref<128xi32, #tpu.memory_space<hbm>>
        %dma_start3A_47 = tpu.memref_slice %arg3[%add3A_37] : memref<323584xi32, #tpu.memory_space<hbm>> -> memref<128xi32, #tpu.memory_space<hbm>>
        tpu.enqueue_dma source(%dma_start3A_47 : memref<128xi32, #tpu.memory_space<hbm>>) target(%arg11 : memref<128xi32, #tpu.memory_space<vmem>>) target_semaphore(%run_scoped3A : memref<!tpu.dma_semaphore, #tpu.memory_space<semaphore_mem>>)
        %dma_wait3A_48 = tpu.memref_slice %arg3[%add3A_37] : memref<323584xi32, #tpu.memory_space<hbm>> -> memref<128xi32, #tpu.memory_space<hbm>>
        %dma_wait3A_49 = tpu.memref_slice %arg3[%add3A_37] : memref<323584xi32, #tpu.memory_space<hbm>> -> memref<128xi32, #tpu.memory_space<hbm>>
        tpu.wait_dma2 semaphore(%run_scoped3A : memref<!tpu.dma_semaphore, #tpu.memory_space<semaphore_mem>>) src(%dma_wait3A_49 : memref<128xi32, #tpu.memory_space<hbm>>) dst(%arg11 : memref<128xi32, #tpu.memory_space<vmem>>)
        tpu.yield
      }) : () -> ()
      "tpu.region"() ({
        %run_scoped3A = tpu.sem_alloc : memref<!tpu.dma_semaphore, #tpu.memory_space<semaphore_mem>>
        %dma_start3A_46 = tpu.memref_slice %arg4[%add3A_37] : memref<323584xi32, #tpu.memory_space<hbm>> -> memref<128xi32, #tpu.memory_space<hbm>>
        %dma_start3A_47 = tpu.memref_slice %arg4[%add3A_37] : memref<323584xi32, #tpu.memory_space<hbm>> -> memref<128xi32, #tpu.memory_space<hbm>>
        tpu.enqueue_dma source(%dma_start3A_47 : memref<128xi32, #tpu.memory_space<hbm>>) target(%arg12 : memref<128xi32, #tpu.memory_space<vmem>>) target_semaphore(%run_scoped3A : memref<!tpu.dma_semaphore, #tpu.memory_space<semaphore_mem>>)
        %dma_wait3A_48 = tpu.memref_slice %arg4[%add3A_37] : memref<323584xi32, #tpu.memory_space<hbm>> -> memref<128xi32, #tpu.memory_space<hbm>>
        %dma_wait3A_49 = tpu.memref_slice %arg4[%add3A_37] : memref<323584xi32, #tpu.memory_space<hbm>> -> memref<128xi32, #tpu.memory_space<hbm>>
        tpu.wait_dma2 semaphore(%run_scoped3A : memref<!tpu.dma_semaphore, #tpu.memory_space<semaphore_mem>>) src(%dma_wait3A_49 : memref<128xi32, #tpu.memory_space<hbm>>) dst(%arg12 : memref<128xi32, #tpu.memory_space<vmem>>)
        tpu.yield
      }) : () -> ()
      %dma_start3A_38 = arith.constant 0 : i32
      %dma_start3A_39 = arith.constant 0 : i32
      %dma_start3A_40 = tpu.memref_slice %arg2[%dma_start3A_38, %dma_start3A_39] : memref<10000x128xf32, #tpu.memory_space<hbm>> -> memref<10000x128xf32, #tpu.memory_space<hbm>>
      tpu.enqueue_indirect_dma source(%dma_start3A_40 : memref<10000x128xf32, #tpu.memory_space<hbm>>) target(%arg13 : memref<128x128xf32, #tpu.memory_space<vmem>>) offsets(%arg11 : memref<128xi32, #tpu.memory_space<vmem>>) semaphore(%arg14 : memref<!tpu.dma_semaphore, #tpu.memory_space<semaphore_mem>>)
      %dma_wait3A = arith.constant 0 : i32
      %dma_wait3A_41 = arith.constant 0 : i32
      %dma_wait3A_42 = tpu.memref_slice %arg2[%dma_wait3A, %dma_wait3A_41] : memref<10000x128xf32, #tpu.memory_space<hbm>> -> memref<10000x128xf32, #tpu.memory_space<hbm>>
      tpu.wait_indirect_dma semaphore(%arg10 : memref<!tpu.dma_semaphore, #tpu.memory_space<semaphore_mem>>) src(%dma_wait3A_42 : memref<10000x128xf32, #tpu.memory_space<hbm>>) dst(%arg9 : memref<128x128xf32, #tpu.memory_space<vmem>>)
      "tpu.region"() ({
        %run_scoped3A = tpu.sem_alloc : memref<!tpu.dma_semaphore, #tpu.memory_space<semaphore_mem>>
        %dma_start3A_46 = arith.constant 0 : i32
        %dma_start3A_47 = arith.constant 0 : i32
        %dma_start3A_48 = tpu.memref_slice %arg16[%dma_start3A_46, %dma_start3A_47] : memref<10240x128xf32, #tpu.memory_space<vmem_shared>> -> memref<10240x128xf32, #tpu.memory_space<vmem_shared>>
        tpu.enqueue_indirect_dma source(%arg9 : memref<128x128xf32, #tpu.memory_space<vmem>>) target(%dma_start3A_48 : memref<10240x128xf32, #tpu.memory_space<vmem_shared>>) offsets(%arg8 : memref<128xi32, #tpu.memory_space<vmem>>) semaphore(%run_scoped3A : memref<!tpu.dma_semaphore, #tpu.memory_space<semaphore_mem>>) {add = true}
        %dma_wait3A_49 = arith.constant 0 : i32
        %dma_wait3A_50 = arith.constant 0 : i32
        %dma_wait3A_51 = tpu.memref_slice %arg16[%dma_wait3A_49, %dma_wait3A_50] : memref<10240x128xf32, #tpu.memory_space<vmem_shared>> -> memref<10240x128xf32, #tpu.memory_space<vmem_shared>>
        tpu.wait_indirect_dma semaphore(%run_scoped3A : memref<!tpu.dma_semaphore, #tpu.memory_space<semaphore_mem>>) src(%arg9 : memref<128x128xf32, #tpu.memory_space<vmem>>) dst(%dma_wait3A_51 : memref<10240x128xf32, #tpu.memory_space<vmem_shared>>)
        tpu.yield
      }) : () -> ()
      %dma_wait3A_43 = arith.constant 0 : i32
      %dma_wait3A_44 = arith.constant 0 : i32
      %dma_wait3A_45 = tpu.memref_slice %arg2[%dma_wait3A_43, %dma_wait3A_44] : memref<10000x128xf32, #tpu.memory_space<hbm>> -> memref<10000x128xf32, #tpu.memory_space<hbm>>
      tpu.wait_indirect_dma semaphore(%arg14 : memref<!tpu.dma_semaphore, #tpu.memory_space<semaphore_mem>>) src(%dma_wait3A_45 : memref<10000x128xf32, #tpu.memory_space<hbm>>) dst(%arg13 : memref<128x128xf32, #tpu.memory_space<vmem>>)
      "tpu.region"() ({
        %run_scoped3A = tpu.sem_alloc : memref<!tpu.dma_semaphore, #tpu.memory_space<semaphore_mem>>
        %dma_start3A_46 = arith.constant 0 : i32
        %dma_start3A_47 = arith.constant 0 : i32
        %dma_start3A_48 = tpu.memref_slice %arg16[%dma_start3A_46, %dma_start3A_47] : memref<10240x128xf32, #tpu.memory_space<vmem_shared>> -> memref<10240x128xf32, #tpu.memory_space<vmem_shared>>
        tpu.enqueue_indirect_dma source(%arg13 : memref<128x128xf32, #tpu.memory_space<vmem>>) target(%dma_start3A_48 : memref<10240x128xf32, #tpu.memory_space<vmem_shared>>) offsets(%arg12 : memref<128xi32, #tpu.memory_space<vmem>>) semaphore(%run_scoped3A : memref<!tpu.dma_semaphore, #tpu.memory_space<semaphore_mem>>) {add = true}
        %dma_wait3A_49 = arith.constant 0 : i32
        %dma_wait3A_50 = arith.constant 0 : i32
        %dma_wait3A_51 = tpu.memref_slice %arg16[%dma_wait3A_49, %dma_wait3A_50] : memref<10240x128xf32, #tpu.memory_space<vmem_shared>> -> memref<10240x128xf32, #tpu.memory_space<vmem_shared>>
        tpu.wait_indirect_dma semaphore(%run_scoped3A : memref<!tpu.dma_semaphore, #tpu.memory_space<semaphore_mem>>) src(%arg13 : memref<128x128xf32, #tpu.memory_space<vmem>>) dst(%dma_wait3A_51 : memref<10240x128xf32, #tpu.memory_space<vmem_shared>>)
        tpu.yield
      }) : () -> ()
    } else {
    }
    %barrier3A_13 = arith.constant 0 : index
    tpu.barrier barrier_id(%barrier3A_13)
    %scan3A_14 = arith.constant 0 : i32
    %scan3A_15 = arith.constant 0 : i32
    %scan3A_16 = arith.constant 10 : i32
    %scan3A_17 = arith.addi %scan3A_15, %scan3A_16 : i32
    %scan3A_18 = arith.constant 1 : i32
    scf.for %scan3A_20 = %scan3A_15 to %scan3A_17 step %scan3A_18  : i32 {
      %mul3A_21 = arith.constant 640 : i32
      %mul3A_22 = arith.muli %arg1, %mul3A_21 : i32
      %mul3A_23 = arith.constant 64 : i32
      %mul3A_24 = arith.muli %scan3A_20, %mul3A_23 : i32
      %add3A_25 = arith.addi %mul3A_22, %mul3A_24 : i32
      "tpu.region"() ({
        %run_scoped3A = tpu.sem_alloc : memref<!tpu.dma_semaphore, #tpu.memory_space<semaphore_mem>>
        %dma_start3A = arith.constant 0 : i32
        %dma_start3A_26 = tpu.memref_slice %arg16[%add3A_25, %dma_start3A] : memref<10240x128xf32, #tpu.memory_space<vmem_shared>> -> memref<64x128xf32, #tpu.memory_space<vmem_shared>>
        %dma_start3A_27 = arith.constant 0 : i32
        %dma_start3A_28 = tpu.memref_slice %arg16[%add3A_25, %dma_start3A_27] : memref<10240x128xf32, #tpu.memory_space<vmem_shared>> -> memref<64x128xf32, #tpu.memory_space<vmem_shared>>
        tpu.enqueue_dma source(%dma_start3A_28 : memref<64x128xf32, #tpu.memory_space<vmem_shared>>) target(%arg15 : memref<64x128xf32, #tpu.memory_space<vmem>>) target_semaphore(%run_scoped3A : memref<!tpu.dma_semaphore, #tpu.memory_space<semaphore_mem>>)
        %dma_wait3A = arith.constant 0 : i32
        %dma_wait3A_29 = tpu.memref_slice %arg16[%add3A_25, %dma_wait3A] : memref<10240x128xf32, #tpu.memory_space<vmem_shared>> -> memref<64x128xf32, #tpu.memory_space<vmem_shared>>
        %dma_wait3A_30 = arith.constant 0 : i32
        %dma_wait3A_31 = tpu.memref_slice %arg16[%add3A_25, %dma_wait3A_30] : memref<10240x128xf32, #tpu.memory_space<vmem_shared>> -> memref<64x128xf32, #tpu.memory_space<vmem_shared>>
        tpu.wait_dma2 semaphore(%run_scoped3A : memref<!tpu.dma_semaphore, #tpu.memory_space<semaphore_mem>>) src(%dma_wait3A_31 : memref<64x128xf32, #tpu.memory_space<vmem_shared>>) dst(%arg15 : memref<64x128xf32, #tpu.memory_space<vmem>>)
        tpu.yield
      }) : () -> ()
      "tpu.region"() ({
        %run_scoped3A = tpu.sem_alloc : memref<!tpu.dma_semaphore, #tpu.memory_space<semaphore_mem>>
        %dma_start3A = arith.constant 0 : i32
        %dma_start3A_26 = tpu.memref_slice %arg6[%arg0, %add3A_25, %dma_start3A] : memref<2x10240x128xf32, #tpu.memory_space<hbm>> -> memref<1x64x128xf32, #tpu.memory_space<hbm>>
        %dma_start3A_27 = tpu.memref_squeeze %dma_start3A_26 : memref<1x64x128xf32, #tpu.memory_space<hbm>> -> memref<64x128xf32, #tpu.memory_space<hbm>>
        %dma_start3A_28 = arith.constant 0 : i32
        %dma_start3A_29 = tpu.memref_slice %arg6[%arg0, %add3A_25, %dma_start3A_28] : memref<2x10240x128xf32, #tpu.memory_space<hbm>> -> memref<1x64x128xf32, #tpu.memory_space<hbm>>
        %dma_start3A_30 = tpu.memref_squeeze %dma_start3A_29 : memref<1x64x128xf32, #tpu.memory_space<hbm>> -> memref<64x128xf32, #tpu.memory_space<hbm>>
        tpu.enqueue_dma source(%arg15 : memref<64x128xf32, #tpu.memory_space<vmem>>) target(%dma_start3A_30 : memref<64x128xf32, #tpu.memory_space<hbm>>) target_semaphore(%run_scoped3A : memref<!tpu.dma_semaphore, #tpu.memory_space<semaphore_mem>>)
        %dma_wait3A = arith.constant 0 : i32
        %dma_wait3A_31 = tpu.memref_slice %arg6[%arg0, %add3A_25, %dma_wait3A] : memref<2x10240x128xf32, #tpu.memory_space<hbm>> -> memref<1x64x128xf32, #tpu.memory_space<hbm>>
        %dma_wait3A_32 = tpu.memref_squeeze %dma_wait3A_31 : memref<1x64x128xf32, #tpu.memory_space<hbm>> -> memref<64x128xf32, #tpu.memory_space<hbm>>
        %dma_wait3A_33 = arith.constant 0 : i32
        %dma_wait3A_34 = tpu.memref_slice %arg6[%arg0, %add3A_25, %dma_wait3A_33] : memref<2x10240x128xf32, #tpu.memory_space<hbm>> -> memref<1x64x128xf32, #tpu.memory_space<hbm>>
        %dma_wait3A_35 = tpu.memref_squeeze %dma_wait3A_34 : memref<1x64x128xf32, #tpu.memory_space<hbm>> -> memref<64x128xf32, #tpu.memory_space<hbm>>
        tpu.wait_dma2 semaphore(%run_scoped3A : memref<!tpu.dma_semaphore, #tpu.memory_space<semaphore_mem>>) src(%arg15 : memref<64x128xf32, #tpu.memory_space<vmem>>) dst(%dma_wait3A_35 : memref<64x128xf32, #tpu.memory_space<hbm>>)
        tpu.yield
      }) : () -> ()
    }
    %scan3A_19 = arith.constant 10 : i32
    return
  }
}

#map = affine_map<(d0, d1) -> (0, 0)>
#map1 = affine_map<(d0, d1) -> (0)>
#map2 = affine_map<(d0, d1) -> (0, 0, 0)>
module attributes {stable_mosaic.version = 14 : i64} {
  func.func @body(%arg0: i32, %arg1: i32, %arg2: memref<10000x128xf32, #tpu.memory_space<hbm>>, %arg3: memref<323584xi32, #tpu.memory_space<hbm>>, %arg4: memref<323584xi32, #tpu.memory_space<hbm>>, %arg5: memref<64x128xf32, #tpu.memory_space<hbm>>, %arg6: memref<2x10240x128xf32, #tpu.memory_space<hbm>>, %arg7: memref<128xi32, #tpu.memory_space<vmem>>, %arg8: memref<128xi32, #tpu.memory_space<vmem>>, %arg9: memref<128x128xf32, #tpu.memory_space<vmem>>, %arg10: memref<!tpu.dma_semaphore, #tpu.memory_space<semaphore_mem>>, %arg11: memref<128xi32, #tpu.memory_space<vmem>>, %arg12: memref<128xi32, #tpu.memory_space<vmem>>, %arg13: memref<128x128xf32, #tpu.memory_space<vmem>>, %arg14: memref<!tpu.dma_semaphore, #tpu.memory_space<semaphore_mem>>, %arg15: memref<64x128xf32, #tpu.memory_space<vmem>>, %arg16: memref<10240x128xf32, #tpu.memory_space<vmem_shared>>) attributes {dimension_semantics = [#tpu.dimension_semantics<core_parallel>, #tpu.dimension_semantics<subcore_parallel>], iteration_bounds = array<i64: 2, 16>, scalar_prefetch = 0 : i64, scratch_operands = 10 : i64, tpu.core_type = #tpu.core_type<sc_vector_subcore>, window_params = [{transform_indices = #map}, {transform_indices = #map1}, {transform_indices = #map1}, {transform_indices = #map}, {transform_indices = #map2}]} {
    %mul3A = arith.constant 2 : i32
    %mul3A_0 = arith.muli %arg1, %mul3A : i32
    %add3A = arith.addi %mul3A_0, %arg0 : i32
    "tpu.region"() ({
      %run_scoped3A = tpu.sem_alloc : memref<!tpu.dma_semaphore, #tpu.memory_space<semaphore_mem>>
      tpu.enqueue_dma source(%arg5 : memref<64x128xf32, #tpu.memory_space<hbm>>) target(%arg15 : memref<64x128xf32, #tpu.memory_space<vmem>>) target_semaphore(%run_scoped3A : memref<!tpu.dma_semaphore, #tpu.memory_space<semaphore_mem>>)
      tpu.wait_dma2 semaphore(%run_scoped3A : memref<!tpu.dma_semaphore, #tpu.memory_space<semaphore_mem>>) src(%arg5 : memref<64x128xf32, #tpu.memory_space<hbm>>) dst(%arg15 : memref<64x128xf32, #tpu.memory_space<vmem>>)
      tpu.yield
    }) : () -> ()
    %scan3A = arith.constant 0 : i32
    %scan3A_1 = arith.constant 0 : i32
    %scan3A_2 = arith.constant 10 : i32
    %scan3A_3 = arith.addi %scan3A_1, %scan3A_2 : i32
    %scan3A_4 = arith.constant 1 : i32
    scf.for %scan3A_20 = %scan3A_1 to %scan3A_3 step %scan3A_4  : i32 {
      %mul3A_21 = arith.constant 640 : i32
      %mul3A_22 = arith.muli %arg1, %mul3A_21 : i32
      %mul3A_23 = arith.constant 64 : i32
      %mul3A_24 = arith.muli %scan3A_20, %mul3A_23 : i32
      %add3A_25 = arith.addi %mul3A_22, %mul3A_24 : i32
      "tpu.region"() ({
        %run_scoped3A = tpu.sem_alloc : memref<!tpu.dma_semaphore, #tpu.memory_space<semaphore_mem>>
        %dma_start3A = arith.constant 0 : i32
        %dma_start3A_26 = tpu.memref_slice %arg16[%add3A_25, %dma_start3A] : memref<10240x128xf32, #tpu.memory_space<vmem_shared>> -> memref<64x128xf32, #tpu.memory_space<vmem_shared>>
        %dma_start3A_27 = arith.constant 0 : i32
        %dma_start3A_28 = tpu.memref_slice %arg16[%add3A_25, %dma_start3A_27] : memref<10240x128xf32, #tpu.memory_space<vmem_shared>> -> memref<64x128xf32, #tpu.memory_space<vmem_shared>>
        tpu.enqueue_dma source(%arg15 : memref<64x128xf32, #tpu.memory_space<vmem>>) target(%dma_start3A_28 : memref<64x128xf32, #tpu.memory_space<vmem_shared>>) target_semaphore(%run_scoped3A : memref<!tpu.dma_semaphore, #tpu.memory_space<semaphore_mem>>)
        %dma_wait3A = arith.constant 0 : i32
        %dma_wait3A_29 = tpu.memref_slice %arg16[%add3A_25, %dma_wait3A] : memref<10240x128xf32, #tpu.memory_space<vmem_shared>> -> memref<64x128xf32, #tpu.memory_space<vmem_shared>>
        %dma_wait3A_30 = arith.constant 0 : i32
        %dma_wait3A_31 = tpu.memref_slice %arg16[%add3A_25, %dma_wait3A_30] : memref<10240x128xf32, #tpu.memory_space<vmem_shared>> -> memref<64x128xf32, #tpu.memory_space<vmem_shared>>
        tpu.wait_dma2 semaphore(%run_scoped3A : memref<!tpu.dma_semaphore, #tpu.memory_space<semaphore_mem>>) src(%arg15 : memref<64x128xf32, #tpu.memory_space<vmem>>) dst(%dma_wait3A_31 : memref<64x128xf32, #tpu.memory_space<vmem_shared>>)
        tpu.yield
      }) : () -> ()
    }
    %scan3A_5 = arith.constant 10 : i32
    %barrier3A = arith.constant 0 : index
    tpu.barrier barrier_id(%barrier3A)
    %eq3A = arith.constant 0 : i32
    %eq3A_6 = arith.cmpi eq, %arg0, %eq3A : i32
    %convert_element_type3A = arith.extui %eq3A_6 : i1 to i32
    %cond3A = arith.constant 0 : i32
    %cond3A_7 = arith.cmpi ne, %convert_element_type3A, %cond3A : i32
    scf.if %cond3A_7 {
      %mul3A_20 = arith.constant 122 : i32
      %mul3A_21 = arith.muli %arg1, %mul3A_20 : i32
      %mul3A_22 = arith.constant 128 : i32
      %mul3A_23 = arith.muli %mul3A_21, %mul3A_22 : i32
      %add3A_24 = arith.constant 0 : i32
      %add3A_25 = arith.addi %mul3A_23, %add3A_24 : i32
      "tpu.region"() ({
        %run_scoped3A = tpu.sem_alloc : memref<!tpu.dma_semaphore, #tpu.memory_space<semaphore_mem>>
        %dma_start3A_44 = tpu.memref_slice %arg3[%add3A_25] : memref<323584xi32, #tpu.memory_space<hbm>> -> memref<128xi32, #tpu.memory_space<hbm>>
        %dma_start3A_45 = tpu.memref_slice %arg3[%add3A_25] : memref<323584xi32, #tpu.memory_space<hbm>> -> memref<128xi32, #tpu.memory_space<hbm>>
        tpu.enqueue_dma source(%dma_start3A_45 : memref<128xi32, #tpu.memory_space<hbm>>) target(%arg7 : memref<128xi32, #tpu.memory_space<vmem>>) target_semaphore(%run_scoped3A : memref<!tpu.dma_semaphore, #tpu.memory_space<semaphore_mem>>)
        %dma_wait3A_46 = tpu.memref_slice %arg3[%add3A_25] : memref<323584xi32, #tpu.memory_space<hbm>> -> memref<128xi32, #tpu.memory_space<hbm>>
        %dma_wait3A_47 = tpu.memref_slice %arg3[%add3A_25] : memref<323584xi32, #tpu.memory_space<hbm>> -> memref<128xi32, #tpu.memory_space<hbm>>
        tpu.wait_dma2 semaphore(%run_scoped3A : memref<!tpu.dma_semaphore, #tpu.memory_space<semaphore_mem>>) src(%dma_wait3A_47 : memref<128xi32, #tpu.memory_space<hbm>>) dst(%arg7 : memref<128xi32, #tpu.memory_space<vmem>>)
        tpu.yield
      }) : () -> ()
      "tpu.region"() ({
        %run_scoped3A = tpu.sem_alloc : memref<!tpu.dma_semaphore, #tpu.memory_space<semaphore_mem>>
        %dma_start3A_44 = tpu.memref_slice %arg4[%add3A_25] : memref<323584xi32, #tpu.memory_space<hbm>> -> memref<128xi32, #tpu.memory_space<hbm>>
        %dma_start3A_45 = tpu.memref_slice %arg4[%add3A_25] : memref<323584xi32, #tpu.memory_space<hbm>> -> memref<128xi32, #tpu.memory_space<hbm>>
        tpu.enqueue_dma source(%dma_start3A_45 : memref<128xi32, #tpu.memory_space<hbm>>) target(%arg8 : memref<128xi32, #tpu.memory_space<vmem>>) target_semaphore(%run_scoped3A : memref<!tpu.dma_semaphore, #tpu.memory_space<semaphore_mem>>)
        %dma_wait3A_46 = tpu.memref_slice %arg4[%add3A_25] : memref<323584xi32, #tpu.memory_space<hbm>> -> memref<128xi32, #tpu.memory_space<hbm>>
        %dma_wait3A_47 = tpu.memref_slice %arg4[%add3A_25] : memref<323584xi32, #tpu.memory_space<hbm>> -> memref<128xi32, #tpu.memory_space<hbm>>
        tpu.wait_dma2 semaphore(%run_scoped3A : memref<!tpu.dma_semaphore, #tpu.memory_space<semaphore_mem>>) src(%dma_wait3A_47 : memref<128xi32, #tpu.memory_space<hbm>>) dst(%arg8 : memref<128xi32, #tpu.memory_space<vmem>>)
        tpu.yield
      }) : () -> ()
      %dma_start3A = arith.constant 0 : i32
      %dma_start3A_26 = arith.constant 0 : i32
      %dma_start3A_27 = tpu.memref_slice %arg2[%dma_start3A, %dma_start3A_26] : memref<10000x128xf32, #tpu.memory_space<hbm>> -> memref<10000x128xf32, #tpu.memory_space<hbm>>
      tpu.enqueue_indirect_dma source(%dma_start3A_27 : memref<10000x128xf32, #tpu.memory_space<hbm>>) target(%arg9 : memref<128x128xf32, #tpu.memory_space<vmem>>) offsets(%arg7 : memref<128xi32, #tpu.memory_space<vmem>>) semaphore(%arg10 : memref<!tpu.dma_semaphore, #tpu.memory_space<semaphore_mem>>)
      %scan3A_28 = arith.constant 0 : i32
      %scan3A_29 = arith.constant 0 : i32
      %scan3A_30 = arith.constant 60 : i32
      %scan3A_31 = arith.addi %scan3A_29, %scan3A_30 : i32
      %scan3A_32 = arith.constant 1 : i32
      scf.for %scan3A_44 = %scan3A_29 to %scan3A_31 step %scan3A_32  : i32 {
        %mul3A_45 = arith.constant 2 : i32
        %mul3A_46 = arith.muli %mul3A_45, %scan3A_44 : i32
        %add3A_47 = arith.constant 1 : i32
        %add3A_48 = arith.addi %mul3A_46, %add3A_47 : i32
        %mul3A_49 = arith.constant 128 : i32
        %mul3A_50 = arith.muli %add3A_48, %mul3A_49 : i32
        %add3A_51 = arith.addi %mul3A_23, %mul3A_50 : i32
        "tpu.region"() ({
          %run_scoped3A = tpu.sem_alloc : memref<!tpu.dma_semaphore, #tpu.memory_space<semaphore_mem>>
          %dma_start3A_69 = tpu.memref_slice %arg3[%add3A_51] : memref<323584xi32, #tpu.memory_space<hbm>> -> memref<128xi32, #tpu.memory_space<hbm>>
          %dma_start3A_70 = tpu.memref_slice %arg3[%add3A_51] : memref<323584xi32, #tpu.memory_space<hbm>> -> memref<128xi32, #tpu.memory_space<hbm>>
          tpu.enqueue_dma source(%dma_start3A_70 : memref<128xi32, #tpu.memory_space<hbm>>) target(%arg11 : memref<128xi32, #tpu.memory_space<vmem>>) target_semaphore(%run_scoped3A : memref<!tpu.dma_semaphore, #tpu.memory_space<semaphore_mem>>)
          %dma_wait3A_71 = tpu.memref_slice %arg3[%add3A_51] : memref<323584xi32, #tpu.memory_space<hbm>> -> memref<128xi32, #tpu.memory_space<hbm>>
          %dma_wait3A_72 = tpu.memref_slice %arg3[%add3A_51] : memref<323584xi32, #tpu.memory_space<hbm>> -> memref<128xi32, #tpu.memory_space<hbm>>
          tpu.wait_dma2 semaphore(%run_scoped3A : memref<!tpu.dma_semaphore, #tpu.memory_space<semaphore_mem>>) src(%dma_wait3A_72 : memref<128xi32, #tpu.memory_space<hbm>>) dst(%arg11 : memref<128xi32, #tpu.memory_space<vmem>>)
          tpu.yield
        }) : () -> ()
        "tpu.region"() ({
          %run_scoped3A = tpu.sem_alloc : memref<!tpu.dma_semaphore, #tpu.memory_space<semaphore_mem>>
          %dma_start3A_69 = tpu.memref_slice %arg4[%add3A_51] : memref<323584xi32, #tpu.memory_space<hbm>> -> memref<128xi32, #tpu.memory_space<hbm>>
          %dma_start3A_70 = tpu.memref_slice %arg4[%add3A_51] : memref<323584xi32, #tpu.memory_space<hbm>> -> memref<128xi32, #tpu.memory_space<hbm>>
          tpu.enqueue_dma source(%dma_start3A_70 : memref<128xi32, #tpu.memory_space<hbm>>) target(%arg12 : memref<128xi32, #tpu.memory_space<vmem>>) target_semaphore(%run_scoped3A : memref<!tpu.dma_semaphore, #tpu.memory_space<semaphore_mem>>)
          %dma_wait3A_71 = tpu.memref_slice %arg4[%add3A_51] : memref<323584xi32, #tpu.memory_space<hbm>> -> memref<128xi32, #tpu.memory_space<hbm>>
          %dma_wait3A_72 = tpu.memref_slice %arg4[%add3A_51] : memref<323584xi32, #tpu.memory_space<hbm>> -> memref<128xi32, #tpu.memory_space<hbm>>
          tpu.wait_dma2 semaphore(%run_scoped3A : memref<!tpu.dma_semaphore, #tpu.memory_space<semaphore_mem>>) src(%dma_wait3A_72 : memref<128xi32, #tpu.memory_space<hbm>>) dst(%arg12 : memref<128xi32, #tpu.memory_space<vmem>>)
          tpu.yield
        }) : () -> ()
        %dma_start3A_52 = arith.constant 0 : i32
        %dma_start3A_53 = arith.constant 0 : i32
        %dma_start3A_54 = tpu.memref_slice %arg2[%dma_start3A_52, %dma_start3A_53] : memref<10000x128xf32, #tpu.memory_space<hbm>> -> memref<10000x128xf32, #tpu.memory_space<hbm>>
        tpu.enqueue_indirect_dma source(%dma_start3A_54 : memref<10000x128xf32, #tpu.memory_space<hbm>>) target(%arg13 : memref<128x128xf32, #tpu.memory_space<vmem>>) offsets(%arg11 : memref<128xi32, #tpu.memory_space<vmem>>) semaphore(%arg14 : memref<!tpu.dma_semaphore, #tpu.memory_space<semaphore_mem>>)
        %dma_wait3A_55 = arith.constant 0 : i32
        %dma_wait3A_56 = arith.constant 0 : i32
        %dma_wait3A_57 = tpu.memref_slice %arg2[%dma_wait3A_55, %dma_wait3A_56] : memref<10000x128xf32, #tpu.memory_space<hbm>> -> memref<10000x128xf32, #tpu.memory_space<hbm>>
        tpu.wait_indirect_dma semaphore(%arg10 : memref<!tpu.dma_semaphore, #tpu.memory_space<semaphore_mem>>) src(%dma_wait3A_57 : memref<10000x128xf32, #tpu.memory_space<hbm>>) dst(%arg9 : memref<128x128xf32, #tpu.memory_space<vmem>>)
        "tpu.region"() ({
          %run_scoped3A = tpu.sem_alloc : memref<!tpu.dma_semaphore, #tpu.memory_space<semaphore_mem>>
          %dma_start3A_69 = arith.constant 0 : i32
          %dma_start3A_70 = arith.constant 0 : i32
          %dma_start3A_71 = tpu.memref_slice %arg16[%dma_start3A_69, %dma_start3A_70] : memref<10240x128xf32, #tpu.memory_space<vmem_shared>> -> memref<10240x128xf32, #tpu.memory_space<vmem_shared>>
          tpu.enqueue_indirect_dma source(%arg9 : memref<128x128xf32, #tpu.memory_space<vmem>>) target(%dma_start3A_71 : memref<10240x128xf32, #tpu.memory_space<vmem_shared>>) offsets(%arg8 : memref<128xi32, #tpu.memory_space<vmem>>) semaphore(%run_scoped3A : memref<!tpu.dma_semaphore, #tpu.memory_space<semaphore_mem>>) {add = true}
          %dma_wait3A_72 = arith.constant 0 : i32
          %dma_wait3A_73 = arith.constant 0 : i32
          %dma_wait3A_74 = tpu.memref_slice %arg16[%dma_wait3A_72, %dma_wait3A_73] : memref<10240x128xf32, #tpu.memory_space<vmem_shared>> -> memref<10240x128xf32, #tpu.memory_space<vmem_shared>>
          tpu.wait_indirect_dma semaphore(%run_scoped3A : memref<!tpu.dma_semaphore, #tpu.memory_space<semaphore_mem>>) src(%arg9 : memref<128x128xf32, #tpu.memory_space<vmem>>) dst(%dma_wait3A_74 : memref<10240x128xf32, #tpu.memory_space<vmem_shared>>)
          tpu.yield
        }) : () -> ()
        %add3A_58 = arith.constant 2 : i32
        %add3A_59 = arith.addi %mul3A_46, %add3A_58 : i32
        %mul3A_60 = arith.constant 128 : i32
        %mul3A_61 = arith.muli %add3A_59, %mul3A_60 : i32
        %add3A_62 = arith.addi %mul3A_23, %mul3A_61 : i32
        "tpu.region"() ({
          %run_scoped3A = tpu.sem_alloc : memref<!tpu.dma_semaphore, #tpu.memory_space<semaphore_mem>>
          %dma_start3A_69 = tpu.memref_slice %arg3[%add3A_62] : memref<323584xi32, #tpu.memory_space<hbm>> -> memref<128xi32, #tpu.memory_space<hbm>>
          %dma_start3A_70 = tpu.memref_slice %arg3[%add3A_62] : memref<323584xi32, #tpu.memory_space<hbm>> -> memref<128xi32, #tpu.memory_space<hbm>>
          tpu.enqueue_dma source(%dma_start3A_70 : memref<128xi32, #tpu.memory_space<hbm>>) target(%arg7 : memref<128xi32, #tpu.memory_space<vmem>>) target_semaphore(%run_scoped3A : memref<!tpu.dma_semaphore, #tpu.memory_space<semaphore_mem>>)
          %dma_wait3A_71 = tpu.memref_slice %arg3[%add3A_62] : memref<323584xi32, #tpu.memory_space<hbm>> -> memref<128xi32, #tpu.memory_space<hbm>>
          %dma_wait3A_72 = tpu.memref_slice %arg3[%add3A_62] : memref<323584xi32, #tpu.memory_space<hbm>> -> memref<128xi32, #tpu.memory_space<hbm>>
          tpu.wait_dma2 semaphore(%run_scoped3A : memref<!tpu.dma_semaphore, #tpu.memory_space<semaphore_mem>>) src(%dma_wait3A_72 : memref<128xi32, #tpu.memory_space<hbm>>) dst(%arg7 : memref<128xi32, #tpu.memory_space<vmem>>)
          tpu.yield
        }) : () -> ()
        "tpu.region"() ({
          %run_scoped3A = tpu.sem_alloc : memref<!tpu.dma_semaphore, #tpu.memory_space<semaphore_mem>>
          %dma_start3A_69 = tpu.memref_slice %arg4[%add3A_62] : memref<323584xi32, #tpu.memory_space<hbm>> -> memref<128xi32, #tpu.memory_space<hbm>>
          %dma_start3A_70 = tpu.memref_slice %arg4[%add3A_62] : memref<323584xi32, #tpu.memory_space<hbm>> -> memref<128xi32, #tpu.memory_space<hbm>>
          tpu.enqueue_dma source(%dma_start3A_70 : memref<128xi32, #tpu.memory_space<hbm>>) target(%arg8 : memref<128xi32, #tpu.memory_space<vmem>>) target_semaphore(%run_scoped3A : memref<!tpu.dma_semaphore, #tpu.memory_space<semaphore_mem>>)
          %dma_wait3A_71 = tpu.memref_slice %arg4[%add3A_62] : memref<323584xi32, #tpu.memory_space<hbm>> -> memref<128xi32, #tpu.memory_space<hbm>>
          %dma_wait3A_72 = tpu.memref_slice %arg4[%add3A_62] : memref<323584xi32, #tpu.memory_space<hbm>> -> memref<128xi32, #tpu.memory_space<hbm>>
          tpu.wait_dma2 semaphore(%run_scoped3A : memref<!tpu.dma_semaphore, #tpu.memory_space<semaphore_mem>>) src(%dma_wait3A_72 : memref<128xi32, #tpu.memory_space<hbm>>) dst(%arg8 : memref<128xi32, #tpu.memory_space<vmem>>)
          tpu.yield
        }) : () -> ()
        %dma_start3A_63 = arith.constant 0 : i32
        %dma_start3A_64 = arith.constant 0 : i32
        %dma_start3A_65 = tpu.memref_slice %arg2[%dma_start3A_63, %dma_start3A_64] : memref<10000x128xf32, #tpu.memory_space<hbm>> -> memref<10000x128xf32, #tpu.memory_space<hbm>>
        tpu.enqueue_indirect_dma source(%dma_start3A_65 : memref<10000x128xf32, #tpu.memory_space<hbm>>) target(%arg9 : memref<128x128xf32, #tpu.memory_space<vmem>>) offsets(%arg7 : memref<128xi32, #tpu.memory_space<vmem>>) semaphore(%arg10 : memref<!tpu.dma_semaphore, #tpu.memory_space<semaphore_mem>>)
        %dma_wait3A_66 = arith.constant 0 : i32
        %dma_wait3A_67 = arith.constant 0 : i32
        %dma_wait3A_68 = tpu.memref_slice %arg2[%dma_wait3A_66, %dma_wait3A_67] : memref<10000x128xf32, #tpu.memory_space<hbm>> -> memref<10000x128xf32, #tpu.memory_space<hbm>>
        tpu.wait_indirect_dma semaphore(%arg14 : memref<!tpu.dma_semaphore, #tpu.memory_space<semaphore_mem>>) src(%dma_wait3A_68 : memref<10000x128xf32, #tpu.memory_space<hbm>>) dst(%arg13 : memref<128x128xf32, #tpu.memory_space<vmem>>)
        "tpu.region"() ({
          %run_scoped3A = tpu.sem_alloc : memref<!tpu.dma_semaphore, #tpu.memory_space<semaphore_mem>>
          %dma_start3A_69 = arith.constant 0 : i32
          %dma_start3A_70 = arith.constant 0 : i32
          %dma_start3A_71 = tpu.memref_slice %arg16[%dma_start3A_69, %dma_start3A_70] : memref<10240x128xf32, #tpu.memory_space<vmem_shared>> -> memref<10240x128xf32, #tpu.memory_space<vmem_shared>>
          tpu.enqueue_indirect_dma source(%arg13 : memref<128x128xf32, #tpu.memory_space<vmem>>) target(%dma_start3A_71 : memref<10240x128xf32, #tpu.memory_space<vmem_shared>>) offsets(%arg12 : memref<128xi32, #tpu.memory_space<vmem>>) semaphore(%run_scoped3A : memref<!tpu.dma_semaphore, #tpu.memory_space<semaphore_mem>>) {add = true}
          %dma_wait3A_72 = arith.constant 0 : i32
          %dma_wait3A_73 = arith.constant 0 : i32
          %dma_wait3A_74 = tpu.memref_slice %arg16[%dma_wait3A_72, %dma_wait3A_73] : memref<10240x128xf32, #tpu.memory_space<vmem_shared>> -> memref<10240x128xf32, #tpu.memory_space<vmem_shared>>
          tpu.wait_indirect_dma semaphore(%run_scoped3A : memref<!tpu.dma_semaphore, #tpu.memory_space<semaphore_mem>>) src(%arg13 : memref<128x128xf32, #tpu.memory_space<vmem>>) dst(%dma_wait3A_74 : memref<10240x128xf32, #tpu.memory_space<vmem_shared>>)
          tpu.yield
        }) : () -> ()
      }
      %scan3A_33 = arith.constant 60 : i32
      %add3A_34 = arith.constant 15488 : i32
      %add3A_35 = arith.addi %mul3A_23, %add3A_34 : i32
      "tpu.region"() ({
        %run_scoped3A = tpu.sem_alloc : memref<!tpu.dma_semaphore, #tpu.memory_space<semaphore_mem>>
        %dma_start3A_44 = tpu.memref_slice %arg3[%add3A_35] : memref<323584xi32, #tpu.memory_space<hbm>> -> memref<128xi32, #tpu.memory_space<hbm>>
        %dma_start3A_45 = tpu.memref_slice %arg3[%add3A_35] : memref<323584xi32, #tpu.memory_space<hbm>> -> memref<128xi32, #tpu.memory_space<hbm>>
        tpu.enqueue_dma source(%dma_start3A_45 : memref<128xi32, #tpu.memory_space<hbm>>) target(%arg11 : memref<128xi32, #tpu.memory_space<vmem>>) target_semaphore(%run_scoped3A : memref<!tpu.dma_semaphore, #tpu.memory_space<semaphore_mem>>)
        %dma_wait3A_46 = tpu.memref_slice %arg3[%add3A_35] : memref<323584xi32, #tpu.memory_space<hbm>> -> memref<128xi32, #tpu.memory_space<hbm>>
        %dma_wait3A_47 = tpu.memref_slice %arg3[%add3A_35] : memref<323584xi32, #tpu.memory_space<hbm>> -> memref<128xi32, #tpu.memory_space<hbm>>
        tpu.wait_dma2 semaphore(%run_scoped3A : memref<!tpu.dma_semaphore, #tpu.memory_space<semaphore_mem>>) src(%dma_wait3A_47 : memref<128xi32, #tpu.memory_space<hbm>>) dst(%arg11 : memref<128xi32, #tpu.memory_space<vmem>>)
        tpu.yield
      }) : () -> ()
      "tpu.region"() ({
        %run_scoped3A = tpu.sem_alloc : memref<!tpu.dma_semaphore, #tpu.memory_space<semaphore_mem>>
        %dma_start3A_44 = tpu.memref_slice %arg4[%add3A_35] : memref<323584xi32, #tpu.memory_space<hbm>> -> memref<128xi32, #tpu.memory_space<hbm>>
        %dma_start3A_45 = tpu.memref_slice %arg4[%add3A_35] : memref<323584xi32, #tpu.memory_space<hbm>> -> memref<128xi32, #tpu.memory_space<hbm>>
        tpu.enqueue_dma source(%dma_start3A_45 : memref<128xi32, #tpu.memory_space<hbm>>) target(%arg12 : memref<128xi32, #tpu.memory_space<vmem>>) target_semaphore(%run_scoped3A : memref<!tpu.dma_semaphore, #tpu.memory_space<semaphore_mem>>)
        %dma_wait3A_46 = tpu.memref_slice %arg4[%add3A_35] : memref<323584xi32, #tpu.memory_space<hbm>> -> memref<128xi32, #tpu.memory_space<hbm>>
        %dma_wait3A_47 = tpu.memref_slice %arg4[%add3A_35] : memref<323584xi32, #tpu.memory_space<hbm>> -> memref<128xi32, #tpu.memory_space<hbm>>
        tpu.wait_dma2 semaphore(%run_scoped3A : memref<!tpu.dma_semaphore, #tpu.memory_space<semaphore_mem>>) src(%dma_wait3A_47 : memref<128xi32, #tpu.memory_space<hbm>>) dst(%arg12 : memref<128xi32, #tpu.memory_space<vmem>>)
        tpu.yield
      }) : () -> ()
      %dma_start3A_36 = arith.constant 0 : i32
      %dma_start3A_37 = arith.constant 0 : i32
      %dma_start3A_38 = tpu.memref_slice %arg2[%dma_start3A_36, %dma_start3A_37] : memref<10000x128xf32, #tpu.memory_space<hbm>> -> memref<10000x128xf32, #tpu.memory_space<hbm>>
      tpu.enqueue_indirect_dma source(%dma_start3A_38 : memref<10000x128xf32, #tpu.memory_space<hbm>>) target(%arg13 : memref<128x128xf32, #tpu.memory_space<vmem>>) offsets(%arg11 : memref<128xi32, #tpu.memory_space<vmem>>) semaphore(%arg14 : memref<!tpu.dma_semaphore, #tpu.memory_space<semaphore_mem>>)
      %dma_wait3A = arith.constant 0 : i32
      %dma_wait3A_39 = arith.constant 0 : i32
      %dma_wait3A_40 = tpu.memref_slice %arg2[%dma_wait3A, %dma_wait3A_39] : memref<10000x128xf32, #tpu.memory_space<hbm>> -> memref<10000x128xf32, #tpu.memory_space<hbm>>
      tpu.wait_indirect_dma semaphore(%arg10 : memref<!tpu.dma_semaphore, #tpu.memory_space<semaphore_mem>>) src(%dma_wait3A_40 : memref<10000x128xf32, #tpu.memory_space<hbm>>) dst(%arg9 : memref<128x128xf32, #tpu.memory_space<vmem>>)
      "tpu.region"() ({
        %run_scoped3A = tpu.sem_alloc : memref<!tpu.dma_semaphore, #tpu.memory_space<semaphore_mem>>
        %dma_start3A_44 = arith.constant 0 : i32
        %dma_start3A_45 = arith.constant 0 : i32
        %dma_start3A_46 = tpu.memref_slice %arg16[%dma_start3A_44, %dma_start3A_45] : memref<10240x128xf32, #tpu.memory_space<vmem_shared>> -> memref<10240x128xf32, #tpu.memory_space<vmem_shared>>
        tpu.enqueue_indirect_dma source(%arg9 : memref<128x128xf32, #tpu.memory_space<vmem>>) target(%dma_start3A_46 : memref<10240x128xf32, #tpu.memory_space<vmem_shared>>) offsets(%arg8 : memref<128xi32, #tpu.memory_space<vmem>>) semaphore(%run_scoped3A : memref<!tpu.dma_semaphore, #tpu.memory_space<semaphore_mem>>) {add = true}
        %dma_wait3A_47 = arith.constant 0 : i32
        %dma_wait3A_48 = arith.constant 0 : i32
        %dma_wait3A_49 = tpu.memref_slice %arg16[%dma_wait3A_47, %dma_wait3A_48] : memref<10240x128xf32, #tpu.memory_space<vmem_shared>> -> memref<10240x128xf32, #tpu.memory_space<vmem_shared>>
        tpu.wait_indirect_dma semaphore(%run_scoped3A : memref<!tpu.dma_semaphore, #tpu.memory_space<semaphore_mem>>) src(%arg9 : memref<128x128xf32, #tpu.memory_space<vmem>>) dst(%dma_wait3A_49 : memref<10240x128xf32, #tpu.memory_space<vmem_shared>>)
        tpu.yield
      }) : () -> ()
      %dma_wait3A_41 = arith.constant 0 : i32
      %dma_wait3A_42 = arith.constant 0 : i32
      %dma_wait3A_43 = tpu.memref_slice %arg2[%dma_wait3A_41, %dma_wait3A_42] : memref<10000x128xf32, #tpu.memory_space<hbm>> -> memref<10000x128xf32, #tpu.memory_space<hbm>>
      tpu.wait_indirect_dma semaphore(%arg14 : memref<!tpu.dma_semaphore, #tpu.memory_space<semaphore_mem>>) src(%dma_wait3A_43 : memref<10000x128xf32, #tpu.memory_space<hbm>>) dst(%arg13 : memref<128x128xf32, #tpu.memory_space<vmem>>)
      "tpu.region"() ({
        %run_scoped3A = tpu.sem_alloc : memref<!tpu.dma_semaphore, #tpu.memory_space<semaphore_mem>>
        %dma_start3A_44 = arith.constant 0 : i32
        %dma_start3A_45 = arith.constant 0 : i32
        %dma_start3A_46 = tpu.memref_slice %arg16[%dma_start3A_44, %dma_start3A_45] : memref<10240x128xf32, #tpu.memory_space<vmem_shared>> -> memref<10240x128xf32, #tpu.memory_space<vmem_shared>>
        tpu.enqueue_indirect_dma source(%arg13 : memref<128x128xf32, #tpu.memory_space<vmem>>) target(%dma_start3A_46 : memref<10240x128xf32, #tpu.memory_space<vmem_shared>>) offsets(%arg12 : memref<128xi32, #tpu.memory_space<vmem>>) semaphore(%run_scoped3A : memref<!tpu.dma_semaphore, #tpu.memory_space<semaphore_mem>>) {add = true}
        %dma_wait3A_47 = arith.constant 0 : i32
        %dma_wait3A_48 = arith.constant 0 : i32
        %dma_wait3A_49 = tpu.memref_slice %arg16[%dma_wait3A_47, %dma_wait3A_48] : memref<10240x128xf32, #tpu.memory_space<vmem_shared>> -> memref<10240x128xf32, #tpu.memory_space<vmem_shared>>
        tpu.wait_indirect_dma semaphore(%run_scoped3A : memref<!tpu.dma_semaphore, #tpu.memory_space<semaphore_mem>>) src(%arg13 : memref<128x128xf32, #tpu.memory_space<vmem>>) dst(%dma_wait3A_49 : memref<10240x128xf32, #tpu.memory_space<vmem_shared>>)
        tpu.yield
      }) : () -> ()
    } else {
    }
    %eq3A_8 = arith.constant 1 : i32
    %eq3A_9 = arith.cmpi eq, %arg0, %eq3A_8 : i32
    %convert_element_type3A_10 = arith.extui %eq3A_9 : i1 to i32
    %cond3A_11 = arith.constant 0 : i32
    %cond3A_12 = arith.cmpi ne, %convert_element_type3A_10, %cond3A_11 : i32
    scf.if %cond3A_12 {
      %mul3A_20 = arith.constant 36 : i32
      %mul3A_21 = arith.muli %arg1, %mul3A_20 : i32
      %add3A_22 = arith.constant 1952 : i32
      %add3A_23 = arith.addi %add3A_22, %mul3A_21 : i32
      %mul3A_24 = arith.constant 128 : i32
      %mul3A_25 = arith.muli %add3A_23, %mul3A_24 : i32
      %add3A_26 = arith.constant 0 : i32
      %add3A_27 = arith.addi %mul3A_25, %add3A_26 : i32
      "tpu.region"() ({
        %run_scoped3A = tpu.sem_alloc : memref<!tpu.dma_semaphore, #tpu.memory_space<semaphore_mem>>
        %dma_start3A_46 = tpu.memref_slice %arg3[%add3A_27] : memref<323584xi32, #tpu.memory_space<hbm>> -> memref<128xi32, #tpu.memory_space<hbm>>
        %dma_start3A_47 = tpu.memref_slice %arg3[%add3A_27] : memref<323584xi32, #tpu.memory_space<hbm>> -> memref<128xi32, #tpu.memory_space<hbm>>
        tpu.enqueue_dma source(%dma_start3A_47 : memref<128xi32, #tpu.memory_space<hbm>>) target(%arg7 : memref<128xi32, #tpu.memory_space<vmem>>) target_semaphore(%run_scoped3A : memref<!tpu.dma_semaphore, #tpu.memory_space<semaphore_mem>>)
        %dma_wait3A_48 = tpu.memref_slice %arg3[%add3A_27] : memref<323584xi32, #tpu.memory_space<hbm>> -> memref<128xi32, #tpu.memory_space<hbm>>
        %dma_wait3A_49 = tpu.memref_slice %arg3[%add3A_27] : memref<323584xi32, #tpu.memory_space<hbm>> -> memref<128xi32, #tpu.memory_space<hbm>>
        tpu.wait_dma2 semaphore(%run_scoped3A : memref<!tpu.dma_semaphore, #tpu.memory_space<semaphore_mem>>) src(%dma_wait3A_49 : memref<128xi32, #tpu.memory_space<hbm>>) dst(%arg7 : memref<128xi32, #tpu.memory_space<vmem>>)
        tpu.yield
      }) : () -> ()
      "tpu.region"() ({
        %run_scoped3A = tpu.sem_alloc : memref<!tpu.dma_semaphore, #tpu.memory_space<semaphore_mem>>
        %dma_start3A_46 = tpu.memref_slice %arg4[%add3A_27] : memref<323584xi32, #tpu.memory_space<hbm>> -> memref<128xi32, #tpu.memory_space<hbm>>
        %dma_start3A_47 = tpu.memref_slice %arg4[%add3A_27] : memref<323584xi32, #tpu.memory_space<hbm>> -> memref<128xi32, #tpu.memory_space<hbm>>
        tpu.enqueue_dma source(%dma_start3A_47 : memref<128xi32, #tpu.memory_space<hbm>>) target(%arg8 : memref<128xi32, #tpu.memory_space<vmem>>) target_semaphore(%run_scoped3A : memref<!tpu.dma_semaphore, #tpu.memory_space<semaphore_mem>>)
        %dma_wait3A_48 = tpu.memref_slice %arg4[%add3A_27] : memref<323584xi32, #tpu.memory_space<hbm>> -> memref<128xi32, #tpu.memory_space<hbm>>
        %dma_wait3A_49 = tpu.memref_slice %arg4[%add3A_27] : memref<323584xi32, #tpu.memory_space<hbm>> -> memref<128xi32, #tpu.memory_space<hbm>>
        tpu.wait_dma2 semaphore(%run_scoped3A : memref<!tpu.dma_semaphore, #tpu.memory_space<semaphore_mem>>) src(%dma_wait3A_49 : memref<128xi32, #tpu.memory_space<hbm>>) dst(%arg8 : memref<128xi32, #tpu.memory_space<vmem>>)
        tpu.yield
      }) : () -> ()
      %dma_start3A = arith.constant 0 : i32
      %dma_start3A_28 = arith.constant 0 : i32
      %dma_start3A_29 = tpu.memref_slice %arg2[%dma_start3A, %dma_start3A_28] : memref<10000x128xf32, #tpu.memory_space<hbm>> -> memref<10000x128xf32, #tpu.memory_space<hbm>>
      tpu.enqueue_indirect_dma source(%dma_start3A_29 : memref<10000x128xf32, #tpu.memory_space<hbm>>) target(%arg9 : memref<128x128xf32, #tpu.memory_space<vmem>>) offsets(%arg7 : memref<128xi32, #tpu.memory_space<vmem>>) semaphore(%arg10 : memref<!tpu.dma_semaphore, #tpu.memory_space<semaphore_mem>>)
      %scan3A_30 = arith.constant 0 : i32
      %scan3A_31 = arith.constant 0 : i32
      %scan3A_32 = arith.constant 17 : i32
      %scan3A_33 = arith.addi %scan3A_31, %scan3A_32 : i32
      %scan3A_34 = arith.constant 1 : i32
      scf.for %scan3A_46 = %scan3A_31 to %scan3A_33 step %scan3A_34  : i32 {
        %mul3A_47 = arith.constant 2 : i32
        %mul3A_48 = arith.muli %mul3A_47, %scan3A_46 : i32
        %add3A_49 = arith.constant 1 : i32
        %add3A_50 = arith.addi %mul3A_48, %add3A_49 : i32
        %mul3A_51 = arith.constant 128 : i32
        %mul3A_52 = arith.muli %add3A_50, %mul3A_51 : i32
        %add3A_53 = arith.addi %mul3A_25, %mul3A_52 : i32
        "tpu.region"() ({
          %run_scoped3A = tpu.sem_alloc : memref<!tpu.dma_semaphore, #tpu.memory_space<semaphore_mem>>
          %dma_start3A_71 = tpu.memref_slice %arg3[%add3A_53] : memref<323584xi32, #tpu.memory_space<hbm>> -> memref<128xi32, #tpu.memory_space<hbm>>
          %dma_start3A_72 = tpu.memref_slice %arg3[%add3A_53] : memref<323584xi32, #tpu.memory_space<hbm>> -> memref<128xi32, #tpu.memory_space<hbm>>
          tpu.enqueue_dma source(%dma_start3A_72 : memref<128xi32, #tpu.memory_space<hbm>>) target(%arg11 : memref<128xi32, #tpu.memory_space<vmem>>) target_semaphore(%run_scoped3A : memref<!tpu.dma_semaphore, #tpu.memory_space<semaphore_mem>>)
          %dma_wait3A_73 = tpu.memref_slice %arg3[%add3A_53] : memref<323584xi32, #tpu.memory_space<hbm>> -> memref<128xi32, #tpu.memory_space<hbm>>
          %dma_wait3A_74 = tpu.memref_slice %arg3[%add3A_53] : memref<323584xi32, #tpu.memory_space<hbm>> -> memref<128xi32, #tpu.memory_space<hbm>>
          tpu.wait_dma2 semaphore(%run_scoped3A : memref<!tpu.dma_semaphore, #tpu.memory_space<semaphore_mem>>) src(%dma_wait3A_74 : memref<128xi32, #tpu.memory_space<hbm>>) dst(%arg11 : memref<128xi32, #tpu.memory_space<vmem>>)
          tpu.yield
        }) : () -> ()
        "tpu.region"() ({
          %run_scoped3A = tpu.sem_alloc : memref<!tpu.dma_semaphore, #tpu.memory_space<semaphore_mem>>
          %dma_start3A_71 = tpu.memref_slice %arg4[%add3A_53] : memref<323584xi32, #tpu.memory_space<hbm>> -> memref<128xi32, #tpu.memory_space<hbm>>
          %dma_start3A_72 = tpu.memref_slice %arg4[%add3A_53] : memref<323584xi32, #tpu.memory_space<hbm>> -> memref<128xi32, #tpu.memory_space<hbm>>
          tpu.enqueue_dma source(%dma_start3A_72 : memref<128xi32, #tpu.memory_space<hbm>>) target(%arg12 : memref<128xi32, #tpu.memory_space<vmem>>) target_semaphore(%run_scoped3A : memref<!tpu.dma_semaphore, #tpu.memory_space<semaphore_mem>>)
          %dma_wait3A_73 = tpu.memref_slice %arg4[%add3A_53] : memref<323584xi32, #tpu.memory_space<hbm>> -> memref<128xi32, #tpu.memory_space<hbm>>
          %dma_wait3A_74 = tpu.memref_slice %arg4[%add3A_53] : memref<323584xi32, #tpu.memory_space<hbm>> -> memref<128xi32, #tpu.memory_space<hbm>>
          tpu.wait_dma2 semaphore(%run_scoped3A : memref<!tpu.dma_semaphore, #tpu.memory_space<semaphore_mem>>) src(%dma_wait3A_74 : memref<128xi32, #tpu.memory_space<hbm>>) dst(%arg12 : memref<128xi32, #tpu.memory_space<vmem>>)
          tpu.yield
        }) : () -> ()
        %dma_start3A_54 = arith.constant 0 : i32
        %dma_start3A_55 = arith.constant 0 : i32
        %dma_start3A_56 = tpu.memref_slice %arg2[%dma_start3A_54, %dma_start3A_55] : memref<10000x128xf32, #tpu.memory_space<hbm>> -> memref<10000x128xf32, #tpu.memory_space<hbm>>
        tpu.enqueue_indirect_dma source(%dma_start3A_56 : memref<10000x128xf32, #tpu.memory_space<hbm>>) target(%arg13 : memref<128x128xf32, #tpu.memory_space<vmem>>) offsets(%arg11 : memref<128xi32, #tpu.memory_space<vmem>>) semaphore(%arg14 : memref<!tpu.dma_semaphore, #tpu.memory_space<semaphore_mem>>)
        %dma_wait3A_57 = arith.constant 0 : i32
        %dma_wait3A_58 = arith.constant 0 : i32
        %dma_wait3A_59 = tpu.memref_slice %arg2[%dma_wait3A_57, %dma_wait3A_58] : memref<10000x128xf32, #tpu.memory_space<hbm>> -> memref<10000x128xf32, #tpu.memory_space<hbm>>
        tpu.wait_indirect_dma semaphore(%arg10 : memref<!tpu.dma_semaphore, #tpu.memory_space<semaphore_mem>>) src(%dma_wait3A_59 : memref<10000x128xf32, #tpu.memory_space<hbm>>) dst(%arg9 : memref<128x128xf32, #tpu.memory_space<vmem>>)
        "tpu.region"() ({
          %run_scoped3A = tpu.sem_alloc : memref<!tpu.dma_semaphore, #tpu.memory_space<semaphore_mem>>
          %dma_start3A_71 = arith.constant 0 : i32
          %dma_start3A_72 = arith.constant 0 : i32
          %dma_start3A_73 = tpu.memref_slice %arg16[%dma_start3A_71, %dma_start3A_72] : memref<10240x128xf32, #tpu.memory_space<vmem_shared>> -> memref<10240x128xf32, #tpu.memory_space<vmem_shared>>
          tpu.enqueue_indirect_dma source(%arg9 : memref<128x128xf32, #tpu.memory_space<vmem>>) target(%dma_start3A_73 : memref<10240x128xf32, #tpu.memory_space<vmem_shared>>) offsets(%arg8 : memref<128xi32, #tpu.memory_space<vmem>>) semaphore(%run_scoped3A : memref<!tpu.dma_semaphore, #tpu.memory_space<semaphore_mem>>) {add = true}
          %dma_wait3A_74 = arith.constant 0 : i32
          %dma_wait3A_75 = arith.constant 0 : i32
          %dma_wait3A_76 = tpu.memref_slice %arg16[%dma_wait3A_74, %dma_wait3A_75] : memref<10240x128xf32, #tpu.memory_space<vmem_shared>> -> memref<10240x128xf32, #tpu.memory_space<vmem_shared>>
          tpu.wait_indirect_dma semaphore(%run_scoped3A : memref<!tpu.dma_semaphore, #tpu.memory_space<semaphore_mem>>) src(%arg9 : memref<128x128xf32, #tpu.memory_space<vmem>>) dst(%dma_wait3A_76 : memref<10240x128xf32, #tpu.memory_space<vmem_shared>>)
          tpu.yield
        }) : () -> ()
        %add3A_60 = arith.constant 2 : i32
        %add3A_61 = arith.addi %mul3A_48, %add3A_60 : i32
        %mul3A_62 = arith.constant 128 : i32
        %mul3A_63 = arith.muli %add3A_61, %mul3A_62 : i32
        %add3A_64 = arith.addi %mul3A_25, %mul3A_63 : i32
        "tpu.region"() ({
          %run_scoped3A = tpu.sem_alloc : memref<!tpu.dma_semaphore, #tpu.memory_space<semaphore_mem>>
          %dma_start3A_71 = tpu.memref_slice %arg3[%add3A_64] : memref<323584xi32, #tpu.memory_space<hbm>> -> memref<128xi32, #tpu.memory_space<hbm>>
          %dma_start3A_72 = tpu.memref_slice %arg3[%add3A_64] : memref<323584xi32, #tpu.memory_space<hbm>> -> memref<128xi32, #tpu.memory_space<hbm>>
          tpu.enqueue_dma source(%dma_start3A_72 : memref<128xi32, #tpu.memory_space<hbm>>) target(%arg7 : memref<128xi32, #tpu.memory_space<vmem>>) target_semaphore(%run_scoped3A : memref<!tpu.dma_semaphore, #tpu.memory_space<semaphore_mem>>)
          %dma_wait3A_73 = tpu.memref_slice %arg3[%add3A_64] : memref<323584xi32, #tpu.memory_space<hbm>> -> memref<128xi32, #tpu.memory_space<hbm>>
          %dma_wait3A_74 = tpu.memref_slice %arg3[%add3A_64] : memref<323584xi32, #tpu.memory_space<hbm>> -> memref<128xi32, #tpu.memory_space<hbm>>
          tpu.wait_dma2 semaphore(%run_scoped3A : memref<!tpu.dma_semaphore, #tpu.memory_space<semaphore_mem>>) src(%dma_wait3A_74 : memref<128xi32, #tpu.memory_space<hbm>>) dst(%arg7 : memref<128xi32, #tpu.memory_space<vmem>>)
          tpu.yield
        }) : () -> ()
        "tpu.region"() ({
          %run_scoped3A = tpu.sem_alloc : memref<!tpu.dma_semaphore, #tpu.memory_space<semaphore_mem>>
          %dma_start3A_71 = tpu.memref_slice %arg4[%add3A_64] : memref<323584xi32, #tpu.memory_space<hbm>> -> memref<128xi32, #tpu.memory_space<hbm>>
          %dma_start3A_72 = tpu.memref_slice %arg4[%add3A_64] : memref<323584xi32, #tpu.memory_space<hbm>> -> memref<128xi32, #tpu.memory_space<hbm>>
          tpu.enqueue_dma source(%dma_start3A_72 : memref<128xi32, #tpu.memory_space<hbm>>) target(%arg8 : memref<128xi32, #tpu.memory_space<vmem>>) target_semaphore(%run_scoped3A : memref<!tpu.dma_semaphore, #tpu.memory_space<semaphore_mem>>)
          %dma_wait3A_73 = tpu.memref_slice %arg4[%add3A_64] : memref<323584xi32, #tpu.memory_space<hbm>> -> memref<128xi32, #tpu.memory_space<hbm>>
          %dma_wait3A_74 = tpu.memref_slice %arg4[%add3A_64] : memref<323584xi32, #tpu.memory_space<hbm>> -> memref<128xi32, #tpu.memory_space<hbm>>
          tpu.wait_dma2 semaphore(%run_scoped3A : memref<!tpu.dma_semaphore, #tpu.memory_space<semaphore_mem>>) src(%dma_wait3A_74 : memref<128xi32, #tpu.memory_space<hbm>>) dst(%arg8 : memref<128xi32, #tpu.memory_space<vmem>>)
          tpu.yield
        }) : () -> ()
        %dma_start3A_65 = arith.constant 0 : i32
        %dma_start3A_66 = arith.constant 0 : i32
        %dma_start3A_67 = tpu.memref_slice %arg2[%dma_start3A_65, %dma_start3A_66] : memref<10000x128xf32, #tpu.memory_space<hbm>> -> memref<10000x128xf32, #tpu.memory_space<hbm>>
        tpu.enqueue_indirect_dma source(%dma_start3A_67 : memref<10000x128xf32, #tpu.memory_space<hbm>>) target(%arg9 : memref<128x128xf32, #tpu.memory_space<vmem>>) offsets(%arg7 : memref<128xi32, #tpu.memory_space<vmem>>) semaphore(%arg10 : memref<!tpu.dma_semaphore, #tpu.memory_space<semaphore_mem>>)
        %dma_wait3A_68 = arith.constant 0 : i32
        %dma_wait3A_69 = arith.constant 0 : i32
        %dma_wait3A_70 = tpu.memref_slice %arg2[%dma_wait3A_68, %dma_wait3A_69] : memref<10000x128xf32, #tpu.memory_space<hbm>> -> memref<10000x128xf32, #tpu.memory_space<hbm>>
        tpu.wait_indirect_dma semaphore(%arg14 : memref<!tpu.dma_semaphore, #tpu.memory_space<semaphore_mem>>) src(%dma_wait3A_70 : memref<10000x128xf32, #tpu.memory_space<hbm>>) dst(%arg13 : memref<128x128xf32, #tpu.memory_space<vmem>>)
        "tpu.region"() ({
          %run_scoped3A = tpu.sem_alloc : memref<!tpu.dma_semaphore, #tpu.memory_space<semaphore_mem>>
          %dma_start3A_71 = arith.constant 0 : i32
          %dma_start3A_72 = arith.constant 0 : i32
          %dma_start3A_73 = tpu.memref_slice %arg16[%dma_start3A_71, %dma_start3A_72] : memref<10240x128xf32, #tpu.memory_space<vmem_shared>> -> memref<10240x128xf32, #tpu.memory_space<vmem_shared>>
          tpu.enqueue_indirect_dma source(%arg13 : memref<128x128xf32, #tpu.memory_space<vmem>>) target(%dma_start3A_73 : memref<10240x128xf32, #tpu.memory_space<vmem_shared>>) offsets(%arg12 : memref<128xi32, #tpu.memory_space<vmem>>) semaphore(%run_scoped3A : memref<!tpu.dma_semaphore, #tpu.memory_space<semaphore_mem>>) {add = true}
          %dma_wait3A_74 = arith.constant 0 : i32
          %dma_wait3A_75 = arith.constant 0 : i32
          %dma_wait3A_76 = tpu.memref_slice %arg16[%dma_wait3A_74, %dma_wait3A_75] : memref<10240x128xf32, #tpu.memory_space<vmem_shared>> -> memref<10240x128xf32, #tpu.memory_space<vmem_shared>>
          tpu.wait_indirect_dma semaphore(%run_scoped3A : memref<!tpu.dma_semaphore, #tpu.memory_space<semaphore_mem>>) src(%arg13 : memref<128x128xf32, #tpu.memory_space<vmem>>) dst(%dma_wait3A_76 : memref<10240x128xf32, #tpu.memory_space<vmem_shared>>)
          tpu.yield
        }) : () -> ()
      }
      %scan3A_35 = arith.constant 17 : i32
      %add3A_36 = arith.constant 4480 : i32
      %add3A_37 = arith.addi %mul3A_25, %add3A_36 : i32
      "tpu.region"() ({
        %run_scoped3A = tpu.sem_alloc : memref<!tpu.dma_semaphore, #tpu.memory_space<semaphore_mem>>
        %dma_start3A_46 = tpu.memref_slice %arg3[%add3A_37] : memref<323584xi32, #tpu.memory_space<hbm>> -> memref<128xi32, #tpu.memory_space<hbm>>
        %dma_start3A_47 = tpu.memref_slice %arg3[%add3A_37] : memref<323584xi32, #tpu.memory_space<hbm>> -> memref<128xi32, #tpu.memory_space<hbm>>
        tpu.enqueue_dma source(%dma_start3A_47 : memref<128xi32, #tpu.memory_space<hbm>>) target(%arg11 : memref<128xi32, #tpu.memory_space<vmem>>) target_semaphore(%run_scoped3A : memref<!tpu.dma_semaphore, #tpu.memory_space<semaphore_mem>>)
        %dma_wait3A_48 = tpu.memref_slice %arg3[%add3A_37] : memref<323584xi32, #tpu.memory_space<hbm>> -> memref<128xi32, #tpu.memory_space<hbm>>
        %dma_wait3A_49 = tpu.memref_slice %arg3[%add3A_37] : memref<323584xi32, #tpu.memory_space<hbm>> -> memref<128xi32, #tpu.memory_space<hbm>>
        tpu.wait_dma2 semaphore(%run_scoped3A : memref<!tpu.dma_semaphore, #tpu.memory_space<semaphore_mem>>) src(%dma_wait3A_49 : memref<128xi32, #tpu.memory_space<hbm>>) dst(%arg11 : memref<128xi32, #tpu.memory_space<vmem>>)
        tpu.yield
      }) : () -> ()
      "tpu.region"() ({
        %run_scoped3A = tpu.sem_alloc : memref<!tpu.dma_semaphore, #tpu.memory_space<semaphore_mem>>
        %dma_start3A_46 = tpu.memref_slice %arg4[%add3A_37] : memref<323584xi32, #tpu.memory_space<hbm>> -> memref<128xi32, #tpu.memory_space<hbm>>
        %dma_start3A_47 = tpu.memref_slice %arg4[%add3A_37] : memref<323584xi32, #tpu.memory_space<hbm>> -> memref<128xi32, #tpu.memory_space<hbm>>
        tpu.enqueue_dma source(%dma_start3A_47 : memref<128xi32, #tpu.memory_space<hbm>>) target(%arg12 : memref<128xi32, #tpu.memory_space<vmem>>) target_semaphore(%run_scoped3A : memref<!tpu.dma_semaphore, #tpu.memory_space<semaphore_mem>>)
        %dma_wait3A_48 = tpu.memref_slice %arg4[%add3A_37] : memref<323584xi32, #tpu.memory_space<hbm>> -> memref<128xi32, #tpu.memory_space<hbm>>
        %dma_wait3A_49 = tpu.memref_slice %arg4[%add3A_37] : memref<323584xi32, #tpu.memory_space<hbm>> -> memref<128xi32, #tpu.memory_space<hbm>>
        tpu.wait_dma2 semaphore(%run_scoped3A : memref<!tpu.dma_semaphore, #tpu.memory_space<semaphore_mem>>) src(%dma_wait3A_49 : memref<128xi32, #tpu.memory_space<hbm>>) dst(%arg12 : memref<128xi32, #tpu.memory_space<vmem>>)
        tpu.yield
      }) : () -> ()
      %dma_start3A_38 = arith.constant 0 : i32
      %dma_start3A_39 = arith.constant 0 : i32
      %dma_start3A_40 = tpu.memref_slice %arg2[%dma_start3A_38, %dma_start3A_39] : memref<10000x128xf32, #tpu.memory_space<hbm>> -> memref<10000x128xf32, #tpu.memory_space<hbm>>
      tpu.enqueue_indirect_dma source(%dma_start3A_40 : memref<10000x128xf32, #tpu.memory_space<hbm>>) target(%arg13 : memref<128x128xf32, #tpu.memory_space<vmem>>) offsets(%arg11 : memref<128xi32, #tpu.memory_space<vmem>>) semaphore(%arg14 : memref<!tpu.dma_semaphore, #tpu.memory_space<semaphore_mem>>)
      %dma_wait3A = arith.constant 0 : i32
      %dma_wait3A_41 = arith.constant 0 : i32
      %dma_wait3A_42 = tpu.memref_slice %arg2[%dma_wait3A, %dma_wait3A_41] : memref<10000x128xf32, #tpu.memory_space<hbm>> -> memref<10000x128xf32, #tpu.memory_space<hbm>>
      tpu.wait_indirect_dma semaphore(%arg10 : memref<!tpu.dma_semaphore, #tpu.memory_space<semaphore_mem>>) src(%dma_wait3A_42 : memref<10000x128xf32, #tpu.memory_space<hbm>>) dst(%arg9 : memref<128x128xf32, #tpu.memory_space<vmem>>)
      "tpu.region"() ({
        %run_scoped3A = tpu.sem_alloc : memref<!tpu.dma_semaphore, #tpu.memory_space<semaphore_mem>>
        %dma_start3A_46 = arith.constant 0 : i32
        %dma_start3A_47 = arith.constant 0 : i32
        %dma_start3A_48 = tpu.memref_slice %arg16[%dma_start3A_46, %dma_start3A_47] : memref<10240x128xf32, #tpu.memory_space<vmem_shared>> -> memref<10240x128xf32, #tpu.memory_space<vmem_shared>>
        tpu.enqueue_indirect_dma source(%arg9 : memref<128x128xf32, #tpu.memory_space<vmem>>) target(%dma_start3A_48 : memref<10240x128xf32, #tpu.memory_space<vmem_shared>>) offsets(%arg8 : memref<128xi32, #tpu.memory_space<vmem>>) semaphore(%run_scoped3A : memref<!tpu.dma_semaphore, #tpu.memory_space<semaphore_mem>>) {add = true}
        %dma_wait3A_49 = arith.constant 0 : i32
        %dma_wait3A_50 = arith.constant 0 : i32
        %dma_wait3A_51 = tpu.memref_slice %arg16[%dma_wait3A_49, %dma_wait3A_50] : memref<10240x128xf32, #tpu.memory_space<vmem_shared>> -> memref<10240x128xf32, #tpu.memory_space<vmem_shared>>
        tpu.wait_indirect_dma semaphore(%run_scoped3A : memref<!tpu.dma_semaphore, #tpu.memory_space<semaphore_mem>>) src(%arg9 : memref<128x128xf32, #tpu.memory_space<vmem>>) dst(%dma_wait3A_51 : memref<10240x128xf32, #tpu.memory_space<vmem_shared>>)
        tpu.yield
      }) : () -> ()
      %dma_wait3A_43 = arith.constant 0 : i32
      %dma_wait3A_44 = arith.constant 0 : i32
      %dma_wait3A_45 = tpu.memref_slice %arg2[%dma_wait3A_43, %dma_wait3A_44] : memref<10000x128xf32, #tpu.memory_space<hbm>> -> memref<10000x128xf32, #tpu.memory_space<hbm>>
      tpu.wait_indirect_dma semaphore(%arg14 : memref<!tpu.dma_semaphore, #tpu.memory_space<semaphore_mem>>) src(%dma_wait3A_45 : memref<10000x128xf32, #tpu.memory_space<hbm>>) dst(%arg13 : memref<128x128xf32, #tpu.memory_space<vmem>>)
      "tpu.region"() ({
        %run_scoped3A = tpu.sem_alloc : memref<!tpu.dma_semaphore, #tpu.memory_space<semaphore_mem>>
        %dma_start3A_46 = arith.constant 0 : i32
        %dma_start3A_47 = arith.constant 0 : i32
        %dma_start3A_48 = tpu.memref_slice %arg16[%dma_start3A_46, %dma_start3A_47] : memref<10240x128xf32, #tpu.memory_space<vmem_shared>> -> memref<10240x128xf32, #tpu.memory_space<vmem_shared>>
        tpu.enqueue_indirect_dma source(%arg13 : memref<128x128xf32, #tpu.memory_space<vmem>>) target(%dma_start3A_48 : memref<10240x128xf32, #tpu.memory_space<vmem_shared>>) offsets(%arg12 : memref<128xi32, #tpu.memory_space<vmem>>) semaphore(%run_scoped3A : memref<!tpu.dma_semaphore, #tpu.memory_space<semaphore_mem>>) {add = true}
        %dma_wait3A_49 = arith.constant 0 : i32
        %dma_wait3A_50 = arith.constant 0 : i32
        %dma_wait3A_51 = tpu.memref_slice %arg16[%dma_wait3A_49, %dma_wait3A_50] : memref<10240x128xf32, #tpu.memory_space<vmem_shared>> -> memref<10240x128xf32, #tpu.memory_space<vmem_shared>>
        tpu.wait_indirect_dma semaphore(%run_scoped3A : memref<!tpu.dma_semaphore, #tpu.memory_space<semaphore_mem>>) src(%arg13 : memref<128x128xf32, #tpu.memory_space<vmem>>) dst(%dma_wait3A_51 : memref<10240x128xf32, #tpu.memory_space<vmem_shared>>)
        tpu.yield
      }) : () -> ()
    } else {
    }
    %barrier3A_13 = arith.constant 0 : index
    tpu.barrier barrier_id(%barrier3A_13)
    %scan3A_14 = arith.constant 0 : i32
    %scan3A_15 = arith.constant 0 : i32
    %scan3A_16 = arith.constant 10 : i32
    %scan3A_17 = arith.addi %scan3A_15, %scan3A_16 : i32
    %scan3A_18 = arith.constant 1 : i32
    scf.for %scan3A_20 = %scan3A_15 to %scan3A_17 step %scan3A_18  : i32 {
      %mul3A_21 = arith.constant 640 : i32
      %mul3A_22 = arith.muli %arg1, %mul3A_21 : i32
      %mul3A_23 = arith.constant 64 : i32
      %mul3A_24 = arith.muli %scan3A_20, %mul3A_23 : i32
      %add3A_25 = arith.addi %mul3A_22, %mul3A_24 : i32
      "tpu.region"() ({
        %run_scoped3A = tpu.sem_alloc : memref<!tpu.dma_semaphore, #tpu.memory_space<semaphore_mem>>
        %dma_start3A = arith.constant 0 : i32
        %dma_start3A_26 = tpu.memref_slice %arg16[%add3A_25, %dma_start3A] : memref<10240x128xf32, #tpu.memory_space<vmem_shared>> -> memref<64x128xf32, #tpu.memory_space<vmem_shared>>
        %dma_start3A_27 = arith.constant 0 : i32
        %dma_start3A_28 = tpu.memref_slice %arg16[%add3A_25, %dma_start3A_27] : memref<10240x128xf32, #tpu.memory_space<vmem_shared>> -> memref<64x128xf32, #tpu.memory_space<vmem_shared>>
        tpu.enqueue_dma source(%dma_start3A_28 : memref<64x128xf32, #tpu.memory_space<vmem_shared>>) target(%arg15 : memref<64x128xf32, #tpu.memory_space<vmem>>) target_semaphore(%run_scoped3A : memref<!tpu.dma_semaphore, #tpu.memory_space<semaphore_mem>>)
        %dma_wait3A = arith.constant 0 : i32
        %dma_wait3A_29 = tpu.memref_slice %arg16[%add3A_25, %dma_wait3A] : memref<10240x128xf32, #tpu.memory_space<vmem_shared>> -> memref<64x128xf32, #tpu.memory_space<vmem_shared>>
        %dma_wait3A_30 = arith.constant 0 : i32
        %dma_wait3A_31 = tpu.memref_slice %arg16[%add3A_25, %dma_wait3A_30] : memref<10240x128xf32, #tpu.memory_space<vmem_shared>> -> memref<64x128xf32, #tpu.memory_space<vmem_shared>>
        tpu.wait_dma2 semaphore(%run_scoped3A : memref<!tpu.dma_semaphore, #tpu.memory_space<semaphore_mem>>) src(%dma_wait3A_31 : memref<64x128xf32, #tpu.memory_space<vmem_shared>>) dst(%arg15 : memref<64x128xf32, #tpu.memory_space<vmem>>)
        tpu.yield
      }) : () -> ()
      "tpu.region"() ({
        %run_scoped3A = tpu.sem_alloc : memref<!tpu.dma_semaphore, #tpu.memory_space<semaphore_mem>>
        %dma_start3A = arith.constant 0 : i32
        %dma_start3A_26 = tpu.memref_slice %arg6[%arg0, %add3A_25, %dma_start3A] : memref<2x10240x128xf32, #tpu.memory_space<hbm>> -> memref<1x64x128xf32, #tpu.memory_space<hbm>>
        %dma_start3A_27 = tpu.memref_squeeze %dma_start3A_26 : memref<1x64x128xf32, #tpu.memory_space<hbm>> -> memref<64x128xf32, #tpu.memory_space<hbm>>
        %dma_start3A_28 = arith.constant 0 : i32
        %dma_start3A_29 = tpu.memref_slice %arg6[%arg0, %add3A_25, %dma_start3A_28] : memref<2x10240x128xf32, #tpu.memory_space<hbm>> -> memref<1x64x128xf32, #tpu.memory_space<hbm>>
        %dma_start3A_30 = tpu.memref_squeeze %dma_start3A_29 : memref<1x64x128xf32, #tpu.memory_space<hbm>> -> memref<64x128xf32, #tpu.memory_space<hbm>>
        tpu.enqueue_dma source(%arg15 : memref<64x128xf32, #tpu.memory_space<vmem>>) target(%dma_start3A_30 : memref<64x128xf32, #tpu.memory_space<hbm>>) target_semaphore(%run_scoped3A : memref<!tpu.dma_semaphore, #tpu.memory_space<semaphore_mem>>)
        %dma_wait3A = arith.constant 0 : i32
        %dma_wait3A_31 = tpu.memref_slice %arg6[%arg0, %add3A_25, %dma_wait3A] : memref<2x10240x128xf32, #tpu.memory_space<hbm>> -> memref<1x64x128xf32, #tpu.memory_space<hbm>>
        %dma_wait3A_32 = tpu.memref_squeeze %dma_wait3A_31 : memref<1x64x128xf32, #tpu.memory_space<hbm>> -> memref<64x128xf32, #tpu.memory_space<hbm>>
        %dma_wait3A_33 = arith.constant 0 : i32
        %dma_wait3A_34 = tpu.memref_slice %arg6[%arg0, %add3A_25, %dma_wait3A_33] : memref<2x10240x128xf32, #tpu.memory_space<hbm>> -> memref<1x64x128xf32, #tpu.memory_space<hbm>>
        %dma_wait3A_35 = tpu.memref_squeeze %dma_wait3A_34 : memref<1x64x128xf32, #tpu.memory_space<hbm>> -> memref<64x128xf32, #tpu.memory_space<hbm>>
        tpu.wait_dma2 semaphore(%run_scoped3A : memref<!tpu.dma_semaphore, #tpu.memory_space<semaphore_mem>>) src(%arg15 : memref<64x128xf32, #tpu.memory_space<vmem>>) dst(%dma_wait3A_35 : memref<64x128xf32, #tpu.memory_space<hbm>>)
        tpu.yield
      }) : () -> ()
    }
    %scan3A_19 = arith.constant 10 : i32
    return
  }
}

module attributes {stable_mosaic.version = 14 : i64} {
  func.func @body(%arg0: i32, %arg1: memref<2x1000x128xf32, #tpu.memory_space<vmem>>, %arg2: memref<2x1000x128xf32, #tpu.memory_space<vmem>>, %arg3: memref<1000x128xf32, #tpu.memory_space<vmem>>, %arg4: memref<128x128xf32, #tpu.memory_space<vmem>>, %arg5: memref<128x128xf32, #tpu.memory_space<vmem>>, %arg6: memref<1x128xf32, #tpu.memory_space<vmem>>, %arg7: memref<1000x128xf32, #tpu.memory_space<vmem>>, %arg8: memref<8x128xf32, #tpu.memory_space<vmem>>) attributes {dimension_semantics = [#tpu.dimension_semantics<arbitrary>], iteration_bounds = array<i64: 10>, scalar_prefetch = 0 : i64, scratch_operands = 0 : i64, tpu.core_type = #tpu.core_type<tc>, window_params = [{transform_indices = @transform_0, window_bounds = array<i64: 2, 1000, 128>}, {transform_indices = @transform_1, window_bounds = array<i64: 2, 1000, 128>}, {transform_indices = @transform_2, window_bounds = array<i64: 1000, 128>}, {pipeline_mode = #tpu.pipeline_mode<synchronous>, transform_indices = @transform_3, window_bounds = array<i64: 128, 128>}, {pipeline_mode = #tpu.pipeline_mode<synchronous>, transform_indices = @transform_4, window_bounds = array<i64: 128, 128>}, {pipeline_mode = #tpu.pipeline_mode<synchronous>, transform_indices = @transform_5, window_bounds = array<i64: 1, 128>}, {transform_indices = @transform_6, window_bounds = array<i64: 1000, 128>}, {pipeline_mode = #tpu.pipeline_mode<synchronous>, transform_indices = @transform_7, window_bounds = array<i64: 8, 128>}]} {
    %get3A = arith.constant 0 : index
    %get3A_0 = arith.constant 0 : index
    %get3A_1 = arith.constant 0 : index
    %get3A_2 = vector.load %arg1[%get3A, %get3A_0, %get3A_1] : memref<2x1000x128xf32, #tpu.memory_space<vmem>>, vector<1x1000x128xf32>
    %get3A_3 = vector.shape_cast %get3A_2 : vector<1x1000x128xf32> to vector<1000x128xf32>
    %get3A_4 = arith.constant 1 : index
    %get3A_5 = arith.constant 0 : index
    %get3A_6 = arith.constant 0 : index
    %get3A_7 = vector.load %arg1[%get3A_4, %get3A_5, %get3A_6] : memref<2x1000x128xf32, #tpu.memory_space<vmem>>, vector<1x1000x128xf32>
    %get3A_8 = vector.shape_cast %get3A_7 : vector<1x1000x128xf32> to vector<1000x128xf32>
    %add3A = arith.addf %get3A_3, %get3A_8 : vector<1000x128xf32>
    %get3A_9 = arith.constant 0 : index
    %get3A_10 = arith.constant 0 : index
    %get3A_11 = arith.constant 0 : index
    %get3A_12 = vector.load %arg2[%get3A_9, %get3A_10, %get3A_11] : memref<2x1000x128xf32, #tpu.memory_space<vmem>>, vector<1x1000x128xf32>
    %get3A_13 = vector.shape_cast %get3A_12 : vector<1x1000x128xf32> to vector<1000x128xf32>
    %get3A_14 = arith.constant 1 : index
    %get3A_15 = arith.constant 0 : index
    %get3A_16 = arith.constant 0 : index
    %get3A_17 = vector.load %arg2[%get3A_14, %get3A_15, %get3A_16] : memref<2x1000x128xf32, #tpu.memory_space<vmem>>, vector<1x1000x128xf32>
    %get3A_18 = vector.shape_cast %get3A_17 : vector<1x1000x128xf32> to vector<1000x128xf32>
    %add3A_19 = arith.addf %get3A_13, %get3A_18 : vector<1000x128xf32>
    %reduce_sum3A = arith.constant dense<0.000000e+00> : vector<1000xf32>
    %reduce_sum3A_20 = vector.multi_reduction <add>, %add3A_19, %reduce_sum3A [1] : vector<1000x128xf32> to vector<1000xf32>
    %broadcast_in_dim3A = vector.shape_cast %reduce_sum3A_20 : vector<1000xf32> to vector<1000x1xf32>
    %mul3A = arith.constant 7.812500e-03 : f32
    %mul3A_21 = vector.broadcast %mul3A : f32 to vector<1000x1xf32>
    %mul3A_22 = arith.mulf %broadcast_in_dim3A, %mul3A_21 : vector<1000x1xf32>
    %max3A = arith.constant 1.000000e+00 : f32
    %max3A_23 = vector.broadcast %max3A : f32 to vector<1000x1xf32>
    %max3A_24 = arith.maximumf %mul3A_22, %max3A_23 : vector<1000x1xf32>
    %div3A = arith.constant 1.000000e+00 : f32
    %div3A_25 = vector.broadcast %div3A : f32 to vector<1000x1xf32>
    %div3A_26 = arith.divf %div3A_25, %max3A_24 : vector<1000x1xf32>
    %mul3A_27 = vector.broadcast %div3A_26 : vector<1000x1xf32> to vector<1000x128xf32>
    %mul3A_28 = arith.mulf %add3A, %mul3A_27 : vector<1000x128xf32>
    %get3A_29 = arith.constant 0 : index
    %get3A_30 = arith.constant 0 : index
    %get3A_31 = vector.load %arg4[%get3A_29, %get3A_30] : memref<128x128xf32, #tpu.memory_space<vmem>>, vector<128x128xf32>
    %dot_general3A = arith.constant dense<0.000000e+00> : vector<1000x128xf32>
    %dot_general3A_32 = tpu.matmul %mul3A_28, %get3A_31, %dot_general3A {dimension_numbers = #tpu.dot_dimension_numbers<[1], [1], [0], [0], [0, 0, 1, 0], [], []>, precision = #tpu.contract_precision<fp32>, transpose_lhs_hint = false} : vector<1000x128xf32>, vector<128x128xf32>, vector<1000x128xf32> -> vector<1000x128xf32>
    %get3A_33 = arith.constant 0 : index
    %get3A_34 = arith.constant 0 : index
    %get3A_35 = vector.load %arg3[%get3A_33, %get3A_34] : memref<1000x128xf32, #tpu.memory_space<vmem>>, vector<1000x128xf32>
    %get3A_36 = arith.constant 0 : index
    %get3A_37 = arith.constant 0 : index
    %get3A_38 = vector.load %arg5[%get3A_36, %get3A_37] : memref<128x128xf32, #tpu.memory_space<vmem>>, vector<128x128xf32>
    %dot_general3A_39 = arith.constant dense<0.000000e+00> : vector<1000x128xf32>
    %dot_general3A_40 = tpu.matmul %get3A_35, %get3A_38, %dot_general3A_39 {dimension_numbers = #tpu.dot_dimension_numbers<[1], [1], [0], [0], [0, 0, 1, 0], [], []>, precision = #tpu.contract_precision<fp32>, transpose_lhs_hint = false} : vector<1000x128xf32>, vector<128x128xf32>, vector<1000x128xf32> -> vector<1000x128xf32>
    %add3A_41 = arith.addf %dot_general3A_32, %dot_general3A_40 : vector<1000x128xf32>
    %get3A_42 = arith.constant 0 : index
    %get3A_43 = arith.constant 0 : index
    %get3A_44 = vector.load %arg6[%get3A_42, %get3A_43] : memref<1x128xf32, #tpu.memory_space<vmem>>, vector<1x128xf32>
    %add3A_45 = vector.broadcast %get3A_44 : vector<1x128xf32> to vector<1000x128xf32>
    %add3A_46 = arith.addf %add3A_41, %add3A_45 : vector<1000x128xf32>
    %swap3A = arith.constant 0 : index
    %swap3A_47 = arith.constant 0 : index
    %swap3A_48 = vector.load %arg7[%swap3A, %swap3A_47] : memref<1000x128xf32, #tpu.memory_space<vmem>>, vector<1000x128xf32>
    tpu.vector_store %arg7[%swap3A, %swap3A_47], %add3A_46 {strides = array<i32>} : memref<1000x128xf32, #tpu.memory_space<vmem>>, vector<1000x128xf32>,
    %reduce_sum3A_49 = arith.constant dense<0.000000e+00> : vector<128xf32>
    %reduce_sum3A_50 = vector.multi_reduction <add>, %add3A_46, %reduce_sum3A_49 [0] : vector<1000x128xf32> to vector<128xf32>
    %broadcast_in_dim3A_51 = vector.shape_cast %reduce_sum3A_50 : vector<128xf32> to vector<1x128xf32>
    %mul3A_52 = arith.mulf %add3A_46, %add3A_46 : vector<1000x128xf32>
    %reduce_sum3A_53 = arith.constant dense<0.000000e+00> : vector<128xf32>
    %reduce_sum3A_54 = vector.multi_reduction <add>, %mul3A_52, %reduce_sum3A_53 [0] : vector<1000x128xf32> to vector<128xf32>
    %broadcast_in_dim3A_55 = vector.shape_cast %reduce_sum3A_54 : vector<128xf32> to vector<1x128xf32>
    %broadcast_in_dim3A_56 = arith.constant 0.000000e+00 : f32
    %broadcast_in_dim3A_57 = vector.broadcast %broadcast_in_dim3A_56 : f32 to vector<6x128xf32>
    %concatenate3A = tpu.concatenate %broadcast_in_dim3A_51, %broadcast_in_dim3A_55, %broadcast_in_dim3A_57 in 0 : vector<1x128xf32>, vector<1x128xf32>, vector<6x128xf32> -> vector<8x128xf32>
    %eq3A = arith.constant 0 : i32
    %eq3A_58 = arith.cmpi eq, %arg0, %eq3A : i32
    %broadcast_in_dim3A_59 = arith.constant 0.000000e+00 : f32
    %broadcast_in_dim3A_60 = vector.broadcast %broadcast_in_dim3A_59 : f32 to vector<8x128xf32>
    %get3A_61 = arith.constant 0 : index
    %get3A_62 = arith.constant 0 : index
    %get3A_63 = vector.load %arg8[%get3A_61, %get3A_62] : memref<8x128xf32, #tpu.memory_space<vmem>>, vector<8x128xf32>
    %select_n3A = arith.select %eq3A_58, %broadcast_in_dim3A_60, %get3A_63 : vector<8x128xf32>
    %add3A_64 = arith.addf %select_n3A, %concatenate3A : vector<8x128xf32>
    %swap3A_65 = arith.constant 0 : index
    %swap3A_66 = arith.constant 0 : index
    %swap3A_67 = vector.load %arg8[%swap3A_65, %swap3A_66] : memref<8x128xf32, #tpu.memory_space<vmem>>, vector<8x128xf32>
    tpu.vector_store %arg8[%swap3A_65, %swap3A_66], %add3A_64 {strides = array<i32>} : memref<8x128xf32, #tpu.memory_space<vmem>>, vector<8x128xf32>,
    return
  }
  func.func @transform_0(%arg0: i32) -> (i32, i32, i32) {
    %c0_i32 = arith.constant 0 : i32
    %c0_i32_0 = arith.constant 0 : i32
    %c0_i32_1 = arith.constant 0 : i32
    return %c0_i32, %arg0, %c0_i32_0 : i32, i32, i32
  }
  func.func @transform_1(%arg0: i32) -> (i32, i32, i32) {
    %c0_i32 = arith.constant 0 : i32
    %c0_i32_0 = arith.constant 0 : i32
    %c0_i32_1 = arith.constant 0 : i32
    return %c0_i32, %arg0, %c0_i32_0 : i32, i32, i32
  }
  func.func @transform_2(%arg0: i32) -> (i32, i32) {
    %c0_i32 = arith.constant 0 : i32
    %c0_i32_0 = arith.constant 0 : i32
    return %arg0, %c0_i32 : i32, i32
  }
  func.func @transform_3(%arg0: i32) -> (i32, i32) {
    %c0_i32 = arith.constant 0 : i32
    %c0_i32_0 = arith.constant 0 : i32
    %c0_i32_1 = arith.constant 0 : i32
    return %c0_i32, %c0_i32_0 : i32, i32
  }
  func.func @transform_4(%arg0: i32) -> (i32, i32) {
    %c0_i32 = arith.constant 0 : i32
    %c0_i32_0 = arith.constant 0 : i32
    %c0_i32_1 = arith.constant 0 : i32
    return %c0_i32, %c0_i32_0 : i32, i32
  }
  func.func @transform_5(%arg0: i32) -> (i32, i32) {
    %c0_i32 = arith.constant 0 : i32
    %c0_i32_0 = arith.constant 0 : i32
    %c0_i32_1 = arith.constant 0 : i32
    return %c0_i32, %c0_i32_0 : i32, i32
  }
  func.func @transform_6(%arg0: i32) -> (i32, i32) {
    %c0_i32 = arith.constant 0 : i32
    %c0_i32_0 = arith.constant 0 : i32
    return %arg0, %c0_i32 : i32, i32
  }
  func.func @transform_7(%arg0: i32) -> (i32, i32) {
    %c0_i32 = arith.constant 0 : i32
    %c0_i32_0 = arith.constant 0 : i32
    %c0_i32_1 = arith.constant 0 : i32
    return %c0_i32, %c0_i32_0 : i32, i32
  }
}

module attributes {stable_mosaic.version = 14 : i64} {
  func.func @body(%arg0: i32, %arg1: memref<1000x128xf32, #tpu.memory_space<vmem>>, %arg2: memref<8x128xf32, #tpu.memory_space<vmem>>, %arg3: memref<1x128xf32, #tpu.memory_space<vmem>>, %arg4: memref<1x128xf32, #tpu.memory_space<vmem>>, %arg5: memref<1000x128xf32, #tpu.memory_space<vmem>>) attributes {dimension_semantics = [#tpu.dimension_semantics<arbitrary>], iteration_bounds = array<i64: 10>, scalar_prefetch = 0 : i64, scratch_operands = 0 : i64, tpu.core_type = #tpu.core_type<tc>, window_params = [{transform_indices = @transform_0, window_bounds = array<i64: 1000, 128>}, {pipeline_mode = #tpu.pipeline_mode<synchronous>, transform_indices = @transform_1, window_bounds = array<i64: 8, 128>}, {pipeline_mode = #tpu.pipeline_mode<synchronous>, transform_indices = @transform_2, window_bounds = array<i64: 1, 128>}, {pipeline_mode = #tpu.pipeline_mode<synchronous>, transform_indices = @transform_3, window_bounds = array<i64: 1, 128>}, {transform_indices = @transform_4, window_bounds = array<i64: 1000, 128>}]} {
    %get3A = arith.constant 0 : index
    %get3A_0 = arith.constant 0 : index
    %get3A_1 = vector.load %arg2[%get3A, %get3A_0] : memref<8x128xf32, #tpu.memory_space<vmem>>, vector<1x128xf32>
    %mul3A = arith.constant 9.99999974E-5 : f32
    %mul3A_2 = vector.broadcast %mul3A : f32 to vector<1x128xf32>
    %mul3A_3 = arith.mulf %get3A_1, %mul3A_2 : vector<1x128xf32>
    %get3A_4 = arith.constant 1 : index
    %get3A_5 = arith.constant 0 : index
    %get3A_6 = vector.load %arg2[%get3A_4, %get3A_5] : memref<8x128xf32, #tpu.memory_space<vmem>>, vector<1x128xf32>
    %mul3A_7 = arith.constant 9.99999974E-5 : f32
    %mul3A_8 = vector.broadcast %mul3A_7 : f32 to vector<1x128xf32>
    %mul3A_9 = arith.mulf %get3A_6, %mul3A_8 : vector<1x128xf32>
    %mul3A_10 = arith.mulf %mul3A_3, %mul3A_3 : vector<1x128xf32>
    %sub3A = arith.subf %mul3A_9, %mul3A_10 : vector<1x128xf32>
    %add3A = arith.constant 9.99999974E-6 : f32
    %add3A_11 = vector.broadcast %add3A : f32 to vector<1x128xf32>
    %add3A_12 = arith.addf %sub3A, %add3A_11 : vector<1x128xf32>
    %rsqrt3A = math.rsqrt %add3A_12 : vector<1x128xf32>
    %get3A_13 = arith.constant 0 : index
    %get3A_14 = arith.constant 0 : index
    %get3A_15 = vector.load %arg3[%get3A_13, %get3A_14] : memref<1x128xf32, #tpu.memory_space<vmem>>, vector<1x128xf32>
    %mul3A_16 = arith.mulf %rsqrt3A, %get3A_15 : vector<1x128xf32>
    %get3A_17 = arith.constant 0 : index
    %get3A_18 = arith.constant 0 : index
    %get3A_19 = vector.load %arg1[%get3A_17, %get3A_18] : memref<1000x128xf32, #tpu.memory_space<vmem>>, vector<1000x128xf32>
    %sub3A_20 = vector.broadcast %mul3A_3 : vector<1x128xf32> to vector<1000x128xf32>
    %sub3A_21 = arith.subf %get3A_19, %sub3A_20 : vector<1000x128xf32>
    %mul3A_22 = vector.broadcast %mul3A_16 : vector<1x128xf32> to vector<1000x128xf32>
    %mul3A_23 = arith.mulf %sub3A_21, %mul3A_22 : vector<1000x128xf32>
    %get3A_24 = arith.constant 0 : index
    %get3A_25 = arith.constant 0 : index
    %get3A_26 = vector.load %arg4[%get3A_24, %get3A_25] : memref<1x128xf32, #tpu.memory_space<vmem>>, vector<1x128xf32>
    %add3A_27 = vector.broadcast %get3A_26 : vector<1x128xf32> to vector<1000x128xf32>
    %add3A_28 = arith.addf %mul3A_23, %add3A_27 : vector<1000x128xf32>
    %max3A = arith.constant 0.000000e+00 : f32
    %max3A_29 = vector.broadcast %max3A : f32 to vector<1000x128xf32>
    %max3A_30 = arith.maximumf %add3A_28, %max3A_29 : vector<1000x128xf32>
    %swap3A = arith.constant 0 : index
    %swap3A_31 = arith.constant 0 : index
    %swap3A_32 = vector.load %arg5[%swap3A, %swap3A_31] : memref<1000x128xf32, #tpu.memory_space<vmem>>, vector<1000x128xf32>
    tpu.vector_store %arg5[%swap3A, %swap3A_31], %max3A_30 {strides = array<i32>} : memref<1000x128xf32, #tpu.memory_space<vmem>>, vector<1000x128xf32>,
    return
  }
  func.func @transform_0(%arg0: i32) -> (i32, i32) {
    %c0_i32 = arith.constant 0 : i32
    %c0_i32_0 = arith.constant 0 : i32
    return %arg0, %c0_i32 : i32, i32
  }
  func.func @transform_1(%arg0: i32) -> (i32, i32) {
    %c0_i32 = arith.constant 0 : i32
    %c0_i32_0 = arith.constant 0 : i32
    %c0_i32_1 = arith.constant 0 : i32
    return %c0_i32, %c0_i32_0 : i32, i32
  }
  func.func @transform_2(%arg0: i32) -> (i32, i32) {
    %c0_i32 = arith.constant 0 : i32
    %c0_i32_0 = arith.constant 0 : i32
    %c0_i32_1 = arith.constant 0 : i32
    return %c0_i32, %c0_i32_0 : i32, i32
  }
  func.func @transform_3(%arg0: i32) -> (i32, i32) {
    %c0_i32 = arith.constant 0 : i32
    %c0_i32_0 = arith.constant 0 : i32
    %c0_i32_1 = arith.constant 0 : i32
    return %c0_i32, %c0_i32_0 : i32, i32
  }
  func.func @transform_4(%arg0: i32) -> (i32, i32) {
    %c0_i32 = arith.constant 0 : i32
    %c0_i32_0 = arith.constant 0 : i32
    return %arg0, %c0_i32 : i32, i32
  }
}

module attributes {stable_mosaic.version = 14 : i64} {
  func.func @body(%arg0: i32, %arg1: memref<1000x128xf32, #tpu.memory_space<vmem>>, %arg2: memref<8x128xf32, #tpu.memory_space<vmem>>, %arg3: memref<1x128xf32, #tpu.memory_space<vmem>>, %arg4: memref<1x128xf32, #tpu.memory_space<vmem>>, %arg5: memref<128x128xf32, #tpu.memory_space<vmem>>, %arg6: memref<1x128xf32, #tpu.memory_space<vmem>>, %arg7: memref<1000x128xf32, #tpu.memory_space<vmem>>) attributes {dimension_semantics = [#tpu.dimension_semantics<arbitrary>], iteration_bounds = array<i64: 10>, scalar_prefetch = 0 : i64, scratch_operands = 0 : i64, tpu.core_type = #tpu.core_type<tc>, window_params = [{transform_indices = @transform_0, window_bounds = array<i64: 1000, 128>}, {pipeline_mode = #tpu.pipeline_mode<synchronous>, transform_indices = @transform_1, window_bounds = array<i64: 8, 128>}, {pipeline_mode = #tpu.pipeline_mode<synchronous>, transform_indices = @transform_2, window_bounds = array<i64: 1, 128>}, {pipeline_mode = #tpu.pipeline_mode<synchronous>, transform_indices = @transform_3, window_bounds = array<i64: 1, 128>}, {pipeline_mode = #tpu.pipeline_mode<synchronous>, transform_indices = @transform_4, window_bounds = array<i64: 128, 128>}, {pipeline_mode = #tpu.pipeline_mode<synchronous>, transform_indices = @transform_5, window_bounds = array<i64: 1, 128>}, {transform_indices = @transform_6, window_bounds = array<i64: 1000, 128>}]} {
    %get3A = arith.constant 0 : index
    %get3A_0 = arith.constant 0 : index
    %get3A_1 = vector.load %arg2[%get3A, %get3A_0] : memref<8x128xf32, #tpu.memory_space<vmem>>, vector<1x128xf32>
    %mul3A = arith.constant 9.99999974E-5 : f32
    %mul3A_2 = vector.broadcast %mul3A : f32 to vector<1x128xf32>
    %mul3A_3 = arith.mulf %get3A_1, %mul3A_2 : vector<1x128xf32>
    %get3A_4 = arith.constant 1 : index
    %get3A_5 = arith.constant 0 : index
    %get3A_6 = vector.load %arg2[%get3A_4, %get3A_5] : memref<8x128xf32, #tpu.memory_space<vmem>>, vector<1x128xf32>
    %mul3A_7 = arith.constant 9.99999974E-5 : f32
    %mul3A_8 = vector.broadcast %mul3A_7 : f32 to vector<1x128xf32>
    %mul3A_9 = arith.mulf %get3A_6, %mul3A_8 : vector<1x128xf32>
    %mul3A_10 = arith.mulf %mul3A_3, %mul3A_3 : vector<1x128xf32>
    %sub3A = arith.subf %mul3A_9, %mul3A_10 : vector<1x128xf32>
    %add3A = arith.constant 9.99999974E-6 : f32
    %add3A_11 = vector.broadcast %add3A : f32 to vector<1x128xf32>
    %add3A_12 = arith.addf %sub3A, %add3A_11 : vector<1x128xf32>
    %rsqrt3A = math.rsqrt %add3A_12 : vector<1x128xf32>
    %get3A_13 = arith.constant 0 : index
    %get3A_14 = arith.constant 0 : index
    %get3A_15 = vector.load %arg3[%get3A_13, %get3A_14] : memref<1x128xf32, #tpu.memory_space<vmem>>, vector<1x128xf32>
    %mul3A_16 = arith.mulf %rsqrt3A, %get3A_15 : vector<1x128xf32>
    %get3A_17 = arith.constant 0 : index
    %get3A_18 = arith.constant 0 : index
    %get3A_19 = vector.load %arg1[%get3A_17, %get3A_18] : memref<1000x128xf32, #tpu.memory_space<vmem>>, vector<1000x128xf32>
    %sub3A_20 = vector.broadcast %mul3A_3 : vector<1x128xf32> to vector<1000x128xf32>
    %sub3A_21 = arith.subf %get3A_19, %sub3A_20 : vector<1000x128xf32>
    %mul3A_22 = vector.broadcast %mul3A_16 : vector<1x128xf32> to vector<1000x128xf32>
    %mul3A_23 = arith.mulf %sub3A_21, %mul3A_22 : vector<1000x128xf32>
    %get3A_24 = arith.constant 0 : index
    %get3A_25 = arith.constant 0 : index
    %get3A_26 = vector.load %arg4[%get3A_24, %get3A_25] : memref<1x128xf32, #tpu.memory_space<vmem>>, vector<1x128xf32>
    %add3A_27 = vector.broadcast %get3A_26 : vector<1x128xf32> to vector<1000x128xf32>
    %add3A_28 = arith.addf %mul3A_23, %add3A_27 : vector<1000x128xf32>
    %max3A = arith.constant 0.000000e+00 : f32
    %max3A_29 = vector.broadcast %max3A : f32 to vector<1000x128xf32>
    %max3A_30 = arith.maximumf %add3A_28, %max3A_29 : vector<1000x128xf32>
    %get3A_31 = arith.constant 0 : index
    %get3A_32 = arith.constant 0 : index
    %get3A_33 = vector.load %arg5[%get3A_31, %get3A_32] : memref<128x128xf32, #tpu.memory_space<vmem>>, vector<128x128xf32>
    %dot_general3A = arith.constant dense<0.000000e+00> : vector<1000x128xf32>
    %dot_general3A_34 = tpu.matmul %max3A_30, %get3A_33, %dot_general3A {dimension_numbers = #tpu.dot_dimension_numbers<[1], [1], [0], [0], [0, 0, 1, 0], [], []>, precision = #tpu.contract_precision<fp32>, transpose_lhs_hint = false} : vector<1000x128xf32>, vector<128x128xf32>, vector<1000x128xf32> -> vector<1000x128xf32>
    %get3A_35 = arith.constant 0 : index
    %get3A_36 = arith.constant 0 : index
    %get3A_37 = vector.load %arg6[%get3A_35, %get3A_36] : memref<1x128xf32, #tpu.memory_space<vmem>>, vector<1x128xf32>
    %add3A_38 = vector.broadcast %get3A_37 : vector<1x128xf32> to vector<1000x128xf32>
    %add3A_39 = arith.addf %dot_general3A_34, %add3A_38 : vector<1000x128xf32>
    %swap3A = arith.constant 0 : index
    %swap3A_40 = arith.constant 0 : index
    %swap3A_41 = vector.load %arg7[%swap3A, %swap3A_40] : memref<1000x128xf32, #tpu.memory_space<vmem>>, vector<1000x128xf32>
    tpu.vector_store %arg7[%swap3A, %swap3A_40], %add3A_39 {strides = array<i32>} : memref<1000x128xf32, #tpu.memory_space<vmem>>, vector<1000x128xf32>,
    return
  }
  func.func @transform_0(%arg0: i32) -> (i32, i32) {
    %c0_i32 = arith.constant 0 : i32
    %c0_i32_0 = arith.constant 0 : i32
    return %arg0, %c0_i32 : i32, i32
  }
  func.func @transform_1(%arg0: i32) -> (i32, i32) {
    %c0_i32 = arith.constant 0 : i32
    %c0_i32_0 = arith.constant 0 : i32
    %c0_i32_1 = arith.constant 0 : i32
    return %c0_i32, %c0_i32_0 : i32, i32
  }
  func.func @transform_2(%arg0: i32) -> (i32, i32) {
    %c0_i32 = arith.constant 0 : i32
    %c0_i32_0 = arith.constant 0 : i32
    %c0_i32_1 = arith.constant 0 : i32
    return %c0_i32, %c0_i32_0 : i32, i32
  }
  func.func @transform_3(%arg0: i32) -> (i32, i32) {
    %c0_i32 = arith.constant 0 : i32
    %c0_i32_0 = arith.constant 0 : i32
    %c0_i32_1 = arith.constant 0 : i32
    return %c0_i32, %c0_i32_0 : i32, i32
  }
  func.func @transform_4(%arg0: i32) -> (i32, i32) {
    %c0_i32 = arith.constant 0 : i32
    %c0_i32_0 = arith.constant 0 : i32
    %c0_i32_1 = arith.constant 0 : i32
    return %c0_i32, %c0_i32_0 : i32, i32
  }
  func.func @transform_5(%arg0: i32) -> (i32, i32) {
    %c0_i32 = arith.constant 0 : i32
    %c0_i32_0 = arith.constant 0 : i32
    %c0_i32_1 = arith.constant 0 : i32
    return %c0_i32, %c0_i32_0 : i32, i32
  }
  func.func @transform_6(%arg0: i32) -> (i32, i32) {
    %c0_i32 = arith.constant 0 : i32
    %c0_i32_0 = arith.constant 0 : i32
    return %arg0, %c0_i32 : i32, i32
  }
}

</mosaic_0001>

<sc_bundles>
// kernel: kernel.15.cloned.1.call-start
scs
__scs_entry_jumppad:
0x0: {  	(pc) =	sbr.rel $0x88, $3  }
0x1: {  	(tag) =	ssettag $0x0;
	lr =	simm.s32 $0x1  }
0x2: {  	[smem:$0x3F88] =	sst lr;
	_ =	strace $0xD0000000  }
0x3: {  	_ = 	snop  }
0x4: {  	_ = 	snop  }
0x5: {  	_ = 	snop  }
0x6: {  	_ = 	snop  }
0x7: {  	_ = 	snop  }
__scs_overlays_trampoline_lowered:
0x8: {  	[smem:$0x3F97] =	sst s0  }
0x9: {  	[smem:$0x3F98] =	sst s1  }
0xa: {  	[smem:$0x3F99] =	sst s2  }
0xb: {  	[smem:$0x3F9A] =	sst s3  }
0xc: {  	[smem:$0x3F9B] =	sst s4  }
0xd: {  	[smem:$0x3F9C] =	sst s5  }
0xe: {  	[smem:$0x3F9D] =	sst s6  }
0xf: {  	[smem:$0x3F9E] =	sst s7  }
0x10: {  	[smem:$0x3F9F] =	sst s8  }
0x11: {  	[smem:$0x3FA0] =	sst s9;
	s0 =	simm.s32 @!p0 $0x0  }
0x12: {  	s1 =	sld [smem:$0x3F86];
	s0 =	simm.s32 @p0 $0x1  }
0x13: {  	[smem:$0x3FA1] =	sst s0;
	s0 =	simm.s32 @!p1 $0x0  }
0x14: {  	s2 =	sld [smem:$0x3F85];
	s0 =	simm.s32 @p1 $0x1  }
0x15: {  	[smem:$0x3FA2] =	sst s0;
	s0 =	simm.s32 @!p2 $0x0  }
0x16: {  	s3 =	sld [smem:$0x3FDB];
	s0 =	simm.s32 @p2 $0x1  }
0x17: {  	s4 =	simm.s32 $0x1BF5;
	[smem:$0x3FA4] =	sst s0  }
0x18: {  	s0 =	sld [smem:$0x3F87];
	_ =	swait.ge [sflag:s4], $0x0  }
0x19: {  	s7 =	sld [smem:$0x3F88]  }
0x1a: {  	s8 =	sadd.s32 $0xFFFFE003, lr  }
0x1b: {  	s9 =	sadd.s32 $0xFFFFFEF7, lr;
	s5 =	simm.s32 $0xFFFFFFFF;
	p2 =	slt.u32 s8, $0xFFFFF086  }
0x1c: {  	p1 =	slt.u32 s9, $0xF7A;
	s5 =	simm.s32 @!p2 $0x0  }
0x1d: {  	s5 =	simm.s32 @p1 $0x1;
	p0 =	seq.s32 s7, s2  }
0x1e: {  	s7 =	smul.u32 @!p0 $0xF7A, s2;
	p2 =	seq.s32 @!p0 s5, $0x0  }
0x1f: {  	s9 =	smul.u32 $0xF7A, s1;
	s8 =	simm.s32 @!p0 $0x1BF5;
	p2 =	por !p2, p0  }
0x20: {  	[sflag:s8] =	ssyncset.s32 @!p0 $0xFFFFF086;
	s6 =	sadd.s32 @!p0 s3, s7;
	s7 =	simm.s32 @!p0 $0x108  }
0x21: {  	s3 =	sadd.s32 s3, s9;
	s6 =	sadd.s32 @!p0 $0x88, s6;
	s7 =	simm.s32 @p2 $0x1082  }
0x22: {  	[simem:s7], [sflag:s8] =	dma.local @!p0 [hbm:s6], $0xF7A  }
0x23: {  	s9 =	sor.u32 $0xD0000000, s2;
	s6 =	simm.s32 $0x108;
	_ =	swait.ge @!p0 [sflag:s8], $0x0  }
0x24: {  	s3 =	sadd.s32 $0x88, s3;
	s6 =	simm.s32 @!p1 $0x1082;
	[sflag:s4] =	ssyncset.s32 $0xFFFFF086  }
0x25: {  	[simem:s6], [sflag:s4] =	dma.local [hbm:s3], $0xF7A  }
0x26: {  	[smem:$0x3F88] =	sst s1;
	(tag) =	ssettag s2;
	_ =	strace s9  }
0x27: {  	s1 =	sld [smem:$0x3F98]  }
0x28: {  	s2 =	sld [smem:$0x3F99]  }
0x29: {  	s4 =	sld [smem:$0x3F9B]  }
0x2a: {  	p0 =	seq.s32 s5, $0x0;
	s5 =	sld [smem:$0x3F9C]  }
0x2b: {  	s6 =	sld [smem:$0x3F9D]  }
0x2c: {  	s7 =	sld [smem:$0x3F9E]  }
0x2d: {  	s3 =	simm.s32 $0x108;
	s8 =	sld [smem:$0x3F9F]  }
0x2e: {  	s3 =	simm.s32 @!p0 $0x1082;
	s9 =	sld [smem:$0x3FA0]  }
0x2f: {  	lr =	sadd.s32 s0, s3;
	s0 =	sld [smem:$0x3F97]  }
0x30: {  	s3 =	sld [smem:$0x3F9A]  }
0x31: {  	[smem:$0x3FA3] =	sst s10  }
0x32: {  	s10 =	sld [smem:$0x3FA1];
	_ =	sdelay $0x3  }
0x33: {  	p0 =	seq.s32 s10, $0x1;
	s10 =	sld [smem:$0x3FA3];
	_ =	sdelay $0x3  }
0x34: {  	[smem:$0x3FA3] =	sst s10  }
0x35: {  	s10 =	sld [smem:$0x3FA2];
	_ =	sdelay $0x3  }
0x36: {  	p1 =	seq.s32 s10, $0x1;
	s10 =	sld [smem:$0x3FA3];
	_ =	sdelay $0x3  }
0x37: {  	[smem:$0x3FA3] =	sst s10  }
0x38: {  	s10 =	sld [smem:$0x3FA4]  }
0x39: {  	_ = 	snop;
	(pc) =	sbr.ind lr, $3  }
0x3a: {  	_ = 	snop  }
0x3b: {  	_ = 	snop  }
0x3c: {  	p2 =	seq.s32 s10, $0x1;
	s10 =	sld [smem:$0x3FA3]  }
0x3d: {  	_ =	shalt  }
0x3e: {  	_ =	shalt  }
0x3f: {  	_ =	shalt  }
0x40: {  	_ =	shalt  }
0x41: {  	_ =	shalt  }
0x42: {  	_ =	shalt  }
0x43: {  	_ =	shalt  }
0x44: {  	_ =	shalt  }
0x45: {  	_ =	shalt  }
0x46: {  	_ =	shalt  }
0x47: {  	_ =	shalt  }
0x48: {  	_ =	shalt  }
0x49: {  	_ =	shalt  }
0x4a: {  	_ =	shalt  }
0x4b: {  	_ =	shalt  }
0x4c: {  	_ =	shalt  }
0x4d: {  	_ =	shalt  }
0x4e: {  	_ =	shalt  }
0x4f: {  	_ =	shalt  }
0x50: {  	_ =	shalt  }
0x51: {  	_ =	shalt  }
0x52: {  	_ =	shalt  }
0x53: {  	_ =	shalt  }
0x54: {  	_ =	shalt  }
0x55: {  	_ =	shalt  }
0x56: {  	_ =	shalt  }
0x57: {  	_ =	shalt  }
0x58: {  	_ =	shalt  }
0x59: {  	_ =	shalt  }
0x5a: {  	_ =	shalt  }
0x5b: {  	_ =	shalt  }
0x5c: {  	_ =	shalt  }
0x5d: {  	_ =	shalt  }
0x5e: {  	_ =	shalt  }
0x5f: {  	_ =	shalt  }
0x60: {  	_ =	shalt  }
0x61: {  	_ =	shalt  }
0x62: {  	_ =	shalt  }
0x63: {  	_ =	shalt  }
0x64: {  	_ =	shalt  }
0x65: {  	_ =	shalt  }
0x66: {  	_ =	shalt  }
0x67: {  	_ =	shalt  }
0x68: {  	_ =	shalt  }
0x69: {  	_ =	shalt  }
0x6a: {  	_ =	shalt  }
0x6b: {  	_ =	shalt  }
0x6c: {  	_ =	shalt  }
0x6d: {  	_ =	shalt  }
0x6e: {  	_ =	shalt  }
0x6f: {  	_ =	shalt  }
0x70: {  	_ =	shalt  }
0x71: {  	_ =	shalt  }
0x72: {  	_ =	shalt  }
0x73: {  	_ =	shalt  }
0x74: {  	_ =	shalt  }
0x75: {  	_ =	shalt  }
0x76: {  	_ =	shalt  }
0x77: {  	_ =	shalt  }
0x78: {  	_ =	shalt  }
0x79: {  	_ =	shalt  }
0x7a: {  	_ =	shalt  }
0x7b: {  	_ =	shalt  }
0x7c: {  	_ =	shalt  }
0x7d: {  	_ =	shalt  }
0x7e: {  	_ =	shalt  }
0x7f: {  	_ =	shalt  }
0x80: {  	_ =	shalt  }
0x81: {  	_ =	shalt  }
0x82: {  	_ =	shalt  }
0x83: {  	_ =	shalt  }
0x84: {  	_ =	shalt  }
0x85: {  	_ =	shalt  }
0x86: {  	_ =	shalt  }
0x87: {  	_ =	shalt  }
.Lfunc_end0:
.L_simem_size_0:
called_computation_lowered:
.L_overlay_start_0:
0x88: {  	s2 =	sld [smem:$0x3FD9]  }
0x89: {  	s3 =	sld [smem:$0x3FFE];
	_ =	sdelay $0x1  }
0x8a: {  	s1 =	srdreg.scid  }
0x8b: {  	s0 =	sand.u32 $0x1, s1  }
0x8c: {  	s17 =	sshll.u32 s0, $0xA;
	s2 =	sadd.s32 s3, s2  }
0x8d: {  	s2 =	sadd.s32 s2, s17  }
0x8e: {  	[smem:$0x3FAF] =	sst s2  }
0x8f: {  	_ = 	snop  }
0x90: {  	s2 =	sld [smem:$0x3FD0];
	(tm) =	ssettm $0x1  }
0x91: {  	s18 =	sld [smem:$0x3FFB];
	_ =	sdelay $0x3  }
0x92: {  	_ =	strace s18  }
0x93: {  	s3 =	sld [smem:$0x3FFC];
	_ =	sdelay $0x3  }
0x94: {  	_ =	strace s3  }
0x95: {  	s3 =	sld [smem:$0x3FFD];
	_ =	sdelay $0x3  }
0x96: {  	_ =	strace s3  }
0x97: {  	_ =	strace $0x8FFFFFFF  }
0x98: {  	s19 =	sld [smem:$0x3FDB];
	_ =	sdelay $0x1  }
0x99: {  	s4 =	simm.s32 $_scs_section_size  }
0x9a: {  	s5 =	simm.s32 $_size__tile_overlayer_lowered;
	s6 =	simm.s32 $_tile_overlayer_lowered  }
0x9b: {  	s22 =	simm.s32 $0x1BFF;
	s21 =	sshll.u32 s6, $0x1;
	s3 =	sadd.s32 s4, s19  }
0x9c: {  	s7 =	simm.s32 $0x0;
	s20 =	sshll.u32 s5, $0x1;
	s5 =	sadd.s32 s21, s3  }
0x9d: {  	[timem:s7], [sflag:s22] =	dma.local [hbm:s5], s20  }
0x9e: {  	_ =	swait.ge [sflag:s22], s20  }
0x9f: {  	s4 =	ssub.s32 $0x0, s20;
	[sflag:s22] =	ssyncset.done $0x0  }
0xa0: {  	[sflag:s22] =	ssyncadd.s32 s4;
	_ =	sdelay $0x1  }
0xa1: {  	s23 =	simm.s32 $0x1B8B  }
0xa2: {  	_ =	swait.ge [sflag:s23], $0x1  }
0xa3: {  	[sflag:s23] =	ssyncset.done $0x0  }
0xa4: {  	s25 =	simm.s32 $0x1B8E;
	s24 =	sld [smem:$0x3FFE];
	[sflag:s23] =	ssyncadd.s32 $0xFFFFFFFF  }
0xa5: {  	s26 =	simm.s32 $execute0_lowered;
	[smem:$0x3FD2] =	sst s25  }
0xa6: {  	s5 =	sshll.u32 s26, $0x1;
	_ =	strace $0x80000046;
	[dreg:$0x1] =	wrdreg $0xFFFFFFFF  }
0xa7: {  	s28 =	simm.s32 $_size_execute0_lowered;
	s3 =	sadd.s32 s3, s5;
	[dreg:$0x0] =	wrdreg $0x0  }
0xa8: {  	s5 =	sshll.u32 s28, $0x1;
	[dreg:$0x2] =	wrdreg s3  }
0xa9: {  	[dreg:$0x3] =	wrdreg s5  }
0xaa: {  	[dreg:$0x4] =	wrdreg $0xC0  }
0xab: {  	_ =	task [dreg:s7], $0x5FFFF  }
0xac: {  	[dreg:$0x1] =	wrdreg $0xFFFFFFFF  }
0xad: {  	[dreg:$0x0] =	wrdreg $0x60  }
0xae: {  	[dreg:$0x2] =	wrdreg s24  }
0xaf: {  	[dreg:$0x3] =	wrdreg s2  }
0xb0: {  	[dreg:$0x4] =	wrdreg $0x61000  }
0xb1: {  	[dreg:$0x5] =	wrdreg $0x9  }
0xb2: {  	_ =	task.clear_ibuf [dreg:s7], $0x6FFFF;
	_ =	strace $0x90000046  }
0xb3: {  	s29 =	simm.s32 $0x9;
	_ =	strace $0x80000048  }
0xb4: {  	_ =	swait.ge [sflag:s29], $0x1  }
0xb5: {  	[sflag:s29] =	ssyncadd.s32 $0xFFFFFFFF  }
0xb6: {  	_ =	strace $0x90000048  }
0xb7: {  	_ =	sfence  }
0xb8: {  	s30 =	sld [smem:$0x0];
	_ =	sdelay $0x2  }
0xb9: {  	s31 =	sshll.u32 s1, $0xD;
	s1 =	sshrl.u32 s1, $0x2  }
0xba: {  	s3 =	sand.u32 $0x4000, s31;
	s1 =	sadd.s32 s1, s30  }
0xbb: {  	s0 =	sor.u32 s3, s0;
	s1 =	sshll.u32 s1, $0x11  }
0xbc: {  	s0 =	sor.u32 s1, s0  }
0xbd: {  	s0 =	sadd.s32 $0x8F2B, s0  }
0xbe: {  	[sflag:s0] =	ssyncadd.remote.s32 $0x1  }
0xbf: {  	_ =	sfence.sel $0xFFFF  }
0xc0: {  	[dreg:$0x0] =	wrdreg $0xFFFFFFFF;
	(pc) =	sbr.abs _section_cstart, $3  }
0xc1: {  	[dreg:$0x1] =	wrdreg $0xFFFFFFFF  }
0xc2: {  	_ =	task.clear_ibuf [dreg:s7], $0x2FFFF;
	_ =	strace $0x9FFFFFFF  }
0xc3: {  	(tm) =	ssettm $0x7FFFFFFF  }
tec
execute0_lowered:
.L_overlay_start_1:
0x0: {  	(tag) =	ssettag $0x1  }
0x1: {  	s0 =	srdreg.scid  }
0x2: {  	s26 =	stileid.u32;
	s1 =	simm.s32 $0x0;
	s30 =	simm.s32 $0x3  }
0x3: {  	s31 =	simm.s32 $0x4100;
	s6 =	sand.u32 $0x1, s0;
	s0 =	rddreg [dreg:$0x0]  }
0x4: {  	s8 =	smul.u32 $0x14000, s26;
	[smem:$0x7FF] =	sst s1;
	s4 =	sshll.u32 s26, $0x1  }
0x5: {  	s7 =	smul.u32 $0x140000, s6;
	s9 =	sadd.s32 $0x19800, s0;
	s2 =	ssub.s32 $0x2, s6  }
0x6: {  	s10 =	sor.u32 s6, s4;
	s25 =	sadd.s32 $0x69800, s0;
	s3 =	sshrl.u32 s2, $0x1  }
0x7: {  	s4 =	sadd.s32 $0x4000, s8;
	s15 =	sadd.s32 $0x8000, s8;
	s16 =	sadd.s32 $0xA000, s8  }
0x8: {  	s17 =	sadd.s32 $0xC000, s8;
	s21 =	sadd.s32 $0xE000, s8;
	s22 =	sadd.s32 $0x10000, s8  }
0x9: {  	s10 =	smul.u32 $0x2780, s10;
	s5 =	sadd.s32 s7, s8;
	s2 =	ssub.s32 s2, s3  }
0xa: {  	s3 =	sor.u32 $0x2000, s8;
	s13 =	sadd.s32 s7, s4;
	s11 =	sshrl.u32 s5, $0x3  }
0xb: {  	s18 =	sadd.s32 s7, s15;
	s12 =	sadd.s32 s7, s3;
	s28 =	sadd.s32 s9, s11  }
0xc: {  	s12 =	sshrl.u32 s12, $0x3;
	s11 =	sadd.s32 s25, s11;
	[dreg:$0x4] =	wrdreg s28  }
0xd: {  	s5 =	sadd.s32 $0x6000, s8;
	s28 =	sadd.s32 s9, s12;
	[dreg:$0xe] =	wrdreg s11  }
0xe: {  	s13 =	sshrl.u32 s13, $0x3;
	s11 =	sadd.s32 s25, s12;
	[dreg:$0x5] =	wrdreg s28  }
0xf: {  	s14 =	sadd.s32 s7, s5;
	s12 =	sadd.s32 s25, s13;
	[dreg:$0xf] =	wrdreg s11  }
0x10: {  	s14 =	sshrl.u32 s14, $0x3;
	s28 =	sadd.s32 s9, s13;
	[dreg:$0x10] =	wrdreg s12  }
0x11: {  	s19 =	sadd.s32 s7, s16;
	s13 =	sadd.s32 s25, s14;
	[dreg:$0x6] =	wrdreg s28  }
0x12: {  	s18 =	sshrl.u32 s18, $0x3;
	s28 =	sadd.s32 s9, s14;
	[dreg:$0x11] =	wrdreg s13  }
0x13: {  	s20 =	sadd.s32 s7, s17;
	s14 =	sadd.s32 s25, s18;
	[dreg:$0x7] =	wrdreg s28  }
0x14: {  	s19 =	sshrl.u32 s19, $0x3;
	s28 =	sadd.s32 s9, s18;
	[dreg:$0x12] =	wrdreg s14  }
0x15: {  	s23 =	sadd.s32 s7, s21;
	s18 =	sadd.s32 s25, s19;
	[dreg:$0x8] =	wrdreg s28  }
0x16: {  	s20 =	sshrl.u32 s20, $0x3;
	s28 =	sadd.s32 s9, s19;
	[dreg:$0x13] =	wrdreg s18  }
0x17: {  	s24 =	sadd.s32 s7, s22;
	s19 =	sadd.s32 s25, s20;
	[dreg:$0x9] =	wrdreg s28  }
0x18: {  	s23 =	sshrl.u32 s23, $0x3;
	s28 =	sadd.s32 s9, s20;
	[dreg:$0x14] =	wrdreg s19  }
0x19: {  	s8 =	sadd.s32 $0x12000, s8;
	s20 =	sadd.s32 s25, s23;
	[dreg:$0xa] =	wrdreg s28  }
0x1a: {  	s24 =	sshrl.u32 s24, $0x3;
	s28 =	sadd.s32 s9, s23;
	[dreg:$0x15] =	wrdreg s20  }
0x1b: {  	s7 =	sadd.s32 s7, s8;
	s23 =	sadd.s32 s25, s24;
	[dreg:$0xb] =	wrdreg s28  }
0x1c: {  	s6 =	smul.u32 $0x2780, s6;
	s7 =	sshrl.u32 s7, $0x3;
	[dreg:$0x16] =	wrdreg s23  }
0x1d: {  	s11 =	sshrl.u32 s10, $0x3;
	s28 =	sadd.s32 s9, s24;
	s23 =	rddreg [dreg:$0x2]  }
0x1e: {  	s12 =	smax.u32 s2, $0x1;
	s9 =	sadd.s32 s9, s7;
	[dreg:$0xc] =	wrdreg s28  }
0x1f: {  	s24 =	smul.u32 $0x4F00, s26;
	s7 =	sadd.s32 s25, s7;
	[dreg:$0xd] =	wrdreg s9  }
0x20: {  	s26 =	smul.u32 $0x50000, s26;
	s25 =	sadd.s32 $0x5800, s0;
	[dreg:$0x17] =	wrdreg s7  }
0x21: {  	s13 =	sadd.s32 s4, s23;
	_ =	strace $0x80000047;
	[dreg:$0x1b] =	wrdreg s12  }
0x22: {  	s14 =	sadd.s32 s5, s23;
	s15 =	sadd.s32 s15, s23;
	[dreg:$0x1c] =	wrdreg s13  }
0x23: {  	s18 =	sadd.s32 s16, s23;
	s19 =	sadd.s32 s17, s23;
	[dreg:$0x1d] =	wrdreg s14  }
0x24: {  	s20 =	sadd.s32 s21, s23;
	s21 =	sadd.s32 s22, s23;
	[dreg:$0x1e] =	wrdreg s15  }
0x25: {  	s28 =	simm.s32 $0x1;
	s9 =	sadd.s32 s6, s24;
	[dreg:$0x1f] =	wrdreg s18  }
0x26: {  	s7 =	sshrl.u32 s26, $0x2;
	s26 =	sadd.s32 $0xF600, s0;
	[smem:$0x7FA] =	sst s19  }
0x27: {  	s0 =	sadd.s32 $0x19400, s0;
	s6 =	sadd.s32 s25, s11;
	[smem:$0x7FB] =	sst s20  }
0x28: {  	[smem:$0x7FC] =	sst s21;
	s12 =	sadd.s32 s8, s23;
	s20 =	simm.s32 $0x80  }
0x29: {  	s21 =	simm.s32 $0x0;
	[dreg:$0x18] =	wrdreg s0;
	s29 =	sadd.s32 s7, s23  }
0x2a: {  	[dreg:$0x19] =	wrdreg s6;
	s0 =	sadd.s32 s26, s11;
	s7 =	sadd.s32 s3, s23  }
0x2b: {  	s22 =	sadd.s32 $0x80, s9;
	s9 =	sadd.s32 $0x100, s9;
	[dreg:$0x1a] =	wrdreg s0  }
0x2c: {  	s0 =	sshrl.u32 s22, $0x3;
	s24 =	sadd.s32 $0x2000, s29;
	s13 =	sadd.s32 $0x4000, s29  }
0x2d: {  	s14 =	sadd.s32 $0x6000, s29;
	s15 =	sadd.s32 $0x8000, s29;
	s16 =	sadd.s32 $0xA000, s29  }
0x2e: {  	s17 =	sadd.s32 $0xC000, s29;
	s18 =	sadd.s32 $0xE000, s29;
	s19 =	sadd.s32 $0x10000, s29  }
0x2f: {  	s22 =	sadd.s32 $0x12000, s29;
	s10 =	sadd.s32 s0, s25;
	s11 =	sadd.s32 s0, s26  }
0x30: {  	[smem:$0x7FD] =	sst s24;
	s24 =	simm.s32 $0x100;
	s0 =	simm.s32 $0x2  }
.LBB2_1:
0x31: {  	s2 =	rddreg [dreg:$0x1]  }
0x32: {  	[tilespmem:s24], [sflag:$0x3] =	stream.linear.gather [hbm4b:s2+s1], $0x4000, $0x38;
	[tilespmem:$0x1A100] =	vst v63  }
0x33: {  	_ =	swait.ge [sflag:s30], $0x4000  }
0x34: {  	[sflag:s30] =	ssyncset.done $0x0  }
0x35: {  	s4 =	rddreg [dreg:$0x18];
	[sflag:s30] =	ssyncadd.s32 $0xFFFFC000  }
0x36: {  	[tilespmem:s31], [sflag:$0x3] =	stream.linear.gather [hbm4b:s4+s1], $0x2000, $0x38;
	[tilespmem:$0x1A100] =	vst v63  }
0x37: {  	_ =	swait.ge [sflag:s30], $0x2000  }
0x38: {  	[sflag:s30] =	ssyncset.done $0x0  }
0x39: {  	[sflag:s30] =	ssyncadd.s32 $0xFFFFE000  }
0x3a: {  	[spmem:s29] =	stream.linear.scatter [tilespmem:s31], [sflag:$0x3], $0x2000, $0x38;
	[tilespmem:$0x1A100] =	vst v63  }
0x3b: {  	_ =	swait.ge [sflag:s30], $0x2000  }
0x3c: {  	s5 =	sld [smem:$0x7FD]  }
0x3d: {  	[sflag:s30] =	ssyncset.done $0x0  }
0x3e: {  	[sflag:s30] =	ssyncadd.s32 $0xFFFFE000  }
0x3f: {  	[spmem:s5] =	stream.linear.scatter [tilespmem:s31], [sflag:$0x3], $0x2000, $0x38;
	[tilespmem:$0x1A100] =	vst v63  }
0x40: {  	_ =	swait.ge [sflag:s30], $0x2000  }
0x41: {  	[sflag:s30] =	ssyncset.done $0x0  }
0x42: {  	[sflag:s30] =	ssyncadd.s32 $0xFFFFE000  }
0x43: {  	[spmem:s13] =	stream.linear.scatter [tilespmem:s31], [sflag:$0x3], $0x2000, $0x38;
	[tilespmem:$0x1A100] =	vst v63  }
0x44: {  	_ =	swait.ge [sflag:s30], $0x2000  }
0x45: {  	[sflag:s30] =	ssyncset.done $0x0  }
0x46: {  	[sflag:s30] =	ssyncadd.s32 $0xFFFFE000  }
0x47: {  	[spmem:s14] =	stream.linear.scatter [tilespmem:s31], [sflag:$0x3], $0x2000, $0x38;
	[tilespmem:$0x1A100] =	vst v63  }
0x48: {  	_ =	swait.ge [sflag:s30], $0x2000  }
0x49: {  	[sflag:s30] =	ssyncset.done $0x0  }
0x4a: {  	[sflag:s30] =	ssyncadd.s32 $0xFFFFE000  }
0x4b: {  	[spmem:s15] =	stream.linear.scatter [tilespmem:s31], [sflag:$0x3], $0x2000, $0x38;
	[tilespmem:$0x1A100] =	vst v63  }
0x4c: {  	_ =	swait.ge [sflag:s30], $0x2000  }
0x4d: {  	[sflag:s30] =	ssyncset.done $0x0  }
0x4e: {  	[sflag:s30] =	ssyncadd.s32 $0xFFFFE000  }
0x4f: {  	[spmem:s16] =	stream.linear.scatter [tilespmem:s31], [sflag:$0x3], $0x2000, $0x38;
	[tilespmem:$0x1A100] =	vst v63  }
0x50: {  	_ =	swait.ge [sflag:s30], $0x2000  }
0x51: {  	[sflag:s30] =	ssyncset.done $0x0  }
0x52: {  	[sflag:s30] =	ssyncadd.s32 $0xFFFFE000  }
0x53: {  	[spmem:s17] =	stream.linear.scatter [tilespmem:s31], [sflag:$0x3], $0x2000, $0x38;
	[tilespmem:$0x1A100] =	vst v63  }
0x54: {  	_ =	swait.ge [sflag:s30], $0x2000  }
0x55: {  	[sflag:s30] =	ssyncset.done $0x0  }
0x56: {  	[sflag:s30] =	ssyncadd.s32 $0xFFFFE000  }
0x57: {  	[spmem:s18] =	stream.linear.scatter [tilespmem:s31], [sflag:$0x3], $0x2000, $0x38;
	[tilespmem:$0x1A100] =	vst v63  }
0x58: {  	_ =	swait.ge [sflag:s30], $0x2000  }
0x59: {  	[sflag:s30] =	ssyncset.done $0x0  }
0x5a: {  	[sflag:s30] =	ssyncadd.s32 $0xFFFFE000  }
0x5b: {  	[spmem:s19] =	stream.linear.scatter [tilespmem:s31], [sflag:$0x3], $0x2000, $0x38;
	[tilespmem:$0x1A100] =	vst v63  }
0x5c: {  	_ =	swait.ge [sflag:s30], $0x2000  }
0x5d: {  	[sflag:s30] =	ssyncset.done $0x0  }
0x5e: {  	[sflag:s30] =	ssyncadd.s32 $0xFFFFE000  }
0x5f: {  	[spmem:s22] =	stream.linear.scatter [tilespmem:s31], [sflag:$0x3], $0x2000, $0x38;
	[tilespmem:$0x1A100] =	vst v63  }
0x60: {  	_ =	swait.ge [sflag:s30], $0x2000  }
0x61: {  	[sflag:s30] =	ssyncset.done $0x0  }
0x62: {  	[sflag:s30] =	ssyncadd.s32 $0xFFFFE000  }
0x63: {  	[bflag:$0x0] =	sbarrier.arrive $0xFFFF  }
0x64: {  	s6 =	rddreg [dreg:$0x19]  }
0x65: {  	[tilespmem:s1], [sflag:$0x1] =	stream.linear.gather [hbm4b:s6+s1], $0x80, $0x38;
	[tilespmem:$0x1A100] =	vst v63  }
0x66: {  	s8 =	smov.u32 s7;
	s7 =	sadd.s32 $0x0, s10  }
0x67: {  	[tilespmem:s20], [sflag:$0x2] =	stream.linear.gather [hbm4b:s7+s1], $0x80, $0x38;
	[tilespmem:$0x1A100] =	vst v63  }
0x68: {  	_ =	swait.ge [sflag:s28], $0x80  }
0x69: {  	[sflag:s28] =	ssyncset.done $0x0  }
0x6a: {  	[sflag:s28] =	ssyncadd.s32 $0xFFFFFF80  }
0x6b: {  	[spmem:s23] =	stream.indirect.scatter.add.f32 [tilespmem:s24], [sflag:$0x3], $0x80, s1, s20, $0xb8;
	[tilespmem:$0x1A100] =	vst v63  }
0x6c: {  	_ =	swait.ge [sflag:s30], $0x4000  }
0x6d: {  	s2 =	sshrl.u32 s9, $0x3;
	[sflag:s30] =	ssyncset.done $0x0  }
0x6e: {  	s3 =	sadd.s32 s25, s2;
	[sflag:s30] =	ssyncadd.s32 $0xFFFFC000  }
0x6f: {  	[tilespmem:s1], [sflag:$0x1] =	stream.linear.gather [hbm4b:s3+s1], $0x80, $0x38;
	[tilespmem:$0x1A100] =	vst v63  }
0x70: {  	_ =	swait.ge [sflag:s0], $0x80  }
0x71: {  	[sflag:s0] =	ssyncset.done $0x0  }
0x72: {  	[sflag:s0] =	ssyncadd.s32 $0xFFFFFF80  }
0x73: {  	[spmem:s23] =	stream.indirect.scatter.add.f32 [tilespmem:s24], [sflag:$0x3], $0x80, s20, s20, $0xb8;
	[tilespmem:$0x1A100] =	vst v63  }
0x74: {  	s4 =	simm.s32 $0x20;
	_ =	swait.ge [sflag:s30], $0x4000  }
0x75: {  	s5 =	simm.s32 $0x40;
	s3 =	sadd.s32 $0x100, s9;
	[sflag:s30] =	ssyncset.done $0x0  }
.LBB2_2:
0x76: {  	s6 =	sadd.s32 s4, s10  }
0x77: {  	[sflag:s30] =	ssyncadd.s32 $0xFFFFC000;
	s4 =	smov.u32 s5;
	s7 =	sadd.s32 $0x20, s5  }
0x78: {  	[tilespmem:s20], [sflag:$0x2] =	stream.linear.gather [hbm4b:s6+s1], $0x80, $0x38;
	[tilespmem:$0x1A100] =	vst v63  }
0x79: {  	p0 =	sne.s32 s5, $0x4C0;
	_ =	swait.ge [sflag:s28], $0x80  }
0x7a: {  	[sflag:s28] =	ssyncset.done $0x0  }
0x7b: {  	[sflag:s28] =	ssyncadd.s32 $0xFFFFFF80  }
0x7c: {  	[spmem:s23] =	stream.indirect.scatter.add.f32 [tilespmem:s24], [sflag:$0x3], $0x80, s1, s20, $0xb8;
	[tilespmem:$0x1A100] =	vst v63  }
0x7d: {  	_ =	swait.ge [sflag:s30], $0x4000  }
0x7e: {  	s5 =	sshrl.u32 s3, $0x3;
	[sflag:s30] =	ssyncset.done $0x0  }
0x7f: {  	s5 =	sadd.s32 s25, s5;
	[sflag:s30] =	ssyncadd.s32 $0xFFFFC000  }
0x80: {  	[tilespmem:s1], [sflag:$0x1] =	stream.linear.gather [hbm4b:s5+s1], $0x80, $0x38;
	[tilespmem:$0x1A100] =	vst v63  }
0x81: {  	_ =	swait.ge [sflag:s0], $0x80  }
.Ltmp0:
0x82: {  	[sflag:s0] =	ssyncset.done $0x0;
	(pc) =	sbr.rel @p0 .LBB2_2-.Ltmp0, $4  }
0x83: {  	[sflag:s0] =	ssyncadd.s32 $0xFFFFFF80  }
0x84: {  	[spmem:s23] =	stream.indirect.scatter.add.f32 [tilespmem:s24], [sflag:$0x3], $0x80, s20, s20, $0xb8;
	[tilespmem:$0x1A100] =	vst v63  }
0x85: {  	_ =	swait.ge [sflag:s30], $0x4000  }
0x86: {  	s3 =	sadd.s32 $0x100, s3;
	s5 =	smov.u32 s7;
	[sflag:s30] =	ssyncset.done $0x0  }
0x87: {  	s4 =	sadd.s32 s4, s10;
	[sflag:s30] =	ssyncadd.s32 $0xFFFFC000  }
0x88: {  	[tilespmem:s20], [sflag:$0x2] =	stream.linear.gather [hbm4b:s4+s1], $0x80, $0x38;
	[tilespmem:$0x1A100] =	vst v63  }
0x89: {  	_ =	swait.ge [sflag:s28], $0x80  }
0x8a: {  	[sflag:s28] =	ssyncset.done $0x0  }
0x8b: {  	[sflag:s28] =	ssyncadd.s32 $0xFFFFFF80  }
0x8c: {  	[spmem:s23] =	stream.indirect.scatter.add.f32 [tilespmem:s24], [sflag:$0x3], $0x80, s1, s20, $0xb8;
	[tilespmem:$0x1A100] =	vst v63  }
0x8d: {  	_ =	swait.ge [sflag:s30], $0x4000  }
0x8e: {  	s3 =	sshrl.u32 s3, $0x3;
	[sflag:s30] =	ssyncset.done $0x0  }
0x8f: {  	s3 =	sadd.s32 s25, s3;
	[sflag:s30] =	ssyncadd.s32 $0xFFFFC000  }
0x90: {  	[tilespmem:s1], [sflag:$0x1] =	stream.linear.gather [hbm4b:s3+s1], $0x80, $0x38;
	[tilespmem:$0x1A100] =	vst v63  }
0x91: {  	_ =	swait.ge [sflag:s0], $0x80  }
0x92: {  	[sflag:s0] =	ssyncset.done $0x0  }
0x93: {  	[sflag:s0] =	ssyncadd.s32 $0xFFFFFF80  }
0x94: {  	[spmem:s23] =	stream.indirect.scatter.add.f32 [tilespmem:s24], [sflag:$0x3], $0x80, s20, s20, $0xb8;
	[tilespmem:$0x1A100] =	vst v63  }
0x95: {  	_ =	swait.ge [sflag:s30], $0x4000  }
0x96: {  	[sflag:s30] =	ssyncset.done $0x0  }
0x97: {  	[sflag:s30] =	ssyncadd.s32 $0xFFFFC000  }
0x98: {  	_ =	swait.ge [sflag:s28], $0x80  }
0x99: {  	[sflag:s28] =	ssyncset.done $0x0  }
0x9a: {  	s3 =	simm.s32 $0x0;
	[sflag:s28] =	ssyncadd.s32 $0xFFFFFF80  }
0x9b: {  	[spmem:s23] =	stream.indirect.scatter.add.f32 [tilespmem:s24], [sflag:$0x3], $0x80, s3, s20, $0xb8;
	[tilespmem:$0x1A100] =	vst v63  }
0x9c: {  	_ =	swait.ge [sflag:s30], $0x4000  }
0x9d: {  	[sflag:s30] =	ssyncset.done $0x0  }
0x9e: {  	[sflag:s30] =	ssyncadd.s32 $0xFFFFC000  }
0x9f: {  	[bflag:$0x0] =	sbarrier.arrive $0xFFFF  }
0xa0: {  	[tilespmem:s31], [sflag:$0x3] =	stream.linear.gather [spmem:s29], $0x2000, $0x38;
	[tilespmem:$0x1A100] =	vst v63  }
0xa1: {  	_ =	swait.ge [sflag:s30], $0x2000  }
0xa2: {  	[sflag:s30] =	ssyncset.done $0x0  }
0xa3: {  	s5 =	rddreg [dreg:$0x4];
	[sflag:s30] =	ssyncadd.s32 $0xFFFFE000  }
0xa4: {  	[hbm4b:s5+s3] =	stream.linear.scatter [tilespmem:s31], [sflag:$0x3], $0x2000, $0x38;
	[tilespmem:$0x1A100] =	vst v63  }
0xa5: {  	_ =	swait.ge [sflag:s30], $0x2000  }
0xa6: {  	[sflag:s30] =	ssyncset.done $0x0  }
0xa7: {  	[sflag:s30] =	ssyncadd.s32 $0xFFFFE000  }
0xa8: {  	[tilespmem:s31], [sflag:$0x3] =	stream.linear.gather [spmem:s8], $0x2000, $0x38;
	[tilespmem:$0x1A100] =	vst v63  }
0xa9: {  	_ =	swait.ge [sflag:s30], $0x2000  }
0xaa: {  	[sflag:s30] =	ssyncset.done $0x0  }
0xab: {  	s6 =	rddreg [dreg:$0x5];
	[sflag:s30] =	ssyncadd.s32 $0xFFFFE000  }
0xac: {  	[hbm4b:s6+s3] =	stream.linear.scatter [tilespmem:s31], [sflag:$0x3], $0x2000, $0x38;
	[tilespmem:$0x1A100] =	vst v63  }
0xad: {  	_ =	swait.ge [sflag:s30], $0x2000  }
0xae: {  	[sflag:s30] =	ssyncset.done $0x0  }
0xaf: {  	s7 =	smov.u32 s8;
	s8 =	rddreg [dreg:$0x1c];
	[sflag:s30] =	ssyncadd.s32 $0xFFFFE000  }
0xb0: {  	[tilespmem:s31], [sflag:$0x3] =	stream.linear.gather [spmem:s8], $0x2000, $0x38;
	[tilespmem:$0x1A100] =	vst v63  }
0xb1: {  	_ =	swait.ge [sflag:s30], $0x2000  }
0xb2: {  	[sflag:s30] =	ssyncset.done $0x0  }
0xb3: {  	s5 =	rddreg [dreg:$0x6];
	[sflag:s30] =	ssyncadd.s32 $0xFFFFE000  }
0xb4: {  	[hbm4b:s5+s3] =	stream.linear.scatter [tilespmem:s31], [sflag:$0x3], $0x2000, $0x38;
	[tilespmem:$0x1A100] =	vst v63  }
0xb5: {  	_ =	swait.ge [sflag:s30], $0x2000  }
0xb6: {  	[sflag:s30] =	ssyncset.done $0x0  }
0xb7: {  	s6 =	rddreg [dreg:$0x1d];
	[sflag:s30] =	ssyncadd.s32 $0xFFFFE000  }
0xb8: {  	[tilespmem:s31], [sflag:$0x3] =	stream.linear.gather [spmem:s6], $0x2000, $0x38;
	[tilespmem:$0x1A100] =	vst v63  }
0xb9: {  	_ =	swait.ge [sflag:s30], $0x2000  }
0xba: {  	[sflag:s30] =	ssyncset.done $0x0  }
0xbb: {  	s8 =	rddreg [dreg:$0x7];
	[sflag:s30] =	ssyncadd.s32 $0xFFFFE000  }
0xbc: {  	[hbm4b:s8+s3] =	stream.linear.scatter [tilespmem:s31], [sflag:$0x3], $0x2000, $0x38;
	[tilespmem:$0x1A100] =	vst v63  }
0xbd: {  	_ =	swait.ge [sflag:s30], $0x2000  }
0xbe: {  	[sflag:s30] =	ssyncset.done $0x0  }
0xbf: {  	s5 =	rddreg [dreg:$0x1e];
	[sflag:s30] =	ssyncadd.s32 $0xFFFFE000  }
0xc0: {  	[tilespmem:s31], [sflag:$0x3] =	stream.linear.gather [spmem:s5], $0x2000, $0x38;
	[tilespmem:$0x1A100] =	vst v63  }
0xc1: {  	_ =	swait.ge [sflag:s30], $0x2000  }
0xc2: {  	[sflag:s30] =	ssyncset.done $0x0  }
0xc3: {  	s6 =	rddreg [dreg:$0x8];
	[sflag:s30] =	ssyncadd.s32 $0xFFFFE000  }
0xc4: {  	[hbm4b:s6+s3] =	stream.linear.scatter [tilespmem:s31], [sflag:$0x3], $0x2000, $0x38;
	[tilespmem:$0x1A100] =	vst v63  }
0xc5: {  	_ =	swait.ge [sflag:s30], $0x2000  }
0xc6: {  	[sflag:s30] =	ssyncset.done $0x0  }
0xc7: {  	s8 =	rddreg [dreg:$0x1f];
	[sflag:s30] =	ssyncadd.s32 $0xFFFFE000  }
0xc8: {  	[tilespmem:s31], [sflag:$0x3] =	stream.linear.gather [spmem:s8], $0x2000, $0x38;
	[tilespmem:$0x1A100] =	vst v63  }
0xc9: {  	_ =	swait.ge [sflag:s30], $0x2000  }
0xca: {  	[sflag:s30] =	ssyncset.done $0x0  }
0xcb: {  	s5 =	rddreg [dreg:$0x9];
	[sflag:s30] =	ssyncadd.s32 $0xFFFFE000  }
0xcc: {  	[hbm4b:s5+s3] =	stream.linear.scatter [tilespmem:s31], [sflag:$0x3], $0x2000, $0x38;
	[tilespmem:$0x1A100] =	vst v63  }
0xcd: {  	_ =	swait.ge [sflag:s30], $0x2000  }
0xce: {  	s6 =	sld [smem:$0x7FA]  }
0xcf: {  	[sflag:s30] =	ssyncset.done $0x0  }
0xd0: {  	[sflag:s30] =	ssyncadd.s32 $0xFFFFE000  }
0xd1: {  	[tilespmem:s31], [sflag:$0x3] =	stream.linear.gather [spmem:s6], $0x2000, $0x38;
	[tilespmem:$0x1A100] =	vst v63  }
0xd2: {  	_ =	swait.ge [sflag:s30], $0x2000  }
0xd3: {  	[sflag:s30] =	ssyncset.done $0x0  }
0xd4: {  	s8 =	rddreg [dreg:$0xa];
	[sflag:s30] =	ssyncadd.s32 $0xFFFFE000  }
0xd5: {  	[hbm4b:s8+s3] =	stream.linear.scatter [tilespmem:s31], [sflag:$0x3], $0x2000, $0x38;
	[tilespmem:$0x1A100] =	vst v63  }
0xd6: {  	_ =	swait.ge [sflag:s30], $0x2000  }
0xd7: {  	s5 =	sld [smem:$0x7FB]  }
0xd8: {  	[sflag:s30] =	ssyncset.done $0x0  }
0xd9: {  	[sflag:s30] =	ssyncadd.s32 $0xFFFFE000  }
0xda: {  	[tilespmem:s31], [sflag:$0x3] =	stream.linear.gather [spmem:s5], $0x2000, $0x38;
	[tilespmem:$0x1A100] =	vst v63  }
0xdb: {  	_ =	swait.ge [sflag:s30], $0x2000  }
0xdc: {  	[sflag:s30] =	ssyncset.done $0x0  }
0xdd: {  	s6 =	rddreg [dreg:$0xb];
	[sflag:s30] =	ssyncadd.s32 $0xFFFFE000  }
0xde: {  	[hbm4b:s6+s3] =	stream.linear.scatter [tilespmem:s31], [sflag:$0x3], $0x2000, $0x38;
	[tilespmem:$0x1A100] =	vst v63  }
0xdf: {  	_ =	swait.ge [sflag:s30], $0x2000  }
0xe0: {  	s8 =	sld [smem:$0x7FC]  }
0xe1: {  	[sflag:s30] =	ssyncset.done $0x0  }
0xe2: {  	[sflag:s30] =	ssyncadd.s32 $0xFFFFE000  }
0xe3: {  	[tilespmem:s31], [sflag:$0x3] =	stream.linear.gather [spmem:s8], $0x2000, $0x38;
	[tilespmem:$0x1A100] =	vst v63  }
0xe4: {  	_ =	swait.ge [sflag:s30], $0x2000  }
0xe5: {  	[sflag:s30] =	ssyncset.done $0x0  }
0xe6: {  	s5 =	rddreg [dreg:$0xc];
	[sflag:s30] =	ssyncadd.s32 $0xFFFFE000  }
0xe7: {  	[hbm4b:s5+s3] =	stream.linear.scatter [tilespmem:s31], [sflag:$0x3], $0x2000, $0x38;
	[tilespmem:$0x1A100] =	vst v63  }
0xe8: {  	_ =	swait.ge [sflag:s30], $0x2000  }
0xe9: {  	[sflag:s30] =	ssyncset.done $0x0  }
0xea: {  	[sflag:s30] =	ssyncadd.s32 $0xFFFFE000  }
0xeb: {  	[tilespmem:s31], [sflag:$0x3] =	stream.linear.gather [spmem:s12], $0x2000, $0x38;
	[tilespmem:$0x1A100] =	vst v63  }
0xec: {  	_ =	swait.ge [sflag:s30], $0x2000  }
0xed: {  	[sflag:s30] =	ssyncset.done $0x0  }
0xee: {  	s6 =	rddreg [dreg:$0xd];
	[sflag:s30] =	ssyncadd.s32 $0xFFFFE000  }
0xef: {  	[hbm4b:s6+s3] =	stream.linear.scatter [tilespmem:s31], [sflag:$0x3], $0x2000, $0x38;
	[tilespmem:$0x1A100] =	vst v63  }
0xf0: {  	_ =	swait.ge [sflag:s30], $0x2000  }
0xf1: {  	[sflag:s30] =	ssyncset.done $0x0  }
0xf2: {  	[sflag:s30] =	ssyncadd.s32 $0xFFFFE000  }
0xf3: {  	[bflag:$0x0] =	sbarrier.arrive $0xFFFF  }
0xf4: {  	s8 =	rddreg [dreg:$0x18]  }
0xf5: {  	[tilespmem:s31], [sflag:$0x3] =	stream.linear.gather [hbm4b:s8+s3], $0x2000, $0x38;
	[tilespmem:$0x1A100] =	vst v63  }
0xf6: {  	_ =	swait.ge [sflag:s30], $0x2000  }
0xf7: {  	[sflag:s30] =	ssyncset.done $0x0  }
0xf8: {  	[sflag:s30] =	ssyncadd.s32 $0xFFFFE000  }
0xf9: {  	[spmem:s29] =	stream.linear.scatter [tilespmem:s31], [sflag:$0x3], $0x2000, $0x38;
	[tilespmem:$0x1A100] =	vst v63  }
0xfa: {  	_ =	swait.ge [sflag:s30], $0x2000  }
0xfb: {  	s5 =	sld [smem:$0x7FD]  }
0xfc: {  	[sflag:s30] =	ssyncset.done $0x0  }
0xfd: {  	[sflag:s30] =	ssyncadd.s32 $0xFFFFE000  }
0xfe: {  	[spmem:s5] =	stream.linear.scatter [tilespmem:s31], [sflag:$0x3], $0x2000, $0x38;
	[tilespmem:$0x1A100] =	vst v63  }
0xff: {  	_ =	swait.ge [sflag:s30], $0x2000  }
0x100: {  	[sflag:s30] =	ssyncset.done $0x0  }
0x101: {  	[sflag:s30] =	ssyncadd.s32 $0xFFFFE000  }
0x102: {  	[spmem:s13] =	stream.linear.scatter [tilespmem:s31], [sflag:$0x3], $0x2000, $0x38;
	[tilespmem:$0x1A100] =	vst v63  }
0x103: {  	_ =	swait.ge [sflag:s30], $0x2000  }
0x104: {  	[sflag:s30] =	ssyncset.done $0x0  }
0x105: {  	[sflag:s30] =	ssyncadd.s32 $0xFFFFE000  }
0x106: {  	[spmem:s14] =	stream.linear.scatter [tilespmem:s31], [sflag:$0x3], $0x2000, $0x38;
	[tilespmem:$0x1A100] =	vst v63  }
0x107: {  	_ =	swait.ge [sflag:s30], $0x2000  }
0x108: {  	[sflag:s30] =	ssyncset.done $0x0  }
0x109: {  	[sflag:s30] =	ssyncadd.s32 $0xFFFFE000  }
0x10a: {  	[spmem:s15] =	stream.linear.scatter [tilespmem:s31], [sflag:$0x3], $0x2000, $0x38;
	[tilespmem:$0x1A100] =	vst v63  }
0x10b: {  	_ =	swait.ge [sflag:s30], $0x2000  }
0x10c: {  	[sflag:s30] =	ssyncset.done $0x0  }
0x10d: {  	[sflag:s30] =	ssyncadd.s32 $0xFFFFE000  }
0x10e: {  	[spmem:s16] =	stream.linear.scatter [tilespmem:s31], [sflag:$0x3], $0x2000, $0x38;
	[tilespmem:$0x1A100] =	vst v63  }
0x10f: {  	_ =	swait.ge [sflag:s30], $0x2000  }
0x110: {  	[sflag:s30] =	ssyncset.done $0x0  }
0x111: {  	[sflag:s30] =	ssyncadd.s32 $0xFFFFE000  }
0x112: {  	[spmem:s17] =	stream.linear.scatter [tilespmem:s31], [sflag:$0x3], $0x2000, $0x38;
	[tilespmem:$0x1A100] =	vst v63  }
0x113: {  	_ =	swait.ge [sflag:s30], $0x2000  }
0x114: {  	[sflag:s30] =	ssyncset.done $0x0  }
0x115: {  	[sflag:s30] =	ssyncadd.s32 $0xFFFFE000  }
0x116: {  	[spmem:s18] =	stream.linear.scatter [tilespmem:s31], [sflag:$0x3], $0x2000, $0x38;
	[tilespmem:$0x1A100] =	vst v63  }
0x117: {  	_ =	swait.ge [sflag:s30], $0x2000  }
0x118: {  	[sflag:s30] =	ssyncset.done $0x0  }
0x119: {  	[sflag:s30] =	ssyncadd.s32 $0xFFFFE000  }
0x11a: {  	[spmem:s19] =	stream.linear.scatter [tilespmem:s31], [sflag:$0x3], $0x2000, $0x38;
	[tilespmem:$0x1A100] =	vst v63  }
0x11b: {  	_ =	swait.ge [sflag:s30], $0x2000  }
0x11c: {  	[sflag:s30] =	ssyncset.done $0x0  }
0x11d: {  	[sflag:s30] =	ssyncadd.s32 $0xFFFFE000  }
0x11e: {  	[spmem:s22] =	stream.linear.scatter [tilespmem:s31], [sflag:$0x3], $0x2000, $0x38;
	[tilespmem:$0x1A100] =	vst v63  }
0x11f: {  	_ =	swait.ge [sflag:s30], $0x2000  }
0x120: {  	[sflag:s30] =	ssyncset.done $0x0  }
0x121: {  	[sflag:s30] =	ssyncadd.s32 $0xFFFFE000  }
0x122: {  	[bflag:$0x0] =	sbarrier.arrive $0xFFFF  }
0x123: {  	s6 =	rddreg [dreg:$0x1a]  }
0x124: {  	[tilespmem:s3], [sflag:$0x1] =	stream.linear.gather [hbm4b:s6+s3], $0x80, $0x38;
	[tilespmem:$0x1A100] =	vst v63  }
0x125: {  	s8 =	sadd.s32 $0x0, s11  }
0x126: {  	[tilespmem:s20], [sflag:$0x2] =	stream.linear.gather [hbm4b:s8+s1], $0x80, $0x38;
	[tilespmem:$0x1A100] =	vst v63  }
0x127: {  	_ =	swait.ge [sflag:s28], $0x80  }
0x128: {  	[sflag:s28] =	ssyncset.done $0x0  }
0x129: {  	[sflag:s28] =	ssyncadd.s32 $0xFFFFFF80  }
0x12a: {  	[spmem:s23] =	stream.indirect.scatter.add.f32 [tilespmem:s24], [sflag:$0x3], $0x80, s1, s20, $0xb8;
	[tilespmem:$0x1A100] =	vst v63  }
0x12b: {  	_ =	swait.ge [sflag:s30], $0x4000  }
0x12c: {  	[sflag:s30] =	ssyncset.done $0x0  }
0x12d: {  	s2 =	sadd.s32 s26, s2;
	[sflag:s30] =	ssyncadd.s32 $0xFFFFC000  }
0x12e: {  	[tilespmem:s1], [sflag:$0x1] =	stream.linear.gather [hbm4b:s2+s1], $0x80, $0x38;
	[tilespmem:$0x1A100] =	vst v63  }
0x12f: {  	_ =	swait.ge [sflag:s0], $0x80  }
0x130: {  	[sflag:s0] =	ssyncset.done $0x0  }
0x131: {  	[sflag:s0] =	ssyncadd.s32 $0xFFFFFF80  }
0x132: {  	[spmem:s23] =	stream.indirect.scatter.add.f32 [tilespmem:s24], [sflag:$0x3], $0x80, s20, s20, $0xb8;
	[tilespmem:$0x1A100] =	vst v63  }
0x133: {  	s4 =	simm.s32 $0x40;
	_ =	swait.ge [sflag:s30], $0x4000  }
0x134: {  	s3 =	simm.s32 $0x20;
	s2 =	sadd.s32 $0x100, s9;
	[sflag:s30] =	ssyncset.done $0x0  }
.LBB2_4:
0x135: {  	s5 =	sadd.s32 s3, s11  }
0x136: {  	[sflag:s30] =	ssyncadd.s32 $0xFFFFC000;
	s3 =	smov.u32 s4;
	s6 =	sadd.s32 $0x20, s4  }
0x137: {  	[tilespmem:s20], [sflag:$0x2] =	stream.linear.gather [hbm4b:s5+s1], $0x80, $0x38;
	[tilespmem:$0x1A100] =	vst v63  }
0x138: {  	p0 =	sne.s32 s4, $0x4C0;
	_ =	swait.ge [sflag:s28], $0x80  }
0x139: {  	[sflag:s28] =	ssyncset.done $0x0  }
0x13a: {  	[sflag:s28] =	ssyncadd.s32 $0xFFFFFF80  }
0x13b: {  	[spmem:s23] =	stream.indirect.scatter.add.f32 [tilespmem:s24], [sflag:$0x3], $0x80, s1, s20, $0xb8;
	[tilespmem:$0x1A100] =	vst v63  }
0x13c: {  	_ =	swait.ge [sflag:s30], $0x4000  }
0x13d: {  	s4 =	sshrl.u32 s2, $0x3;
	[sflag:s30] =	ssyncset.done $0x0  }
0x13e: {  	s4 =	sadd.s32 s26, s4;
	[sflag:s30] =	ssyncadd.s32 $0xFFFFC000  }
0x13f: {  	[tilespmem:s1], [sflag:$0x1] =	stream.linear.gather [hbm4b:s4+s1], $0x80, $0x38;
	[tilespmem:$0x1A100] =	vst v63  }
0x140: {  	_ =	swait.ge [sflag:s0], $0x80  }
.Ltmp1:
0x141: {  	[sflag:s0] =	ssyncset.done $0x0;
	(pc) =	sbr.rel @p0 .LBB2_4-.Ltmp1, $4  }
0x142: {  	[sflag:s0] =	ssyncadd.s32 $0xFFFFFF80  }
0x143: {  	[spmem:s23] =	stream.indirect.scatter.add.f32 [tilespmem:s24], [sflag:$0x3], $0x80, s20, s20, $0xb8;
	[tilespmem:$0x1A100] =	vst v63  }
0x144: {  	_ =	swait.ge [sflag:s30], $0x4000  }
0x145: {  	s2 =	sadd.s32 $0x100, s2;
	s4 =	smov.u32 s6;
	[sflag:s30] =	ssyncset.done $0x0  }
0x146: {  	s3 =	sadd.s32 s3, s11;
	[sflag:s30] =	ssyncadd.s32 $0xFFFFC000  }
0x147: {  	[tilespmem:s20], [sflag:$0x2] =	stream.linear.gather [hbm4b:s3+s1], $0x80, $0x38;
	[tilespmem:$0x1A100] =	vst v63  }
0x148: {  	_ =	swait.ge [sflag:s28], $0x80  }
0x149: {  	[sflag:s28] =	ssyncset.done $0x0  }
0x14a: {  	[sflag:s28] =	ssyncadd.s32 $0xFFFFFF80  }
0x14b: {  	[spmem:s23] =	stream.indirect.scatter.add.f32 [tilespmem:s24], [sflag:$0x3], $0x80, s1, s20, $0xb8;
	[tilespmem:$0x1A100] =	vst v63  }
0x14c: {  	_ =	swait.ge [sflag:s30], $0x4000  }
0x14d: {  	s2 =	sshrl.u32 s2, $0x3;
	[sflag:s30] =	ssyncset.done $0x0  }
0x14e: {  	s2 =	sadd.s32 s26, s2;
	[sflag:s30] =	ssyncadd.s32 $0xFFFFC000  }
0x14f: {  	[tilespmem:s1], [sflag:$0x1] =	stream.linear.gather [hbm4b:s2+s1], $0x80, $0x38;
	[tilespmem:$0x1A100] =	vst v63  }
0x150: {  	_ =	swait.ge [sflag:s0], $0x80  }
0x151: {  	[sflag:s0] =	ssyncset.done $0x0  }
0x152: {  	[sflag:s0] =	ssyncadd.s32 $0xFFFFFF80  }
0x153: {  	[spmem:s23] =	stream.indirect.scatter.add.f32 [tilespmem:s24], [sflag:$0x3], $0x80, s20, s20, $0xb8;
	[tilespmem:$0x1A100] =	vst v63  }
0x154: {  	_ =	swait.ge [sflag:s30], $0x4000  }
0x155: {  	[sflag:s30] =	ssyncset.done $0x0  }
0x156: {  	[sflag:s30] =	ssyncadd.s32 $0xFFFFC000  }
0x157: {  	_ =	swait.ge [sflag:s28], $0x80  }
0x158: {  	[sflag:s28] =	ssyncset.done $0x0  }
0x159: {  	[sflag:s28] =	ssyncadd.s32 $0xFFFFFF80  }
0x15a: {  	[spmem:s23] =	stream.indirect.scatter.add.f32 [tilespmem:s24], [sflag:$0x3], $0x80, s1, s20, $0xb8;
	[tilespmem:$0x1A100] =	vst v63  }
0x15b: {  	_ =	swait.ge [sflag:s30], $0x4000  }
0x15c: {  	[sflag:s30] =	ssyncset.done $0x0  }
0x15d: {  	[sflag:s30] =	ssyncadd.s32 $0xFFFFC000  }
0x15e: {  	[bflag:$0x0] =	sbarrier.arrive $0xFFFF  }
0x15f: {  	[tilespmem:s31], [sflag:$0x3] =	stream.linear.gather [spmem:s29], $0x2000, $0x38;
	[tilespmem:$0x1A100] =	vst v63  }
0x160: {  	_ =	swait.ge [sflag:s30], $0x2000  }
0x161: {  	[sflag:s30] =	ssyncset.done $0x0  }
0x162: {  	s5 =	rddreg [dreg:$0xe];
	[sflag:s30] =	ssyncadd.s32 $0xFFFFE000  }
0x163: {  	[hbm4b:s5+s1] =	stream.linear.scatter [tilespmem:s31], [sflag:$0x3], $0x2000, $0x38;
	[tilespmem:$0x1A100] =	vst v63  }
0x164: {  	_ =	swait.ge [sflag:s30], $0x2000  }
0x165: {  	[sflag:s30] =	ssyncset.done $0x0  }
0x166: {  	[sflag:s30] =	ssyncadd.s32 $0xFFFFE000  }
0x167: {  	[tilespmem:s31], [sflag:$0x3] =	stream.linear.gather [spmem:s7], $0x2000, $0x38;
	[tilespmem:$0x1A100] =	vst v63  }
0x168: {  	_ =	swait.ge [sflag:s30], $0x2000  }
0x169: {  	[sflag:s30] =	ssyncset.done $0x0  }
0x16a: {  	s6 =	rddreg [dreg:$0xf];
	[sflag:s30] =	ssyncadd.s32 $0xFFFFE000  }
0x16b: {  	[hbm4b:s6+s1] =	stream.linear.scatter [tilespmem:s31], [sflag:$0x3], $0x2000, $0x38;
	[tilespmem:$0x1A100] =	vst v63  }
0x16c: {  	_ =	swait.ge [sflag:s30], $0x2000  }
0x16d: {  	[sflag:s30] =	ssyncset.done $0x0  }
0x16e: {  	s8 =	rddreg [dreg:$0x1c];
	[sflag:s30] =	ssyncadd.s32 $0xFFFFE000  }
0x16f: {  	[tilespmem:s31], [sflag:$0x3] =	stream.linear.gather [spmem:s8], $0x2000, $0x38;
	[tilespmem:$0x1A100] =	vst v63  }
0x170: {  	_ =	swait.ge [sflag:s30], $0x2000  }
0x171: {  	[sflag:s30] =	ssyncset.done $0x0  }
0x172: {  	s3 =	rddreg [dreg:$0x10];
	[sflag:s30] =	ssyncadd.s32 $0xFFFFE000  }
0x173: {  	[hbm4b:s3+s1] =	stream.linear.scatter [tilespmem:s31], [sflag:$0x3], $0x2000, $0x38;
	[tilespmem:$0x1A100] =	vst v63  }
0x174: {  	_ =	swait.ge [sflag:s30], $0x2000  }
0x175: {  	[sflag:s30] =	ssyncset.done $0x0  }
0x176: {  	s4 =	rddreg [dreg:$0x1d];
	[sflag:s30] =	ssyncadd.s32 $0xFFFFE000  }
0x177: {  	[tilespmem:s31], [sflag:$0x3] =	stream.linear.gather [spmem:s4], $0x2000, $0x38;
	[tilespmem:$0x1A100] =	vst v63  }
0x178: {  	_ =	swait.ge [sflag:s30], $0x2000  }
0x179: {  	[sflag:s30] =	ssyncset.done $0x0  }
0x17a: {  	s5 =	rddreg [dreg:$0x11];
	[sflag:s30] =	ssyncadd.s32 $0xFFFFE000  }
0x17b: {  	[hbm4b:s5+s1] =	stream.linear.scatter [tilespmem:s31], [sflag:$0x3], $0x2000, $0x38;
	[tilespmem:$0x1A100] =	vst v63  }
0x17c: {  	_ =	swait.ge [sflag:s30], $0x2000  }
0x17d: {  	[sflag:s30] =	ssyncset.done $0x0  }
0x17e: {  	s6 =	rddreg [dreg:$0x1e];
	[sflag:s30] =	ssyncadd.s32 $0xFFFFE000  }
0x17f: {  	[tilespmem:s31], [sflag:$0x3] =	stream.linear.gather [spmem:s6], $0x2000, $0x38;
	[tilespmem:$0x1A100] =	vst v63  }
0x180: {  	_ =	swait.ge [sflag:s30], $0x2000  }
0x181: {  	[sflag:s30] =	ssyncset.done $0x0  }
0x182: {  	s8 =	rddreg [dreg:$0x12];
	[sflag:s30] =	ssyncadd.s32 $0xFFFFE000  }
0x183: {  	[hbm4b:s8+s1] =	stream.linear.scatter [tilespmem:s31], [sflag:$0x3], $0x2000, $0x38;
	[tilespmem:$0x1A100] =	vst v63  }
0x184: {  	_ =	swait.ge [sflag:s30], $0x2000  }
0x185: {  	[sflag:s30] =	ssyncset.done $0x0  }
0x186: {  	s3 =	rddreg [dreg:$0x1f];
	[sflag:s30] =	ssyncadd.s32 $0xFFFFE000  }
0x187: {  	[tilespmem:s31], [sflag:$0x3] =	stream.linear.gather [spmem:s3], $0x2000, $0x38;
	[tilespmem:$0x1A100] =	vst v63  }
0x188: {  	_ =	swait.ge [sflag:s30], $0x2000  }
0x189: {  	[sflag:s30] =	ssyncset.done $0x0  }
0x18a: {  	s4 =	rddreg [dreg:$0x13];
	[sflag:s30] =	ssyncadd.s32 $0xFFFFE000  }
0x18b: {  	[hbm4b:s4+s1] =	stream.linear.scatter [tilespmem:s31], [sflag:$0x3], $0x2000, $0x38;
	[tilespmem:$0x1A100] =	vst v63  }
0x18c: {  	_ =	swait.ge [sflag:s30], $0x2000  }
0x18d: {  	s5 =	sld [smem:$0x7FA]  }
0x18e: {  	[sflag:s30] =	ssyncset.done $0x0  }
0x18f: {  	[sflag:s30] =	ssyncadd.s32 $0xFFFFE000  }
0x190: {  	[tilespmem:s31], [sflag:$0x3] =	stream.linear.gather [spmem:s5], $0x2000, $0x38;
	[tilespmem:$0x1A100] =	vst v63  }
0x191: {  	_ =	swait.ge [sflag:s30], $0x2000  }
0x192: {  	[sflag:s30] =	ssyncset.done $0x0  }
0x193: {  	s6 =	rddreg [dreg:$0x14];
	[sflag:s30] =	ssyncadd.s32 $0xFFFFE000  }
0x194: {  	[hbm4b:s6+s1] =	stream.linear.scatter [tilespmem:s31], [sflag:$0x3], $0x2000, $0x38;
	[tilespmem:$0x1A100] =	vst v63  }
0x195: {  	_ =	swait.ge [sflag:s30], $0x2000  }
0x196: {  	s8 =	sld [smem:$0x7FB]  }
0x197: {  	[sflag:s30] =	ssyncset.done $0x0  }
0x198: {  	[sflag:s30] =	ssyncadd.s32 $0xFFFFE000  }
0x199: {  	[tilespmem:s31], [sflag:$0x3] =	stream.linear.gather [spmem:s8], $0x2000, $0x38;
	[tilespmem:$0x1A100] =	vst v63  }
0x19a: {  	_ =	swait.ge [sflag:s30], $0x2000  }
0x19b: {  	[sflag:s30] =	ssyncset.done $0x0  }
0x19c: {  	s3 =	rddreg [dreg:$0x15];
	[sflag:s30] =	ssyncadd.s32 $0xFFFFE000  }
0x19d: {  	[hbm4b:s3+s1] =	stream.linear.scatter [tilespmem:s31], [sflag:$0x3], $0x2000, $0x38;
	[tilespmem:$0x1A100] =	vst v63  }
0x19e: {  	_ =	swait.ge [sflag:s30], $0x2000  }
0x19f: {  	s4 =	sld [smem:$0x7FC]  }
0x1a0: {  	[sflag:s30] =	ssyncset.done $0x0  }
0x1a1: {  	[sflag:s30] =	ssyncadd.s32 $0xFFFFE000  }
0x1a2: {  	[tilespmem:s31], [sflag:$0x3] =	stream.linear.gather [spmem:s4], $0x2000, $0x38;
	[tilespmem:$0x1A100] =	vst v63  }
0x1a3: {  	_ =	swait.ge [sflag:s30], $0x2000  }
0x1a4: {  	[sflag:s30] =	ssyncset.done $0x0  }
0x1a5: {  	s5 =	rddreg [dreg:$0x16];
	[sflag:s30] =	ssyncadd.s32 $0xFFFFE000  }
0x1a6: {  	[hbm4b:s5+s1] =	stream.linear.scatter [tilespmem:s31], [sflag:$0x3], $0x2000, $0x38;
	[tilespmem:$0x1A100] =	vst v63  }
0x1a7: {  	_ =	swait.ge [sflag:s30], $0x2000  }
0x1a8: {  	[sflag:s30] =	ssyncset.done $0x0  }
0x1a9: {  	[sflag:s30] =	ssyncadd.s32 $0xFFFFE000  }
0x1aa: {  	[tilespmem:s31], [sflag:$0x3] =	stream.linear.gather [spmem:s12], $0x2000, $0x38;
	[tilespmem:$0x1A100] =	vst v63  }
0x1ab: {  	_ =	swait.ge [sflag:s30], $0x2000  }
0x1ac: {  	[sflag:s30] =	ssyncset.done $0x0  }
0x1ad: {  	s6 =	rddreg [dreg:$0x17];
	[sflag:s30] =	ssyncadd.s32 $0xFFFFE000  }
0x1ae: {  	[hbm4b:s6+s1] =	stream.linear.scatter [tilespmem:s31], [sflag:$0x3], $0x2000, $0x38;
	[tilespmem:$0x1A100] =	vst v63  }
0x1af: {  	_ =	swait.ge [sflag:s30], $0x2000  }
0x1b0: {  	s21 =	sadd.s32 $0x1, s21;
	s8 =	rddreg [dreg:$0x1b]  }
0x1b1: {  	p0 =	sne.s32 s21, s8  }
.Ltmp2:
0x1b2: {  	_ = 	snop;
	(pc) =	sbr.rel @p0 .LBB2_1-.Ltmp2, $3  }
0x1b3: {  	[sflag:s30] =	ssyncset.done $0x0  }
0x1b4: {  	[sflag:s30] =	ssyncadd.s32 $0xFFFFE000  }
0x1b5: {  	[bflag:$0x0] =	sbarrier.arrive $0xFFFF;
	_ =	sdelay $0x1  }
0x1b6: {  	_ =	sfence.sel $0x180000  }
0x1b7: {  	[bflag:$0x0] =	sbarrier.arrive $0xFFFF  }
0x1b8: {  	_ =	strace $0x90000047  }
0x1b9: {  	s0 =	stileid.u32;
	[bflag:$0x2] =	sbarrier.arrive $0xFFFF  }
0x1ba: {  	p0 =	sne.s32 s0, $0x0;
	s0 =	rddreg [dreg:$0x3]  }
0x1bb: {  	s0 =	sadd.s32 @!p0 $0x100000, s0  }
0x1bc: {  	[sflag:s0] =	ssyncadd.tile.s32 @!p0 $0x1;
	_ =	shalt  }
.Lfunc_end2:
_tile_overlayer_lowered:
.L_overlay_start_2:
0x1bd: {  	(tag) =	ssettag $0x2  }
0x1be: {  	s0 =	rddreg [dreg:$0x0];
	s2 =	stileid.u32  }
0x1bf: {  	s1 =	rddreg [dreg:$0x1];
	p0 =	sne.s32 s2, $0x0  }
0x1c0: {  	s3 =	rddreg [dreg:$0x2];
	[bflag:$0x3] =	sbarrier.arrive $0xFFFF;
	s2 =	simm.s32 @!p0 $0x1C03  }
0x1c1: {  	[timem:s3], [sflag:s2] =	dma.local @!p0 [hbm:s0], s1  }
0x1c2: {  	s0 =	simm.s32 @!p0 $0x3  }
0x1c3: {  	_ =	swait.ge @!p0 [sflag:s0], s1  }
0x1c4: {  	s1 =	ssub.s32 @!p0 $0x0, s1;
	[sflag:s0] =	ssyncset.done @!p0 $0x0  }
0x1c5: {  	[sflag:s0] =	ssyncadd.s32 @!p0 s1  }
0x1c6: {  	[bflag:$0x3] =	sbarrier.arrive $0xFFFF  }
0x1c7: {  	_ =	shalt  }

// kernel: kernel.18.cloned.1.call-start
scs
__scs_entry_jumppad:
0x0: {  	(pc) =	sbr.rel $0x88, $3  }
0x1: {  	(tag) =	ssettag $0x0;
	lr =	simm.s32 $0x1  }
0x2: {  	[smem:$0x3F88] =	sst lr;
	_ =	strace $0xD0000000  }
0x3: {  	_ = 	snop  }
0x4: {  	_ = 	snop  }
0x5: {  	_ = 	snop  }
0x6: {  	_ = 	snop  }
0x7: {  	_ = 	snop  }
__scs_overlays_trampoline_lowered:
0x8: {  	[smem:$0x3F97] =	sst s0  }
0x9: {  	[smem:$0x3F98] =	sst s1  }
0xa: {  	[smem:$0x3F99] =	sst s2  }
0xb: {  	[smem:$0x3F9A] =	sst s3  }
0xc: {  	[smem:$0x3F9B] =	sst s4  }
0xd: {  	[smem:$0x3F9C] =	sst s5  }
0xe: {  	[smem:$0x3F9D] =	sst s6  }
0xf: {  	[smem:$0x3F9E] =	sst s7  }
0x10: {  	[smem:$0x3F9F] =	sst s8  }
0x11: {  	[smem:$0x3FA0] =	sst s9;
	s0 =	simm.s32 @!p0 $0x0  }
0x12: {  	s1 =	sld [smem:$0x3F86];
	s0 =	simm.s32 @p0 $0x1  }
0x13: {  	[smem:$0x3FA1] =	sst s0;
	s0 =	simm.s32 @!p1 $0x0  }
0x14: {  	s2 =	sld [smem:$0x3F85];
	s0 =	simm.s32 @p1 $0x1  }
0x15: {  	[smem:$0x3FA2] =	sst s0;
	s0 =	simm.s32 @!p2 $0x0  }
0x16: {  	s3 =	sld [smem:$0x3FDB];
	s0 =	simm.s32 @p2 $0x1  }
0x17: {  	s4 =	simm.s32 $0x1BF5;
	[smem:$0x3FA4] =	sst s0  }
0x18: {  	s0 =	sld [smem:$0x3F87];
	_ =	swait.ge [sflag:s4], $0x0  }
0x19: {  	s7 =	sld [smem:$0x3F88]  }
0x1a: {  	s8 =	sadd.s32 $0xFFFFE003, lr  }
0x1b: {  	s9 =	sadd.s32 $0xFFFFFEF7, lr;
	s5 =	simm.s32 $0xFFFFFFFF;
	p2 =	slt.u32 s8, $0xFFFFF086  }
0x1c: {  	p1 =	slt.u32 s9, $0xF7A;
	s5 =	simm.s32 @!p2 $0x0  }
0x1d: {  	s5 =	simm.s32 @p1 $0x1;
	p0 =	seq.s32 s7, s2  }
0x1e: {  	s7 =	smul.u32 @!p0 $0xF7A, s2;
	p2 =	seq.s32 @!p0 s5, $0x0  }
0x1f: {  	s9 =	smul.u32 $0xF7A, s1;
	s8 =	simm.s32 @!p0 $0x1BF5;
	p2 =	por !p2, p0  }
0x20: {  	[sflag:s8] =	ssyncset.s32 @!p0 $0xFFFFF086;
	s6 =	sadd.s32 @!p0 s3, s7;
	s7 =	simm.s32 @!p0 $0x108  }
0x21: {  	s3 =	sadd.s32 s3, s9;
	s6 =	sadd.s32 @!p0 $0x88, s6;
	s7 =	simm.s32 @p2 $0x1082  }
0x22: {  	[simem:s7], [sflag:s8] =	dma.local @!p0 [hbm:s6], $0xF7A  }
0x23: {  	s9 =	sor.u32 $0xD0000000, s2;
	s6 =	simm.s32 $0x108;
	_ =	swait.ge @!p0 [sflag:s8], $0x0  }
0x24: {  	s3 =	sadd.s32 $0x88, s3;
	s6 =	simm.s32 @!p1 $0x1082;
	[sflag:s4] =	ssyncset.s32 $0xFFFFF086  }
0x25: {  	[simem:s6], [sflag:s4] =	dma.local [hbm:s3], $0xF7A  }
0x26: {  	[smem:$0x3F88] =	sst s1;
	(tag) =	ssettag s2;
	_ =	strace s9  }
0x27: {  	s1 =	sld [smem:$0x3F98]  }
0x28: {  	s2 =	sld [smem:$0x3F99]  }
0x29: {  	s4 =	sld [smem:$0x3F9B]  }
0x2a: {  	p0 =	seq.s32 s5, $0x0;
	s5 =	sld [smem:$0x3F9C]  }
0x2b: {  	s6 =	sld [smem:$0x3F9D]  }
0x2c: {  	s7 =	sld [smem:$0x3F9E]  }
0x2d: {  	s3 =	simm.s32 $0x108;
	s8 =	sld [smem:$0x3F9F]  }
0x2e: {  	s3 =	simm.s32 @!p0 $0x1082;
	s9 =	sld [smem:$0x3FA0]  }
0x2f: {  	lr =	sadd.s32 s0, s3;
	s0 =	sld [smem:$0x3F97]  }
0x30: {  	s3 =	sld [smem:$0x3F9A]  }
0x31: {  	[smem:$0x3FA3] =	sst s10  }
0x32: {  	s10 =	sld [smem:$0x3FA1];
	_ =	sdelay $0x3  }
0x33: {  	p0 =	seq.s32 s10, $0x1;
	s10 =	sld [smem:$0x3FA3];
	_ =	sdelay $0x3  }
0x34: {  	[smem:$0x3FA3] =	sst s10  }
0x35: {  	s10 =	sld [smem:$0x3FA2];
	_ =	sdelay $0x3  }
0x36: {  	p1 =	seq.s32 s10, $0x1;
	s10 =	sld [smem:$0x3FA3];
	_ =	sdelay $0x3  }
0x37: {  	[smem:$0x3FA3] =	sst s10  }
0x38: {  	s10 =	sld [smem:$0x3FA4]  }
0x39: {  	_ = 	snop;
	(pc) =	sbr.ind lr, $3  }
0x3a: {  	_ = 	snop  }
0x3b: {  	_ = 	snop  }
0x3c: {  	p2 =	seq.s32 s10, $0x1;
	s10 =	sld [smem:$0x3FA3]  }
0x3d: {  	_ =	shalt  }
0x3e: {  	_ =	shalt  }
0x3f: {  	_ =	shalt  }
0x40: {  	_ =	shalt  }
0x41: {  	_ =	shalt  }
0x42: {  	_ =	shalt  }
0x43: {  	_ =	shalt  }
0x44: {  	_ =	shalt  }
0x45: {  	_ =	shalt  }
0x46: {  	_ =	shalt  }
0x47: {  	_ =	shalt  }
0x48: {  	_ =	shalt  }
0x49: {  	_ =	shalt  }
0x4a: {  	_ =	shalt  }
0x4b: {  	_ =	shalt  }
0x4c: {  	_ =	shalt  }
0x4d: {  	_ =	shalt  }
0x4e: {  	_ =	shalt  }
0x4f: {  	_ =	shalt  }
0x50: {  	_ =	shalt  }
0x51: {  	_ =	shalt  }
0x52: {  	_ =	shalt  }
0x53: {  	_ =	shalt  }
0x54: {  	_ =	shalt  }
0x55: {  	_ =	shalt  }
0x56: {  	_ =	shalt  }
0x57: {  	_ =	shalt  }
0x58: {  	_ =	shalt  }
0x59: {  	_ =	shalt  }
0x5a: {  	_ =	shalt  }
0x5b: {  	_ =	shalt  }
0x5c: {  	_ =	shalt  }
0x5d: {  	_ =	shalt  }
0x5e: {  	_ =	shalt  }
0x5f: {  	_ =	shalt  }
0x60: {  	_ =	shalt  }
0x61: {  	_ =	shalt  }
0x62: {  	_ =	shalt  }
0x63: {  	_ =	shalt  }
0x64: {  	_ =	shalt  }
0x65: {  	_ =	shalt  }
0x66: {  	_ =	shalt  }
0x67: {  	_ =	shalt  }
0x68: {  	_ =	shalt  }
0x69: {  	_ =	shalt  }
0x6a: {  	_ =	shalt  }
0x6b: {  	_ =	shalt  }
0x6c: {  	_ =	shalt  }
0x6d: {  	_ =	shalt  }
0x6e: {  	_ =	shalt  }
0x6f: {  	_ =	shalt  }
0x70: {  	_ =	shalt  }
0x71: {  	_ =	shalt  }
0x72: {  	_ =	shalt  }
0x73: {  	_ =	shalt  }
0x74: {  	_ =	shalt  }
0x75: {  	_ =	shalt  }
0x76: {  	_ =	shalt  }
0x77: {  	_ =	shalt  }
0x78: {  	_ =	shalt  }
0x79: {  	_ =	shalt  }
0x7a: {  	_ =	shalt  }
0x7b: {  	_ =	shalt  }
0x7c: {  	_ =	shalt  }
0x7d: {  	_ =	shalt  }
0x7e: {  	_ =	shalt  }
0x7f: {  	_ =	shalt  }
0x80: {  	_ =	shalt  }
0x81: {  	_ =	shalt  }
0x82: {  	_ =	shalt  }
0x83: {  	_ =	shalt  }
0x84: {  	_ =	shalt  }
0x85: {  	_ =	shalt  }
0x86: {  	_ =	shalt  }
0x87: {  	_ =	shalt  }
.Lfunc_end0:
.L_simem_size_0:
called_computation.1_lowered:
.L_overlay_start_0:
0x88: {  	s2 =	sld [smem:$0x3FD9]  }
0x89: {  	s3 =	sld [smem:$0x3FFE];
	_ =	sdelay $0x1  }
0x8a: {  	s1 =	srdreg.scid  }
0x8b: {  	s0 =	sand.u32 $0x1, s1  }
0x8c: {  	s17 =	sshll.u32 s0, $0xA;
	s2 =	sadd.s32 s3, s2  }
0x8d: {  	s2 =	sadd.s32 s2, s17  }
0x8e: {  	[smem:$0x3FAF] =	sst s2  }
0x8f: {  	_ = 	snop  }
0x90: {  	s18 =	sld [smem:$0x3FC9];
	(tm) =	ssettm $0x1  }
0x91: {  	s19 =	sld [smem:$0x3FFB];
	_ =	sdelay $0x3  }
0x92: {  	_ =	strace s19  }
0x93: {  	s2 =	sld [smem:$0x3FFC];
	_ =	sdelay $0x3  }
0x94: {  	_ =	strace s2  }
0x95: {  	s2 =	sld [smem:$0x3FFD];
	_ =	sdelay $0x3  }
0x96: {  	_ =	strace s2  }
0x97: {  	_ =	strace $0x8FFFFFFF  }
0x98: {  	s20 =	sld [smem:$0x3FDB];
	_ =	sdelay $0x1  }
0x99: {  	s4 =	simm.s32 $_scs_section_size  }
0x9a: {  	s5 =	simm.s32 $_size__tile_overlayer_lowered;
	s6 =	simm.s32 $_tile_overlayer_lowered  }
0x9b: {  	s7 =	simm.s32 $0x1BFF;
	s21 =	sshll.u32 s6, $0x1;
	s4 =	sadd.s32 s4, s20  }
0x9c: {  	s22 =	simm.s32 $0x0;
	s5 =	sshll.u32 s5, $0x1;
	s6 =	sadd.s32 s21, s4  }
0x9d: {  	[timem:s22], [sflag:s7] =	dma.local [hbm:s6], s5  }
0x9e: {  	_ =	swait.ge [sflag:s7], s5  }
0x9f: {  	s5 =	ssub.s32 $0x0, s5;
	[sflag:s7] =	ssyncset.done $0x0  }
0xa0: {  	[sflag:s7] =	ssyncadd.s32 s5;
	_ =	sdelay $0x1  }
0xa1: {  	s23 =	simm.s32 $0x1B8B  }
0xa2: {  	_ =	swait.ge [sflag:s23], $0x1  }
0xa3: {  	[sflag:s23] =	ssyncset.done $0x0  }
0xa4: {  	[sflag:s23] =	ssyncadd.s32 $0xFFFFFFFF  }
0xa5: {  	s5 =	sld [smem:$0x0]  }
0xa6: {  	s6 =	sand.u32 $0xFFFFFFFE, s1  }
0xa7: {  	p0 =	sne.s32 s1, s6  }
0xa8: {  	s6 =	sshll.u32 @p0 s6, $0xE  }
0xa9: {  	s6 =	sadd.s32 @p0 $0x11B8D, s6;
	s7 =	sshll.u32 @p0 s5, $0x11  }
0xaa: {  	s6 =	sor.u32 @p0 s7, s6  }
0xab: {  	[sflag:s6] =	ssyncadd.remote.s32 @p0 $0x1;
	_ =	sdelay $0x1  }
0xac: {  	s6 =	simm.s32 @p0 $0x1B8D  }
0xad: {  	_ =	swait.eq @p0 [sflag:s6], $0x1  }
0xae: {  	[sflag:s6] =	ssyncadd.s32 @p0 $0xFFFFFFFF  }
0xaf: {  	s7 =	sshll.u32 @!p0 s1, $0xE  }
0xb0: {  	s7 =	sor.u32 @!p0 $0x4000, s7;
	s6 =	simm.s32 @!p0 $0x1B8D  }
0xb1: {  	s5 =	sshll.u32 @!p0 s5, $0x11;
	s7 =	sadd.s32 @!p0 $0x11B8D, s7;
	_ =	swait.eq @!p0 [sflag:s6], $0x1  }
0xb2: {  	s5 =	sor.u32 @!p0 s5, s7;
	[sflag:s6] =	ssyncadd.s32 @!p0 $0xFFFFFFFF  }
0xb3: {  	s25 =	simm.s32 $0x1B8E;
	s24 =	sld [smem:$0x3FFE];
	[sflag:s5] =	ssyncadd.remote.s32 @!p0 $0x1  }
0xb4: {  	s26 =	simm.s32 $execute0_lowered;
	[smem:$0x3FD2] =	sst s25  }
0xb5: {  	s6 =	sshll.u32 s26, $0x1;
	_ =	strace $0x80000049;
	[dreg:$0x1] =	wrdreg $0xFFFFFFFF  }
0xb6: {  	s28 =	simm.s32 $_size_execute0_lowered;
	s4 =	sadd.s32 s4, s6;
	[dreg:$0x0] =	wrdreg $0x0  }
0xb7: {  	s6 =	sshll.u32 s28, $0x1;
	[dreg:$0x2] =	wrdreg s4  }
0xb8: {  	[dreg:$0x3] =	wrdreg s6  }
0xb9: {  	[dreg:$0x4] =	wrdreg $0xC0  }
0xba: {  	_ =	task [dreg:s22], $0x5FFFF  }
0xbb: {  	[dreg:$0x1] =	wrdreg $0xFFFFFFFF  }
0xbc: {  	[dreg:$0x0] =	wrdreg $0x60  }
0xbd: {  	[dreg:$0x2] =	wrdreg s18  }
0xbe: {  	[dreg:$0x3] =	wrdreg s24  }
0xbf: {  	[dreg:$0x4] =	wrdreg $0xA2000  }
0xc0: {  	[dreg:$0x5] =	wrdreg $0xA  }
0xc1: {  	_ =	task.clear_ibuf [dreg:s22], $0x6FFFF;
	_ =	strace $0x90000049  }
0xc2: {  	s29 =	simm.s32 $0xA;
	_ =	strace $0x8000004B  }
0xc3: {  	_ =	swait.ge [sflag:s29], $0x1  }
0xc4: {  	[sflag:s29] =	ssyncadd.s32 $0xFFFFFFFF  }
0xc5: {  	_ =	strace $0x9000004B  }
0xc6: {  	_ =	sfence  }
0xc7: {  	s30 =	sld [smem:$0x0];
	_ =	sdelay $0x2  }
0xc8: {  	s31 =	sshll.u32 s1, $0xD;
	s1 =	sshrl.u32 s1, $0x2  }
0xc9: {  	s4 =	sand.u32 $0x4000, s31;
	s1 =	sadd.s32 s1, s30  }
0xca: {  	s0 =	sor.u32 s4, s0;
	s1 =	sshll.u32 s1, $0x11  }
0xcb: {  	s0 =	sor.u32 s1, s0  }
0xcc: {  	s0 =	sadd.s32 $0x8F2B, s0  }
0xcd: {  	[sflag:s0] =	ssyncadd.remote.s32 $0x1  }
0xce: {  	_ =	sfence.sel $0xFFFF  }
0xcf: {  	[dreg:$0x0] =	wrdreg $0xFFFFFFFF;
	(pc) =	sbr.abs _section_cstart, $3  }
0xd0: {  	[dreg:$0x1] =	wrdreg $0xFFFFFFFF  }
0xd1: {  	_ =	task.clear_ibuf [dreg:s22], $0x2FFFF;
	_ =	strace $0x9FFFFFFF  }
0xd2: {  	(tm) =	ssettm $0x7FFFFFFF  }
0xd3: {  	_ =	shalt  }
tec
execute0_lowered:
.L_overlay_start_1:
0x0: {  	(tag) =	ssettag $0x1  }
0x1: {  	s0 =	rddreg [dreg:$0x0]  }
0x2: {  	s1 =	rddreg [dreg:$0x1];
	s3 =	srdreg.scid  }
0x3: {  	s2 =	rddreg [dreg:$0x2];
	s20 =	stileid.u32  }
0x4: {  	s4 =	sand.u32 $0x1, s3;
	s3 =	simm.s32 $0x0;
	s7 =	smul.u32 $0x14000, s20  }
0x5: {  	s9 =	sadd.s32 $0xC3600, s1;
	s5 =	smul.u32 $0x140000, s4;
	s6 =	ssub.s32 $0x2, s4  }
0x6: {  	[smem:$0x7FF] =	sst s3;
	p0 =	seq.s32 s4, $0x1;
	s8 =	sshrl.u32 s6, $0x1  }
0x7: {  	s10 =	sadd.s32 $0x4000, s7;
	s12 =	sadd.s32 $0x6000, s7;
	s13 =	sadd.s32 $0xA000, s7  }
0x8: {  	s17 =	sadd.s32 $0xC000, s7;
	s6 =	ssub.s32 s6, s8;
	s19 =	sadd.s32 s5, s7  }
0x9: {  	s8 =	sor.u32 $0x2000, s7;
	s11 =	sadd.s32 s5, s10;
	s24 =	sadd.s32 s5, s12  }
0xa: {  	s14 =	sadd.s32 s5, s13;
	s15 =	sadd.s32 s5, s17;
	s21 =	sshrl.u32 s19, $0x3  }
0xb: {  	s22 =	sadd.s32 s5, s8;
	s23 =	sshrl.u32 s11, $0x3;
	s25 =	sshrl.u32 s24, $0x3  }
0xc: {  	s11 =	sadd.s32 $0x8000, s7;
	s14 =	sshrl.u32 s14, $0x3;
	s4 =	sadd.s32 s9, s21  }
0xd: {  	s16 =	sshrl.u32 s15, $0x3;
	[dreg:$0x4] =	wrdreg s4;
	s4 =	sshrl.u32 s22, $0x3  }
0xe: {  	s19 =	sadd.s32 $0x10000, s7;
	s24 =	smul.u32 $0x3D00, s20;
	s4 =	sadd.s32 s9, s4  }
0xf: {  	s26 =	sadd.s32 s5, s11;
	[dreg:$0x5] =	wrdreg s4;
	s4 =	sadd.s32 s9, s23  }
0x10: {  	s15 =	sadd.s32 s5, s19;
	[dreg:$0x6] =	wrdreg s4;
	s4 =	sadd.s32 s9, s25  }
0x11: {  	s21 =	sshrl.u32 s15, $0x3;
	[dreg:$0x7] =	wrdreg s4;
	s4 =	sshrl.u32 s26, $0x3  }
0x12: {  	s15 =	sadd.s32 $0xB9800, s1;
	s23 =	smul.u32 $0x50000, s20;
	s4 =	sadd.s32 s9, s4  }
0x13: {  	[dreg:$0x8] =	wrdreg s4;
	s4 =	sadd.s32 s9, s14;
	s14 =	sadd.s32 $0xE000, s7  }
0x14: {  	[dreg:$0x9] =	wrdreg s4;
	s4 =	sadd.s32 s9, s16;
	s18 =	sadd.s32 s5, s14  }
0x15: {  	s7 =	sadd.s32 $0x12000, s7;
	[dreg:$0xa] =	wrdreg s4;
	s4 =	sshrl.u32 s18, $0x3  }
0x16: {  	s25 =	smul.u32 $0x1200, s20;
	s5 =	sadd.s32 s5, s7;
	s4 =	sadd.s32 s9, s4  }
0x17: {  	s22 =	sshrl.u32 s5, $0x3;
	[dreg:$0xb] =	wrdreg s4;
	s4 =	sadd.s32 s9, s21  }
0x18: {  	s16 =	sadd.s32 $0x5800, s1;
	[dreg:$0xc] =	wrdreg s4;
	s4 =	sadd.s32 s9, s22  }
0x19: {  	s1 =	sadd.s32 $0x19400, s1;
	s5 =	sshrl.u32 s24, $0x3;
	[dreg:$0xd] =	wrdreg s4  }
0x1a: {  	s21 =	sadd.s32 s15, s5;
	_ =	strace $0x8000004A;
	[dreg:$0xe] =	wrdreg s1  }
0x1b: {  	s26 =	sshrl.u32 s23, $0x2;
	s4 =	sadd.s32 $0x3C80, s24;
	[dreg:$0xf] =	wrdreg s21  }
0x1c: {  	s22 =	sshrl.u32 s25, $0x3;
	s25 =	sadd.s32 $0x3E180, s25;
	[dreg:$0x11] =	wrdreg s4  }
0x1d: {  	s18 =	sadd.s32 s26, s2;
	s26 =	smax.u32 s6, $0x1;
	[dreg:$0x14] =	wrdreg s25  }
0x1e: {  	s6 =	sadd.s32 s12, s2;
	[dreg:$0x15] =	wrdreg s26  }
0x1f: {  	s28 =	simm.s32 $0x4100;
	s9 =	sadd.s32 s13, s2;
	[dreg:$0x18] =	wrdreg s6  }
0x20: {  	s29 =	simm.s32 $0x4180;
	s12 =	sadd.s32 s14, s2;
	[dreg:$0x1a] =	wrdreg s9  }
0x21: {  	s30 =	simm.s32 $0x4200;
	s13 =	sadd.s32 s19, s2;
	[dreg:$0x1c] =	wrdreg s12  }
0x22: {  	s31 =	simm.s32 $0x1;
	s19 =	sadd.s32 $0x2000, s18;
	[dreg:$0x1d] =	wrdreg s13  }
0x23: {  	s23 =	sadd.s32 $0x7A00, s22;
	s1 =	sadd.s32 s16, s5;
	[dreg:$0x1f] =	wrdreg s19  }
0x24: {  	s14 =	smul.u32 $0x240, s20;
	s24 =	sadd.s32 s15, s23;
	[dreg:$0x10] =	wrdreg s1  }
0x25: {  	s4 =	sadd.s32 s8, s2;
	s5 =	sadd.s32 s10, s2;
	[dreg:$0x12] =	wrdreg s24  }
0x26: {  	s8 =	sadd.s32 s11, s2;
	s10 =	sadd.s32 s17, s2;
	[dreg:$0x16] =	wrdreg s4  }
0x27: {  	s11 =	smul.u32 $0x7A0, s20;
	s17 =	sadd.s32 s7, s2;
	[dreg:$0x17] =	wrdreg s5  }
0x28: {  	s21 =	sadd.s32 s14, s16;
	s20 =	sadd.s32 $0x4000, s18;
	[dreg:$0x19] =	wrdreg s8  }
0x29: {  	s25 =	sadd.s32 $0x6000, s18;
	s26 =	sadd.s32 $0x8000, s18;
	[dreg:$0x1b] =	wrdreg s10  }
0x2a: {  	s9 =	sadd.s32 $0xC000, s18;
	s13 =	sadd.s32 $0x12000, s18;
	[dreg:$0x1e] =	wrdreg s17  }
0x2b: {  	s12 =	simm.s32 $0x2;
	s1 =	sadd.s32 s16, s23;
	[smem:$0x7FB] =	sst s20  }
.Ltmp0:
0x2c: {  	s24 =	sadd.s32 s14, s15;
	[smem:$0x7FC] =	sst s25;
	(pc) =	sbr.rel .LBB2_1-.Ltmp0, $4  }
0x2d: {  	[smem:$0x7FD] =	sst s26;
	s8 =	sadd.s32 $0xA000, s18;
	s10 =	sadd.s32 $0xE000, s18  }
0x2e: {  	s14 =	simm.s32 $0x8200;
	s17 =	simm.s32 $0x3;
	s25 =	simm.s32 $0x80  }
0x2f: {  	s26 =	simm.s32 $0x100;
	[dreg:$0x13] =	wrdreg s1;
	s22 =	sadd.s32 s11, s16  }
0x30: {  	s23 =	sadd.s32 s11, s15;
	s11 =	sadd.s32 $0x10000, s18;
	s1 =	simm.s32 $0x0  }
.LBB2_7:
0x31: {  	s5 =	sadd.s32 $0x7C30, s4;
	[sflag:s17] =	ssyncadd.s32 $0xFFFFC000  }
0x32: {  	[tilespmem:s28], [sflag:$0x3] =	stream.linear.gather [hbm4b:s5+s3], $0x80, $0x38;
	[tilespmem:$0x1E200] =	vst v63  }
0x33: {  	_ =	swait.ge [sflag:s17], $0x80  }
0x34: {  	s7 =	sadd.s32 s19, s21;
	[sflag:s17] =	ssyncset.done $0x0  }
0x35: {  	s6 =	sadd.s32 $0x7C30, s7;
	[sflag:s17] =	ssyncadd.s32 $0xFFFFFF80  }
0x36: {  	[tilespmem:s29], [sflag:$0x3] =	stream.linear.gather [hbm4b:s6+s3], $0x80, $0x38;
	[tilespmem:$0x1E200] =	vst v63  }
0x37: {  	_ =	swait.ge [sflag:s17], $0x80  }
0x38: {  	[sflag:s17] =	ssyncset.done $0x0  }
0x39: {  	[sflag:s17] =	ssyncadd.s32 $0xFFFFFF80  }
0x3a: {  	[tilespmem:s30], [sflag:$0x2] =	stream.indirect.gather [hbm4b:s0+s25], $0x80, s28, s25, $0xb8;
	[tilespmem:$0x1E200] =	vst v63  }
0x3b: {  	_ =	swait.ge [sflag:s31], $0x4000  }
0x3c: {  	[sflag:s31] =	ssyncset.done $0x0  }
0x3d: {  	[sflag:s31] =	ssyncadd.s32 $0xFFFFC000  }
0x3e: {  	[spmem:s2] =	stream.indirect.scatter.add.f32 [tilespmem:s26], [sflag:$0x3], $0x80, s25, s25, $0xb8;
	[tilespmem:$0x1E200] =	vst v63  }
0x3f: {  	_ =	swait.ge [sflag:s17], $0x4000  }
0x40: {  	[sflag:s17] =	ssyncset.done $0x0  }
0x41: {  	s19 =	sadd.s32 $0x7C40, s4;
	[sflag:s17] =	ssyncadd.s32 $0xFFFFC000  }
0x42: {  	[tilespmem:s3], [sflag:$0x3] =	stream.linear.gather [hbm4b:s19+s3], $0x80, $0x38;
	[tilespmem:$0x1E200] =	vst v63  }
0x43: {  	_ =	swait.ge [sflag:s17], $0x80  }
0x44: {  	[sflag:s17] =	ssyncset.done $0x0  }
0x45: {  	s20 =	sadd.s32 $0x7C40, s7;
	[sflag:s17] =	ssyncadd.s32 $0xFFFFFF80  }
0x46: {  	[tilespmem:s25], [sflag:$0x3] =	stream.linear.gather [hbm4b:s20+s3], $0x80, $0x38;
	[tilespmem:$0x1E200] =	vst v63  }
0x47: {  	_ =	swait.ge [sflag:s17], $0x80  }
0x48: {  	[sflag:s17] =	ssyncset.done $0x0  }
0x49: {  	[sflag:s17] =	ssyncadd.s32 $0xFFFFFF80  }
0x4a: {  	[tilespmem:s26], [sflag:$0x1] =	stream.indirect.gather [hbm4b:s0+s25], $0x80, s3, s25, $0xb8;
	[tilespmem:$0x1E200] =	vst v63  }
0x4b: {  	_ =	swait.ge [sflag:s12], $0x4000  }
0x4c: {  	[sflag:s12] =	ssyncset.done $0x0  }
0x4d: {  	[sflag:s12] =	ssyncadd.s32 $0xFFFFC000  }
0x4e: {  	[spmem:s2] =	stream.indirect.scatter.add.f32 [tilespmem:s30], [sflag:$0x3], $0x80, s29, s25, $0xb8;
	[tilespmem:$0x1E200] =	vst v63  }
0x4f: {  	_ =	swait.ge [sflag:s17], $0x4000  }
0x50: {  	[sflag:s17] =	ssyncset.done $0x0  }
0x51: {  	s4 =	rddreg [dreg:$0x14];
	[sflag:s17] =	ssyncadd.s32 $0xFFFFC000  }
.LBB2_8:
0x52: {  	s4 =	sshrl.u32 s4, $0x3  }
0x53: {  	s5 =	sadd.s32 s15, s4  }
0x54: {  	[tilespmem:s28], [sflag:$0x3] =	stream.linear.gather [hbm4b:s5+s3], $0x80, $0x38;
	[tilespmem:$0x1E200] =	vst v63  }
0x55: {  	_ =	swait.ge [sflag:s17], $0x80  }
0x56: {  	[sflag:s17] =	ssyncset.done $0x0  }
0x57: {  	s4 =	sadd.s32 s16, s4;
	[sflag:s17] =	ssyncadd.s32 $0xFFFFFF80  }
0x58: {  	[tilespmem:s29], [sflag:$0x3] =	stream.linear.gather [hbm4b:s4+s3], $0x80, $0x38;
	[tilespmem:$0x1E200] =	vst v63  }
0x59: {  	_ =	swait.ge [sflag:s17], $0x80  }
0x5a: {  	[sflag:s17] =	ssyncset.done $0x0  }
0x5b: {  	[sflag:s17] =	ssyncadd.s32 $0xFFFFFF80  }
0x5c: {  	[tilespmem:s30], [sflag:$0x2] =	stream.indirect.gather [hbm4b:s0+s25], $0x80, s28, s25, $0xb8;
	[tilespmem:$0x1E200] =	vst v63  }
0x5d: {  	_ =	swait.ge [sflag:s31], $0x4000  }
0x5e: {  	[sflag:s31] =	ssyncset.done $0x0  }
0x5f: {  	[sflag:s31] =	ssyncadd.s32 $0xFFFFC000  }
0x60: {  	[spmem:s2] =	stream.indirect.scatter.add.f32 [tilespmem:s26], [sflag:$0x3], $0x80, s25, s25, $0xb8;
	[tilespmem:$0x1E200] =	vst v63  }
0x61: {  	_ =	swait.ge [sflag:s17], $0x4000  }
0x62: {  	[sflag:s17] =	ssyncset.done $0x0  }
0x63: {  	[sflag:s17] =	ssyncadd.s32 $0xFFFFC000  }
0x64: {  	_ =	swait.ge [sflag:s12], $0x4000  }
0x65: {  	[sflag:s12] =	ssyncset.done $0x0  }
0x66: {  	[sflag:s12] =	ssyncadd.s32 $0xFFFFC000  }
0x67: {  	[spmem:s2] =	stream.indirect.scatter.add.f32 [tilespmem:s30], [sflag:$0x3], $0x80, s29, s25, $0xb8;
	[tilespmem:$0x1E200] =	vst v63  }
0x68: {  	_ =	swait.ge [sflag:s17], $0x4000  }
0x69: {  	[sflag:s17] =	ssyncset.done $0x0  }
0x6a: {  	[sflag:s17] =	ssyncadd.s32 $0xFFFFC000  }
0x6b: {  	[bflag:$0x0] =	sbarrier.arrive $0xFFFF  }
0x6c: {  	[tilespmem:s14], [sflag:$0x3] =	stream.linear.gather [spmem:s18], $0x2000, $0x38;
	[tilespmem:$0x1E200] =	vst v63  }
0x6d: {  	_ =	swait.ge [sflag:s17], $0x2000  }
0x6e: {  	[sflag:s17] =	ssyncset.done $0x0  }
0x6f: {  	s5 =	rddreg [dreg:$0x4];
	[sflag:s17] =	ssyncadd.s32 $0xFFFFE000  }
0x70: {  	[hbm4b:s5+s3] =	stream.linear.scatter [tilespmem:s14], [sflag:$0x3], $0x2000, $0x38;
	[tilespmem:$0x1E200] =	vst v63  }
0x71: {  	_ =	swait.ge [sflag:s17], $0x2000  }
0x72: {  	[sflag:s17] =	ssyncset.done $0x0  }
0x73: {  	s6 =	rddreg [dreg:$0x16];
	[sflag:s17] =	ssyncadd.s32 $0xFFFFE000  }
0x74: {  	[tilespmem:s14], [sflag:$0x3] =	stream.linear.gather [spmem:s6], $0x2000, $0x38;
	[tilespmem:$0x1E200] =	vst v63  }
0x75: {  	_ =	swait.ge [sflag:s17], $0x2000  }
0x76: {  	[sflag:s17] =	ssyncset.done $0x0  }
0x77: {  	s7 =	rddreg [dreg:$0x5];
	[sflag:s17] =	ssyncadd.s32 $0xFFFFE000  }
0x78: {  	[hbm4b:s7+s3] =	stream.linear.scatter [tilespmem:s14], [sflag:$0x3], $0x2000, $0x38;
	[tilespmem:$0x1E200] =	vst v63  }
0x79: {  	_ =	swait.ge [sflag:s17], $0x2000  }
0x7a: {  	[sflag:s17] =	ssyncset.done $0x0  }
0x7b: {  	s19 =	rddreg [dreg:$0x17];
	[sflag:s17] =	ssyncadd.s32 $0xFFFFE000  }
0x7c: {  	[tilespmem:s14], [sflag:$0x3] =	stream.linear.gather [spmem:s19], $0x2000, $0x38;
	[tilespmem:$0x1E200] =	vst v63  }
0x7d: {  	_ =	swait.ge [sflag:s17], $0x2000  }
0x7e: {  	[sflag:s17] =	ssyncset.done $0x0  }
0x7f: {  	s20 =	rddreg [dreg:$0x6];
	[sflag:s17] =	ssyncadd.s32 $0xFFFFE000  }
0x80: {  	[hbm4b:s20+s3] =	stream.linear.scatter [tilespmem:s14], [sflag:$0x3], $0x2000, $0x38;
	[tilespmem:$0x1E200] =	vst v63  }
0x81: {  	_ =	swait.ge [sflag:s17], $0x2000  }
0x82: {  	[sflag:s17] =	ssyncset.done $0x0  }
0x83: {  	s5 =	rddreg [dreg:$0x18];
	[sflag:s17] =	ssyncadd.s32 $0xFFFFE000  }
0x84: {  	[tilespmem:s14], [sflag:$0x3] =	stream.linear.gather [spmem:s5], $0x2000, $0x38;
	[tilespmem:$0x1E200] =	vst v63  }
0x85: {  	_ =	swait.ge [sflag:s17], $0x2000  }
0x86: {  	[sflag:s17] =	ssyncset.done $0x0  }
0x87: {  	s6 =	rddreg [dreg:$0x7];
	[sflag:s17] =	ssyncadd.s32 $0xFFFFE000  }
0x88: {  	[hbm4b:s6+s3] =	stream.linear.scatter [tilespmem:s14], [sflag:$0x3], $0x2000, $0x38;
	[tilespmem:$0x1E200] =	vst v63  }
0x89: {  	_ =	swait.ge [sflag:s17], $0x2000  }
0x8a: {  	[sflag:s17] =	ssyncset.done $0x0  }
0x8b: {  	s7 =	rddreg [dreg:$0x19];
	[sflag:s17] =	ssyncadd.s32 $0xFFFFE000  }
0x8c: {  	[tilespmem:s14], [sflag:$0x3] =	stream.linear.gather [spmem:s7], $0x2000, $0x38;
	[tilespmem:$0x1E200] =	vst v63  }
0x8d: {  	_ =	swait.ge [sflag:s17], $0x2000  }
0x8e: {  	[sflag:s17] =	ssyncset.done $0x0  }
0x8f: {  	s19 =	rddreg [dreg:$0x8];
	[sflag:s17] =	ssyncadd.s32 $0xFFFFE000  }
0x90: {  	[hbm4b:s19+s3] =	stream.linear.scatter [tilespmem:s14], [sflag:$0x3], $0x2000, $0x38;
	[tilespmem:$0x1E200] =	vst v63  }
0x91: {  	_ =	swait.ge [sflag:s17], $0x2000  }
0x92: {  	[sflag:s17] =	ssyncset.done $0x0  }
0x93: {  	s20 =	rddreg [dreg:$0x1a];
	[sflag:s17] =	ssyncadd.s32 $0xFFFFE000  }
0x94: {  	[tilespmem:s14], [sflag:$0x3] =	stream.linear.gather [spmem:s20], $0x2000, $0x38;
	[tilespmem:$0x1E200] =	vst v63  }
0x95: {  	_ =	swait.ge [sflag:s17], $0x2000  }
0x96: {  	[sflag:s17] =	ssyncset.done $0x0  }
0x97: {  	s5 =	rddreg [dreg:$0x9];
	[sflag:s17] =	ssyncadd.s32 $0xFFFFE000  }
0x98: {  	[hbm4b:s5+s3] =	stream.linear.scatter [tilespmem:s14], [sflag:$0x3], $0x2000, $0x38;
	[tilespmem:$0x1E200] =	vst v63  }
0x99: {  	_ =	swait.ge [sflag:s17], $0x2000  }
0x9a: {  	[sflag:s17] =	ssyncset.done $0x0  }
0x9b: {  	s6 =	rddreg [dreg:$0x1b];
	[sflag:s17] =	ssyncadd.s32 $0xFFFFE000  }
0x9c: {  	[tilespmem:s14], [sflag:$0x3] =	stream.linear.gather [spmem:s6], $0x2000, $0x38;
	[tilespmem:$0x1E200] =	vst v63  }
0x9d: {  	_ =	swait.ge [sflag:s17], $0x2000  }
0x9e: {  	[sflag:s17] =	ssyncset.done $0x0  }
0x9f: {  	s7 =	rddreg [dreg:$0xa];
	[sflag:s17] =	ssyncadd.s32 $0xFFFFE000  }
0xa0: {  	[hbm4b:s7+s3] =	stream.linear.scatter [tilespmem:s14], [sflag:$0x3], $0x2000, $0x38;
	[tilespmem:$0x1E200] =	vst v63  }
0xa1: {  	_ =	swait.ge [sflag:s17], $0x2000  }
0xa2: {  	[sflag:s17] =	ssyncset.done $0x0  }
0xa3: {  	s19 =	rddreg [dreg:$0x1c];
	[sflag:s17] =	ssyncadd.s32 $0xFFFFE000  }
0xa4: {  	[tilespmem:s14], [sflag:$0x3] =	stream.linear.gather [spmem:s19], $0x2000, $0x38;
	[tilespmem:$0x1E200] =	vst v63  }
0xa5: {  	_ =	swait.ge [sflag:s17], $0x2000  }
0xa6: {  	[sflag:s17] =	ssyncset.done $0x0  }
0xa7: {  	s20 =	rddreg [dreg:$0xb];
	[sflag:s17] =	ssyncadd.s32 $0xFFFFE000  }
0xa8: {  	[hbm4b:s20+s3] =	stream.linear.scatter [tilespmem:s14], [sflag:$0x3], $0x2000, $0x38;
	[tilespmem:$0x1E200] =	vst v63  }
0xa9: {  	_ =	swait.ge [sflag:s17], $0x2000  }
0xaa: {  	[sflag:s17] =	ssyncset.done $0x0  }
0xab: {  	s5 =	rddreg [dreg:$0x1d];
	[sflag:s17] =	ssyncadd.s32 $0xFFFFE000  }
0xac: {  	[tilespmem:s14], [sflag:$0x3] =	stream.linear.gather [spmem:s5], $0x2000, $0x38;
	[tilespmem:$0x1E200] =	vst v63  }
0xad: {  	_ =	swait.ge [sflag:s17], $0x2000  }
0xae: {  	[sflag:s17] =	ssyncset.done $0x0  }
0xaf: {  	s6 =	rddreg [dreg:$0xc];
	[sflag:s17] =	ssyncadd.s32 $0xFFFFE000  }
0xb0: {  	[hbm4b:s6+s3] =	stream.linear.scatter [tilespmem:s14], [sflag:$0x3], $0x2000, $0x38;
	[tilespmem:$0x1E200] =	vst v63  }
0xb1: {  	_ =	swait.ge [sflag:s17], $0x2000  }
0xb2: {  	[sflag:s17] =	ssyncset.done $0x0  }
0xb3: {  	s7 =	rddreg [dreg:$0x1e];
	[sflag:s17] =	ssyncadd.s32 $0xFFFFE000  }
0xb4: {  	[tilespmem:s14], [sflag:$0x3] =	stream.linear.gather [spmem:s7], $0x2000, $0x38;
	[tilespmem:$0x1E200] =	vst v63  }
0xb5: {  	_ =	swait.ge [sflag:s17], $0x2000  }
0xb6: {  	[sflag:s17] =	ssyncset.done $0x0  }
0xb7: {  	s19 =	rddreg [dreg:$0xd];
	[sflag:s17] =	ssyncadd.s32 $0xFFFFE000  }
0xb8: {  	[hbm4b:s19+s3] =	stream.linear.scatter [tilespmem:s14], [sflag:$0x3], $0x2000, $0x38;
	[tilespmem:$0x1E200] =	vst v63  }
0xb9: {  	_ =	swait.ge [sflag:s17], $0x2000  }
0xba: {  	s1 =	sadd.s32 $0x1, s1;
	s20 =	rddreg [dreg:$0x15]  }
0xbb: {  	p1 =	sne.s32 s1, s20  }
.Ltmp1:
0xbc: {  	_ = 	snop;
	(pc) =	sbr.rel @!p1 .LBB2_9-.Ltmp1, $3  }
0xbd: {  	_ =	sdelay $0x1  }
0xbe: {  	[sflag:s17] =	ssyncset.done $0x0  }
0xbf: {  	[sflag:s17] =	ssyncadd.s32 $0xFFFFE000  }
.LBB2_1:
0xc0: {  	s4 =	rddreg [dreg:$0xe]  }
0xc1: {  	[tilespmem:s14], [sflag:$0x3] =	stream.linear.gather [hbm4b:s4+s3], $0x2000, $0x38;
	[tilespmem:$0x1E200] =	vst v63  }
0xc2: {  	_ =	swait.ge [sflag:s17], $0x2000  }
0xc3: {  	[sflag:s17] =	ssyncset.done $0x0  }
0xc4: {  	[sflag:s17] =	ssyncadd.s32 $0xFFFFE000  }
0xc5: {  	[spmem:s18] =	stream.linear.scatter [tilespmem:s14], [sflag:$0x3], $0x2000, $0x38;
	[tilespmem:$0x1E200] =	vst v63  }
0xc6: {  	_ =	swait.ge [sflag:s17], $0x2000  }
0xc7: {  	[sflag:s17] =	ssyncset.done $0x0  }
0xc8: {  	s6 =	rddreg [dreg:$0x1f];
	[sflag:s17] =	ssyncadd.s32 $0xFFFFE000  }
0xc9: {  	[spmem:s6] =	stream.linear.scatter [tilespmem:s14], [sflag:$0x3], $0x2000, $0x38;
	[tilespmem:$0x1E200] =	vst v63  }
0xca: {  	_ =	swait.ge [sflag:s17], $0x2000  }
0xcb: {  	s7 =	sld [smem:$0x7FB]  }
0xcc: {  	[sflag:s17] =	ssyncset.done $0x0  }
0xcd: {  	[sflag:s17] =	ssyncadd.s32 $0xFFFFE000  }
0xce: {  	[spmem:s7] =	stream.linear.scatter [tilespmem:s14], [sflag:$0x3], $0x2000, $0x38;
	[tilespmem:$0x1E200] =	vst v63  }
0xcf: {  	_ =	swait.ge [sflag:s17], $0x2000  }
0xd0: {  	s19 =	sld [smem:$0x7FC]  }
0xd1: {  	[sflag:s17] =	ssyncset.done $0x0  }
0xd2: {  	[sflag:s17] =	ssyncadd.s32 $0xFFFFE000  }
0xd3: {  	[spmem:s19] =	stream.linear.scatter [tilespmem:s14], [sflag:$0x3], $0x2000, $0x38;
	[tilespmem:$0x1E200] =	vst v63  }
0xd4: {  	_ =	swait.ge [sflag:s17], $0x2000  }
0xd5: {  	s20 =	sld [smem:$0x7FD]  }
0xd6: {  	[sflag:s17] =	ssyncset.done $0x0  }
0xd7: {  	[sflag:s17] =	ssyncadd.s32 $0xFFFFE000  }
0xd8: {  	[spmem:s20] =	stream.linear.scatter [tilespmem:s14], [sflag:$0x3], $0x2000, $0x38;
	[tilespmem:$0x1E200] =	vst v63  }
0xd9: {  	_ =	swait.ge [sflag:s17], $0x2000  }
0xda: {  	[sflag:s17] =	ssyncset.done $0x0  }
0xdb: {  	[sflag:s17] =	ssyncadd.s32 $0xFFFFE000  }
0xdc: {  	[spmem:s8] =	stream.linear.scatter [tilespmem:s14], [sflag:$0x3], $0x2000, $0x38;
	[tilespmem:$0x1E200] =	vst v63  }
0xdd: {  	_ =	swait.ge [sflag:s17], $0x2000  }
0xde: {  	[sflag:s17] =	ssyncset.done $0x0  }
0xdf: {  	[sflag:s17] =	ssyncadd.s32 $0xFFFFE000  }
0xe0: {  	[spmem:s9] =	stream.linear.scatter [tilespmem:s14], [sflag:$0x3], $0x2000, $0x38;
	[tilespmem:$0x1E200] =	vst v63  }
0xe1: {  	_ =	swait.ge [sflag:s17], $0x2000  }
0xe2: {  	[sflag:s17] =	ssyncset.done $0x0  }
0xe3: {  	[sflag:s17] =	ssyncadd.s32 $0xFFFFE000  }
0xe4: {  	[spmem:s10] =	stream.linear.scatter [tilespmem:s14], [sflag:$0x3], $0x2000, $0x38;
	[tilespmem:$0x1E200] =	vst v63  }
0xe5: {  	_ =	swait.ge [sflag:s17], $0x2000  }
0xe6: {  	[sflag:s17] =	ssyncset.done $0x0  }
0xe7: {  	[sflag:s17] =	ssyncadd.s32 $0xFFFFE000  }
0xe8: {  	[spmem:s11] =	stream.linear.scatter [tilespmem:s14], [sflag:$0x3], $0x2000, $0x38;
	[tilespmem:$0x1E200] =	vst v63  }
0xe9: {  	_ =	swait.ge [sflag:s17], $0x2000  }
0xea: {  	[sflag:s17] =	ssyncset.done $0x0  }
0xeb: {  	[sflag:s17] =	ssyncadd.s32 $0xFFFFE000  }
0xec: {  	[spmem:s13] =	stream.linear.scatter [tilespmem:s14], [sflag:$0x3], $0x2000, $0x38;
	[tilespmem:$0x1E200] =	vst v63  }
.Ltmp2:
0xed: {  	_ =	swait.ge [sflag:s17], $0x2000;
	(pc) =	sbr.rel @!p0 .LBB2_2-.Ltmp2, $3  }
0xee: {  	[sflag:s17] =	ssyncset.done $0x0  }
0xef: {  	[sflag:s17] =	ssyncadd.s32 $0xFFFFE000  }
0xf0: {  	[bflag:$0x0] =	sbarrier.arrive $0xFFFF;
	_ =	sdelay $0x1  }
0xf1: {  	s4 =	rddreg [dreg:$0x12]  }
0xf2: {  	[tilespmem:s3], [sflag:$0x3] =	stream.linear.gather [hbm4b:s4+s3], $0x80, $0x38;
	[tilespmem:$0x1E200] =	vst v63  }
0xf3: {  	_ =	swait.ge [sflag:s17], $0x80  }
0xf4: {  	[sflag:s17] =	ssyncset.done $0x0  }
0xf5: {  	s6 =	rddreg [dreg:$0x13];
	[sflag:s17] =	ssyncadd.s32 $0xFFFFFF80  }
0xf6: {  	[tilespmem:s25], [sflag:$0x3] =	stream.linear.gather [hbm4b:s6+s3], $0x80, $0x38;
	[tilespmem:$0x1E200] =	vst v63  }
0xf7: {  	_ =	swait.ge [sflag:s17], $0x80  }
0xf8: {  	[sflag:s17] =	ssyncset.done $0x0  }
0xf9: {  	s7 =	sadd.s32 $0xFFFFFDE0, s24;
	[sflag:s17] =	ssyncadd.s32 $0xFFFFFF80  }
0xfa: {  	[tilespmem:s26], [sflag:$0x1] =	stream.indirect.gather [hbm4b:s0+s25], $0x80, s3, s25, $0xb8;
	[tilespmem:$0x1E200] =	vst v63  }
0xfb: {  	s5 =	sadd.s32 $0x7C30, s7  }
0xfc: {  	[tilespmem:s28], [sflag:$0x3] =	stream.linear.gather [hbm4b:s5+s3], $0x80, $0x38;
	[tilespmem:$0x1E200] =	vst v63  }
0xfd: {  	_ =	swait.ge [sflag:s17], $0x80  }
0xfe: {  	s19 =	sadd.s32 $0xFFFFFDE0, s21;
	[sflag:s17] =	ssyncset.done $0x0  }
0xff: {  	s6 =	sadd.s32 $0x7C30, s19;
	[sflag:s17] =	ssyncadd.s32 $0xFFFFFF80  }
0x100: {  	[tilespmem:s29], [sflag:$0x3] =	stream.linear.gather [hbm4b:s6+s3], $0x80, $0x38;
	[tilespmem:$0x1E200] =	vst v63  }
0x101: {  	_ =	swait.ge [sflag:s17], $0x80  }
0x102: {  	[sflag:s17] =	ssyncset.done $0x0  }
0x103: {  	[sflag:s17] =	ssyncadd.s32 $0xFFFFFF80  }
0x104: {  	[tilespmem:s30], [sflag:$0x2] =	stream.indirect.gather [hbm4b:s0+s25], $0x80, s28, s25, $0xb8;
	[tilespmem:$0x1E200] =	vst v63  }
0x105: {  	_ =	swait.ge [sflag:s31], $0x4000  }
0x106: {  	[sflag:s31] =	ssyncset.done $0x0  }
0x107: {  	[sflag:s31] =	ssyncadd.s32 $0xFFFFC000  }
0x108: {  	[spmem:s2] =	stream.indirect.scatter.add.f32 [tilespmem:s26], [sflag:$0x3], $0x80, s25, s25, $0xb8;
	[tilespmem:$0x1E200] =	vst v63  }
0x109: {  	_ =	swait.ge [sflag:s17], $0x4000  }
0x10a: {  	[sflag:s17] =	ssyncset.done $0x0  }
0x10b: {  	s4 =	sadd.s32 $0x7C40, s7;
	[sflag:s17] =	ssyncadd.s32 $0xFFFFC000  }
0x10c: {  	[tilespmem:s3], [sflag:$0x3] =	stream.linear.gather [hbm4b:s4+s3], $0x80, $0x38;
	[tilespmem:$0x1E200] =	vst v63  }
0x10d: {  	_ =	swait.ge [sflag:s17], $0x80  }
0x10e: {  	[sflag:s17] =	ssyncset.done $0x0  }
0x10f: {  	s20 =	sadd.s32 $0x7C40, s19;
	[sflag:s17] =	ssyncadd.s32 $0xFFFFFF80  }
0x110: {  	[tilespmem:s25], [sflag:$0x3] =	stream.linear.gather [hbm4b:s20+s3], $0x80, $0x38;
	[tilespmem:$0x1E200] =	vst v63  }
0x111: {  	_ =	swait.ge [sflag:s17], $0x80  }
0x112: {  	[sflag:s17] =	ssyncset.done $0x0  }
0x113: {  	[sflag:s17] =	ssyncadd.s32 $0xFFFFFF80  }
0x114: {  	[tilespmem:s26], [sflag:$0x1] =	stream.indirect.gather [hbm4b:s0+s25], $0x80, s3, s25, $0xb8;
	[tilespmem:$0x1E200] =	vst v63  }
0x115: {  	_ =	swait.ge [sflag:s12], $0x4000  }
0x116: {  	[sflag:s12] =	ssyncset.done $0x0  }
0x117: {  	[sflag:s12] =	ssyncadd.s32 $0xFFFFC000  }
0x118: {  	[spmem:s2] =	stream.indirect.scatter.add.f32 [tilespmem:s30], [sflag:$0x3], $0x80, s29, s25, $0xb8;
	[tilespmem:$0x1E200] =	vst v63  }
0x119: {  	s19 =	simm.s32 $0xFFFFFE00;
	_ =	swait.ge [sflag:s17], $0x4000  }
0x11a: {  	s5 =	simm.s32 $0xFFFFFE20;
	s4 =	sadd.s32 $0xFFFFFE00, s24;
	[sflag:s17] =	ssyncset.done $0x0  }
.LBB2_6:
0x11b: {  	s6 =	sadd.s32 $0x7C30, s4  }
0x11c: {  	[sflag:s17] =	ssyncadd.s32 $0xFFFFC000;
	s7 =	smov.u32 s5;
	s20 =	sadd.s32 $0x20, s5  }
0x11d: {  	[tilespmem:s28], [sflag:$0x3] =	stream.linear.gather [hbm4b:s6+s3], $0x80, $0x38;
	[tilespmem:$0x1E200] =	vst v63  }
0x11e: {  	p1 =	sne.s32 s5, $0xFFFFFFE0;
	_ =	swait.ge [sflag:s17], $0x80  }
0x11f: {  	s5 =	sadd.s32 s19, s21;
	s19 =	smov.u32 s7;
	[sflag:s17] =	ssyncset.done $0x0  }
0x120: {  	s6 =	sadd.s32 $0x7C30, s5;
	[sflag:s17] =	ssyncadd.s32 $0xFFFFFF80  }
0x121: {  	[tilespmem:s29], [sflag:$0x3] =	stream.linear.gather [hbm4b:s6+s3], $0x80, $0x38;
	[tilespmem:$0x1E200] =	vst v63  }
0x122: {  	_ =	swait.ge [sflag:s17], $0x80  }
0x123: {  	[sflag:s17] =	ssyncset.done $0x0  }
0x124: {  	[sflag:s17] =	ssyncadd.s32 $0xFFFFFF80  }
0x125: {  	[tilespmem:s30], [sflag:$0x2] =	stream.indirect.gather [hbm4b:s0+s25], $0x80, s28, s25, $0xb8;
	[tilespmem:$0x1E200] =	vst v63  }
0x126: {  	_ =	swait.ge [sflag:s31], $0x4000  }
0x127: {  	[sflag:s31] =	ssyncset.done $0x0  }
0x128: {  	[sflag:s31] =	ssyncadd.s32 $0xFFFFC000  }
0x129: {  	[spmem:s2] =	stream.indirect.scatter.add.f32 [tilespmem:s26], [sflag:$0x3], $0x80, s25, s25, $0xb8;
	[tilespmem:$0x1E200] =	vst v63  }
0x12a: {  	_ =	swait.ge [sflag:s17], $0x4000  }
0x12b: {  	[sflag:s17] =	ssyncset.done $0x0  }
0x12c: {  	s4 =	sadd.s32 $0x7C40, s4;
	[sflag:s17] =	ssyncadd.s32 $0xFFFFC000  }
0x12d: {  	[tilespmem:s3], [sflag:$0x3] =	stream.linear.gather [hbm4b:s4+s3], $0x80, $0x38;
	[tilespmem:$0x1E200] =	vst v63  }
0x12e: {  	_ =	swait.ge [sflag:s17], $0x80  }
0x12f: {  	[sflag:s17] =	ssyncset.done $0x0  }
0x130: {  	s4 =	sadd.s32 $0x7C40, s5;
	[sflag:s17] =	ssyncadd.s32 $0xFFFFFF80  }
0x131: {  	[tilespmem:s25], [sflag:$0x3] =	stream.linear.gather [hbm4b:s4+s3], $0x80, $0x38;
	[tilespmem:$0x1E200] =	vst v63  }
0x132: {  	_ =	swait.ge [sflag:s17], $0x80  }
0x133: {  	[sflag:s17] =	ssyncset.done $0x0  }
0x134: {  	[sflag:s17] =	ssyncadd.s32 $0xFFFFFF80  }
0x135: {  	[tilespmem:s26], [sflag:$0x1] =	stream.indirect.gather [hbm4b:s0+s25], $0x80, s3, s25, $0xb8;
	[tilespmem:$0x1E200] =	vst v63  }
0x136: {  	_ =	swait.ge [sflag:s12], $0x4000  }
.Ltmp3:
0x137: {  	[sflag:s12] =	ssyncset.done $0x0;
	(pc) =	sbr.rel @p1 .LBB2_6-.Ltmp3, $4  }
0x138: {  	[sflag:s12] =	ssyncadd.s32 $0xFFFFC000  }
0x139: {  	[spmem:s2] =	stream.indirect.scatter.add.f32 [tilespmem:s30], [sflag:$0x3], $0x80, s29, s25, $0xb8;
	[tilespmem:$0x1E200] =	vst v63  }
0x13a: {  	_ =	swait.ge [sflag:s17], $0x4000  }
0x13b: {  	s5 =	smov.u32 s20;
	s4 =	sadd.s32 s19, s24;
	[sflag:s17] =	ssyncset.done $0x0  }
.Ltmp4:
0x13c: {  	_ = 	snop;
	(pc) =	sbr.rel .LBB2_7-.Ltmp4, $1  }
0x13d: {  	_ =	sdelay $0x3  }
.LBB2_2:
0x13e: {  	s4 =	rddreg [dreg:$0xf]  }
0x13f: {  	[tilespmem:s3], [sflag:$0x3] =	stream.linear.gather [hbm4b:s4+s3], $0x80, $0x38;
	[tilespmem:$0x1E200] =	vst v63  }
0x140: {  	_ =	swait.ge [sflag:s17], $0x80  }
0x141: {  	[sflag:s17] =	ssyncset.done $0x0  }
0x142: {  	s5 =	rddreg [dreg:$0x10];
	[sflag:s17] =	ssyncadd.s32 $0xFFFFFF80  }
0x143: {  	[tilespmem:s25], [sflag:$0x3] =	stream.linear.gather [hbm4b:s5+s3], $0x80, $0x38;
	[tilespmem:$0x1E200] =	vst v63  }
0x144: {  	_ =	swait.ge [sflag:s17], $0x80  }
0x145: {  	[sflag:s17] =	ssyncset.done $0x0  }
0x146: {  	s6 =	sadd.s32 $0xFFFFF880, s23;
	[sflag:s17] =	ssyncadd.s32 $0xFFFFFF80  }
0x147: {  	[tilespmem:s26], [sflag:$0x1] =	stream.indirect.gather [hbm4b:s0+s25], $0x80, s3, s25, $0xb8;
	[tilespmem:$0x1E200] =	vst v63  }
0x148: {  	s5 =	sadd.s32 $0x790, s6  }
0x149: {  	[tilespmem:s28], [sflag:$0x3] =	stream.linear.gather [hbm4b:s5+s3], $0x80, $0x38;
	[tilespmem:$0x1E200] =	vst v63  }
0x14a: {  	_ =	swait.ge [sflag:s17], $0x80  }
0x14b: {  	s7 =	sadd.s32 $0xFFFFF880, s22;
	[sflag:s17] =	ssyncset.done $0x0  }
0x14c: {  	s19 =	sadd.s32 $0x790, s7;
	[sflag:s17] =	ssyncadd.s32 $0xFFFFFF80  }
0x14d: {  	[tilespmem:s29], [sflag:$0x3] =	stream.linear.gather [hbm4b:s19+s3], $0x80, $0x38;
	[tilespmem:$0x1E200] =	vst v63  }
0x14e: {  	_ =	swait.ge [sflag:s17], $0x80  }
0x14f: {  	[sflag:s17] =	ssyncset.done $0x0  }
0x150: {  	[sflag:s17] =	ssyncadd.s32 $0xFFFFFF80  }
0x151: {  	[tilespmem:s30], [sflag:$0x2] =	stream.indirect.gather [hbm4b:s0+s25], $0x80, s28, s25, $0xb8;
	[tilespmem:$0x1E200] =	vst v63  }
0x152: {  	_ =	swait.ge [sflag:s31], $0x4000  }
0x153: {  	[sflag:s31] =	ssyncset.done $0x0  }
0x154: {  	[sflag:s31] =	ssyncadd.s32 $0xFFFFC000  }
0x155: {  	[spmem:s2] =	stream.indirect.scatter.add.f32 [tilespmem:s26], [sflag:$0x3], $0x80, s25, s25, $0xb8;
	[tilespmem:$0x1E200] =	vst v63  }
0x156: {  	_ =	swait.ge [sflag:s17], $0x4000  }
0x157: {  	[sflag:s17] =	ssyncset.done $0x0  }
0x158: {  	s4 =	sadd.s32 $0x7A0, s6;
	[sflag:s17] =	ssyncadd.s32 $0xFFFFC000  }
0x159: {  	[tilespmem:s3], [sflag:$0x3] =	stream.linear.gather [hbm4b:s4+s3], $0x80, $0x38;
	[tilespmem:$0x1E200] =	vst v63  }
0x15a: {  	_ =	swait.ge [sflag:s17], $0x80  }
0x15b: {  	[sflag:s17] =	ssyncset.done $0x0  }
0x15c: {  	s20 =	sadd.s32 $0x7A0, s7;
	[sflag:s17] =	ssyncadd.s32 $0xFFFFFF80  }
0x15d: {  	[tilespmem:s25], [sflag:$0x3] =	stream.linear.gather [hbm4b:s20+s3], $0x80, $0x38;
	[tilespmem:$0x1E200] =	vst v63  }
0x15e: {  	_ =	swait.ge [sflag:s17], $0x80  }
0x15f: {  	[sflag:s17] =	ssyncset.done $0x0  }
0x160: {  	[sflag:s17] =	ssyncadd.s32 $0xFFFFFF80  }
0x161: {  	[tilespmem:s26], [sflag:$0x1] =	stream.indirect.gather [hbm4b:s0+s25], $0x80, s3, s25, $0xb8;
	[tilespmem:$0x1E200] =	vst v63  }
0x162: {  	_ =	swait.ge [sflag:s12], $0x4000  }
0x163: {  	[sflag:s12] =	ssyncset.done $0x0  }
0x164: {  	[sflag:s12] =	ssyncadd.s32 $0xFFFFC000  }
0x165: {  	[spmem:s2] =	stream.indirect.scatter.add.f32 [tilespmem:s30], [sflag:$0x3], $0x80, s29, s25, $0xb8;
	[tilespmem:$0x1E200] =	vst v63  }
0x166: {  	s19 =	simm.s32 $0xFFFFF8A0;
	_ =	swait.ge [sflag:s17], $0x4000  }
0x167: {  	s4 =	sadd.s32 $0xFFFFF8A0, s23;
	s20 =	simm.s32 $0xFFFFF8C0;
	[sflag:s17] =	ssyncset.done $0x0  }
.LBB2_3:
0x168: {  	s6 =	sadd.s32 $0x790, s4  }
0x169: {  	[sflag:s17] =	ssyncadd.s32 $0xFFFFC000;
	s7 =	smov.u32 s20;
	s5 =	sadd.s32 $0x20, s20  }
0x16a: {  	[tilespmem:s28], [sflag:$0x3] =	stream.linear.gather [hbm4b:s6+s3], $0x80, $0x38;
	[tilespmem:$0x1E200] =	vst v63  }
0x16b: {  	p1 =	seq.s32 s20, $0xFFFFFFE0;
	_ =	swait.ge [sflag:s17], $0x80  }
0x16c: {  	s6 =	sadd.s32 s19, s22;
	s19 =	smov.u32 s7;
	[sflag:s17] =	ssyncset.done $0x0  }
0x16d: {  	s7 =	sadd.s32 $0x790, s6;
	[sflag:s17] =	ssyncadd.s32 $0xFFFFFF80  }
0x16e: {  	[tilespmem:s29], [sflag:$0x3] =	stream.linear.gather [hbm4b:s7+s3], $0x80, $0x38;
	[tilespmem:$0x1E200] =	vst v63  }
0x16f: {  	_ =	swait.ge [sflag:s17], $0x80  }
0x170: {  	[sflag:s17] =	ssyncset.done $0x0  }
0x171: {  	[sflag:s17] =	ssyncadd.s32 $0xFFFFFF80  }
0x172: {  	[tilespmem:s30], [sflag:$0x2] =	stream.indirect.gather [hbm4b:s0+s25], $0x80, s28, s25, $0xb8;
	[tilespmem:$0x1E200] =	vst v63  }
0x173: {  	_ =	swait.ge [sflag:s31], $0x4000  }
0x174: {  	[sflag:s31] =	ssyncset.done $0x0  }
0x175: {  	[sflag:s31] =	ssyncadd.s32 $0xFFFFC000  }
0x176: {  	[spmem:s2] =	stream.indirect.scatter.add.f32 [tilespmem:s26], [sflag:$0x3], $0x80, s25, s25, $0xb8;
	[tilespmem:$0x1E200] =	vst v63  }
0x177: {  	_ =	swait.ge [sflag:s17], $0x4000  }
0x178: {  	[sflag:s17] =	ssyncset.done $0x0  }
0x179: {  	s4 =	sadd.s32 $0x7A0, s4;
	[sflag:s17] =	ssyncadd.s32 $0xFFFFC000  }
0x17a: {  	[tilespmem:s3], [sflag:$0x3] =	stream.linear.gather [hbm4b:s4+s3], $0x80, $0x38;
	[tilespmem:$0x1E200] =	vst v63  }
0x17b: {  	_ =	swait.ge [sflag:s17], $0x80  }
0x17c: {  	[sflag:s17] =	ssyncset.done $0x0  }
0x17d: {  	s4 =	sadd.s32 $0x7A0, s6;
	[sflag:s17] =	ssyncadd.s32 $0xFFFFFF80  }
0x17e: {  	[tilespmem:s25], [sflag:$0x3] =	stream.linear.gather [hbm4b:s4+s3], $0x80, $0x38;
	[tilespmem:$0x1E200] =	vst v63  }
0x17f: {  	_ =	swait.ge [sflag:s17], $0x80  }
0x180: {  	[sflag:s17] =	ssyncset.done $0x0  }
0x181: {  	[sflag:s17] =	ssyncadd.s32 $0xFFFFFF80  }
0x182: {  	[tilespmem:s26], [sflag:$0x1] =	stream.indirect.gather [hbm4b:s0+s25], $0x80, s3, s25, $0xb8;
	[tilespmem:$0x1E200] =	vst v63  }
0x183: {  	_ =	swait.ge [sflag:s12], $0x4000  }
.Ltmp5:
0x184: {  	[sflag:s12] =	ssyncset.done $0x0;
	(pc) =	sbr.rel @!p1 .LBB2_3-.Ltmp5, $4  }
0x185: {  	[sflag:s12] =	ssyncadd.s32 $0xFFFFC000  }
0x186: {  	[spmem:s2] =	stream.indirect.scatter.add.f32 [tilespmem:s30], [sflag:$0x3], $0x80, s29, s25, $0xb8;
	[tilespmem:$0x1E200] =	vst v63  }
0x187: {  	_ =	swait.ge [sflag:s17], $0x4000  }
0x188: {  	s20 =	smov.u32 s5;
	s4 =	sadd.s32 s19, s23;
	[sflag:s17] =	ssyncset.done $0x0  }
0x189: {  	s5 =	sadd.s32 $0x790, s4;
	[sflag:s17] =	ssyncadd.s32 $0xFFFFC000  }
0x18a: {  	[tilespmem:s28], [sflag:$0x3] =	stream.linear.gather [hbm4b:s5+s3], $0x80, $0x38;
	[tilespmem:$0x1E200] =	vst v63  }
0x18b: {  	_ =	swait.ge [sflag:s17], $0x80  }
0x18c: {  	s7 =	sadd.s32 s19, s22;
	[sflag:s17] =	ssyncset.done $0x0  }
0x18d: {  	s6 =	sadd.s32 $0x790, s7;
	[sflag:s17] =	ssyncadd.s32 $0xFFFFFF80  }
0x18e: {  	[tilespmem:s29], [sflag:$0x3] =	stream.linear.gather [hbm4b:s6+s3], $0x80, $0x38;
	[tilespmem:$0x1E200] =	vst v63  }
0x18f: {  	_ =	swait.ge [sflag:s17], $0x80  }
0x190: {  	[sflag:s17] =	ssyncset.done $0x0  }
0x191: {  	[sflag:s17] =	ssyncadd.s32 $0xFFFFFF80  }
0x192: {  	[tilespmem:s30], [sflag:$0x2] =	stream.indirect.gather [hbm4b:s0+s25], $0x80, s28, s25, $0xb8;
	[tilespmem:$0x1E200] =	vst v63  }
0x193: {  	_ =	swait.ge [sflag:s31], $0x4000  }
0x194: {  	[sflag:s31] =	ssyncset.done $0x0  }
0x195: {  	[sflag:s31] =	ssyncadd.s32 $0xFFFFC000  }
0x196: {  	[spmem:s2] =	stream.indirect.scatter.add.f32 [tilespmem:s26], [sflag:$0x3], $0x80, s25, s25, $0xb8;
	[tilespmem:$0x1E200] =	vst v63  }
0x197: {  	_ =	swait.ge [sflag:s17], $0x4000  }
0x198: {  	[sflag:s17] =	ssyncset.done $0x0  }
0x199: {  	s19 =	sadd.s32 $0x7A0, s4;
	[sflag:s17] =	ssyncadd.s32 $0xFFFFC000  }
0x19a: {  	[tilespmem:s3], [sflag:$0x3] =	stream.linear.gather [hbm4b:s19+s3], $0x80, $0x38;
	[tilespmem:$0x1E200] =	vst v63  }
0x19b: {  	_ =	swait.ge [sflag:s17], $0x80  }
0x19c: {  	[sflag:s17] =	ssyncset.done $0x0  }
0x19d: {  	s20 =	sadd.s32 $0x7A0, s7;
	[sflag:s17] =	ssyncadd.s32 $0xFFFFFF80  }
0x19e: {  	[tilespmem:s25], [sflag:$0x3] =	stream.linear.gather [hbm4b:s20+s3], $0x80, $0x38;
	[tilespmem:$0x1E200] =	vst v63  }
0x19f: {  	_ =	swait.ge [sflag:s17], $0x80  }
0x1a0: {  	[sflag:s17] =	ssyncset.done $0x0  }
0x1a1: {  	[sflag:s17] =	ssyncadd.s32 $0xFFFFFF80  }
0x1a2: {  	[tilespmem:s26], [sflag:$0x1] =	stream.indirect.gather [hbm4b:s0+s25], $0x80, s3, s25, $0xb8;
	[tilespmem:$0x1E200] =	vst v63  }
0x1a3: {  	_ =	swait.ge [sflag:s12], $0x4000  }
0x1a4: {  	[sflag:s12] =	ssyncset.done $0x0  }
.Ltmp6:
0x1a5: {  	[sflag:s12] =	ssyncadd.s32 $0xFFFFC000;
	(pc) =	sbr.rel .LBB2_8-.Ltmp6, $4  }
0x1a6: {  	[spmem:s2] =	stream.indirect.scatter.add.f32 [tilespmem:s30], [sflag:$0x3], $0x80, s29, s25, $0xb8;
	[tilespmem:$0x1E200] =	vst v63  }
0x1a7: {  	_ =	swait.ge [sflag:s17], $0x4000  }
0x1a8: {  	[sflag:s17] =	ssyncset.done $0x0  }
0x1a9: {  	s4 =	rddreg [dreg:$0x11];
	[sflag:s17] =	ssyncadd.s32 $0xFFFFC000  }
.LBB2_9:
0x1aa: {  	_ =	sfence.sel $0x180000  }
0x1ab: {  	[bflag:$0x0] =	sbarrier.arrive $0xFFFF  }
0x1ac: {  	_ =	strace $0x9000004A  }
0x1ad: {  	s0 =	stileid.u32;
	[bflag:$0x2] =	sbarrier.arrive $0xFFFF  }
0x1ae: {  	p0 =	sne.s32 s0, $0x0;
	s0 =	rddreg [dreg:$0x3]  }
0x1af: {  	s0 =	sadd.s32 @!p0 $0x100000, s0  }
0x1b0: {  	[sflag:s0] =	ssyncadd.tile.s32 @!p0 $0x1;
	_ =	shalt  }
.Lfunc_end2:
_tile_overlayer_lowered:
.L_overlay_start_2:
0x1b1: {  	(tag) =	ssettag $0x2  }
0x1b2: {  	s0 =	rddreg [dreg:$0x0];
	s2 =	stileid.u32  }
0x1b3: {  	s1 =	rddreg [dreg:$0x1];
	p0 =	sne.s32 s2, $0x0  }
0x1b4: {  	s3 =	rddreg [dreg:$0x2];
	[bflag:$0x3] =	sbarrier.arrive $0xFFFF;
	s2 =	simm.s32 @!p0 $0x1C03  }
0x1b5: {  	[timem:s3], [sflag:s2] =	dma.local @!p0 [hbm:s0], s1  }
0x1b6: {  	s0 =	simm.s32 @!p0 $0x3  }
0x1b7: {  	_ =	swait.ge @!p0 [sflag:s0], s1  }
0x1b8: {  	s1 =	ssub.s32 @!p0 $0x0, s1;
	[sflag:s0] =	ssyncset.done @!p0 $0x0  }
0x1b9: {  	[sflag:s0] =	ssyncadd.s32 @!p0 s1  }
0x1ba: {  	[bflag:$0x3] =	sbarrier.arrive $0xFFFF  }
0x1bb: {  	_ =	shalt  }

// kernel: kernel.21.cloned.1.call-start
scs
__scs_entry_jumppad:
0x0: {  	(pc) =	sbr.rel $0x88, $3  }
0x1: {  	(tag) =	ssettag $0x0;
	lr =	simm.s32 $0x1  }
0x2: {  	[smem:$0x3F88] =	sst lr;
	_ =	strace $0xD0000000  }
0x3: {  	_ = 	snop  }
0x4: {  	_ = 	snop  }
0x5: {  	_ = 	snop  }
0x6: {  	_ = 	snop  }
0x7: {  	_ = 	snop  }
__scs_overlays_trampoline_lowered:
0x8: {  	[smem:$0x3F97] =	sst s0  }
0x9: {  	[smem:$0x3F98] =	sst s1  }
0xa: {  	[smem:$0x3F99] =	sst s2  }
0xb: {  	[smem:$0x3F9A] =	sst s3  }
0xc: {  	[smem:$0x3F9B] =	sst s4  }
0xd: {  	[smem:$0x3F9C] =	sst s5  }
0xe: {  	[smem:$0x3F9D] =	sst s6  }
0xf: {  	[smem:$0x3F9E] =	sst s7  }
0x10: {  	[smem:$0x3F9F] =	sst s8  }
0x11: {  	[smem:$0x3FA0] =	sst s9;
	s0 =	simm.s32 @!p0 $0x0  }
0x12: {  	s1 =	sld [smem:$0x3F86];
	s0 =	simm.s32 @p0 $0x1  }
0x13: {  	[smem:$0x3FA1] =	sst s0;
	s0 =	simm.s32 @!p1 $0x0  }
0x14: {  	s2 =	sld [smem:$0x3F85];
	s0 =	simm.s32 @p1 $0x1  }
0x15: {  	[smem:$0x3FA2] =	sst s0;
	s0 =	simm.s32 @!p2 $0x0  }
0x16: {  	s3 =	sld [smem:$0x3FDB];
	s0 =	simm.s32 @p2 $0x1  }
0x17: {  	s4 =	simm.s32 $0x1BF5;
	[smem:$0x3FA4] =	sst s0  }
0x18: {  	s0 =	sld [smem:$0x3F87];
	_ =	swait.ge [sflag:s4], $0x0  }
0x19: {  	s7 =	sld [smem:$0x3F88]  }
0x1a: {  	s8 =	sadd.s32 $0xFFFFE003, lr  }
0x1b: {  	s9 =	sadd.s32 $0xFFFFFEF7, lr;
	s5 =	simm.s32 $0xFFFFFFFF;
	p2 =	slt.u32 s8, $0xFFFFF086  }
0x1c: {  	p1 =	slt.u32 s9, $0xF7A;
	s5 =	simm.s32 @!p2 $0x0  }
0x1d: {  	s5 =	simm.s32 @p1 $0x1;
	p0 =	seq.s32 s7, s2  }
0x1e: {  	s7 =	smul.u32 @!p0 $0xF7A, s2;
	p2 =	seq.s32 @!p0 s5, $0x0  }
0x1f: {  	s9 =	smul.u32 $0xF7A, s1;
	s8 =	simm.s32 @!p0 $0x1BF5;
	p2 =	por !p2, p0  }
0x20: {  	[sflag:s8] =	ssyncset.s32 @!p0 $0xFFFFF086;
	s6 =	sadd.s32 @!p0 s3, s7;
	s7 =	simm.s32 @!p0 $0x108  }
0x21: {  	s3 =	sadd.s32 s3, s9;
	s6 =	sadd.s32 @!p0 $0x88, s6;
	s7 =	simm.s32 @p2 $0x1082  }
0x22: {  	[simem:s7], [sflag:s8] =	dma.local @!p0 [hbm:s6], $0xF7A  }
0x23: {  	s9 =	sor.u32 $0xD0000000, s2;
	s6 =	simm.s32 $0x108;
	_ =	swait.ge @!p0 [sflag:s8], $0x0  }
0x24: {  	s3 =	sadd.s32 $0x88, s3;
	s6 =	simm.s32 @!p1 $0x1082;
	[sflag:s4] =	ssyncset.s32 $0xFFFFF086  }
0x25: {  	[simem:s6], [sflag:s4] =	dma.local [hbm:s3], $0xF7A  }
0x26: {  	[smem:$0x3F88] =	sst s1;
	(tag) =	ssettag s2;
	_ =	strace s9  }
0x27: {  	s1 =	sld [smem:$0x3F98]  }
0x28: {  	s2 =	sld [smem:$0x3F99]  }
0x29: {  	s4 =	sld [smem:$0x3F9B]  }
0x2a: {  	p0 =	seq.s32 s5, $0x0;
	s5 =	sld [smem:$0x3F9C]  }
0x2b: {  	s6 =	sld [smem:$0x3F9D]  }
0x2c: {  	s7 =	sld [smem:$0x3F9E]  }
0x2d: {  	s3 =	simm.s32 $0x108;
	s8 =	sld [smem:$0x3F9F]  }
0x2e: {  	s3 =	simm.s32 @!p0 $0x1082;
	s9 =	sld [smem:$0x3FA0]  }
0x2f: {  	lr =	sadd.s32 s0, s3;
	s0 =	sld [smem:$0x3F97]  }
0x30: {  	s3 =	sld [smem:$0x3F9A]  }
0x31: {  	[smem:$0x3FA3] =	sst s10  }
0x32: {  	s10 =	sld [smem:$0x3FA1];
	_ =	sdelay $0x3  }
0x33: {  	p0 =	seq.s32 s10, $0x1;
	s10 =	sld [smem:$0x3FA3];
	_ =	sdelay $0x3  }
0x34: {  	[smem:$0x3FA3] =	sst s10  }
0x35: {  	s10 =	sld [smem:$0x3FA2];
	_ =	sdelay $0x3  }
0x36: {  	p1 =	seq.s32 s10, $0x1;
	s10 =	sld [smem:$0x3FA3];
	_ =	sdelay $0x3  }
0x37: {  	[smem:$0x3FA3] =	sst s10  }
0x38: {  	s10 =	sld [smem:$0x3FA4]  }
0x39: {  	_ = 	snop;
	(pc) =	sbr.ind lr, $3  }
0x3a: {  	_ = 	snop  }
0x3b: {  	_ = 	snop  }
0x3c: {  	p2 =	seq.s32 s10, $0x1;
	s10 =	sld [smem:$0x3FA3]  }
0x3d: {  	_ =	shalt  }
0x3e: {  	_ =	shalt  }
0x3f: {  	_ =	shalt  }
0x40: {  	_ =	shalt  }
0x41: {  	_ =	shalt  }
0x42: {  	_ =	shalt  }
0x43: {  	_ =	shalt  }
0x44: {  	_ =	shalt  }
0x45: {  	_ =	shalt  }
0x46: {  	_ =	shalt  }
0x47: {  	_ =	shalt  }
0x48: {  	_ =	shalt  }
0x49: {  	_ =	shalt  }
0x4a: {  	_ =	shalt  }
0x4b: {  	_ =	shalt  }
0x4c: {  	_ =	shalt  }
0x4d: {  	_ =	shalt  }
0x4e: {  	_ =	shalt  }
0x4f: {  	_ =	shalt  }
0x50: {  	_ =	shalt  }
0x51: {  	_ =	shalt  }
0x52: {  	_ =	shalt  }
0x53: {  	_ =	shalt  }
0x54: {  	_ =	shalt  }
0x55: {  	_ =	shalt  }
0x56: {  	_ =	shalt  }
0x57: {  	_ =	shalt  }
0x58: {  	_ =	shalt  }
0x59: {  	_ =	shalt  }
0x5a: {  	_ =	shalt  }
0x5b: {  	_ =	shalt  }
0x5c: {  	_ =	shalt  }
0x5d: {  	_ =	shalt  }
0x5e: {  	_ =	shalt  }
0x5f: {  	_ =	shalt  }
0x60: {  	_ =	shalt  }
0x61: {  	_ =	shalt  }
0x62: {  	_ =	shalt  }
0x63: {  	_ =	shalt  }
0x64: {  	_ =	shalt  }
0x65: {  	_ =	shalt  }
0x66: {  	_ =	shalt  }
0x67: {  	_ =	shalt  }
0x68: {  	_ =	shalt  }
0x69: {  	_ =	shalt  }
0x6a: {  	_ =	shalt  }
0x6b: {  	_ =	shalt  }
0x6c: {  	_ =	shalt  }
0x6d: {  	_ =	shalt  }
0x6e: {  	_ =	shalt  }
0x6f: {  	_ =	shalt  }
0x70: {  	_ =	shalt  }
0x71: {  	_ =	shalt  }
0x72: {  	_ =	shalt  }
0x73: {  	_ =	shalt  }
0x74: {  	_ =	shalt  }
0x75: {  	_ =	shalt  }
0x76: {  	_ =	shalt  }
0x77: {  	_ =	shalt  }
0x78: {  	_ =	shalt  }
0x79: {  	_ =	shalt  }
0x7a: {  	_ =	shalt  }
0x7b: {  	_ =	shalt  }
0x7c: {  	_ =	shalt  }
0x7d: {  	_ =	shalt  }
0x7e: {  	_ =	shalt  }
0x7f: {  	_ =	shalt  }
0x80: {  	_ =	shalt  }
0x81: {  	_ =	shalt  }
0x82: {  	_ =	shalt  }
0x83: {  	_ =	shalt  }
0x84: {  	_ =	shalt  }
0x85: {  	_ =	shalt  }
0x86: {  	_ =	shalt  }
0x87: {  	_ =	shalt  }
.Lfunc_end0:
.L_simem_size_0:
called_computation.2_lowered:
.L_overlay_start_0:
0x88: {  	s2 =	sld [smem:$0x3FD9]  }
0x89: {  	s3 =	sld [smem:$0x3FFE];
	_ =	sdelay $0x1  }
0x8a: {  	s1 =	srdreg.scid  }
0x8b: {  	s0 =	sand.u32 $0x1, s1  }
0x8c: {  	s17 =	sshll.u32 s0, $0xA;
	s2 =	sadd.s32 s3, s2  }
0x8d: {  	s2 =	sadd.s32 s2, s17  }
0x8e: {  	[smem:$0x3FAF] =	sst s2  }
0x8f: {  	_ = 	snop  }
0x90: {  	s2 =	sld [smem:$0x3FD0];
	(tm) =	ssettm $0x1  }
0x91: {  	s18 =	sld [smem:$0x3FFB];
	_ =	sdelay $0x3  }
0x92: {  	_ =	strace s18  }
0x93: {  	s3 =	sld [smem:$0x3FFC];
	_ =	sdelay $0x3  }
0x94: {  	_ =	strace s3  }
0x95: {  	s3 =	sld [smem:$0x3FFD];
	_ =	sdelay $0x3  }
0x96: {  	_ =	strace s3  }
0x97: {  	_ =	strace $0x8FFFFFFF  }
0x98: {  	s19 =	sld [smem:$0x3FDB];
	_ =	sdelay $0x1  }
0x99: {  	s4 =	simm.s32 $_scs_section_size  }
0x9a: {  	s5 =	simm.s32 $_size__tile_overlayer_lowered;
	s6 =	simm.s32 $_tile_overlayer_lowered  }
0x9b: {  	s22 =	simm.s32 $0x1BFF;
	s21 =	sshll.u32 s6, $0x1;
	s3 =	sadd.s32 s4, s19  }
0x9c: {  	s7 =	simm.s32 $0x0;
	s20 =	sshll.u32 s5, $0x1;
	s5 =	sadd.s32 s21, s3  }
0x9d: {  	[timem:s7], [sflag:s22] =	dma.local [hbm:s5], s20  }
0x9e: {  	_ =	swait.ge [sflag:s22], s20  }
0x9f: {  	s4 =	ssub.s32 $0x0, s20;
	[sflag:s22] =	ssyncset.done $0x0  }
0xa0: {  	[sflag:s22] =	ssyncadd.s32 s4;
	_ =	sdelay $0x1  }
0xa1: {  	s23 =	simm.s32 $0x1B8B  }
0xa2: {  	_ =	swait.ge [sflag:s23], $0x1  }
0xa3: {  	[sflag:s23] =	ssyncset.done $0x0  }
0xa4: {  	s25 =	simm.s32 $0x1B8E;
	s24 =	sld [smem:$0x3FFE];
	[sflag:s23] =	ssyncadd.s32 $0xFFFFFFFF  }
0xa5: {  	s26 =	simm.s32 $execute0_lowered;
	[smem:$0x3FD2] =	sst s25  }
0xa6: {  	s5 =	sshll.u32 s26, $0x1;
	_ =	strace $0x8000004C;
	[dreg:$0x1] =	wrdreg $0xFFFFFFFF  }
0xa7: {  	s28 =	simm.s32 $_size_execute0_lowered;
	s3 =	sadd.s32 s3, s5;
	[dreg:$0x0] =	wrdreg $0x0  }
0xa8: {  	s5 =	sshll.u32 s28, $0x1;
	[dreg:$0x2] =	wrdreg s3  }
0xa9: {  	[dreg:$0x3] =	wrdreg s5  }
0xaa: {  	[dreg:$0x4] =	wrdreg $0xC0  }
0xab: {  	_ =	task [dreg:s7], $0x5FFFF  }
0xac: {  	[dreg:$0x1] =	wrdreg $0xFFFFFFFF  }
0xad: {  	[dreg:$0x0] =	wrdreg $0x60  }
0xae: {  	[dreg:$0x2] =	wrdreg s2  }
0xaf: {  	[dreg:$0x3] =	wrdreg s24  }
0xb0: {  	[dreg:$0x4] =	wrdreg $0xA2000  }
0xb1: {  	[dreg:$0x5] =	wrdreg $0x9  }
0xb2: {  	_ =	task.clear_ibuf [dreg:s7], $0x6FFFF;
	_ =	strace $0x9000004C  }
0xb3: {  	s29 =	simm.s32 $0x9;
	_ =	strace $0x8000004E  }
0xb4: {  	_ =	swait.ge [sflag:s29], $0x1  }
0xb5: {  	[sflag:s29] =	ssyncadd.s32 $0xFFFFFFFF  }
0xb6: {  	_ =	strace $0x9000004E  }
0xb7: {  	_ =	sfence  }
0xb8: {  	s30 =	sld [smem:$0x0];
	_ =	sdelay $0x2  }
0xb9: {  	s31 =	sshll.u32 s1, $0xD;
	s1 =	sshrl.u32 s1, $0x2  }
0xba: {  	s3 =	sand.u32 $0x4000, s31;
	s1 =	sadd.s32 s1, s30  }
0xbb: {  	s0 =	sor.u32 s3, s0;
	s1 =	sshll.u32 s1, $0x11  }
0xbc: {  	s0 =	sor.u32 s1, s0  }
0xbd: {  	s0 =	sadd.s32 $0x8F2B, s0  }
0xbe: {  	[sflag:s0] =	ssyncadd.remote.s32 $0x1  }
0xbf: {  	_ =	sfence.sel $0xFFFF  }
0xc0: {  	[dreg:$0x0] =	wrdreg $0xFFFFFFFF;
	(pc) =	sbr.abs _section_cstart, $3  }
0xc1: {  	[dreg:$0x1] =	wrdreg $0xFFFFFFFF  }
0xc2: {  	_ =	task.clear_ibuf [dreg:s7], $0x2FFFF;
	_ =	strace $0x9FFFFFFF  }
0xc3: {  	(tm) =	ssettm $0x7FFFFFFF  }
tec
execute0_lowered:
.L_overlay_start_1:
0x0: {  	(tag) =	ssettag $0x1  }
0x1: {  	s0 =	rddreg [dreg:$0x0]  }
0x2: {  	s1 =	rddreg [dreg:$0x1];
	s3 =	srdreg.scid  }
0x3: {  	s2 =	rddreg [dreg:$0x2];
	s20 =	stileid.u32  }
0x4: {  	s4 =	sand.u32 $0x1, s3;
	s3 =	simm.s32 $0x0;
	s7 =	smul.u32 $0x14000, s20  }
0x5: {  	s9 =	sadd.s32 $0xC3600, s1;
	s5 =	smul.u32 $0x140000, s4;
	s6 =	ssub.s32 $0x2, s4  }
0x6: {  	[smem:$0x7FF] =	sst s3;
	p0 =	seq.s32 s4, $0x1;
	s8 =	sshrl.u32 s6, $0x1  }
0x7: {  	s10 =	sadd.s32 $0x4000, s7;
	s12 =	sadd.s32 $0x6000, s7;
	s13 =	sadd.s32 $0xA000, s7  }
0x8: {  	s17 =	sadd.s32 $0xC000, s7;
	s6 =	ssub.s32 s6, s8;
	s19 =	sadd.s32 s5, s7  }
0x9: {  	s8 =	sor.u32 $0x2000, s7;
	s11 =	sadd.s32 s5, s10;
	s24 =	sadd.s32 s5, s12  }
0xa: {  	s14 =	sadd.s32 s5, s13;
	s15 =	sadd.s32 s5, s17;
	s21 =	sshrl.u32 s19, $0x3  }
0xb: {  	s22 =	sadd.s32 s5, s8;
	s23 =	sshrl.u32 s11, $0x3;
	s25 =	sshrl.u32 s24, $0x3  }
0xc: {  	s11 =	sadd.s32 $0x8000, s7;
	s14 =	sshrl.u32 s14, $0x3;
	s4 =	sadd.s32 s9, s21  }
0xd: {  	s16 =	sshrl.u32 s15, $0x3;
	[dreg:$0x4] =	wrdreg s4;
	s4 =	sshrl.u32 s22, $0x3  }
0xe: {  	s19 =	sadd.s32 $0x10000, s7;
	s24 =	smul.u32 $0x3D00, s20;
	s4 =	sadd.s32 s9, s4  }
0xf: {  	s26 =	sadd.s32 s5, s11;
	[dreg:$0x5] =	wrdreg s4;
	s4 =	sadd.s32 s9, s23  }
0x10: {  	s15 =	sadd.s32 s5, s19;
	[dreg:$0x6] =	wrdreg s4;
	s4 =	sadd.s32 s9, s25  }
0x11: {  	s21 =	sshrl.u32 s15, $0x3;
	[dreg:$0x7] =	wrdreg s4;
	s4 =	sshrl.u32 s26, $0x3  }
0x12: {  	s15 =	sadd.s32 $0xB9800, s1;
	s23 =	smul.u32 $0x50000, s20;
	s4 =	sadd.s32 s9, s4  }
0x13: {  	[dreg:$0x8] =	wrdreg s4;
	s4 =	sadd.s32 s9, s14;
	s14 =	sadd.s32 $0xE000, s7  }
0x14: {  	[dreg:$0x9] =	wrdreg s4;
	s4 =	sadd.s32 s9, s16;
	s18 =	sadd.s32 s5, s14  }
0x15: {  	s7 =	sadd.s32 $0x12000, s7;
	[dreg:$0xa] =	wrdreg s4;
	s4 =	sshrl.u32 s18, $0x3  }
0x16: {  	s25 =	smul.u32 $0x1200, s20;
	s5 =	sadd.s32 s5, s7;
	s4 =	sadd.s32 s9, s4  }
0x17: {  	s22 =	sshrl.u32 s5, $0x3;
	[dreg:$0xb] =	wrdreg s4;
	s4 =	sadd.s32 s9, s21  }
0x18: {  	s16 =	sadd.s32 $0x5800, s1;
	[dreg:$0xc] =	wrdreg s4;
	s4 =	sadd.s32 s9, s22  }
0x19: {  	s1 =	sadd.s32 $0x19400, s1;
	s5 =	sshrl.u32 s24, $0x3;
	[dreg:$0xd] =	wrdreg s4  }
0x1a: {  	s21 =	sadd.s32 s15, s5;
	_ =	strace $0x8000004D;
	[dreg:$0xe] =	wrdreg s1  }
0x1b: {  	s26 =	sshrl.u32 s23, $0x2;
	s4 =	sadd.s32 $0x3C80, s24;
	[dreg:$0xf] =	wrdreg s21  }
0x1c: {  	s22 =	sshrl.u32 s25, $0x3;
	s25 =	sadd.s32 $0x3E180, s25;
	[dreg:$0x11] =	wrdreg s4  }
0x1d: {  	s18 =	sadd.s32 s26, s2;
	s26 =	smax.u32 s6, $0x1;
	[dreg:$0x14] =	wrdreg s25  }
0x1e: {  	s6 =	sadd.s32 s12, s2;
	[dreg:$0x15] =	wrdreg s26  }
0x1f: {  	s28 =	simm.s32 $0x4100;
	s9 =	sadd.s32 s13, s2;
	[dreg:$0x18] =	wrdreg s6  }
0x20: {  	s29 =	simm.s32 $0x4180;
	s12 =	sadd.s32 s14, s2;
	[dreg:$0x1a] =	wrdreg s9  }
0x21: {  	s30 =	simm.s32 $0x4200;
	s13 =	sadd.s32 s19, s2;
	[dreg:$0x1c] =	wrdreg s12  }
0x22: {  	s31 =	simm.s32 $0x1;
	s19 =	sadd.s32 $0x2000, s18;
	[dreg:$0x1d] =	wrdreg s13  }
0x23: {  	s23 =	sadd.s32 $0x7A00, s22;
	s1 =	sadd.s32 s16, s5;
	[dreg:$0x1f] =	wrdreg s19  }
0x24: {  	s14 =	smul.u32 $0x240, s20;
	s24 =	sadd.s32 s15, s23;
	[dreg:$0x10] =	wrdreg s1  }
0x25: {  	s4 =	sadd.s32 s8, s2;
	s5 =	sadd.s32 s10, s2;
	[dreg:$0x12] =	wrdreg s24  }
0x26: {  	s8 =	sadd.s32 s11, s2;
	s10 =	sadd.s32 s17, s2;
	[dreg:$0x16] =	wrdreg s4  }
0x27: {  	s11 =	smul.u32 $0x7A0, s20;
	s17 =	sadd.s32 s7, s2;
	[dreg:$0x17] =	wrdreg s5  }
0x28: {  	s21 =	sadd.s32 s14, s16;
	s20 =	sadd.s32 $0x4000, s18;
	[dreg:$0x19] =	wrdreg s8  }
0x29: {  	s25 =	sadd.s32 $0x6000, s18;
	s26 =	sadd.s32 $0x8000, s18;
	[dreg:$0x1b] =	wrdreg s10  }
0x2a: {  	s9 =	sadd.s32 $0xC000, s18;
	s13 =	sadd.s32 $0x12000, s18;
	[dreg:$0x1e] =	wrdreg s17  }
0x2b: {  	s12 =	simm.s32 $0x2;
	s1 =	sadd.s32 s16, s23;
	[smem:$0x7FB] =	sst s20  }
.Ltmp0:
0x2c: {  	s24 =	sadd.s32 s14, s15;
	[smem:$0x7FC] =	sst s25;
	(pc) =	sbr.rel .LBB2_1-.Ltmp0, $4  }
0x2d: {  	[smem:$0x7FD] =	sst s26;
	s8 =	sadd.s32 $0xA000, s18;
	s10 =	sadd.s32 $0xE000, s18  }
0x2e: {  	s14 =	simm.s32 $0x8200;
	s17 =	simm.s32 $0x3;
	s25 =	simm.s32 $0x80  }
0x2f: {  	s26 =	simm.s32 $0x100;
	[dreg:$0x13] =	wrdreg s1;
	s22 =	sadd.s32 s11, s16  }
0x30: {  	s23 =	sadd.s32 s11, s15;
	s11 =	sadd.s32 $0x10000, s18;
	s1 =	simm.s32 $0x0  }
.LBB2_7:
0x31: {  	s5 =	sadd.s32 $0x7C30, s4;
	[sflag:s17] =	ssyncadd.s32 $0xFFFFC000  }
0x32: {  	[tilespmem:s28], [sflag:$0x3] =	stream.linear.gather [hbm4b:s5+s3], $0x80, $0x38;
	[tilespmem:$0x1E200] =	vst v63  }
0x33: {  	_ =	swait.ge [sflag:s17], $0x80  }
0x34: {  	s7 =	sadd.s32 s19, s21;
	[sflag:s17] =	ssyncset.done $0x0  }
0x35: {  	s6 =	sadd.s32 $0x7C30, s7;
	[sflag:s17] =	ssyncadd.s32 $0xFFFFFF80  }
0x36: {  	[tilespmem:s29], [sflag:$0x3] =	stream.linear.gather [hbm4b:s6+s3], $0x80, $0x38;
	[tilespmem:$0x1E200] =	vst v63  }
0x37: {  	_ =	swait.ge [sflag:s17], $0x80  }
0x38: {  	[sflag:s17] =	ssyncset.done $0x0  }
0x39: {  	[sflag:s17] =	ssyncadd.s32 $0xFFFFFF80  }
0x3a: {  	[tilespmem:s30], [sflag:$0x2] =	stream.indirect.gather [hbm4b:s0+s25], $0x80, s28, s25, $0xb8;
	[tilespmem:$0x1E200] =	vst v63  }
0x3b: {  	_ =	swait.ge [sflag:s31], $0x4000  }
0x3c: {  	[sflag:s31] =	ssyncset.done $0x0  }
0x3d: {  	[sflag:s31] =	ssyncadd.s32 $0xFFFFC000  }
0x3e: {  	[spmem:s2] =	stream.indirect.scatter.add.f32 [tilespmem:s26], [sflag:$0x3], $0x80, s25, s25, $0xb8;
	[tilespmem:$0x1E200] =	vst v63  }
0x3f: {  	_ =	swait.ge [sflag:s17], $0x4000  }
0x40: {  	[sflag:s17] =	ssyncset.done $0x0  }
0x41: {  	s19 =	sadd.s32 $0x7C40, s4;
	[sflag:s17] =	ssyncadd.s32 $0xFFFFC000  }
0x42: {  	[tilespmem:s3], [sflag:$0x3] =	stream.linear.gather [hbm4b:s19+s3], $0x80, $0x38;
	[tilespmem:$0x1E200] =	vst v63  }
0x43: {  	_ =	swait.ge [sflag:s17], $0x80  }
0x44: {  	[sflag:s17] =	ssyncset.done $0x0  }
0x45: {  	s20 =	sadd.s32 $0x7C40, s7;
	[sflag:s17] =	ssyncadd.s32 $0xFFFFFF80  }
0x46: {  	[tilespmem:s25], [sflag:$0x3] =	stream.linear.gather [hbm4b:s20+s3], $0x80, $0x38;
	[tilespmem:$0x1E200] =	vst v63  }
0x47: {  	_ =	swait.ge [sflag:s17], $0x80  }
0x48: {  	[sflag:s17] =	ssyncset.done $0x0  }
0x49: {  	[sflag:s17] =	ssyncadd.s32 $0xFFFFFF80  }
0x4a: {  	[tilespmem:s26], [sflag:$0x1] =	stream.indirect.gather [hbm4b:s0+s25], $0x80, s3, s25, $0xb8;
	[tilespmem:$0x1E200] =	vst v63  }
0x4b: {  	_ =	swait.ge [sflag:s12], $0x4000  }
0x4c: {  	[sflag:s12] =	ssyncset.done $0x0  }
0x4d: {  	[sflag:s12] =	ssyncadd.s32 $0xFFFFC000  }
0x4e: {  	[spmem:s2] =	stream.indirect.scatter.add.f32 [tilespmem:s30], [sflag:$0x3], $0x80, s29, s25, $0xb8;
	[tilespmem:$0x1E200] =	vst v63  }
0x4f: {  	_ =	swait.ge [sflag:s17], $0x4000  }
0x50: {  	[sflag:s17] =	ssyncset.done $0x0  }
0x51: {  	s4 =	rddreg [dreg:$0x14];
	[sflag:s17] =	ssyncadd.s32 $0xFFFFC000  }
.LBB2_8:
0x52: {  	s4 =	sshrl.u32 s4, $0x3  }
0x53: {  	s5 =	sadd.s32 s15, s4  }
0x54: {  	[tilespmem:s28], [sflag:$0x3] =	stream.linear.gather [hbm4b:s5+s3], $0x80, $0x38;
	[tilespmem:$0x1E200] =	vst v63  }
0x55: {  	_ =	swait.ge [sflag:s17], $0x80  }
0x56: {  	[sflag:s17] =	ssyncset.done $0x0  }
0x57: {  	s4 =	sadd.s32 s16, s4;
	[sflag:s17] =	ssyncadd.s32 $0xFFFFFF80  }
0x58: {  	[tilespmem:s29], [sflag:$0x3] =	stream.linear.gather [hbm4b:s4+s3], $0x80, $0x38;
	[tilespmem:$0x1E200] =	vst v63  }
0x59: {  	_ =	swait.ge [sflag:s17], $0x80  }
0x5a: {  	[sflag:s17] =	ssyncset.done $0x0  }
0x5b: {  	[sflag:s17] =	ssyncadd.s32 $0xFFFFFF80  }
0x5c: {  	[tilespmem:s30], [sflag:$0x2] =	stream.indirect.gather [hbm4b:s0+s25], $0x80, s28, s25, $0xb8;
	[tilespmem:$0x1E200] =	vst v63  }
0x5d: {  	_ =	swait.ge [sflag:s31], $0x4000  }
0x5e: {  	[sflag:s31] =	ssyncset.done $0x0  }
0x5f: {  	[sflag:s31] =	ssyncadd.s32 $0xFFFFC000  }
0x60: {  	[spmem:s2] =	stream.indirect.scatter.add.f32 [tilespmem:s26], [sflag:$0x3], $0x80, s25, s25, $0xb8;
	[tilespmem:$0x1E200] =	vst v63  }
0x61: {  	_ =	swait.ge [sflag:s17], $0x4000  }
0x62: {  	[sflag:s17] =	ssyncset.done $0x0  }
0x63: {  	[sflag:s17] =	ssyncadd.s32 $0xFFFFC000  }
0x64: {  	_ =	swait.ge [sflag:s12], $0x4000  }
0x65: {  	[sflag:s12] =	ssyncset.done $0x0  }
0x66: {  	[sflag:s12] =	ssyncadd.s32 $0xFFFFC000  }
0x67: {  	[spmem:s2] =	stream.indirect.scatter.add.f32 [tilespmem:s30], [sflag:$0x3], $0x80, s29, s25, $0xb8;
	[tilespmem:$0x1E200] =	vst v63  }
0x68: {  	_ =	swait.ge [sflag:s17], $0x4000  }
0x69: {  	[sflag:s17] =	ssyncset.done $0x0  }
0x6a: {  	[sflag:s17] =	ssyncadd.s32 $0xFFFFC000  }
0x6b: {  	[bflag:$0x0] =	sbarrier.arrive $0xFFFF  }
0x6c: {  	[tilespmem:s14], [sflag:$0x3] =	stream.linear.gather [spmem:s18], $0x2000, $0x38;
	[tilespmem:$0x1E200] =	vst v63  }
0x6d: {  	_ =	swait.ge [sflag:s17], $0x2000  }
0x6e: {  	[sflag:s17] =	ssyncset.done $0x0  }
0x6f: {  	s5 =	rddreg [dreg:$0x4];
	[sflag:s17] =	ssyncadd.s32 $0xFFFFE000  }
0x70: {  	[hbm4b:s5+s3] =	stream.linear.scatter [tilespmem:s14], [sflag:$0x3], $0x2000, $0x38;
	[tilespmem:$0x1E200] =	vst v63  }
0x71: {  	_ =	swait.ge [sflag:s17], $0x2000  }
0x72: {  	[sflag:s17] =	ssyncset.done $0x0  }
0x73: {  	s6 =	rddreg [dreg:$0x16];
	[sflag:s17] =	ssyncadd.s32 $0xFFFFE000  }
0x74: {  	[tilespmem:s14], [sflag:$0x3] =	stream.linear.gather [spmem:s6], $0x2000, $0x38;
	[tilespmem:$0x1E200] =	vst v63  }
0x75: {  	_ =	swait.ge [sflag:s17], $0x2000  }
0x76: {  	[sflag:s17] =	ssyncset.done $0x0  }
0x77: {  	s7 =	rddreg [dreg:$0x5];
	[sflag:s17] =	ssyncadd.s32 $0xFFFFE000  }
0x78: {  	[hbm4b:s7+s3] =	stream.linear.scatter [tilespmem:s14], [sflag:$0x3], $0x2000, $0x38;
	[tilespmem:$0x1E200] =	vst v63  }
0x79: {  	_ =	swait.ge [sflag:s17], $0x2000  }
0x7a: {  	[sflag:s17] =	ssyncset.done $0x0  }
0x7b: {  	s19 =	rddreg [dreg:$0x17];
	[sflag:s17] =	ssyncadd.s32 $0xFFFFE000  }
0x7c: {  	[tilespmem:s14], [sflag:$0x3] =	stream.linear.gather [spmem:s19], $0x2000, $0x38;
	[tilespmem:$0x1E200] =	vst v63  }
0x7d: {  	_ =	swait.ge [sflag:s17], $0x2000  }
0x7e: {  	[sflag:s17] =	ssyncset.done $0x0  }
0x7f: {  	s20 =	rddreg [dreg:$0x6];
	[sflag:s17] =	ssyncadd.s32 $0xFFFFE000  }
0x80: {  	[hbm4b:s20+s3] =	stream.linear.scatter [tilespmem:s14], [sflag:$0x3], $0x2000, $0x38;
	[tilespmem:$0x1E200] =	vst v63  }
0x81: {  	_ =	swait.ge [sflag:s17], $0x2000  }
0x82: {  	[sflag:s17] =	ssyncset.done $0x0  }
0x83: {  	s5 =	rddreg [dreg:$0x18];
	[sflag:s17] =	ssyncadd.s32 $0xFFFFE000  }
0x84: {  	[tilespmem:s14], [sflag:$0x3] =	stream.linear.gather [spmem:s5], $0x2000, $0x38;
	[tilespmem:$0x1E200] =	vst v63  }
0x85: {  	_ =	swait.ge [sflag:s17], $0x2000  }
0x86: {  	[sflag:s17] =	ssyncset.done $0x0  }
0x87: {  	s6 =	rddreg [dreg:$0x7];
	[sflag:s17] =	ssyncadd.s32 $0xFFFFE000  }
0x88: {  	[hbm4b:s6+s3] =	stream.linear.scatter [tilespmem:s14], [sflag:$0x3], $0x2000, $0x38;
	[tilespmem:$0x1E200] =	vst v63  }
0x89: {  	_ =	swait.ge [sflag:s17], $0x2000  }
0x8a: {  	[sflag:s17] =	ssyncset.done $0x0  }
0x8b: {  	s7 =	rddreg [dreg:$0x19];
	[sflag:s17] =	ssyncadd.s32 $0xFFFFE000  }
0x8c: {  	[tilespmem:s14], [sflag:$0x3] =	stream.linear.gather [spmem:s7], $0x2000, $0x38;
	[tilespmem:$0x1E200] =	vst v63  }
0x8d: {  	_ =	swait.ge [sflag:s17], $0x2000  }
0x8e: {  	[sflag:s17] =	ssyncset.done $0x0  }
0x8f: {  	s19 =	rddreg [dreg:$0x8];
	[sflag:s17] =	ssyncadd.s32 $0xFFFFE000  }
0x90: {  	[hbm4b:s19+s3] =	stream.linear.scatter [tilespmem:s14], [sflag:$0x3], $0x2000, $0x38;
	[tilespmem:$0x1E200] =	vst v63  }
0x91: {  	_ =	swait.ge [sflag:s17], $0x2000  }
0x92: {  	[sflag:s17] =	ssyncset.done $0x0  }
0x93: {  	s20 =	rddreg [dreg:$0x1a];
	[sflag:s17] =	ssyncadd.s32 $0xFFFFE000  }
0x94: {  	[tilespmem:s14], [sflag:$0x3] =	stream.linear.gather [spmem:s20], $0x2000, $0x38;
	[tilespmem:$0x1E200] =	vst v63  }
0x95: {  	_ =	swait.ge [sflag:s17], $0x2000  }
0x96: {  	[sflag:s17] =	ssyncset.done $0x0  }
0x97: {  	s5 =	rddreg [dreg:$0x9];
	[sflag:s17] =	ssyncadd.s32 $0xFFFFE000  }
0x98: {  	[hbm4b:s5+s3] =	stream.linear.scatter [tilespmem:s14], [sflag:$0x3], $0x2000, $0x38;
	[tilespmem:$0x1E200] =	vst v63  }
0x99: {  	_ =	swait.ge [sflag:s17], $0x2000  }
0x9a: {  	[sflag:s17] =	ssyncset.done $0x0  }
0x9b: {  	s6 =	rddreg [dreg:$0x1b];
	[sflag:s17] =	ssyncadd.s32 $0xFFFFE000  }
0x9c: {  	[tilespmem:s14], [sflag:$0x3] =	stream.linear.gather [spmem:s6], $0x2000, $0x38;
	[tilespmem:$0x1E200] =	vst v63  }
0x9d: {  	_ =	swait.ge [sflag:s17], $0x2000  }
0x9e: {  	[sflag:s17] =	ssyncset.done $0x0  }
0x9f: {  	s7 =	rddreg [dreg:$0xa];
	[sflag:s17] =	ssyncadd.s32 $0xFFFFE000  }
0xa0: {  	[hbm4b:s7+s3] =	stream.linear.scatter [tilespmem:s14], [sflag:$0x3], $0x2000, $0x38;
	[tilespmem:$0x1E200] =	vst v63  }
0xa1: {  	_ =	swait.ge [sflag:s17], $0x2000  }
0xa2: {  	[sflag:s17] =	ssyncset.done $0x0  }
0xa3: {  	s19 =	rddreg [dreg:$0x1c];
	[sflag:s17] =	ssyncadd.s32 $0xFFFFE000  }
0xa4: {  	[tilespmem:s14], [sflag:$0x3] =	stream.linear.gather [spmem:s19], $0x2000, $0x38;
	[tilespmem:$0x1E200] =	vst v63  }
0xa5: {  	_ =	swait.ge [sflag:s17], $0x2000  }
0xa6: {  	[sflag:s17] =	ssyncset.done $0x0  }
0xa7: {  	s20 =	rddreg [dreg:$0xb];
	[sflag:s17] =	ssyncadd.s32 $0xFFFFE000  }
0xa8: {  	[hbm4b:s20+s3] =	stream.linear.scatter [tilespmem:s14], [sflag:$0x3], $0x2000, $0x38;
	[tilespmem:$0x1E200] =	vst v63  }
0xa9: {  	_ =	swait.ge [sflag:s17], $0x2000  }
0xaa: {  	[sflag:s17] =	ssyncset.done $0x0  }
0xab: {  	s5 =	rddreg [dreg:$0x1d];
	[sflag:s17] =	ssyncadd.s32 $0xFFFFE000  }
0xac: {  	[tilespmem:s14], [sflag:$0x3] =	stream.linear.gather [spmem:s5], $0x2000, $0x38;
	[tilespmem:$0x1E200] =	vst v63  }
0xad: {  	_ =	swait.ge [sflag:s17], $0x2000  }
0xae: {  	[sflag:s17] =	ssyncset.done $0x0  }
0xaf: {  	s6 =	rddreg [dreg:$0xc];
	[sflag:s17] =	ssyncadd.s32 $0xFFFFE000  }
0xb0: {  	[hbm4b:s6+s3] =	stream.linear.scatter [tilespmem:s14], [sflag:$0x3], $0x2000, $0x38;
	[tilespmem:$0x1E200] =	vst v63  }
0xb1: {  	_ =	swait.ge [sflag:s17], $0x2000  }
0xb2: {  	[sflag:s17] =	ssyncset.done $0x0  }
0xb3: {  	s7 =	rddreg [dreg:$0x1e];
	[sflag:s17] =	ssyncadd.s32 $0xFFFFE000  }
0xb4: {  	[tilespmem:s14], [sflag:$0x3] =	stream.linear.gather [spmem:s7], $0x2000, $0x38;
	[tilespmem:$0x1E200] =	vst v63  }
0xb5: {  	_ =	swait.ge [sflag:s17], $0x2000  }
0xb6: {  	[sflag:s17] =	ssyncset.done $0x0  }
0xb7: {  	s19 =	rddreg [dreg:$0xd];
	[sflag:s17] =	ssyncadd.s32 $0xFFFFE000  }
0xb8: {  	[hbm4b:s19+s3] =	stream.linear.scatter [tilespmem:s14], [sflag:$0x3], $0x2000, $0x38;
	[tilespmem:$0x1E200] =	vst v63  }
0xb9: {  	_ =	swait.ge [sflag:s17], $0x2000  }
0xba: {  	s1 =	sadd.s32 $0x1, s1;
	s20 =	rddreg [dreg:$0x15]  }
0xbb: {  	p1 =	sne.s32 s1, s20  }
.Ltmp1:
0xbc: {  	_ = 	snop;
	(pc) =	sbr.rel @!p1 .LBB2_9-.Ltmp1, $3  }
0xbd: {  	_ =	sdelay $0x1  }
0xbe: {  	[sflag:s17] =	ssyncset.done $0x0  }
0xbf: {  	[sflag:s17] =	ssyncadd.s32 $0xFFFFE000  }
.LBB2_1:
0xc0: {  	s4 =	rddreg [dreg:$0xe]  }
0xc1: {  	[tilespmem:s14], [sflag:$0x3] =	stream.linear.gather [hbm4b:s4+s3], $0x2000, $0x38;
	[tilespmem:$0x1E200] =	vst v63  }
0xc2: {  	_ =	swait.ge [sflag:s17], $0x2000  }
0xc3: {  	[sflag:s17] =	ssyncset.done $0x0  }
0xc4: {  	[sflag:s17] =	ssyncadd.s32 $0xFFFFE000  }
0xc5: {  	[spmem:s18] =	stream.linear.scatter [tilespmem:s14], [sflag:$0x3], $0x2000, $0x38;
	[tilespmem:$0x1E200] =	vst v63  }
0xc6: {  	_ =	swait.ge [sflag:s17], $0x2000  }
0xc7: {  	[sflag:s17] =	ssyncset.done $0x0  }
0xc8: {  	s6 =	rddreg [dreg:$0x1f];
	[sflag:s17] =	ssyncadd.s32 $0xFFFFE000  }
0xc9: {  	[spmem:s6] =	stream.linear.scatter [tilespmem:s14], [sflag:$0x3], $0x2000, $0x38;
	[tilespmem:$0x1E200] =	vst v63  }
0xca: {  	_ =	swait.ge [sflag:s17], $0x2000  }
0xcb: {  	s7 =	sld [smem:$0x7FB]  }
0xcc: {  	[sflag:s17] =	ssyncset.done $0x0  }
0xcd: {  	[sflag:s17] =	ssyncadd.s32 $0xFFFFE000  }
0xce: {  	[spmem:s7] =	stream.linear.scatter [tilespmem:s14], [sflag:$0x3], $0x2000, $0x38;
	[tilespmem:$0x1E200] =	vst v63  }
0xcf: {  	_ =	swait.ge [sflag:s17], $0x2000  }
0xd0: {  	s19 =	sld [smem:$0x7FC]  }
0xd1: {  	[sflag:s17] =	ssyncset.done $0x0  }
0xd2: {  	[sflag:s17] =	ssyncadd.s32 $0xFFFFE000  }
0xd3: {  	[spmem:s19] =	stream.linear.scatter [tilespmem:s14], [sflag:$0x3], $0x2000, $0x38;
	[tilespmem:$0x1E200] =	vst v63  }
0xd4: {  	_ =	swait.ge [sflag:s17], $0x2000  }
0xd5: {  	s20 =	sld [smem:$0x7FD]  }
0xd6: {  	[sflag:s17] =	ssyncset.done $0x0  }
0xd7: {  	[sflag:s17] =	ssyncadd.s32 $0xFFFFE000  }
0xd8: {  	[spmem:s20] =	stream.linear.scatter [tilespmem:s14], [sflag:$0x3], $0x2000, $0x38;
	[tilespmem:$0x1E200] =	vst v63  }
0xd9: {  	_ =	swait.ge [sflag:s17], $0x2000  }
0xda: {  	[sflag:s17] =	ssyncset.done $0x0  }
0xdb: {  	[sflag:s17] =	ssyncadd.s32 $0xFFFFE000  }
0xdc: {  	[spmem:s8] =	stream.linear.scatter [tilespmem:s14], [sflag:$0x3], $0x2000, $0x38;
	[tilespmem:$0x1E200] =	vst v63  }
0xdd: {  	_ =	swait.ge [sflag:s17], $0x2000  }
0xde: {  	[sflag:s17] =	ssyncset.done $0x0  }
0xdf: {  	[sflag:s17] =	ssyncadd.s32 $0xFFFFE000  }
0xe0: {  	[spmem:s9] =	stream.linear.scatter [tilespmem:s14], [sflag:$0x3], $0x2000, $0x38;
	[tilespmem:$0x1E200] =	vst v63  }
0xe1: {  	_ =	swait.ge [sflag:s17], $0x2000  }
0xe2: {  	[sflag:s17] =	ssyncset.done $0x0  }
0xe3: {  	[sflag:s17] =	ssyncadd.s32 $0xFFFFE000  }
0xe4: {  	[spmem:s10] =	stream.linear.scatter [tilespmem:s14], [sflag:$0x3], $0x2000, $0x38;
	[tilespmem:$0x1E200] =	vst v63  }
0xe5: {  	_ =	swait.ge [sflag:s17], $0x2000  }
0xe6: {  	[sflag:s17] =	ssyncset.done $0x0  }
0xe7: {  	[sflag:s17] =	ssyncadd.s32 $0xFFFFE000  }
0xe8: {  	[spmem:s11] =	stream.linear.scatter [tilespmem:s14], [sflag:$0x3], $0x2000, $0x38;
	[tilespmem:$0x1E200] =	vst v63  }
0xe9: {  	_ =	swait.ge [sflag:s17], $0x2000  }
0xea: {  	[sflag:s17] =	ssyncset.done $0x0  }
0xeb: {  	[sflag:s17] =	ssyncadd.s32 $0xFFFFE000  }
0xec: {  	[spmem:s13] =	stream.linear.scatter [tilespmem:s14], [sflag:$0x3], $0x2000, $0x38;
	[tilespmem:$0x1E200] =	vst v63  }
.Ltmp2:
0xed: {  	_ =	swait.ge [sflag:s17], $0x2000;
	(pc) =	sbr.rel @!p0 .LBB2_2-.Ltmp2, $3  }
0xee: {  	[sflag:s17] =	ssyncset.done $0x0  }
0xef: {  	[sflag:s17] =	ssyncadd.s32 $0xFFFFE000  }
0xf0: {  	[bflag:$0x0] =	sbarrier.arrive $0xFFFF;
	_ =	sdelay $0x1  }
0xf1: {  	s4 =	rddreg [dreg:$0x12]  }
0xf2: {  	[tilespmem:s3], [sflag:$0x3] =	stream.linear.gather [hbm4b:s4+s3], $0x80, $0x38;
	[tilespmem:$0x1E200] =	vst v63  }
0xf3: {  	_ =	swait.ge [sflag:s17], $0x80  }
0xf4: {  	[sflag:s17] =	ssyncset.done $0x0  }
0xf5: {  	s6 =	rddreg [dreg:$0x13];
	[sflag:s17] =	ssyncadd.s32 $0xFFFFFF80  }
0xf6: {  	[tilespmem:s25], [sflag:$0x3] =	stream.linear.gather [hbm4b:s6+s3], $0x80, $0x38;
	[tilespmem:$0x1E200] =	vst v63  }
0xf7: {  	_ =	swait.ge [sflag:s17], $0x80  }
0xf8: {  	[sflag:s17] =	ssyncset.done $0x0  }
0xf9: {  	s7 =	sadd.s32 $0xFFFFFDE0, s24;
	[sflag:s17] =	ssyncadd.s32 $0xFFFFFF80  }
0xfa: {  	[tilespmem:s26], [sflag:$0x1] =	stream.indirect.gather [hbm4b:s0+s25], $0x80, s3, s25, $0xb8;
	[tilespmem:$0x1E200] =	vst v63  }
0xfb: {  	s5 =	sadd.s32 $0x7C30, s7  }
0xfc: {  	[tilespmem:s28], [sflag:$0x3] =	stream.linear.gather [hbm4b:s5+s3], $0x80, $0x38;
	[tilespmem:$0x1E200] =	vst v63  }
0xfd: {  	_ =	swait.ge [sflag:s17], $0x80  }
0xfe: {  	s19 =	sadd.s32 $0xFFFFFDE0, s21;
	[sflag:s17] =	ssyncset.done $0x0  }
0xff: {  	s6 =	sadd.s32 $0x7C30, s19;
	[sflag:s17] =	ssyncadd.s32 $0xFFFFFF80  }
0x100: {  	[tilespmem:s29], [sflag:$0x3] =	stream.linear.gather [hbm4b:s6+s3], $0x80, $0x38;
	[tilespmem:$0x1E200] =	vst v63  }
0x101: {  	_ =	swait.ge [sflag:s17], $0x80  }
0x102: {  	[sflag:s17] =	ssyncset.done $0x0  }
0x103: {  	[sflag:s17] =	ssyncadd.s32 $0xFFFFFF80  }
0x104: {  	[tilespmem:s30], [sflag:$0x2] =	stream.indirect.gather [hbm4b:s0+s25], $0x80, s28, s25, $0xb8;
	[tilespmem:$0x1E200] =	vst v63  }
0x105: {  	_ =	swait.ge [sflag:s31], $0x4000  }
0x106: {  	[sflag:s31] =	ssyncset.done $0x0  }
0x107: {  	[sflag:s31] =	ssyncadd.s32 $0xFFFFC000  }
0x108: {  	[spmem:s2] =	stream.indirect.scatter.add.f32 [tilespmem:s26], [sflag:$0x3], $0x80, s25, s25, $0xb8;
	[tilespmem:$0x1E200] =	vst v63  }
0x109: {  	_ =	swait.ge [sflag:s17], $0x4000  }
0x10a: {  	[sflag:s17] =	ssyncset.done $0x0  }
0x10b: {  	s4 =	sadd.s32 $0x7C40, s7;
	[sflag:s17] =	ssyncadd.s32 $0xFFFFC000  }
0x10c: {  	[tilespmem:s3], [sflag:$0x3] =	stream.linear.gather [hbm4b:s4+s3], $0x80, $0x38;
	[tilespmem:$0x1E200] =	vst v63  }
0x10d: {  	_ =	swait.ge [sflag:s17], $0x80  }
0x10e: {  	[sflag:s17] =	ssyncset.done $0x0  }
0x10f: {  	s20 =	sadd.s32 $0x7C40, s19;
	[sflag:s17] =	ssyncadd.s32 $0xFFFFFF80  }
0x110: {  	[tilespmem:s25], [sflag:$0x3] =	stream.linear.gather [hbm4b:s20+s3], $0x80, $0x38;
	[tilespmem:$0x1E200] =	vst v63  }
0x111: {  	_ =	swait.ge [sflag:s17], $0x80  }
0x112: {  	[sflag:s17] =	ssyncset.done $0x0  }
0x113: {  	[sflag:s17] =	ssyncadd.s32 $0xFFFFFF80  }
0x114: {  	[tilespmem:s26], [sflag:$0x1] =	stream.indirect.gather [hbm4b:s0+s25], $0x80, s3, s25, $0xb8;
	[tilespmem:$0x1E200] =	vst v63  }
0x115: {  	_ =	swait.ge [sflag:s12], $0x4000  }
0x116: {  	[sflag:s12] =	ssyncset.done $0x0  }
0x117: {  	[sflag:s12] =	ssyncadd.s32 $0xFFFFC000  }
0x118: {  	[spmem:s2] =	stream.indirect.scatter.add.f32 [tilespmem:s30], [sflag:$0x3], $0x80, s29, s25, $0xb8;
	[tilespmem:$0x1E200] =	vst v63  }
0x119: {  	s19 =	simm.s32 $0xFFFFFE00;
	_ =	swait.ge [sflag:s17], $0x4000  }
0x11a: {  	s5 =	simm.s32 $0xFFFFFE20;
	s4 =	sadd.s32 $0xFFFFFE00, s24;
	[sflag:s17] =	ssyncset.done $0x0  }
.LBB2_6:
0x11b: {  	s6 =	sadd.s32 $0x7C30, s4  }
0x11c: {  	[sflag:s17] =	ssyncadd.s32 $0xFFFFC000;
	s7 =	smov.u32 s5;
	s20 =	sadd.s32 $0x20, s5  }
0x11d: {  	[tilespmem:s28], [sflag:$0x3] =	stream.linear.gather [hbm4b:s6+s3], $0x80, $0x38;
	[tilespmem:$0x1E200] =	vst v63  }
0x11e: {  	p1 =	sne.s32 s5, $0xFFFFFFE0;
	_ =	swait.ge [sflag:s17], $0x80  }
0x11f: {  	s5 =	sadd.s32 s19, s21;
	s19 =	smov.u32 s7;
	[sflag:s17] =	ssyncset.done $0x0  }
0x120: {  	s6 =	sadd.s32 $0x7C30, s5;
	[sflag:s17] =	ssyncadd.s32 $0xFFFFFF80  }
0x121: {  	[tilespmem:s29], [sflag:$0x3] =	stream.linear.gather [hbm4b:s6+s3], $0x80, $0x38;
	[tilespmem:$0x1E200] =	vst v63  }
0x122: {  	_ =	swait.ge [sflag:s17], $0x80  }
0x123: {  	[sflag:s17] =	ssyncset.done $0x0  }
0x124: {  	[sflag:s17] =	ssyncadd.s32 $0xFFFFFF80  }
0x125: {  	[tilespmem:s30], [sflag:$0x2] =	stream.indirect.gather [hbm4b:s0+s25], $0x80, s28, s25, $0xb8;
	[tilespmem:$0x1E200] =	vst v63  }
0x126: {  	_ =	swait.ge [sflag:s31], $0x4000  }
0x127: {  	[sflag:s31] =	ssyncset.done $0x0  }
0x128: {  	[sflag:s31] =	ssyncadd.s32 $0xFFFFC000  }
0x129: {  	[spmem:s2] =	stream.indirect.scatter.add.f32 [tilespmem:s26], [sflag:$0x3], $0x80, s25, s25, $0xb8;
	[tilespmem:$0x1E200] =	vst v63  }
0x12a: {  	_ =	swait.ge [sflag:s17], $0x4000  }
0x12b: {  	[sflag:s17] =	ssyncset.done $0x0  }
0x12c: {  	s4 =	sadd.s32 $0x7C40, s4;
	[sflag:s17] =	ssyncadd.s32 $0xFFFFC000  }
0x12d: {  	[tilespmem:s3], [sflag:$0x3] =	stream.linear.gather [hbm4b:s4+s3], $0x80, $0x38;
	[tilespmem:$0x1E200] =	vst v63  }
0x12e: {  	_ =	swait.ge [sflag:s17], $0x80  }
0x12f: {  	[sflag:s17] =	ssyncset.done $0x0  }
0x130: {  	s4 =	sadd.s32 $0x7C40, s5;
	[sflag:s17] =	ssyncadd.s32 $0xFFFFFF80  }
0x131: {  	[tilespmem:s25], [sflag:$0x3] =	stream.linear.gather [hbm4b:s4+s3], $0x80, $0x38;
	[tilespmem:$0x1E200] =	vst v63  }
0x132: {  	_ =	swait.ge [sflag:s17], $0x80  }
0x133: {  	[sflag:s17] =	ssyncset.done $0x0  }
0x134: {  	[sflag:s17] =	ssyncadd.s32 $0xFFFFFF80  }
0x135: {  	[tilespmem:s26], [sflag:$0x1] =	stream.indirect.gather [hbm4b:s0+s25], $0x80, s3, s25, $0xb8;
	[tilespmem:$0x1E200] =	vst v63  }
0x136: {  	_ =	swait.ge [sflag:s12], $0x4000  }
.Ltmp3:
0x137: {  	[sflag:s12] =	ssyncset.done $0x0;
	(pc) =	sbr.rel @p1 .LBB2_6-.Ltmp3, $4  }
0x138: {  	[sflag:s12] =	ssyncadd.s32 $0xFFFFC000  }
0x139: {  	[spmem:s2] =	stream.indirect.scatter.add.f32 [tilespmem:s30], [sflag:$0x3], $0x80, s29, s25, $0xb8;
	[tilespmem:$0x1E200] =	vst v63  }
0x13a: {  	_ =	swait.ge [sflag:s17], $0x4000  }
0x13b: {  	s5 =	smov.u32 s20;
	s4 =	sadd.s32 s19, s24;
	[sflag:s17] =	ssyncset.done $0x0  }
.Ltmp4:
0x13c: {  	_ = 	snop;
	(pc) =	sbr.rel .LBB2_7-.Ltmp4, $1  }
0x13d: {  	_ =	sdelay $0x3  }
.LBB2_2:
0x13e: {  	s4 =	rddreg [dreg:$0xf]  }
0x13f: {  	[tilespmem:s3], [sflag:$0x3] =	stream.linear.gather [hbm4b:s4+s3], $0x80, $0x38;
	[tilespmem:$0x1E200] =	vst v63  }
0x140: {  	_ =	swait.ge [sflag:s17], $0x80  }
0x141: {  	[sflag:s17] =	ssyncset.done $0x0  }
0x142: {  	s5 =	rddreg [dreg:$0x10];
	[sflag:s17] =	ssyncadd.s32 $0xFFFFFF80  }
0x143: {  	[tilespmem:s25], [sflag:$0x3] =	stream.linear.gather [hbm4b:s5+s3], $0x80, $0x38;
	[tilespmem:$0x1E200] =	vst v63  }
0x144: {  	_ =	swait.ge [sflag:s17], $0x80  }
0x145: {  	[sflag:s17] =	ssyncset.done $0x0  }
0x146: {  	s6 =	sadd.s32 $0xFFFFF880, s23;
	[sflag:s17] =	ssyncadd.s32 $0xFFFFFF80  }
0x147: {  	[tilespmem:s26], [sflag:$0x1] =	stream.indirect.gather [hbm4b:s0+s25], $0x80, s3, s25, $0xb8;
	[tilespmem:$0x1E200] =	vst v63  }
0x148: {  	s5 =	sadd.s32 $0x790, s6  }
0x149: {  	[tilespmem:s28], [sflag:$0x3] =	stream.linear.gather [hbm4b:s5+s3], $0x80, $0x38;
	[tilespmem:$0x1E200] =	vst v63  }
0x14a: {  	_ =	swait.ge [sflag:s17], $0x80  }
0x14b: {  	s7 =	sadd.s32 $0xFFFFF880, s22;
	[sflag:s17] =	ssyncset.done $0x0  }
0x14c: {  	s19 =	sadd.s32 $0x790, s7;
	[sflag:s17] =	ssyncadd.s32 $0xFFFFFF80  }
0x14d: {  	[tilespmem:s29], [sflag:$0x3] =	stream.linear.gather [hbm4b:s19+s3], $0x80, $0x38;
	[tilespmem:$0x1E200] =	vst v63  }
0x14e: {  	_ =	swait.ge [sflag:s17], $0x80  }
0x14f: {  	[sflag:s17] =	ssyncset.done $0x0  }
0x150: {  	[sflag:s17] =	ssyncadd.s32 $0xFFFFFF80  }
0x151: {  	[tilespmem:s30], [sflag:$0x2] =	stream.indirect.gather [hbm4b:s0+s25], $0x80, s28, s25, $0xb8;
	[tilespmem:$0x1E200] =	vst v63  }
0x152: {  	_ =	swait.ge [sflag:s31], $0x4000  }
0x153: {  	[sflag:s31] =	ssyncset.done $0x0  }
0x154: {  	[sflag:s31] =	ssyncadd.s32 $0xFFFFC000  }
0x155: {  	[spmem:s2] =	stream.indirect.scatter.add.f32 [tilespmem:s26], [sflag:$0x3], $0x80, s25, s25, $0xb8;
	[tilespmem:$0x1E200] =	vst v63  }
0x156: {  	_ =	swait.ge [sflag:s17], $0x4000  }
0x157: {  	[sflag:s17] =	ssyncset.done $0x0  }
0x158: {  	s4 =	sadd.s32 $0x7A0, s6;
	[sflag:s17] =	ssyncadd.s32 $0xFFFFC000  }
0x159: {  	[tilespmem:s3], [sflag:$0x3] =	stream.linear.gather [hbm4b:s4+s3], $0x80, $0x38;
	[tilespmem:$0x1E200] =	vst v63  }
0x15a: {  	_ =	swait.ge [sflag:s17], $0x80  }
0x15b: {  	[sflag:s17] =	ssyncset.done $0x0  }
0x15c: {  	s20 =	sadd.s32 $0x7A0, s7;
	[sflag:s17] =	ssyncadd.s32 $0xFFFFFF80  }
0x15d: {  	[tilespmem:s25], [sflag:$0x3] =	stream.linear.gather [hbm4b:s20+s3], $0x80, $0x38;
	[tilespmem:$0x1E200] =	vst v63  }
0x15e: {  	_ =	swait.ge [sflag:s17], $0x80  }
0x15f: {  	[sflag:s17] =	ssyncset.done $0x0  }
0x160: {  	[sflag:s17] =	ssyncadd.s32 $0xFFFFFF80  }
0x161: {  	[tilespmem:s26], [sflag:$0x1] =	stream.indirect.gather [hbm4b:s0+s25], $0x80, s3, s25, $0xb8;
	[tilespmem:$0x1E200] =	vst v63  }
0x162: {  	_ =	swait.ge [sflag:s12], $0x4000  }
0x163: {  	[sflag:s12] =	ssyncset.done $0x0  }
0x164: {  	[sflag:s12] =	ssyncadd.s32 $0xFFFFC000  }
0x165: {  	[spmem:s2] =	stream.indirect.scatter.add.f32 [tilespmem:s30], [sflag:$0x3], $0x80, s29, s25, $0xb8;
	[tilespmem:$0x1E200] =	vst v63  }
0x166: {  	s19 =	simm.s32 $0xFFFFF8A0;
	_ =	swait.ge [sflag:s17], $0x4000  }
0x167: {  	s4 =	sadd.s32 $0xFFFFF8A0, s23;
	s20 =	simm.s32 $0xFFFFF8C0;
	[sflag:s17] =	ssyncset.done $0x0  }
.LBB2_3:
0x168: {  	s6 =	sadd.s32 $0x790, s4  }
0x169: {  	[sflag:s17] =	ssyncadd.s32 $0xFFFFC000;
	s7 =	smov.u32 s20;
	s5 =	sadd.s32 $0x20, s20  }
0x16a: {  	[tilespmem:s28], [sflag:$0x3] =	stream.linear.gather [hbm4b:s6+s3], $0x80, $0x38;
	[tilespmem:$0x1E200] =	vst v63  }
0x16b: {  	p1 =	seq.s32 s20, $0xFFFFFFE0;
	_ =	swait.ge [sflag:s17], $0x80  }
0x16c: {  	s6 =	sadd.s32 s19, s22;
	s19 =	smov.u32 s7;
	[sflag:s17] =	ssyncset.done $0x0  }
0x16d: {  	s7 =	sadd.s32 $0x790, s6;
	[sflag:s17] =	ssyncadd.s32 $0xFFFFFF80  }
0x16e: {  	[tilespmem:s29], [sflag:$0x3] =	stream.linear.gather [hbm4b:s7+s3], $0x80, $0x38;
	[tilespmem:$0x1E200] =	vst v63  }
0x16f: {  	_ =	swait.ge [sflag:s17], $0x80  }
0x170: {  	[sflag:s17] =	ssyncset.done $0x0  }
0x171: {  	[sflag:s17] =	ssyncadd.s32 $0xFFFFFF80  }
0x172: {  	[tilespmem:s30], [sflag:$0x2] =	stream.indirect.gather [hbm4b:s0+s25], $0x80, s28, s25, $0xb8;
	[tilespmem:$0x1E200] =	vst v63  }
0x173: {  	_ =	swait.ge [sflag:s31], $0x4000  }
0x174: {  	[sflag:s31] =	ssyncset.done $0x0  }
0x175: {  	[sflag:s31] =	ssyncadd.s32 $0xFFFFC000  }
0x176: {  	[spmem:s2] =	stream.indirect.scatter.add.f32 [tilespmem:s26], [sflag:$0x3], $0x80, s25, s25, $0xb8;
	[tilespmem:$0x1E200] =	vst v63  }
0x177: {  	_ =	swait.ge [sflag:s17], $0x4000  }
0x178: {  	[sflag:s17] =	ssyncset.done $0x0  }
0x179: {  	s4 =	sadd.s32 $0x7A0, s4;
	[sflag:s17] =	ssyncadd.s32 $0xFFFFC000  }
0x17a: {  	[tilespmem:s3], [sflag:$0x3] =	stream.linear.gather [hbm4b:s4+s3], $0x80, $0x38;
	[tilespmem:$0x1E200] =	vst v63  }
0x17b: {  	_ =	swait.ge [sflag:s17], $0x80  }
0x17c: {  	[sflag:s17] =	ssyncset.done $0x0  }
0x17d: {  	s4 =	sadd.s32 $0x7A0, s6;
	[sflag:s17] =	ssyncadd.s32 $0xFFFFFF80  }
0x17e: {  	[tilespmem:s25], [sflag:$0x3] =	stream.linear.gather [hbm4b:s4+s3], $0x80, $0x38;
	[tilespmem:$0x1E200] =	vst v63  }
0x17f: {  	_ =	swait.ge [sflag:s17], $0x80  }
0x180: {  	[sflag:s17] =	ssyncset.done $0x0  }
0x181: {  	[sflag:s17] =	ssyncadd.s32 $0xFFFFFF80  }
0x182: {  	[tilespmem:s26], [sflag:$0x1] =	stream.indirect.gather [hbm4b:s0+s25], $0x80, s3, s25, $0xb8;
	[tilespmem:$0x1E200] =	vst v63  }
0x183: {  	_ =	swait.ge [sflag:s12], $0x4000  }
.Ltmp5:
0x184: {  	[sflag:s12] =	ssyncset.done $0x0;
	(pc) =	sbr.rel @!p1 .LBB2_3-.Ltmp5, $4  }
0x185: {  	[sflag:s12] =	ssyncadd.s32 $0xFFFFC000  }
0x186: {  	[spmem:s2] =	stream.indirect.scatter.add.f32 [tilespmem:s30], [sflag:$0x3], $0x80, s29, s25, $0xb8;
	[tilespmem:$0x1E200] =	vst v63  }
0x187: {  	_ =	swait.ge [sflag:s17], $0x4000  }
0x188: {  	s20 =	smov.u32 s5;
	s4 =	sadd.s32 s19, s23;
	[sflag:s17] =	ssyncset.done $0x0  }
0x189: {  	s5 =	sadd.s32 $0x790, s4;
	[sflag:s17] =	ssyncadd.s32 $0xFFFFC000  }
0x18a: {  	[tilespmem:s28], [sflag:$0x3] =	stream.linear.gather [hbm4b:s5+s3], $0x80, $0x38;
	[tilespmem:$0x1E200] =	vst v63  }
0x18b: {  	_ =	swait.ge [sflag:s17], $0x80  }
0x18c: {  	s7 =	sadd.s32 s19, s22;
	[sflag:s17] =	ssyncset.done $0x0  }
0x18d: {  	s6 =	sadd.s32 $0x790, s7;
	[sflag:s17] =	ssyncadd.s32 $0xFFFFFF80  }
0x18e: {  	[tilespmem:s29], [sflag:$0x3] =	stream.linear.gather [hbm4b:s6+s3], $0x80, $0x38;
	[tilespmem:$0x1E200] =	vst v63  }
0x18f: {  	_ =	swait.ge [sflag:s17], $0x80  }
0x190: {  	[sflag:s17] =	ssyncset.done $0x0  }
0x191: {  	[sflag:s17] =	ssyncadd.s32 $0xFFFFFF80  }
0x192: {  	[tilespmem:s30], [sflag:$0x2] =	stream.indirect.gather [hbm4b:s0+s25], $0x80, s28, s25, $0xb8;
	[tilespmem:$0x1E200] =	vst v63  }
0x193: {  	_ =	swait.ge [sflag:s31], $0x4000  }
0x194: {  	[sflag:s31] =	ssyncset.done $0x0  }
0x195: {  	[sflag:s31] =	ssyncadd.s32 $0xFFFFC000  }
0x196: {  	[spmem:s2] =	stream.indirect.scatter.add.f32 [tilespmem:s26], [sflag:$0x3], $0x80, s25, s25, $0xb8;
	[tilespmem:$0x1E200] =	vst v63  }
0x197: {  	_ =	swait.ge [sflag:s17], $0x4000  }
0x198: {  	[sflag:s17] =	ssyncset.done $0x0  }
0x199: {  	s19 =	sadd.s32 $0x7A0, s4;
	[sflag:s17] =	ssyncadd.s32 $0xFFFFC000  }
0x19a: {  	[tilespmem:s3], [sflag:$0x3] =	stream.linear.gather [hbm4b:s19+s3], $0x80, $0x38;
	[tilespmem:$0x1E200] =	vst v63  }
0x19b: {  	_ =	swait.ge [sflag:s17], $0x80  }
0x19c: {  	[sflag:s17] =	ssyncset.done $0x0  }
0x19d: {  	s20 =	sadd.s32 $0x7A0, s7;
	[sflag:s17] =	ssyncadd.s32 $0xFFFFFF80  }
0x19e: {  	[tilespmem:s25], [sflag:$0x3] =	stream.linear.gather [hbm4b:s20+s3], $0x80, $0x38;
	[tilespmem:$0x1E200] =	vst v63  }
0x19f: {  	_ =	swait.ge [sflag:s17], $0x80  }
0x1a0: {  	[sflag:s17] =	ssyncset.done $0x0  }
0x1a1: {  	[sflag:s17] =	ssyncadd.s32 $0xFFFFFF80  }
0x1a2: {  	[tilespmem:s26], [sflag:$0x1] =	stream.indirect.gather [hbm4b:s0+s25], $0x80, s3, s25, $0xb8;
	[tilespmem:$0x1E200] =	vst v63  }
0x1a3: {  	_ =	swait.ge [sflag:s12], $0x4000  }
0x1a4: {  	[sflag:s12] =	ssyncset.done $0x0  }
.Ltmp6:
0x1a5: {  	[sflag:s12] =	ssyncadd.s32 $0xFFFFC000;
	(pc) =	sbr.rel .LBB2_8-.Ltmp6, $4  }
0x1a6: {  	[spmem:s2] =	stream.indirect.scatter.add.f32 [tilespmem:s30], [sflag:$0x3], $0x80, s29, s25, $0xb8;
	[tilespmem:$0x1E200] =	vst v63  }
0x1a7: {  	_ =	swait.ge [sflag:s17], $0x4000  }
0x1a8: {  	[sflag:s17] =	ssyncset.done $0x0  }
0x1a9: {  	s4 =	rddreg [dreg:$0x11];
	[sflag:s17] =	ssyncadd.s32 $0xFFFFC000  }
.LBB2_9:
0x1aa: {  	_ =	sfence.sel $0x180000  }
0x1ab: {  	[bflag:$0x0] =	sbarrier.arrive $0xFFFF  }
0x1ac: {  	_ =	strace $0x9000004D  }
0x1ad: {  	s0 =	stileid.u32;
	[bflag:$0x2] =	sbarrier.arrive $0xFFFF  }
0x1ae: {  	p0 =	sne.s32 s0, $0x0;
	s0 =	rddreg [dreg:$0x3]  }
0x1af: {  	s0 =	sadd.s32 @!p0 $0x100000, s0  }
0x1b0: {  	[sflag:s0] =	ssyncadd.tile.s32 @!p0 $0x1;
	_ =	shalt  }
.Lfunc_end2:
_tile_overlayer_lowered:
.L_overlay_start_2:
0x1b1: {  	(tag) =	ssettag $0x2  }
0x1b2: {  	s0 =	rddreg [dreg:$0x0];
	s2 =	stileid.u32  }
0x1b3: {  	s1 =	rddreg [dreg:$0x1];
	p0 =	sne.s32 s2, $0x0  }
0x1b4: {  	s3 =	rddreg [dreg:$0x2];
	[bflag:$0x3] =	sbarrier.arrive $0xFFFF;
	s2 =	simm.s32 @!p0 $0x1C03  }
0x1b5: {  	[timem:s3], [sflag:s2] =	dma.local @!p0 [hbm:s0], s1  }
0x1b6: {  	s0 =	simm.s32 @!p0 $0x3  }
0x1b7: {  	_ =	swait.ge @!p0 [sflag:s0], s1  }
0x1b8: {  	s1 =	ssub.s32 @!p0 $0x0, s1;
	[sflag:s0] =	ssyncset.done @!p0 $0x0  }
0x1b9: {  	[sflag:s0] =	ssyncadd.s32 @!p0 s1  }
0x1ba: {  	[bflag:$0x3] =	sbarrier.arrive $0xFFFF  }
0x1bb: {  	_ =	shalt  }

// kernel: kernel.24.cloned.1.call-start
scs
__scs_entry_jumppad:
0x0: {  	(pc) =	sbr.rel $0x88, $3  }
0x1: {  	(tag) =	ssettag $0x0;
	lr =	simm.s32 $0x1  }
0x2: {  	[smem:$0x3F88] =	sst lr;
	_ =	strace $0xD0000000  }
0x3: {  	_ = 	snop  }
0x4: {  	_ = 	snop  }
0x5: {  	_ = 	snop  }
0x6: {  	_ = 	snop  }
0x7: {  	_ = 	snop  }
__scs_overlays_trampoline_lowered:
0x8: {  	[smem:$0x3F97] =	sst s0  }
0x9: {  	[smem:$0x3F98] =	sst s1  }
0xa: {  	[smem:$0x3F99] =	sst s2  }
0xb: {  	[smem:$0x3F9A] =	sst s3  }
0xc: {  	[smem:$0x3F9B] =	sst s4  }
0xd: {  	[smem:$0x3F9C] =	sst s5  }
0xe: {  	[smem:$0x3F9D] =	sst s6  }
0xf: {  	[smem:$0x3F9E] =	sst s7  }
0x10: {  	[smem:$0x3F9F] =	sst s8  }
0x11: {  	[smem:$0x3FA0] =	sst s9;
	s0 =	simm.s32 @!p0 $0x0  }
0x12: {  	s1 =	sld [smem:$0x3F86];
	s0 =	simm.s32 @p0 $0x1  }
0x13: {  	[smem:$0x3FA1] =	sst s0;
	s0 =	simm.s32 @!p1 $0x0  }
0x14: {  	s2 =	sld [smem:$0x3F85];
	s0 =	simm.s32 @p1 $0x1  }
0x15: {  	[smem:$0x3FA2] =	sst s0;
	s0 =	simm.s32 @!p2 $0x0  }
0x16: {  	s3 =	sld [smem:$0x3FDB];
	s0 =	simm.s32 @p2 $0x1  }
0x17: {  	s4 =	simm.s32 $0x1BF5;
	[smem:$0x3FA4] =	sst s0  }
0x18: {  	s0 =	sld [smem:$0x3F87];
	_ =	swait.ge [sflag:s4], $0x0  }
0x19: {  	s7 =	sld [smem:$0x3F88]  }
0x1a: {  	s8 =	sadd.s32 $0xFFFFE003, lr  }
0x1b: {  	s9 =	sadd.s32 $0xFFFFFEF7, lr;
	s5 =	simm.s32 $0xFFFFFFFF;
	p2 =	slt.u32 s8, $0xFFFFF086  }
0x1c: {  	p1 =	slt.u32 s9, $0xF7A;
	s5 =	simm.s32 @!p2 $0x0  }
0x1d: {  	s5 =	simm.s32 @p1 $0x1;
	p0 =	seq.s32 s7, s2  }
0x1e: {  	s7 =	smul.u32 @!p0 $0xF7A, s2;
	p2 =	seq.s32 @!p0 s5, $0x0  }
0x1f: {  	s9 =	smul.u32 $0xF7A, s1;
	s8 =	simm.s32 @!p0 $0x1BF5;
	p2 =	por !p2, p0  }
0x20: {  	[sflag:s8] =	ssyncset.s32 @!p0 $0xFFFFF086;
	s6 =	sadd.s32 @!p0 s3, s7;
	s7 =	simm.s32 @!p0 $0x108  }
0x21: {  	s3 =	sadd.s32 s3, s9;
	s6 =	sadd.s32 @!p0 $0x88, s6;
	s7 =	simm.s32 @p2 $0x1082  }
0x22: {  	[simem:s7], [sflag:s8] =	dma.local @!p0 [hbm:s6], $0xF7A  }
0x23: {  	s9 =	sor.u32 $0xD0000000, s2;
	s6 =	simm.s32 $0x108;
	_ =	swait.ge @!p0 [sflag:s8], $0x0  }
0x24: {  	s3 =	sadd.s32 $0x88, s3;
	s6 =	simm.s32 @!p1 $0x1082;
	[sflag:s4] =	ssyncset.s32 $0xFFFFF086  }
0x25: {  	[simem:s6], [sflag:s4] =	dma.local [hbm:s3], $0xF7A  }
0x26: {  	[smem:$0x3F88] =	sst s1;
	(tag) =	ssettag s2;
	_ =	strace s9  }
0x27: {  	s1 =	sld [smem:$0x3F98]  }
0x28: {  	s2 =	sld [smem:$0x3F99]  }
0x29: {  	s4 =	sld [smem:$0x3F9B]  }
0x2a: {  	p0 =	seq.s32 s5, $0x0;
	s5 =	sld [smem:$0x3F9C]  }
0x2b: {  	s6 =	sld [smem:$0x3F9D]  }
0x2c: {  	s7 =	sld [smem:$0x3F9E]  }
0x2d: {  	s3 =	simm.s32 $0x108;
	s8 =	sld [smem:$0x3F9F]  }
0x2e: {  	s3 =	simm.s32 @!p0 $0x1082;
	s9 =	sld [smem:$0x3FA0]  }
0x2f: {  	lr =	sadd.s32 s0, s3;
	s0 =	sld [smem:$0x3F97]  }
0x30: {  	s3 =	sld [smem:$0x3F9A]  }
0x31: {  	[smem:$0x3FA3] =	sst s10  }
0x32: {  	s10 =	sld [smem:$0x3FA1];
	_ =	sdelay $0x3  }
0x33: {  	p0 =	seq.s32 s10, $0x1;
	s10 =	sld [smem:$0x3FA3];
	_ =	sdelay $0x3  }
0x34: {  	[smem:$0x3FA3] =	sst s10  }
0x35: {  	s10 =	sld [smem:$0x3FA2];
	_ =	sdelay $0x3  }
0x36: {  	p1 =	seq.s32 s10, $0x1;
	s10 =	sld [smem:$0x3FA3];
	_ =	sdelay $0x3  }
0x37: {  	[smem:$0x3FA3] =	sst s10  }
0x38: {  	s10 =	sld [smem:$0x3FA4]  }
0x39: {  	_ = 	snop;
	(pc) =	sbr.ind lr, $3  }
0x3a: {  	_ = 	snop  }
0x3b: {  	_ = 	snop  }
0x3c: {  	p2 =	seq.s32 s10, $0x1;
	s10 =	sld [smem:$0x3FA3]  }
0x3d: {  	_ =	shalt  }
0x3e: {  	_ =	shalt  }
0x3f: {  	_ =	shalt  }
0x40: {  	_ =	shalt  }
0x41: {  	_ =	shalt  }
0x42: {  	_ =	shalt  }
0x43: {  	_ =	shalt  }
0x44: {  	_ =	shalt  }
0x45: {  	_ =	shalt  }
0x46: {  	_ =	shalt  }
0x47: {  	_ =	shalt  }
0x48: {  	_ =	shalt  }
0x49: {  	_ =	shalt  }
0x4a: {  	_ =	shalt  }
0x4b: {  	_ =	shalt  }
0x4c: {  	_ =	shalt  }
0x4d: {  	_ =	shalt  }
0x4e: {  	_ =	shalt  }
0x4f: {  	_ =	shalt  }
0x50: {  	_ =	shalt  }
0x51: {  	_ =	shalt  }
0x52: {  	_ =	shalt  }
0x53: {  	_ =	shalt  }
0x54: {  	_ =	shalt  }
0x55: {  	_ =	shalt  }
0x56: {  	_ =	shalt  }
0x57: {  	_ =	shalt  }
0x58: {  	_ =	shalt  }
0x59: {  	_ =	shalt  }
0x5a: {  	_ =	shalt  }
0x5b: {  	_ =	shalt  }
0x5c: {  	_ =	shalt  }
0x5d: {  	_ =	shalt  }
0x5e: {  	_ =	shalt  }
0x5f: {  	_ =	shalt  }
0x60: {  	_ =	shalt  }
0x61: {  	_ =	shalt  }
0x62: {  	_ =	shalt  }
0x63: {  	_ =	shalt  }
0x64: {  	_ =	shalt  }
0x65: {  	_ =	shalt  }
0x66: {  	_ =	shalt  }
0x67: {  	_ =	shalt  }
0x68: {  	_ =	shalt  }
0x69: {  	_ =	shalt  }
0x6a: {  	_ =	shalt  }
0x6b: {  	_ =	shalt  }
0x6c: {  	_ =	shalt  }
0x6d: {  	_ =	shalt  }
0x6e: {  	_ =	shalt  }
0x6f: {  	_ =	shalt  }
0x70: {  	_ =	shalt  }
0x71: {  	_ =	shalt  }
0x72: {  	_ =	shalt  }
0x73: {  	_ =	shalt  }
0x74: {  	_ =	shalt  }
0x75: {  	_ =	shalt  }
0x76: {  	_ =	shalt  }
0x77: {  	_ =	shalt  }
0x78: {  	_ =	shalt  }
0x79: {  	_ =	shalt  }
0x7a: {  	_ =	shalt  }
0x7b: {  	_ =	shalt  }
0x7c: {  	_ =	shalt  }
0x7d: {  	_ =	shalt  }
0x7e: {  	_ =	shalt  }
0x7f: {  	_ =	shalt  }
0x80: {  	_ =	shalt  }
0x81: {  	_ =	shalt  }
0x82: {  	_ =	shalt  }
0x83: {  	_ =	shalt  }
0x84: {  	_ =	shalt  }
0x85: {  	_ =	shalt  }
0x86: {  	_ =	shalt  }
0x87: {  	_ =	shalt  }
.Lfunc_end0:
.L_simem_size_0:
called_computation.3_lowered:
.L_overlay_start_0:
0x88: {  	s2 =	sld [smem:$0x3FD9]  }
0x89: {  	s3 =	sld [smem:$0x3FFE];
	_ =	sdelay $0x1  }
0x8a: {  	s1 =	srdreg.scid  }
0x8b: {  	s0 =	sand.u32 $0x1, s1  }
0x8c: {  	s17 =	sshll.u32 s0, $0xA;
	s2 =	sadd.s32 s3, s2  }
0x8d: {  	s2 =	sadd.s32 s2, s17  }
0x8e: {  	[smem:$0x3FAF] =	sst s2  }
0x8f: {  	_ = 	snop  }
0x90: {  	s2 =	sld [smem:$0x3FD0];
	(tm) =	ssettm $0x1  }
0x91: {  	s18 =	sld [smem:$0x3FFB];
	_ =	sdelay $0x3  }
0x92: {  	_ =	strace s18  }
0x93: {  	s3 =	sld [smem:$0x3FFC];
	_ =	sdelay $0x3  }
0x94: {  	_ =	strace s3  }
0x95: {  	s3 =	sld [smem:$0x3FFD];
	_ =	sdelay $0x3  }
0x96: {  	_ =	strace s3  }
0x97: {  	_ =	strace $0x8FFFFFFF  }
0x98: {  	s19 =	sld [smem:$0x3FDB];
	_ =	sdelay $0x1  }
0x99: {  	s4 =	simm.s32 $_scs_section_size  }
0x9a: {  	s5 =	simm.s32 $_size__tile_overlayer_lowered;
	s6 =	simm.s32 $_tile_overlayer_lowered  }
0x9b: {  	s22 =	simm.s32 $0x1BFF;
	s21 =	sshll.u32 s6, $0x1;
	s3 =	sadd.s32 s4, s19  }
0x9c: {  	s7 =	simm.s32 $0x0;
	s20 =	sshll.u32 s5, $0x1;
	s5 =	sadd.s32 s21, s3  }
0x9d: {  	[timem:s7], [sflag:s22] =	dma.local [hbm:s5], s20  }
0x9e: {  	_ =	swait.ge [sflag:s22], s20  }
0x9f: {  	s4 =	ssub.s32 $0x0, s20;
	[sflag:s22] =	ssyncset.done $0x0  }
0xa0: {  	[sflag:s22] =	ssyncadd.s32 s4;
	_ =	sdelay $0x1  }
0xa1: {  	s23 =	simm.s32 $0x1B8B  }
0xa2: {  	_ =	swait.ge [sflag:s23], $0x1  }
0xa3: {  	[sflag:s23] =	ssyncset.done $0x0  }
0xa4: {  	s25 =	simm.s32 $0x1B8E;
	s24 =	sld [smem:$0x3FFE];
	[sflag:s23] =	ssyncadd.s32 $0xFFFFFFFF  }
0xa5: {  	s26 =	simm.s32 $execute0_lowered;
	[smem:$0x3FD2] =	sst s25  }
0xa6: {  	s5 =	sshll.u32 s26, $0x1;
	_ =	strace $0x8000004F;
	[dreg:$0x1] =	wrdreg $0xFFFFFFFF  }
0xa7: {  	s28 =	simm.s32 $_size_execute0_lowered;
	s3 =	sadd.s32 s3, s5;
	[dreg:$0x0] =	wrdreg $0x0  }
0xa8: {  	s5 =	sshll.u32 s28, $0x1;
	[dreg:$0x2] =	wrdreg s3  }
0xa9: {  	[dreg:$0x3] =	wrdreg s5  }
0xaa: {  	[dreg:$0x4] =	wrdreg $0xC0  }
0xab: {  	_ =	task [dreg:s7], $0x5FFFF  }
0xac: {  	[dreg:$0x1] =	wrdreg $0xFFFFFFFF  }
0xad: {  	[dreg:$0x0] =	wrdreg $0x60  }
0xae: {  	[dreg:$0x2] =	wrdreg s2  }
0xaf: {  	[dreg:$0x3] =	wrdreg s24  }
0xb0: {  	[dreg:$0x4] =	wrdreg $0xA2000  }
0xb1: {  	[dreg:$0x5] =	wrdreg $0x9  }
0xb2: {  	_ =	task.clear_ibuf [dreg:s7], $0x6FFFF;
	_ =	strace $0x9000004F  }
0xb3: {  	s29 =	simm.s32 $0x9;
	_ =	strace $0x80000051  }
0xb4: {  	_ =	swait.ge [sflag:s29], $0x1  }
0xb5: {  	[sflag:s29] =	ssyncadd.s32 $0xFFFFFFFF  }
0xb6: {  	_ =	strace $0x90000051  }
0xb7: {  	_ =	sfence  }
0xb8: {  	s30 =	sld [smem:$0x0];
	_ =	sdelay $0x2  }
0xb9: {  	s31 =	sshll.u32 s1, $0xD;
	s1 =	sshrl.u32 s1, $0x2  }
0xba: {  	s3 =	sand.u32 $0x4000, s31;
	s1 =	sadd.s32 s1, s30  }
0xbb: {  	s0 =	sor.u32 s3, s0;
	s1 =	sshll.u32 s1, $0x11  }
0xbc: {  	s0 =	sor.u32 s1, s0  }
0xbd: {  	s0 =	sadd.s32 $0x8F2B, s0  }
0xbe: {  	[sflag:s0] =	ssyncadd.remote.s32 $0x1  }
0xbf: {  	_ =	sfence.sel $0xFFFF  }
0xc0: {  	[dreg:$0x0] =	wrdreg $0xFFFFFFFF;
	(pc) =	sbr.abs _section_cstart, $3  }
0xc1: {  	[dreg:$0x1] =	wrdreg $0xFFFFFFFF  }
0xc2: {  	_ =	task.clear_ibuf [dreg:s7], $0x2FFFF;
	_ =	strace $0x9FFFFFFF  }
0xc3: {  	(tm) =	ssettm $0x7FFFFFFF  }
tec
execute0_lowered:
.L_overlay_start_1:
0x0: {  	(tag) =	ssettag $0x1  }
0x1: {  	s1 =	rddreg [dreg:$0x0]  }
0x2: {  	s0 =	rddreg [dreg:$0x1]  }
0x3: {  	s2 =	rddreg [dreg:$0x2];
	s20 =	stileid.u32  }
0x4: {  	s3 =	srdreg.scid;
	s4 =	simm.s32 $0x0;
	s7 =	smul.u32 $0x14000, s20  }
0x5: {  	s28 =	simm.s32 $0x4100;
	s29 =	simm.s32 $0x4180;
	s25 =	smul.u32 $0x3D00, s20  }
0x6: {  	s3 =	sand.u32 $0x1, s3;
	[smem:$0x7FF] =	sst s4;
	s26 =	smul.u32 $0x1200, s20  }
0x7: {  	s8 =	sadd.s32 $0x19800, s0;
	s5 =	smul.u32 $0x140000, s3;
	s6 =	ssub.s32 $0x2, s3  }
0x8: {  	_ =	strace $0x80000050;
	p0 =	seq.s32 s3, $0x1;
	s9 =	sshrl.u32 s6, $0x1  }
0x9: {  	s10 =	sor.u32 $0x2000, s7;
	s6 =	ssub.s32 s6, s9;
	s11 =	sadd.s32 s5, s7  }
0xa: {  	s13 =	sadd.s32 s5, s10;
	s9 =	sadd.s32 $0x4000, s7;
	s12 =	sshrl.u32 s11, $0x3  }
0xb: {  	s14 =	sshrl.u32 s13, $0x3;
	s15 =	sadd.s32 s5, s9;
	s11 =	sadd.s32 $0x6000, s7  }
0xc: {  	s13 =	sadd.s32 $0x8000, s7;
	s3 =	sadd.s32 s8, s12;
	s12 =	sadd.s32 s5, s11  }
0xd: {  	s17 =	sadd.s32 s5, s13;
	[dreg:$0x4] =	wrdreg s3;
	s3 =	sadd.s32 s8, s14  }
0xe: {  	s16 =	sshrl.u32 s12, $0x3;
	s18 =	sshrl.u32 s17, $0x3;
	s12 =	sadd.s32 $0xA000, s7  }
0xf: {  	s14 =	sadd.s32 $0xC000, s7;
	s17 =	sadd.s32 $0xE000, s7;
	[dreg:$0x5] =	wrdreg s3  }
0x10: {  	s3 =	sshrl.u32 s15, $0x3;
	s19 =	sadd.s32 s5, s12;
	s15 =	sadd.s32 s5, s14  }
0x11: {  	s22 =	sadd.s32 s5, s17;
	s3 =	sadd.s32 s8, s3;
	s21 =	sshrl.u32 s15, $0x3  }
0x12: {  	s23 =	sshrl.u32 s22, $0x3;
	s15 =	sadd.s32 $0x113600, s0;
	s22 =	sshrl.u32 s25, $0x3  }
0x13: {  	[dreg:$0x6] =	wrdreg s3;
	s3 =	sadd.s32 s8, s16;
	s16 =	sadd.s32 $0xF600, s0  }
0x14: {  	s0 =	sadd.s32 $0x19400, s0;
	[dreg:$0x7] =	wrdreg s3;
	s3 =	sadd.s32 s8, s18  }
0x15: {  	s18 =	smul.u32 $0x50000, s20;
	[dreg:$0xe] =	wrdreg s0;
	s0 =	sadd.s32 s16, s22  }
0x16: {  	[dreg:$0x8] =	wrdreg s3;
	s3 =	sshrl.u32 s19, $0x3;
	s19 =	sadd.s32 $0x10000, s7  }
0x17: {  	[dreg:$0x10] =	wrdreg s0;
	s3 =	sadd.s32 s8, s3;
	s24 =	sadd.s32 s5, s19  }
0x18: {  	[dreg:$0x9] =	wrdreg s3;
	s3 =	sadd.s32 s8, s21;
	s21 =	sshrl.u32 s18, $0x2  }
0x19: {  	[dreg:$0xa] =	wrdreg s3;
	s3 =	sadd.s32 s8, s23;
	s18 =	sadd.s32 s21, s2  }
0x1a: {  	s23 =	sshrl.u32 s26, $0x3;
	s21 =	sadd.s32 s15, s22;
	[dreg:$0xb] =	wrdreg s3  }
0x1b: {  	s26 =	sadd.s32 $0x3E180, s26;
	s3 =	sadd.s32 $0x12000, s7;
	[dreg:$0xf] =	wrdreg s21  }
0x1c: {  	s7 =	sshrl.u32 s24, $0x3;
	[dreg:$0x14] =	wrdreg s26;
	s26 =	sadd.s32 $0x8000, s18  }
0x1d: {  	s24 =	sadd.s32 $0x7A00, s23;
	s7 =	sadd.s32 s8, s7;
	[smem:$0x7FD] =	sst s26  }
0x1e: {  	s30 =	simm.s32 $0x4200;
	s0 =	sadd.s32 s16, s24;
	[dreg:$0xc] =	wrdreg s7  }
0x1f: {  	s5 =	sadd.s32 s5, s3;
	s3 =	sadd.s32 s3, s2;
	[dreg:$0x13] =	wrdreg s0  }
0x20: {  	s31 =	simm.s32 $0x1;
	s7 =	sadd.s32 $0x3C80, s25;
	[dreg:$0x1e] =	wrdreg s3  }
0x21: {  	s5 =	sshrl.u32 s5, $0x3;
	s25 =	sadd.s32 s15, s24;
	[dreg:$0x11] =	wrdreg s7  }
0x22: {  	s26 =	simm.s32 $0x100;
	s5 =	sadd.s32 s8, s5;
	[dreg:$0x12] =	wrdreg s25  }
0x23: {  	s0 =	simm.s32 $0x2;
	s7 =	sadd.s32 s9, s2;
	[dreg:$0xd] =	wrdreg s5  }
0x24: {  	s3 =	simm.s32 $0x0;
	s8 =	sadd.s32 s11, s2;
	[dreg:$0x17] =	wrdreg s7  }
0x25: {  	s9 =	sadd.s32 s13, s2;
	s11 =	sadd.s32 s14, s2;
	[dreg:$0x18] =	wrdreg s8  }
0x26: {  	s13 =	sadd.s32 s17, s2;
	s14 =	sadd.s32 s19, s2;
	[dreg:$0x19] =	wrdreg s9  }
0x27: {  	s17 =	smul.u32 $0x240, s20;
	s19 =	sadd.s32 $0x2000, s18;
	[dreg:$0x1b] =	wrdreg s11  }
0x28: {  	s25 =	sadd.s32 $0x6000, s18;
	s5 =	smax.u32 s6, $0x1;
	[dreg:$0x1c] =	wrdreg s13  }
0x29: {  	s6 =	sadd.s32 s10, s2;
	s10 =	sadd.s32 s12, s2;
	[dreg:$0x1d] =	wrdreg s14  }
0x2a: {  	s12 =	smul.u32 $0x7A0, s20;
	[dreg:$0x1f] =	wrdreg s19;
	s20 =	sadd.s32 $0x4000, s18  }
0x2b: {  	[smem:$0x7FC] =	sst s25;
	s9 =	sadd.s32 $0xA000, s18;
	s11 =	sadd.s32 $0xE000, s18  }
.Ltmp0:
0x2c: {  	s13 =	sadd.s32 $0x12000, s18;
	[dreg:$0x15] =	wrdreg s5;
	(pc) =	sbr.rel .LBB2_1-.Ltmp0, $4  }
0x2d: {  	s14 =	simm.s32 $0x8200;
	s25 =	simm.s32 $0x80;
	[dreg:$0x16] =	wrdreg s6  }
0x2e: {  	[dreg:$0x1a] =	wrdreg s10;
	s21 =	sadd.s32 s17, s16;
	s24 =	sadd.s32 s17, s15  }
0x2f: {  	[smem:$0x7FB] =	sst s20;
	s10 =	sadd.s32 $0xC000, s18;
	s17 =	simm.s32 $0x3  }
0x30: {  	s22 =	sadd.s32 s12, s16;
	s23 =	sadd.s32 s12, s15;
	s12 =	sadd.s32 $0x10000, s18  }
.LBB2_7:
0x31: {  	s6 =	sadd.s32 $0x7C30, s5;
	[sflag:s17] =	ssyncadd.s32 $0xFFFFC000  }
0x32: {  	[tilespmem:s28], [sflag:$0x3] =	stream.linear.gather [hbm4b:s6+s4], $0x80, $0x38;
	[tilespmem:$0x1E200] =	vst v63  }
0x33: {  	_ =	swait.ge [sflag:s17], $0x80  }
0x34: {  	s8 =	sadd.s32 s19, s21;
	[sflag:s17] =	ssyncset.done $0x0  }
0x35: {  	s7 =	sadd.s32 $0x7C30, s8;
	[sflag:s17] =	ssyncadd.s32 $0xFFFFFF80  }
0x36: {  	[tilespmem:s29], [sflag:$0x3] =	stream.linear.gather [hbm4b:s7+s4], $0x80, $0x38;
	[tilespmem:$0x1E200] =	vst v63  }
0x37: {  	_ =	swait.ge [sflag:s17], $0x80  }
0x38: {  	[sflag:s17] =	ssyncset.done $0x0  }
0x39: {  	[sflag:s17] =	ssyncadd.s32 $0xFFFFFF80  }
0x3a: {  	[tilespmem:s30], [sflag:$0x2] =	stream.indirect.gather [hbm4b:s1+s25], $0x80, s28, s25, $0xb8;
	[tilespmem:$0x1E200] =	vst v63  }
0x3b: {  	_ =	swait.ge [sflag:s31], $0x4000  }
0x3c: {  	[sflag:s31] =	ssyncset.done $0x0  }
0x3d: {  	[sflag:s31] =	ssyncadd.s32 $0xFFFFC000  }
0x3e: {  	[spmem:s2] =	stream.indirect.scatter.add.f32 [tilespmem:s26], [sflag:$0x3], $0x80, s25, s25, $0xb8;
	[tilespmem:$0x1E200] =	vst v63  }
0x3f: {  	_ =	swait.ge [sflag:s17], $0x4000  }
0x40: {  	[sflag:s17] =	ssyncset.done $0x0  }
0x41: {  	s19 =	sadd.s32 $0x7C40, s5;
	[sflag:s17] =	ssyncadd.s32 $0xFFFFC000  }
0x42: {  	[tilespmem:s4], [sflag:$0x3] =	stream.linear.gather [hbm4b:s19+s4], $0x80, $0x38;
	[tilespmem:$0x1E200] =	vst v63  }
0x43: {  	_ =	swait.ge [sflag:s17], $0x80  }
0x44: {  	[sflag:s17] =	ssyncset.done $0x0  }
0x45: {  	s20 =	sadd.s32 $0x7C40, s8;
	[sflag:s17] =	ssyncadd.s32 $0xFFFFFF80  }
0x46: {  	[tilespmem:s25], [sflag:$0x3] =	stream.linear.gather [hbm4b:s20+s4], $0x80, $0x38;
	[tilespmem:$0x1E200] =	vst v63  }
0x47: {  	_ =	swait.ge [sflag:s17], $0x80  }
0x48: {  	[sflag:s17] =	ssyncset.done $0x0  }
0x49: {  	[sflag:s17] =	ssyncadd.s32 $0xFFFFFF80  }
0x4a: {  	[tilespmem:s26], [sflag:$0x1] =	stream.indirect.gather [hbm4b:s1+s25], $0x80, s4, s25, $0xb8;
	[tilespmem:$0x1E200] =	vst v63  }
0x4b: {  	_ =	swait.ge [sflag:s0], $0x4000  }
0x4c: {  	[sflag:s0] =	ssyncset.done $0x0  }
0x4d: {  	[sflag:s0] =	ssyncadd.s32 $0xFFFFC000  }
0x4e: {  	[spmem:s2] =	stream.indirect.scatter.add.f32 [tilespmem:s30], [sflag:$0x3], $0x80, s29, s25, $0xb8;
	[tilespmem:$0x1E200] =	vst v63  }
0x4f: {  	_ =	swait.ge [sflag:s17], $0x4000  }
0x50: {  	[sflag:s17] =	ssyncset.done $0x0  }
0x51: {  	s5 =	rddreg [dreg:$0x14];
	[sflag:s17] =	ssyncadd.s32 $0xFFFFC000  }
.LBB2_8:
0x52: {  	s5 =	sshrl.u32 s5, $0x3  }
0x53: {  	s6 =	sadd.s32 s15, s5  }
0x54: {  	[tilespmem:s28], [sflag:$0x3] =	stream.linear.gather [hbm4b:s6+s4], $0x80, $0x38;
	[tilespmem:$0x1E200] =	vst v63  }
0x55: {  	_ =	swait.ge [sflag:s17], $0x80  }
0x56: {  	[sflag:s17] =	ssyncset.done $0x0  }
0x57: {  	s5 =	sadd.s32 s16, s5;
	[sflag:s17] =	ssyncadd.s32 $0xFFFFFF80  }
0x58: {  	[tilespmem:s29], [sflag:$0x3] =	stream.linear.gather [hbm4b:s5+s4], $0x80, $0x38;
	[tilespmem:$0x1E200] =	vst v63  }
0x59: {  	_ =	swait.ge [sflag:s17], $0x80  }
0x5a: {  	[sflag:s17] =	ssyncset.done $0x0  }
0x5b: {  	[sflag:s17] =	ssyncadd.s32 $0xFFFFFF80  }
0x5c: {  	[tilespmem:s30], [sflag:$0x2] =	stream.indirect.gather [hbm4b:s1+s25], $0x80, s28, s25, $0xb8;
	[tilespmem:$0x1E200] =	vst v63  }
0x5d: {  	_ =	swait.ge [sflag:s31], $0x4000  }
0x5e: {  	[sflag:s31] =	ssyncset.done $0x0  }
0x5f: {  	[sflag:s31] =	ssyncadd.s32 $0xFFFFC000  }
0x60: {  	[spmem:s2] =	stream.indirect.scatter.add.f32 [tilespmem:s26], [sflag:$0x3], $0x80, s25, s25, $0xb8;
	[tilespmem:$0x1E200] =	vst v63  }
0x61: {  	_ =	swait.ge [sflag:s17], $0x4000  }
0x62: {  	[sflag:s17] =	ssyncset.done $0x0  }
0x63: {  	[sflag:s17] =	ssyncadd.s32 $0xFFFFC000  }
0x64: {  	_ =	swait.ge [sflag:s0], $0x4000  }
0x65: {  	[sflag:s0] =	ssyncset.done $0x0  }
0x66: {  	[sflag:s0] =	ssyncadd.s32 $0xFFFFC000  }
0x67: {  	[spmem:s2] =	stream.indirect.scatter.add.f32 [tilespmem:s30], [sflag:$0x3], $0x80, s29, s25, $0xb8;
	[tilespmem:$0x1E200] =	vst v63  }
0x68: {  	_ =	swait.ge [sflag:s17], $0x4000  }
0x69: {  	[sflag:s17] =	ssyncset.done $0x0  }
0x6a: {  	[sflag:s17] =	ssyncadd.s32 $0xFFFFC000  }
0x6b: {  	[bflag:$0x0] =	sbarrier.arrive $0xFFFF  }
0x6c: {  	[tilespmem:s14], [sflag:$0x3] =	stream.linear.gather [spmem:s18], $0x2000, $0x38;
	[tilespmem:$0x1E200] =	vst v63  }
0x6d: {  	_ =	swait.ge [sflag:s17], $0x2000  }
0x6e: {  	[sflag:s17] =	ssyncset.done $0x0  }
0x6f: {  	s6 =	rddreg [dreg:$0x4];
	[sflag:s17] =	ssyncadd.s32 $0xFFFFE000  }
0x70: {  	[hbm4b:s6+s4] =	stream.linear.scatter [tilespmem:s14], [sflag:$0x3], $0x2000, $0x38;
	[tilespmem:$0x1E200] =	vst v63  }
0x71: {  	_ =	swait.ge [sflag:s17], $0x2000  }
0x72: {  	[sflag:s17] =	ssyncset.done $0x0  }
0x73: {  	s7 =	rddreg [dreg:$0x16];
	[sflag:s17] =	ssyncadd.s32 $0xFFFFE000  }
0x74: {  	[tilespmem:s14], [sflag:$0x3] =	stream.linear.gather [spmem:s7], $0x2000, $0x38;
	[tilespmem:$0x1E200] =	vst v63  }
0x75: {  	_ =	swait.ge [sflag:s17], $0x2000  }
0x76: {  	[sflag:s17] =	ssyncset.done $0x0  }
0x77: {  	s8 =	rddreg [dreg:$0x5];
	[sflag:s17] =	ssyncadd.s32 $0xFFFFE000  }
0x78: {  	[hbm4b:s8+s4] =	stream.linear.scatter [tilespmem:s14], [sflag:$0x3], $0x2000, $0x38;
	[tilespmem:$0x1E200] =	vst v63  }
0x79: {  	_ =	swait.ge [sflag:s17], $0x2000  }
0x7a: {  	[sflag:s17] =	ssyncset.done $0x0  }
0x7b: {  	s19 =	rddreg [dreg:$0x17];
	[sflag:s17] =	ssyncadd.s32 $0xFFFFE000  }
0x7c: {  	[tilespmem:s14], [sflag:$0x3] =	stream.linear.gather [spmem:s19], $0x2000, $0x38;
	[tilespmem:$0x1E200] =	vst v63  }
0x7d: {  	_ =	swait.ge [sflag:s17], $0x2000  }
0x7e: {  	[sflag:s17] =	ssyncset.done $0x0  }
0x7f: {  	s20 =	rddreg [dreg:$0x6];
	[sflag:s17] =	ssyncadd.s32 $0xFFFFE000  }
0x80: {  	[hbm4b:s20+s4] =	stream.linear.scatter [tilespmem:s14], [sflag:$0x3], $0x2000, $0x38;
	[tilespmem:$0x1E200] =	vst v63  }
0x81: {  	_ =	swait.ge [sflag:s17], $0x2000  }
0x82: {  	[sflag:s17] =	ssyncset.done $0x0  }
0x83: {  	s6 =	rddreg [dreg:$0x18];
	[sflag:s17] =	ssyncadd.s32 $0xFFFFE000  }
0x84: {  	[tilespmem:s14], [sflag:$0x3] =	stream.linear.gather [spmem:s6], $0x2000, $0x38;
	[tilespmem:$0x1E200] =	vst v63  }
0x85: {  	_ =	swait.ge [sflag:s17], $0x2000  }
0x86: {  	[sflag:s17] =	ssyncset.done $0x0  }
0x87: {  	s7 =	rddreg [dreg:$0x7];
	[sflag:s17] =	ssyncadd.s32 $0xFFFFE000  }
0x88: {  	[hbm4b:s7+s4] =	stream.linear.scatter [tilespmem:s14], [sflag:$0x3], $0x2000, $0x38;
	[tilespmem:$0x1E200] =	vst v63  }
0x89: {  	_ =	swait.ge [sflag:s17], $0x2000  }
0x8a: {  	[sflag:s17] =	ssyncset.done $0x0  }
0x8b: {  	s8 =	rddreg [dreg:$0x19];
	[sflag:s17] =	ssyncadd.s32 $0xFFFFE000  }
0x8c: {  	[tilespmem:s14], [sflag:$0x3] =	stream.linear.gather [spmem:s8], $0x2000, $0x38;
	[tilespmem:$0x1E200] =	vst v63  }
0x8d: {  	_ =	swait.ge [sflag:s17], $0x2000  }
0x8e: {  	[sflag:s17] =	ssyncset.done $0x0  }
0x8f: {  	s19 =	rddreg [dreg:$0x8];
	[sflag:s17] =	ssyncadd.s32 $0xFFFFE000  }
0x90: {  	[hbm4b:s19+s4] =	stream.linear.scatter [tilespmem:s14], [sflag:$0x3], $0x2000, $0x38;
	[tilespmem:$0x1E200] =	vst v63  }
0x91: {  	_ =	swait.ge [sflag:s17], $0x2000  }
0x92: {  	[sflag:s17] =	ssyncset.done $0x0  }
0x93: {  	s20 =	rddreg [dreg:$0x1a];
	[sflag:s17] =	ssyncadd.s32 $0xFFFFE000  }
0x94: {  	[tilespmem:s14], [sflag:$0x3] =	stream.linear.gather [spmem:s20], $0x2000, $0x38;
	[tilespmem:$0x1E200] =	vst v63  }
0x95: {  	_ =	swait.ge [sflag:s17], $0x2000  }
0x96: {  	[sflag:s17] =	ssyncset.done $0x0  }
0x97: {  	s6 =	rddreg [dreg:$0x9];
	[sflag:s17] =	ssyncadd.s32 $0xFFFFE000  }
0x98: {  	[hbm4b:s6+s4] =	stream.linear.scatter [tilespmem:s14], [sflag:$0x3], $0x2000, $0x38;
	[tilespmem:$0x1E200] =	vst v63  }
0x99: {  	_ =	swait.ge [sflag:s17], $0x2000  }
0x9a: {  	[sflag:s17] =	ssyncset.done $0x0  }
0x9b: {  	s7 =	rddreg [dreg:$0x1b];
	[sflag:s17] =	ssyncadd.s32 $0xFFFFE000  }
0x9c: {  	[tilespmem:s14], [sflag:$0x3] =	stream.linear.gather [spmem:s7], $0x2000, $0x38;
	[tilespmem:$0x1E200] =	vst v63  }
0x9d: {  	_ =	swait.ge [sflag:s17], $0x2000  }
0x9e: {  	[sflag:s17] =	ssyncset.done $0x0  }
0x9f: {  	s8 =	rddreg [dreg:$0xa];
	[sflag:s17] =	ssyncadd.s32 $0xFFFFE000  }
0xa0: {  	[hbm4b:s8+s4] =	stream.linear.scatter [tilespmem:s14], [sflag:$0x3], $0x2000, $0x38;
	[tilespmem:$0x1E200] =	vst v63  }
0xa1: {  	_ =	swait.ge [sflag:s17], $0x2000  }
0xa2: {  	[sflag:s17] =	ssyncset.done $0x0  }
0xa3: {  	s19 =	rddreg [dreg:$0x1c];
	[sflag:s17] =	ssyncadd.s32 $0xFFFFE000  }
0xa4: {  	[tilespmem:s14], [sflag:$0x3] =	stream.linear.gather [spmem:s19], $0x2000, $0x38;
	[tilespmem:$0x1E200] =	vst v63  }
0xa5: {  	_ =	swait.ge [sflag:s17], $0x2000  }
0xa6: {  	[sflag:s17] =	ssyncset.done $0x0  }
0xa7: {  	s20 =	rddreg [dreg:$0xb];
	[sflag:s17] =	ssyncadd.s32 $0xFFFFE000  }
0xa8: {  	[hbm4b:s20+s4] =	stream.linear.scatter [tilespmem:s14], [sflag:$0x3], $0x2000, $0x38;
	[tilespmem:$0x1E200] =	vst v63  }
0xa9: {  	_ =	swait.ge [sflag:s17], $0x2000  }
0xaa: {  	[sflag:s17] =	ssyncset.done $0x0  }
0xab: {  	s6 =	rddreg [dreg:$0x1d];
	[sflag:s17] =	ssyncadd.s32 $0xFFFFE000  }
0xac: {  	[tilespmem:s14], [sflag:$0x3] =	stream.linear.gather [spmem:s6], $0x2000, $0x38;
	[tilespmem:$0x1E200] =	vst v63  }
0xad: {  	_ =	swait.ge [sflag:s17], $0x2000  }
0xae: {  	[sflag:s17] =	ssyncset.done $0x0  }
0xaf: {  	s7 =	rddreg [dreg:$0xc];
	[sflag:s17] =	ssyncadd.s32 $0xFFFFE000  }
0xb0: {  	[hbm4b:s7+s4] =	stream.linear.scatter [tilespmem:s14], [sflag:$0x3], $0x2000, $0x38;
	[tilespmem:$0x1E200] =	vst v63  }
0xb1: {  	_ =	swait.ge [sflag:s17], $0x2000  }
0xb2: {  	[sflag:s17] =	ssyncset.done $0x0  }
0xb3: {  	s8 =	rddreg [dreg:$0x1e];
	[sflag:s17] =	ssyncadd.s32 $0xFFFFE000  }
0xb4: {  	[tilespmem:s14], [sflag:$0x3] =	stream.linear.gather [spmem:s8], $0x2000, $0x38;
	[tilespmem:$0x1E200] =	vst v63  }
0xb5: {  	_ =	swait.ge [sflag:s17], $0x2000  }
0xb6: {  	[sflag:s17] =	ssyncset.done $0x0  }
0xb7: {  	s19 =	rddreg [dreg:$0xd];
	[sflag:s17] =	ssyncadd.s32 $0xFFFFE000  }
0xb8: {  	[hbm4b:s19+s4] =	stream.linear.scatter [tilespmem:s14], [sflag:$0x3], $0x2000, $0x38;
	[tilespmem:$0x1E200] =	vst v63  }
0xb9: {  	_ =	swait.ge [sflag:s17], $0x2000  }
0xba: {  	s3 =	sadd.s32 $0x1, s3;
	s20 =	rddreg [dreg:$0x15]  }
0xbb: {  	p1 =	sne.s32 s3, s20  }
.Ltmp1:
0xbc: {  	_ = 	snop;
	(pc) =	sbr.rel @!p1 .LBB2_9-.Ltmp1, $3  }
0xbd: {  	_ =	sdelay $0x1  }
0xbe: {  	[sflag:s17] =	ssyncset.done $0x0  }
0xbf: {  	[sflag:s17] =	ssyncadd.s32 $0xFFFFE000  }
.LBB2_1:
0xc0: {  	s5 =	rddreg [dreg:$0xe]  }
0xc1: {  	[tilespmem:s14], [sflag:$0x3] =	stream.linear.gather [hbm4b:s5+s4], $0x2000, $0x38;
	[tilespmem:$0x1E200] =	vst v63  }
0xc2: {  	_ =	swait.ge [sflag:s17], $0x2000  }
0xc3: {  	[sflag:s17] =	ssyncset.done $0x0  }
0xc4: {  	[sflag:s17] =	ssyncadd.s32 $0xFFFFE000  }
0xc5: {  	[spmem:s18] =	stream.linear.scatter [tilespmem:s14], [sflag:$0x3], $0x2000, $0x38;
	[tilespmem:$0x1E200] =	vst v63  }
0xc6: {  	_ =	swait.ge [sflag:s17], $0x2000  }
0xc7: {  	[sflag:s17] =	ssyncset.done $0x0  }
0xc8: {  	s7 =	rddreg [dreg:$0x1f];
	[sflag:s17] =	ssyncadd.s32 $0xFFFFE000  }
0xc9: {  	[spmem:s7] =	stream.linear.scatter [tilespmem:s14], [sflag:$0x3], $0x2000, $0x38;
	[tilespmem:$0x1E200] =	vst v63  }
0xca: {  	_ =	swait.ge [sflag:s17], $0x2000  }
0xcb: {  	s8 =	sld [smem:$0x7FB]  }
0xcc: {  	[sflag:s17] =	ssyncset.done $0x0  }
0xcd: {  	[sflag:s17] =	ssyncadd.s32 $0xFFFFE000  }
0xce: {  	[spmem:s8] =	stream.linear.scatter [tilespmem:s14], [sflag:$0x3], $0x2000, $0x38;
	[tilespmem:$0x1E200] =	vst v63  }
0xcf: {  	_ =	swait.ge [sflag:s17], $0x2000  }
0xd0: {  	s19 =	sld [smem:$0x7FC]  }
0xd1: {  	[sflag:s17] =	ssyncset.done $0x0  }
0xd2: {  	[sflag:s17] =	ssyncadd.s32 $0xFFFFE000  }
0xd3: {  	[spmem:s19] =	stream.linear.scatter [tilespmem:s14], [sflag:$0x3], $0x2000, $0x38;
	[tilespmem:$0x1E200] =	vst v63  }
0xd4: {  	_ =	swait.ge [sflag:s17], $0x2000  }
0xd5: {  	s20 =	sld [smem:$0x7FD]  }
0xd6: {  	[sflag:s17] =	ssyncset.done $0x0  }
0xd7: {  	[sflag:s17] =	ssyncadd.s32 $0xFFFFE000  }
0xd8: {  	[spmem:s20] =	stream.linear.scatter [tilespmem:s14], [sflag:$0x3], $0x2000, $0x38;
	[tilespmem:$0x1E200] =	vst v63  }
0xd9: {  	_ =	swait.ge [sflag:s17], $0x2000  }
0xda: {  	[sflag:s17] =	ssyncset.done $0x0  }
0xdb: {  	[sflag:s17] =	ssyncadd.s32 $0xFFFFE000  }
0xdc: {  	[spmem:s9] =	stream.linear.scatter [tilespmem:s14], [sflag:$0x3], $0x2000, $0x38;
	[tilespmem:$0x1E200] =	vst v63  }
0xdd: {  	_ =	swait.ge [sflag:s17], $0x2000  }
0xde: {  	[sflag:s17] =	ssyncset.done $0x0  }
0xdf: {  	[sflag:s17] =	ssyncadd.s32 $0xFFFFE000  }
0xe0: {  	[spmem:s10] =	stream.linear.scatter [tilespmem:s14], [sflag:$0x3], $0x2000, $0x38;
	[tilespmem:$0x1E200] =	vst v63  }
0xe1: {  	_ =	swait.ge [sflag:s17], $0x2000  }
0xe2: {  	[sflag:s17] =	ssyncset.done $0x0  }
0xe3: {  	[sflag:s17] =	ssyncadd.s32 $0xFFFFE000  }
0xe4: {  	[spmem:s11] =	stream.linear.scatter [tilespmem:s14], [sflag:$0x3], $0x2000, $0x38;
	[tilespmem:$0x1E200] =	vst v63  }
0xe5: {  	_ =	swait.ge [sflag:s17], $0x2000  }
0xe6: {  	[sflag:s17] =	ssyncset.done $0x0  }
0xe7: {  	[sflag:s17] =	ssyncadd.s32 $0xFFFFE000  }
0xe8: {  	[spmem:s12] =	stream.linear.scatter [tilespmem:s14], [sflag:$0x3], $0x2000, $0x38;
	[tilespmem:$0x1E200] =	vst v63  }
0xe9: {  	_ =	swait.ge [sflag:s17], $0x2000  }
0xea: {  	[sflag:s17] =	ssyncset.done $0x0  }
0xeb: {  	[sflag:s17] =	ssyncadd.s32 $0xFFFFE000  }
0xec: {  	[spmem:s13] =	stream.linear.scatter [tilespmem:s14], [sflag:$0x3], $0x2000, $0x38;
	[tilespmem:$0x1E200] =	vst v63  }
.Ltmp2:
0xed: {  	_ =	swait.ge [sflag:s17], $0x2000;
	(pc) =	sbr.rel @!p0 .LBB2_2-.Ltmp2, $3  }
0xee: {  	[sflag:s17] =	ssyncset.done $0x0  }
0xef: {  	[sflag:s17] =	ssyncadd.s32 $0xFFFFE000  }
0xf0: {  	[bflag:$0x0] =	sbarrier.arrive $0xFFFF;
	_ =	sdelay $0x1  }
0xf1: {  	s5 =	rddreg [dreg:$0x12]  }
0xf2: {  	[tilespmem:s4], [sflag:$0x3] =	stream.linear.gather [hbm4b:s5+s4], $0x80, $0x38;
	[tilespmem:$0x1E200] =	vst v63  }
0xf3: {  	_ =	swait.ge [sflag:s17], $0x80  }
0xf4: {  	[sflag:s17] =	ssyncset.done $0x0  }
0xf5: {  	s7 =	rddreg [dreg:$0x13];
	[sflag:s17] =	ssyncadd.s32 $0xFFFFFF80  }
0xf6: {  	[tilespmem:s25], [sflag:$0x3] =	stream.linear.gather [hbm4b:s7+s4], $0x80, $0x38;
	[tilespmem:$0x1E200] =	vst v63  }
0xf7: {  	_ =	swait.ge [sflag:s17], $0x80  }
0xf8: {  	[sflag:s17] =	ssyncset.done $0x0  }
0xf9: {  	s8 =	sadd.s32 $0xFFFFFDE0, s24;
	[sflag:s17] =	ssyncadd.s32 $0xFFFFFF80  }
0xfa: {  	[tilespmem:s26], [sflag:$0x1] =	stream.indirect.gather [hbm4b:s1+s25], $0x80, s4, s25, $0xb8;
	[tilespmem:$0x1E200] =	vst v63  }
0xfb: {  	s6 =	sadd.s32 $0x7C30, s8  }
0xfc: {  	[tilespmem:s28], [sflag:$0x3] =	stream.linear.gather [hbm4b:s6+s4], $0x80, $0x38;
	[tilespmem:$0x1E200] =	vst v63  }
0xfd: {  	_ =	swait.ge [sflag:s17], $0x80  }
0xfe: {  	s19 =	sadd.s32 $0xFFFFFDE0, s21;
	[sflag:s17] =	ssyncset.done $0x0  }
0xff: {  	s7 =	sadd.s32 $0x7C30, s19;
	[sflag:s17] =	ssyncadd.s32 $0xFFFFFF80  }
0x100: {  	[tilespmem:s29], [sflag:$0x3] =	stream.linear.gather [hbm4b:s7+s4], $0x80, $0x38;
	[tilespmem:$0x1E200] =	vst v63  }
0x101: {  	_ =	swait.ge [sflag:s17], $0x80  }
0x102: {  	[sflag:s17] =	ssyncset.done $0x0  }
0x103: {  	[sflag:s17] =	ssyncadd.s32 $0xFFFFFF80  }
0x104: {  	[tilespmem:s30], [sflag:$0x2] =	stream.indirect.gather [hbm4b:s1+s25], $0x80, s28, s25, $0xb8;
	[tilespmem:$0x1E200] =	vst v63  }
0x105: {  	_ =	swait.ge [sflag:s31], $0x4000  }
0x106: {  	[sflag:s31] =	ssyncset.done $0x0  }
0x107: {  	[sflag:s31] =	ssyncadd.s32 $0xFFFFC000  }
0x108: {  	[spmem:s2] =	stream.indirect.scatter.add.f32 [tilespmem:s26], [sflag:$0x3], $0x80, s25, s25, $0xb8;
	[tilespmem:$0x1E200] =	vst v63  }
0x109: {  	_ =	swait.ge [sflag:s17], $0x4000  }
0x10a: {  	[sflag:s17] =	ssyncset.done $0x0  }
0x10b: {  	s5 =	sadd.s32 $0x7C40, s8;
	[sflag:s17] =	ssyncadd.s32 $0xFFFFC000  }
0x10c: {  	[tilespmem:s4], [sflag:$0x3] =	stream.linear.gather [hbm4b:s5+s4], $0x80, $0x38;
	[tilespmem:$0x1E200] =	vst v63  }
0x10d: {  	_ =	swait.ge [sflag:s17], $0x80  }
0x10e: {  	[sflag:s17] =	ssyncset.done $0x0  }
0x10f: {  	s20 =	sadd.s32 $0x7C40, s19;
	[sflag:s17] =	ssyncadd.s32 $0xFFFFFF80  }
0x110: {  	[tilespmem:s25], [sflag:$0x3] =	stream.linear.gather [hbm4b:s20+s4], $0x80, $0x38;
	[tilespmem:$0x1E200] =	vst v63  }
0x111: {  	_ =	swait.ge [sflag:s17], $0x80  }
0x112: {  	[sflag:s17] =	ssyncset.done $0x0  }
0x113: {  	[sflag:s17] =	ssyncadd.s32 $0xFFFFFF80  }
0x114: {  	[tilespmem:s26], [sflag:$0x1] =	stream.indirect.gather [hbm4b:s1+s25], $0x80, s4, s25, $0xb8;
	[tilespmem:$0x1E200] =	vst v63  }
0x115: {  	_ =	swait.ge [sflag:s0], $0x4000  }
0x116: {  	[sflag:s0] =	ssyncset.done $0x0  }
0x117: {  	[sflag:s0] =	ssyncadd.s32 $0xFFFFC000  }
0x118: {  	[spmem:s2] =	stream.indirect.scatter.add.f32 [tilespmem:s30], [sflag:$0x3], $0x80, s29, s25, $0xb8;
	[tilespmem:$0x1E200] =	vst v63  }
0x119: {  	s19 =	simm.s32 $0xFFFFFE00;
	_ =	swait.ge [sflag:s17], $0x4000  }
0x11a: {  	s6 =	simm.s32 $0xFFFFFE20;
	s5 =	sadd.s32 $0xFFFFFE00, s24;
	[sflag:s17] =	ssyncset.done $0x0  }
.LBB2_6:
0x11b: {  	s7 =	sadd.s32 $0x7C30, s5  }
0x11c: {  	[sflag:s17] =	ssyncadd.s32 $0xFFFFC000;
	s8 =	smov.u32 s6;
	s20 =	sadd.s32 $0x20, s6  }
0x11d: {  	[tilespmem:s28], [sflag:$0x3] =	stream.linear.gather [hbm4b:s7+s4], $0x80, $0x38;
	[tilespmem:$0x1E200] =	vst v63  }
0x11e: {  	p1 =	sne.s32 s6, $0xFFFFFFE0;
	_ =	swait.ge [sflag:s17], $0x80  }
0x11f: {  	s6 =	sadd.s32 s19, s21;
	s19 =	smov.u32 s8;
	[sflag:s17] =	ssyncset.done $0x0  }
0x120: {  	s7 =	sadd.s32 $0x7C30, s6;
	[sflag:s17] =	ssyncadd.s32 $0xFFFFFF80  }
0x121: {  	[tilespmem:s29], [sflag:$0x3] =	stream.linear.gather [hbm4b:s7+s4], $0x80, $0x38;
	[tilespmem:$0x1E200] =	vst v63  }
0x122: {  	_ =	swait.ge [sflag:s17], $0x80  }
0x123: {  	[sflag:s17] =	ssyncset.done $0x0  }
0x124: {  	[sflag:s17] =	ssyncadd.s32 $0xFFFFFF80  }
0x125: {  	[tilespmem:s30], [sflag:$0x2] =	stream.indirect.gather [hbm4b:s1+s25], $0x80, s28, s25, $0xb8;
	[tilespmem:$0x1E200] =	vst v63  }
0x126: {  	_ =	swait.ge [sflag:s31], $0x4000  }
0x127: {  	[sflag:s31] =	ssyncset.done $0x0  }
0x128: {  	[sflag:s31] =	ssyncadd.s32 $0xFFFFC000  }
0x129: {  	[spmem:s2] =	stream.indirect.scatter.add.f32 [tilespmem:s26], [sflag:$0x3], $0x80, s25, s25, $0xb8;
	[tilespmem:$0x1E200] =	vst v63  }
0x12a: {  	_ =	swait.ge [sflag:s17], $0x4000  }
0x12b: {  	[sflag:s17] =	ssyncset.done $0x0  }
0x12c: {  	s5 =	sadd.s32 $0x7C40, s5;
	[sflag:s17] =	ssyncadd.s32 $0xFFFFC000  }
0x12d: {  	[tilespmem:s4], [sflag:$0x3] =	stream.linear.gather [hbm4b:s5+s4], $0x80, $0x38;
	[tilespmem:$0x1E200] =	vst v63  }
0x12e: {  	_ =	swait.ge [sflag:s17], $0x80  }
0x12f: {  	[sflag:s17] =	ssyncset.done $0x0  }
0x130: {  	s5 =	sadd.s32 $0x7C40, s6;
	[sflag:s17] =	ssyncadd.s32 $0xFFFFFF80  }
0x131: {  	[tilespmem:s25], [sflag:$0x3] =	stream.linear.gather [hbm4b:s5+s4], $0x80, $0x38;
	[tilespmem:$0x1E200] =	vst v63  }
0x132: {  	_ =	swait.ge [sflag:s17], $0x80  }
0x133: {  	[sflag:s17] =	ssyncset.done $0x0  }
0x134: {  	[sflag:s17] =	ssyncadd.s32 $0xFFFFFF80  }
0x135: {  	[tilespmem:s26], [sflag:$0x1] =	stream.indirect.gather [hbm4b:s1+s25], $0x80, s4, s25, $0xb8;
	[tilespmem:$0x1E200] =	vst v63  }
0x136: {  	_ =	swait.ge [sflag:s0], $0x4000  }
.Ltmp3:
0x137: {  	[sflag:s0] =	ssyncset.done $0x0;
	(pc) =	sbr.rel @p1 .LBB2_6-.Ltmp3, $4  }
0x138: {  	[sflag:s0] =	ssyncadd.s32 $0xFFFFC000  }
0x139: {  	[spmem:s2] =	stream.indirect.scatter.add.f32 [tilespmem:s30], [sflag:$0x3], $0x80, s29, s25, $0xb8;
	[tilespmem:$0x1E200] =	vst v63  }
0x13a: {  	_ =	swait.ge [sflag:s17], $0x4000  }
0x13b: {  	s6 =	smov.u32 s20;
	s5 =	sadd.s32 s19, s24;
	[sflag:s17] =	ssyncset.done $0x0  }
.Ltmp4:
0x13c: {  	_ = 	snop;
	(pc) =	sbr.rel .LBB2_7-.Ltmp4, $1  }
0x13d: {  	_ =	sdelay $0x3  }
.LBB2_2:
0x13e: {  	s5 =	rddreg [dreg:$0xf]  }
0x13f: {  	[tilespmem:s4], [sflag:$0x3] =	stream.linear.gather [hbm4b:s5+s4], $0x80, $0x38;
	[tilespmem:$0x1E200] =	vst v63  }
0x140: {  	_ =	swait.ge [sflag:s17], $0x80  }
0x141: {  	[sflag:s17] =	ssyncset.done $0x0  }
0x142: {  	s6 =	rddreg [dreg:$0x10];
	[sflag:s17] =	ssyncadd.s32 $0xFFFFFF80  }
0x143: {  	[tilespmem:s25], [sflag:$0x3] =	stream.linear.gather [hbm4b:s6+s4], $0x80, $0x38;
	[tilespmem:$0x1E200] =	vst v63  }
0x144: {  	_ =	swait.ge [sflag:s17], $0x80  }
0x145: {  	[sflag:s17] =	ssyncset.done $0x0  }
0x146: {  	s7 =	sadd.s32 $0xFFFFF880, s23;
	[sflag:s17] =	ssyncadd.s32 $0xFFFFFF80  }
0x147: {  	[tilespmem:s26], [sflag:$0x1] =	stream.indirect.gather [hbm4b:s1+s25], $0x80, s4, s25, $0xb8;
	[tilespmem:$0x1E200] =	vst v63  }
0x148: {  	s6 =	sadd.s32 $0x790, s7  }
0x149: {  	[tilespmem:s28], [sflag:$0x3] =	stream.linear.gather [hbm4b:s6+s4], $0x80, $0x38;
	[tilespmem:$0x1E200] =	vst v63  }
0x14a: {  	_ =	swait.ge [sflag:s17], $0x80  }
0x14b: {  	s8 =	sadd.s32 $0xFFFFF880, s22;
	[sflag:s17] =	ssyncset.done $0x0  }
0x14c: {  	s19 =	sadd.s32 $0x790, s8;
	[sflag:s17] =	ssyncadd.s32 $0xFFFFFF80  }
0x14d: {  	[tilespmem:s29], [sflag:$0x3] =	stream.linear.gather [hbm4b:s19+s4], $0x80, $0x38;
	[tilespmem:$0x1E200] =	vst v63  }
0x14e: {  	_ =	swait.ge [sflag:s17], $0x80  }
0x14f: {  	[sflag:s17] =	ssyncset.done $0x0  }
0x150: {  	[sflag:s17] =	ssyncadd.s32 $0xFFFFFF80  }
0x151: {  	[tilespmem:s30], [sflag:$0x2] =	stream.indirect.gather [hbm4b:s1+s25], $0x80, s28, s25, $0xb8;
	[tilespmem:$0x1E200] =	vst v63  }
0x152: {  	_ =	swait.ge [sflag:s31], $0x4000  }
0x153: {  	[sflag:s31] =	ssyncset.done $0x0  }
0x154: {  	[sflag:s31] =	ssyncadd.s32 $0xFFFFC000  }
0x155: {  	[spmem:s2] =	stream.indirect.scatter.add.f32 [tilespmem:s26], [sflag:$0x3], $0x80, s25, s25, $0xb8;
	[tilespmem:$0x1E200] =	vst v63  }
0x156: {  	_ =	swait.ge [sflag:s17], $0x4000  }
0x157: {  	[sflag:s17] =	ssyncset.done $0x0  }
0x158: {  	s5 =	sadd.s32 $0x7A0, s7;
	[sflag:s17] =	ssyncadd.s32 $0xFFFFC000  }
0x159: {  	[tilespmem:s4], [sflag:$0x3] =	stream.linear.gather [hbm4b:s5+s4], $0x80, $0x38;
	[tilespmem:$0x1E200] =	vst v63  }
0x15a: {  	_ =	swait.ge [sflag:s17], $0x80  }
0x15b: {  	[sflag:s17] =	ssyncset.done $0x0  }
0x15c: {  	s20 =	sadd.s32 $0x7A0, s8;
	[sflag:s17] =	ssyncadd.s32 $0xFFFFFF80  }
0x15d: {  	[tilespmem:s25], [sflag:$0x3] =	stream.linear.gather [hbm4b:s20+s4], $0x80, $0x38;
	[tilespmem:$0x1E200] =	vst v63  }
0x15e: {  	_ =	swait.ge [sflag:s17], $0x80  }
0x15f: {  	[sflag:s17] =	ssyncset.done $0x0  }
0x160: {  	[sflag:s17] =	ssyncadd.s32 $0xFFFFFF80  }
0x161: {  	[tilespmem:s26], [sflag:$0x1] =	stream.indirect.gather [hbm4b:s1+s25], $0x80, s4, s25, $0xb8;
	[tilespmem:$0x1E200] =	vst v63  }
0x162: {  	_ =	swait.ge [sflag:s0], $0x4000  }
0x163: {  	[sflag:s0] =	ssyncset.done $0x0  }
0x164: {  	[sflag:s0] =	ssyncadd.s32 $0xFFFFC000  }
0x165: {  	[spmem:s2] =	stream.indirect.scatter.add.f32 [tilespmem:s30], [sflag:$0x3], $0x80, s29, s25, $0xb8;
	[tilespmem:$0x1E200] =	vst v63  }
0x166: {  	s19 =	simm.s32 $0xFFFFF8A0;
	_ =	swait.ge [sflag:s17], $0x4000  }
0x167: {  	s5 =	sadd.s32 $0xFFFFF8A0, s23;
	s20 =	simm.s32 $0xFFFFF8C0;
	[sflag:s17] =	ssyncset.done $0x0  }
.LBB2_3:
0x168: {  	s7 =	sadd.s32 $0x790, s5  }
0x169: {  	[sflag:s17] =	ssyncadd.s32 $0xFFFFC000;
	s8 =	smov.u32 s20;
	s6 =	sadd.s32 $0x20, s20  }
0x16a: {  	[tilespmem:s28], [sflag:$0x3] =	stream.linear.gather [hbm4b:s7+s4], $0x80, $0x38;
	[tilespmem:$0x1E200] =	vst v63  }
0x16b: {  	p1 =	seq.s32 s20, $0xFFFFFFE0;
	_ =	swait.ge [sflag:s17], $0x80  }
0x16c: {  	s7 =	sadd.s32 s19, s22;
	s19 =	smov.u32 s8;
	[sflag:s17] =	ssyncset.done $0x0  }
0x16d: {  	s8 =	sadd.s32 $0x790, s7;
	[sflag:s17] =	ssyncadd.s32 $0xFFFFFF80  }
0x16e: {  	[tilespmem:s29], [sflag:$0x3] =	stream.linear.gather [hbm4b:s8+s4], $0x80, $0x38;
	[tilespmem:$0x1E200] =	vst v63  }
0x16f: {  	_ =	swait.ge [sflag:s17], $0x80  }
0x170: {  	[sflag:s17] =	ssyncset.done $0x0  }
0x171: {  	[sflag:s17] =	ssyncadd.s32 $0xFFFFFF80  }
0x172: {  	[tilespmem:s30], [sflag:$0x2] =	stream.indirect.gather [hbm4b:s1+s25], $0x80, s28, s25, $0xb8;
	[tilespmem:$0x1E200] =	vst v63  }
0x173: {  	_ =	swait.ge [sflag:s31], $0x4000  }
0x174: {  	[sflag:s31] =	ssyncset.done $0x0  }
0x175: {  	[sflag:s31] =	ssyncadd.s32 $0xFFFFC000  }
0x176: {  	[spmem:s2] =	stream.indirect.scatter.add.f32 [tilespmem:s26], [sflag:$0x3], $0x80, s25, s25, $0xb8;
	[tilespmem:$0x1E200] =	vst v63  }
0x177: {  	_ =	swait.ge [sflag:s17], $0x4000  }
0x178: {  	[sflag:s17] =	ssyncset.done $0x0  }
0x179: {  	s5 =	sadd.s32 $0x7A0, s5;
	[sflag:s17] =	ssyncadd.s32 $0xFFFFC000  }
0x17a: {  	[tilespmem:s4], [sflag:$0x3] =	stream.linear.gather [hbm4b:s5+s4], $0x80, $0x38;
	[tilespmem:$0x1E200] =	vst v63  }
0x17b: {  	_ =	swait.ge [sflag:s17], $0x80  }
0x17c: {  	[sflag:s17] =	ssyncset.done $0x0  }
0x17d: {  	s5 =	sadd.s32 $0x7A0, s7;
	[sflag:s17] =	ssyncadd.s32 $0xFFFFFF80  }
0x17e: {  	[tilespmem:s25], [sflag:$0x3] =	stream.linear.gather [hbm4b:s5+s4], $0x80, $0x38;
	[tilespmem:$0x1E200] =	vst v63  }
0x17f: {  	_ =	swait.ge [sflag:s17], $0x80  }
0x180: {  	[sflag:s17] =	ssyncset.done $0x0  }
0x181: {  	[sflag:s17] =	ssyncadd.s32 $0xFFFFFF80  }
0x182: {  	[tilespmem:s26], [sflag:$0x1] =	stream.indirect.gather [hbm4b:s1+s25], $0x80, s4, s25, $0xb8;
	[tilespmem:$0x1E200] =	vst v63  }
0x183: {  	_ =	swait.ge [sflag:s0], $0x4000  }
.Ltmp5:
0x184: {  	[sflag:s0] =	ssyncset.done $0x0;
	(pc) =	sbr.rel @!p1 .LBB2_3-.Ltmp5, $4  }
0x185: {  	[sflag:s0] =	ssyncadd.s32 $0xFFFFC000  }
0x186: {  	[spmem:s2] =	stream.indirect.scatter.add.f32 [tilespmem:s30], [sflag:$0x3], $0x80, s29, s25, $0xb8;
	[tilespmem:$0x1E200] =	vst v63  }
0x187: {  	_ =	swait.ge [sflag:s17], $0x4000  }
0x188: {  	s20 =	smov.u32 s6;
	s5 =	sadd.s32 s19, s23;
	[sflag:s17] =	ssyncset.done $0x0  }
0x189: {  	s6 =	sadd.s32 $0x790, s5;
	[sflag:s17] =	ssyncadd.s32 $0xFFFFC000  }
0x18a: {  	[tilespmem:s28], [sflag:$0x3] =	stream.linear.gather [hbm4b:s6+s4], $0x80, $0x38;
	[tilespmem:$0x1E200] =	vst v63  }
0x18b: {  	_ =	swait.ge [sflag:s17], $0x80  }
0x18c: {  	s8 =	sadd.s32 s19, s22;
	[sflag:s17] =	ssyncset.done $0x0  }
0x18d: {  	s7 =	sadd.s32 $0x790, s8;
	[sflag:s17] =	ssyncadd.s32 $0xFFFFFF80  }
0x18e: {  	[tilespmem:s29], [sflag:$0x3] =	stream.linear.gather [hbm4b:s7+s4], $0x80, $0x38;
	[tilespmem:$0x1E200] =	vst v63  }
0x18f: {  	_ =	swait.ge [sflag:s17], $0x80  }
0x190: {  	[sflag:s17] =	ssyncset.done $0x0  }
0x191: {  	[sflag:s17] =	ssyncadd.s32 $0xFFFFFF80  }
0x192: {  	[tilespmem:s30], [sflag:$0x2] =	stream.indirect.gather [hbm4b:s1+s25], $0x80, s28, s25, $0xb8;
	[tilespmem:$0x1E200] =	vst v63  }
0x193: {  	_ =	swait.ge [sflag:s31], $0x4000  }
0x194: {  	[sflag:s31] =	ssyncset.done $0x0  }
0x195: {  	[sflag:s31] =	ssyncadd.s32 $0xFFFFC000  }
0x196: {  	[spmem:s2] =	stream.indirect.scatter.add.f32 [tilespmem:s26], [sflag:$0x3], $0x80, s25, s25, $0xb8;
	[tilespmem:$0x1E200] =	vst v63  }
0x197: {  	_ =	swait.ge [sflag:s17], $0x4000  }
0x198: {  	[sflag:s17] =	ssyncset.done $0x0  }
0x199: {  	s19 =	sadd.s32 $0x7A0, s5;
	[sflag:s17] =	ssyncadd.s32 $0xFFFFC000  }
0x19a: {  	[tilespmem:s4], [sflag:$0x3] =	stream.linear.gather [hbm4b:s19+s4], $0x80, $0x38;
	[tilespmem:$0x1E200] =	vst v63  }
0x19b: {  	_ =	swait.ge [sflag:s17], $0x80  }
0x19c: {  	[sflag:s17] =	ssyncset.done $0x0  }
0x19d: {  	s20 =	sadd.s32 $0x7A0, s8;
	[sflag:s17] =	ssyncadd.s32 $0xFFFFFF80  }
0x19e: {  	[tilespmem:s25], [sflag:$0x3] =	stream.linear.gather [hbm4b:s20+s4], $0x80, $0x38;
	[tilespmem:$0x1E200] =	vst v63  }
0x19f: {  	_ =	swait.ge [sflag:s17], $0x80  }
0x1a0: {  	[sflag:s17] =	ssyncset.done $0x0  }
0x1a1: {  	[sflag:s17] =	ssyncadd.s32 $0xFFFFFF80  }
0x1a2: {  	[tilespmem:s26], [sflag:$0x1] =	stream.indirect.gather [hbm4b:s1+s25], $0x80, s4, s25, $0xb8;
	[tilespmem:$0x1E200] =	vst v63  }
0x1a3: {  	_ =	swait.ge [sflag:s0], $0x4000  }
0x1a4: {  	[sflag:s0] =	ssyncset.done $0x0  }
.Ltmp6:
0x1a5: {  	[sflag:s0] =	ssyncadd.s32 $0xFFFFC000;
	(pc) =	sbr.rel .LBB2_8-.Ltmp6, $4  }
0x1a6: {  	[spmem:s2] =	stream.indirect.scatter.add.f32 [tilespmem:s30], [sflag:$0x3], $0x80, s29, s25, $0xb8;
	[tilespmem:$0x1E200] =	vst v63  }
0x1a7: {  	_ =	swait.ge [sflag:s17], $0x4000  }
0x1a8: {  	[sflag:s17] =	ssyncset.done $0x0  }
0x1a9: {  	s5 =	rddreg [dreg:$0x11];
	[sflag:s17] =	ssyncadd.s32 $0xFFFFC000  }
.LBB2_9:
0x1aa: {  	_ =	sfence.sel $0x180000  }
0x1ab: {  	[bflag:$0x0] =	sbarrier.arrive $0xFFFF  }
0x1ac: {  	_ =	strace $0x90000050  }
0x1ad: {  	s0 =	stileid.u32;
	[bflag:$0x2] =	sbarrier.arrive $0xFFFF  }
0x1ae: {  	p0 =	sne.s32 s0, $0x0;
	s0 =	rddreg [dreg:$0x3]  }
0x1af: {  	s0 =	sadd.s32 @!p0 $0x100000, s0  }
0x1b0: {  	[sflag:s0] =	ssyncadd.tile.s32 @!p0 $0x1;
	_ =	shalt  }
.Lfunc_end2:
_tile_overlayer_lowered:
.L_overlay_start_2:
0x1b1: {  	(tag) =	ssettag $0x2  }
0x1b2: {  	s0 =	rddreg [dreg:$0x0];
	s2 =	stileid.u32  }
0x1b3: {  	s1 =	rddreg [dreg:$0x1];
	p0 =	sne.s32 s2, $0x0  }
0x1b4: {  	s3 =	rddreg [dreg:$0x2];
	[bflag:$0x3] =	sbarrier.arrive $0xFFFF;
	s2 =	simm.s32 @!p0 $0x1C03  }
0x1b5: {  	[timem:s3], [sflag:s2] =	dma.local @!p0 [hbm:s0], s1  }
0x1b6: {  	s0 =	simm.s32 @!p0 $0x3  }
0x1b7: {  	_ =	swait.ge @!p0 [sflag:s0], s1  }
0x1b8: {  	s1 =	ssub.s32 @!p0 $0x0, s1;
	[sflag:s0] =	ssyncset.done @!p0 $0x0  }
0x1b9: {  	[sflag:s0] =	ssyncadd.s32 @!p0 s1  }
0x1ba: {  	[bflag:$0x3] =	sbarrier.arrive $0xFFFF  }
0x1bb: {  	_ =	shalt  }

// kernel: kernel.27.cloned.1.call-start
scs
__scs_entry_jumppad:
0x0: {  	(pc) =	sbr.rel $0x88, $3  }
0x1: {  	(tag) =	ssettag $0x0;
	lr =	simm.s32 $0x1  }
0x2: {  	[smem:$0x3F88] =	sst lr;
	_ =	strace $0xD0000000  }
0x3: {  	_ = 	snop  }
0x4: {  	_ = 	snop  }
0x5: {  	_ = 	snop  }
0x6: {  	_ = 	snop  }
0x7: {  	_ = 	snop  }
__scs_overlays_trampoline_lowered:
0x8: {  	[smem:$0x3F97] =	sst s0  }
0x9: {  	[smem:$0x3F98] =	sst s1  }
0xa: {  	[smem:$0x3F99] =	sst s2  }
0xb: {  	[smem:$0x3F9A] =	sst s3  }
0xc: {  	[smem:$0x3F9B] =	sst s4  }
0xd: {  	[smem:$0x3F9C] =	sst s5  }
0xe: {  	[smem:$0x3F9D] =	sst s6  }
0xf: {  	[smem:$0x3F9E] =	sst s7  }
0x10: {  	[smem:$0x3F9F] =	sst s8  }
0x11: {  	[smem:$0x3FA0] =	sst s9;
	s0 =	simm.s32 @!p0 $0x0  }
0x12: {  	s1 =	sld [smem:$0x3F86];
	s0 =	simm.s32 @p0 $0x1  }
0x13: {  	[smem:$0x3FA1] =	sst s0;
	s0 =	simm.s32 @!p1 $0x0  }
0x14: {  	s2 =	sld [smem:$0x3F85];
	s0 =	simm.s32 @p1 $0x1  }
0x15: {  	[smem:$0x3FA2] =	sst s0;
	s0 =	simm.s32 @!p2 $0x0  }
0x16: {  	s3 =	sld [smem:$0x3FDB];
	s0 =	simm.s32 @p2 $0x1  }
0x17: {  	s4 =	simm.s32 $0x1BF5;
	[smem:$0x3FA4] =	sst s0  }
0x18: {  	s0 =	sld [smem:$0x3F87];
	_ =	swait.ge [sflag:s4], $0x0  }
0x19: {  	s7 =	sld [smem:$0x3F88]  }
0x1a: {  	s8 =	sadd.s32 $0xFFFFE003, lr  }
0x1b: {  	s9 =	sadd.s32 $0xFFFFFEF7, lr;
	s5 =	simm.s32 $0xFFFFFFFF;
	p2 =	slt.u32 s8, $0xFFFFF086  }
0x1c: {  	p1 =	slt.u32 s9, $0xF7A;
	s5 =	simm.s32 @!p2 $0x0  }
0x1d: {  	s5 =	simm.s32 @p1 $0x1;
	p0 =	seq.s32 s7, s2  }
0x1e: {  	s7 =	smul.u32 @!p0 $0xF7A, s2;
	p2 =	seq.s32 @!p0 s5, $0x0  }
0x1f: {  	s9 =	smul.u32 $0xF7A, s1;
	s8 =	simm.s32 @!p0 $0x1BF5;
	p2 =	por !p2, p0  }
0x20: {  	[sflag:s8] =	ssyncset.s32 @!p0 $0xFFFFF086;
	s6 =	sadd.s32 @!p0 s3, s7;
	s7 =	simm.s32 @!p0 $0x108  }
0x21: {  	s3 =	sadd.s32 s3, s9;
	s6 =	sadd.s32 @!p0 $0x88, s6;
	s7 =	simm.s32 @p2 $0x1082  }
0x22: {  	[simem:s7], [sflag:s8] =	dma.local @!p0 [hbm:s6], $0xF7A  }
0x23: {  	s9 =	sor.u32 $0xD0000000, s2;
	s6 =	simm.s32 $0x108;
	_ =	swait.ge @!p0 [sflag:s8], $0x0  }
0x24: {  	s3 =	sadd.s32 $0x88, s3;
	s6 =	simm.s32 @!p1 $0x1082;
	[sflag:s4] =	ssyncset.s32 $0xFFFFF086  }
0x25: {  	[simem:s6], [sflag:s4] =	dma.local [hbm:s3], $0xF7A  }
0x26: {  	[smem:$0x3F88] =	sst s1;
	(tag) =	ssettag s2;
	_ =	strace s9  }
0x27: {  	s1 =	sld [smem:$0x3F98]  }
0x28: {  	s2 =	sld [smem:$0x3F99]  }
0x29: {  	s4 =	sld [smem:$0x3F9B]  }
0x2a: {  	p0 =	seq.s32 s5, $0x0;
	s5 =	sld [smem:$0x3F9C]  }
0x2b: {  	s6 =	sld [smem:$0x3F9D]  }
0x2c: {  	s7 =	sld [smem:$0x3F9E]  }
0x2d: {  	s3 =	simm.s32 $0x108;
	s8 =	sld [smem:$0x3F9F]  }
0x2e: {  	s3 =	simm.s32 @!p0 $0x1082;
	s9 =	sld [smem:$0x3FA0]  }
0x2f: {  	lr =	sadd.s32 s0, s3;
	s0 =	sld [smem:$0x3F97]  }
0x30: {  	s3 =	sld [smem:$0x3F9A]  }
0x31: {  	[smem:$0x3FA3] =	sst s10  }
0x32: {  	s10 =	sld [smem:$0x3FA1];
	_ =	sdelay $0x3  }
0x33: {  	p0 =	seq.s32 s10, $0x1;
	s10 =	sld [smem:$0x3FA3];
	_ =	sdelay $0x3  }
0x34: {  	[smem:$0x3FA3] =	sst s10  }
0x35: {  	s10 =	sld [smem:$0x3FA2];
	_ =	sdelay $0x3  }
0x36: {  	p1 =	seq.s32 s10, $0x1;
	s10 =	sld [smem:$0x3FA3];
	_ =	sdelay $0x3  }
0x37: {  	[smem:$0x3FA3] =	sst s10  }
0x38: {  	s10 =	sld [smem:$0x3FA4]  }
0x39: {  	_ = 	snop;
	(pc) =	sbr.ind lr, $3  }
0x3a: {  	_ = 	snop  }
0x3b: {  	_ = 	snop  }
0x3c: {  	p2 =	seq.s32 s10, $0x1;
	s10 =	sld [smem:$0x3FA3]  }
0x3d: {  	_ =	shalt  }
0x3e: {  	_ =	shalt  }
0x3f: {  	_ =	shalt  }
0x40: {  	_ =	shalt  }
0x41: {  	_ =	shalt  }
0x42: {  	_ =	shalt  }
0x43: {  	_ =	shalt  }
0x44: {  	_ =	shalt  }
0x45: {  	_ =	shalt  }
0x46: {  	_ =	shalt  }
0x47: {  	_ =	shalt  }
0x48: {  	_ =	shalt  }
0x49: {  	_ =	shalt  }
0x4a: {  	_ =	shalt  }
0x4b: {  	_ =	shalt  }
0x4c: {  	_ =	shalt  }
0x4d: {  	_ =	shalt  }
0x4e: {  	_ =	shalt  }
0x4f: {  	_ =	shalt  }
0x50: {  	_ =	shalt  }
0x51: {  	_ =	shalt  }
0x52: {  	_ =	shalt  }
0x53: {  	_ =	shalt  }
0x54: {  	_ =	shalt  }
0x55: {  	_ =	shalt  }
0x56: {  	_ =	shalt  }
0x57: {  	_ =	shalt  }
0x58: {  	_ =	shalt  }
0x59: {  	_ =	shalt  }
0x5a: {  	_ =	shalt  }
0x5b: {  	_ =	shalt  }
0x5c: {  	_ =	shalt  }
0x5d: {  	_ =	shalt  }
0x5e: {  	_ =	shalt  }
0x5f: {  	_ =	shalt  }
0x60: {  	_ =	shalt  }
0x61: {  	_ =	shalt  }
0x62: {  	_ =	shalt  }
0x63: {  	_ =	shalt  }
0x64: {  	_ =	shalt  }
0x65: {  	_ =	shalt  }
0x66: {  	_ =	shalt  }
0x67: {  	_ =	shalt  }
0x68: {  	_ =	shalt  }
0x69: {  	_ =	shalt  }
0x6a: {  	_ =	shalt  }
0x6b: {  	_ =	shalt  }
0x6c: {  	_ =	shalt  }
0x6d: {  	_ =	shalt  }
0x6e: {  	_ =	shalt  }
0x6f: {  	_ =	shalt  }
0x70: {  	_ =	shalt  }
0x71: {  	_ =	shalt  }
0x72: {  	_ =	shalt  }
0x73: {  	_ =	shalt  }
0x74: {  	_ =	shalt  }
0x75: {  	_ =	shalt  }
0x76: {  	_ =	shalt  }
0x77: {  	_ =	shalt  }
0x78: {  	_ =	shalt  }
0x79: {  	_ =	shalt  }
0x7a: {  	_ =	shalt  }
0x7b: {  	_ =	shalt  }
0x7c: {  	_ =	shalt  }
0x7d: {  	_ =	shalt  }
0x7e: {  	_ =	shalt  }
0x7f: {  	_ =	shalt  }
0x80: {  	_ =	shalt  }
0x81: {  	_ =	shalt  }
0x82: {  	_ =	shalt  }
0x83: {  	_ =	shalt  }
0x84: {  	_ =	shalt  }
0x85: {  	_ =	shalt  }
0x86: {  	_ =	shalt  }
0x87: {  	_ =	shalt  }
.Lfunc_end0:
.L_simem_size_0:
called_computation.4_lowered:
.L_overlay_start_0:
0x88: {  	s2 =	sld [smem:$0x3FD9]  }
0x89: {  	s3 =	sld [smem:$0x3FFE];
	_ =	sdelay $0x1  }
0x8a: {  	s1 =	srdreg.scid  }
0x8b: {  	s0 =	sand.u32 $0x1, s1  }
0x8c: {  	s17 =	sshll.u32 s0, $0xA;
	s2 =	sadd.s32 s3, s2  }
0x8d: {  	s2 =	sadd.s32 s2, s17  }
0x8e: {  	[smem:$0x3FAF] =	sst s2  }
0x8f: {  	_ = 	snop  }
0x90: {  	s2 =	sld [smem:$0x3FD0];
	(tm) =	ssettm $0x1  }
0x91: {  	s18 =	sld [smem:$0x3FFB];
	_ =	sdelay $0x3  }
0x92: {  	_ =	strace s18  }
0x93: {  	s3 =	sld [smem:$0x3FFC];
	_ =	sdelay $0x3  }
0x94: {  	_ =	strace s3  }
0x95: {  	s3 =	sld [smem:$0x3FFD];
	_ =	sdelay $0x3  }
0x96: {  	_ =	strace s3  }
0x97: {  	_ =	strace $0x8FFFFFFF  }
0x98: {  	s19 =	sld [smem:$0x3FDB];
	_ =	sdelay $0x1  }
0x99: {  	s4 =	simm.s32 $_scs_section_size  }
0x9a: {  	s5 =	simm.s32 $_size__tile_overlayer_lowered;
	s6 =	simm.s32 $_tile_overlayer_lowered  }
0x9b: {  	s22 =	simm.s32 $0x1BFF;
	s21 =	sshll.u32 s6, $0x1;
	s3 =	sadd.s32 s4, s19  }
0x9c: {  	s7 =	simm.s32 $0x0;
	s20 =	sshll.u32 s5, $0x1;
	s5 =	sadd.s32 s21, s3  }
0x9d: {  	[timem:s7], [sflag:s22] =	dma.local [hbm:s5], s20  }
0x9e: {  	_ =	swait.ge [sflag:s22], s20  }
0x9f: {  	s4 =	ssub.s32 $0x0, s20;
	[sflag:s22] =	ssyncset.done $0x0  }
0xa0: {  	[sflag:s22] =	ssyncadd.s32 s4;
	_ =	sdelay $0x1  }
0xa1: {  	s23 =	simm.s32 $0x1B8B  }
0xa2: {  	_ =	swait.ge [sflag:s23], $0x1  }
0xa3: {  	[sflag:s23] =	ssyncset.done $0x0  }
0xa4: {  	s25 =	simm.s32 $0x1B8E;
	s24 =	sld [smem:$0x3FFE];
	[sflag:s23] =	ssyncadd.s32 $0xFFFFFFFF  }
0xa5: {  	s26 =	simm.s32 $execute0_lowered;
	[smem:$0x3FD2] =	sst s25  }
0xa6: {  	s5 =	sshll.u32 s26, $0x1;
	_ =	strace $0x80000052;
	[dreg:$0x1] =	wrdreg $0xFFFFFFFF  }
0xa7: {  	s28 =	simm.s32 $_size_execute0_lowered;
	s3 =	sadd.s32 s3, s5;
	[dreg:$0x0] =	wrdreg $0x0  }
0xa8: {  	s5 =	sshll.u32 s28, $0x1;
	[dreg:$0x2] =	wrdreg s3  }
0xa9: {  	[dreg:$0x3] =	wrdreg s5  }
0xaa: {  	[dreg:$0x4] =	wrdreg $0xC0  }
0xab: {  	_ =	task [dreg:s7], $0x5FFFF  }
0xac: {  	[dreg:$0x1] =	wrdreg $0xFFFFFFFF  }
0xad: {  	[dreg:$0x0] =	wrdreg $0x60  }
0xae: {  	[dreg:$0x2] =	wrdreg s2  }
0xaf: {  	[dreg:$0x3] =	wrdreg s24  }
0xb0: {  	[dreg:$0x4] =	wrdreg $0xA2000  }
0xb1: {  	[dreg:$0x5] =	wrdreg $0x9  }
0xb2: {  	_ =	task.clear_ibuf [dreg:s7], $0x6FFFF;
	_ =	strace $0x90000052  }
0xb3: {  	s29 =	simm.s32 $0x9;
	_ =	strace $0x80000054  }
0xb4: {  	_ =	swait.ge [sflag:s29], $0x1  }
0xb5: {  	[sflag:s29] =	ssyncadd.s32 $0xFFFFFFFF  }
0xb6: {  	_ =	strace $0x90000054  }
0xb7: {  	_ =	sfence  }
0xb8: {  	s30 =	sld [smem:$0x0];
	_ =	sdelay $0x2  }
0xb9: {  	s31 =	sshll.u32 s1, $0xD;
	s1 =	sshrl.u32 s1, $0x2  }
0xba: {  	s3 =	sand.u32 $0x4000, s31;
	s1 =	sadd.s32 s1, s30  }
0xbb: {  	s0 =	sor.u32 s3, s0;
	s1 =	sshll.u32 s1, $0x11  }
0xbc: {  	s0 =	sor.u32 s1, s0  }
0xbd: {  	s0 =	sadd.s32 $0x8F2B, s0  }
0xbe: {  	[sflag:s0] =	ssyncadd.remote.s32 $0x1  }
0xbf: {  	_ =	sfence.sel $0xFFFF  }
0xc0: {  	[dreg:$0x0] =	wrdreg $0xFFFFFFFF;
	(pc) =	sbr.abs _section_cstart, $3  }
0xc1: {  	[dreg:$0x1] =	wrdreg $0xFFFFFFFF  }
0xc2: {  	_ =	task.clear_ibuf [dreg:s7], $0x2FFFF;
	_ =	strace $0x9FFFFFFF  }
0xc3: {  	(tm) =	ssettm $0x7FFFFFFF  }
tec
execute0_lowered:
.L_overlay_start_1:
0x0: {  	(tag) =	ssettag $0x1  }
0x1: {  	s1 =	rddreg [dreg:$0x0]  }
0x2: {  	s0 =	rddreg [dreg:$0x1]  }
0x3: {  	s2 =	rddreg [dreg:$0x2];
	s20 =	stileid.u32  }
0x4: {  	s3 =	srdreg.scid;
	s4 =	simm.s32 $0x0;
	s7 =	smul.u32 $0x14000, s20  }
0x5: {  	s28 =	simm.s32 $0x4100;
	s29 =	simm.s32 $0x4180;
	s25 =	smul.u32 $0x3D00, s20  }
0x6: {  	s3 =	sand.u32 $0x1, s3;
	[smem:$0x7FF] =	sst s4;
	s26 =	smul.u32 $0x1200, s20  }
0x7: {  	s8 =	sadd.s32 $0x19800, s0;
	s5 =	smul.u32 $0x140000, s3;
	s6 =	ssub.s32 $0x2, s3  }
0x8: {  	_ =	strace $0x80000053;
	p0 =	seq.s32 s3, $0x1;
	s9 =	sshrl.u32 s6, $0x1  }
0x9: {  	s10 =	sor.u32 $0x2000, s7;
	s6 =	ssub.s32 s6, s9;
	s11 =	sadd.s32 s5, s7  }
0xa: {  	s13 =	sadd.s32 s5, s10;
	s9 =	sadd.s32 $0x4000, s7;
	s12 =	sshrl.u32 s11, $0x3  }
0xb: {  	s14 =	sshrl.u32 s13, $0x3;
	s15 =	sadd.s32 s5, s9;
	s11 =	sadd.s32 $0x6000, s7  }
0xc: {  	s13 =	sadd.s32 $0x8000, s7;
	s3 =	sadd.s32 s8, s12;
	s12 =	sadd.s32 s5, s11  }
0xd: {  	s17 =	sadd.s32 s5, s13;
	[dreg:$0x4] =	wrdreg s3;
	s3 =	sadd.s32 s8, s14  }
0xe: {  	s16 =	sshrl.u32 s12, $0x3;
	s18 =	sshrl.u32 s17, $0x3;
	s12 =	sadd.s32 $0xA000, s7  }
0xf: {  	s14 =	sadd.s32 $0xC000, s7;
	s17 =	sadd.s32 $0xE000, s7;
	[dreg:$0x5] =	wrdreg s3  }
0x10: {  	s3 =	sshrl.u32 s15, $0x3;
	s19 =	sadd.s32 s5, s12;
	s15 =	sadd.s32 s5, s14  }
0x11: {  	s22 =	sadd.s32 s5, s17;
	s3 =	sadd.s32 s8, s3;
	s21 =	sshrl.u32 s15, $0x3  }
0x12: {  	s23 =	sshrl.u32 s22, $0x3;
	s15 =	sadd.s32 $0x113600, s0;
	s22 =	sshrl.u32 s25, $0x3  }
0x13: {  	[dreg:$0x6] =	wrdreg s3;
	s3 =	sadd.s32 s8, s16;
	s16 =	sadd.s32 $0xF600, s0  }
0x14: {  	s0 =	sadd.s32 $0x19400, s0;
	[dreg:$0x7] =	wrdreg s3;
	s3 =	sadd.s32 s8, s18  }
0x15: {  	s18 =	smul.u32 $0x50000, s20;
	[dreg:$0xe] =	wrdreg s0;
	s0 =	sadd.s32 s16, s22  }
0x16: {  	[dreg:$0x8] =	wrdreg s3;
	s3 =	sshrl.u32 s19, $0x3;
	s19 =	sadd.s32 $0x10000, s7  }
0x17: {  	[dreg:$0x10] =	wrdreg s0;
	s3 =	sadd.s32 s8, s3;
	s24 =	sadd.s32 s5, s19  }
0x18: {  	[dreg:$0x9] =	wrdreg s3;
	s3 =	sadd.s32 s8, s21;
	s21 =	sshrl.u32 s18, $0x2  }
0x19: {  	[dreg:$0xa] =	wrdreg s3;
	s3 =	sadd.s32 s8, s23;
	s18 =	sadd.s32 s21, s2  }
0x1a: {  	s23 =	sshrl.u32 s26, $0x3;
	s21 =	sadd.s32 s15, s22;
	[dreg:$0xb] =	wrdreg s3  }
0x1b: {  	s26 =	sadd.s32 $0x3E180, s26;
	s3 =	sadd.s32 $0x12000, s7;
	[dreg:$0xf] =	wrdreg s21  }
0x1c: {  	s7 =	sshrl.u32 s24, $0x3;
	[dreg:$0x14] =	wrdreg s26;
	s26 =	sadd.s32 $0x8000, s18  }
0x1d: {  	s24 =	sadd.s32 $0x7A00, s23;
	s7 =	sadd.s32 s8, s7;
	[smem:$0x7FD] =	sst s26  }
0x1e: {  	s30 =	simm.s32 $0x4200;
	s0 =	sadd.s32 s16, s24;
	[dreg:$0xc] =	wrdreg s7  }
0x1f: {  	s5 =	sadd.s32 s5, s3;
	s3 =	sadd.s32 s3, s2;
	[dreg:$0x13] =	wrdreg s0  }
0x20: {  	s31 =	simm.s32 $0x1;
	s7 =	sadd.s32 $0x3C80, s25;
	[dreg:$0x1e] =	wrdreg s3  }
0x21: {  	s5 =	sshrl.u32 s5, $0x3;
	s25 =	sadd.s32 s15, s24;
	[dreg:$0x11] =	wrdreg s7  }
0x22: {  	s26 =	simm.s32 $0x100;
	s5 =	sadd.s32 s8, s5;
	[dreg:$0x12] =	wrdreg s25  }
0x23: {  	s0 =	simm.s32 $0x2;
	s7 =	sadd.s32 s9, s2;
	[dreg:$0xd] =	wrdreg s5  }
0x24: {  	s3 =	simm.s32 $0x0;
	s8 =	sadd.s32 s11, s2;
	[dreg:$0x17] =	wrdreg s7  }
0x25: {  	s9 =	sadd.s32 s13, s2;
	s11 =	sadd.s32 s14, s2;
	[dreg:$0x18] =	wrdreg s8  }
0x26: {  	s13 =	sadd.s32 s17, s2;
	s14 =	sadd.s32 s19, s2;
	[dreg:$0x19] =	wrdreg s9  }
0x27: {  	s17 =	smul.u32 $0x240, s20;
	s19 =	sadd.s32 $0x2000, s18;
	[dreg:$0x1b] =	wrdreg s11  }
0x28: {  	s25 =	sadd.s32 $0x6000, s18;
	s5 =	smax.u32 s6, $0x1;
	[dreg:$0x1c] =	wrdreg s13  }
0x29: {  	s6 =	sadd.s32 s10, s2;
	s10 =	sadd.s32 s12, s2;
	[dreg:$0x1d] =	wrdreg s14  }
0x2a: {  	s12 =	smul.u32 $0x7A0, s20;
	[dreg:$0x1f] =	wrdreg s19;
	s20 =	sadd.s32 $0x4000, s18  }
0x2b: {  	[smem:$0x7FC] =	sst s25;
	s9 =	sadd.s32 $0xA000, s18;
	s11 =	sadd.s32 $0xE000, s18  }
.Ltmp0:
0x2c: {  	s13 =	sadd.s32 $0x12000, s18;
	[dreg:$0x15] =	wrdreg s5;
	(pc) =	sbr.rel .LBB2_1-.Ltmp0, $4  }
0x2d: {  	s14 =	simm.s32 $0x8200;
	s25 =	simm.s32 $0x80;
	[dreg:$0x16] =	wrdreg s6  }
0x2e: {  	[dreg:$0x1a] =	wrdreg s10;
	s21 =	sadd.s32 s17, s16;
	s24 =	sadd.s32 s17, s15  }
0x2f: {  	[smem:$0x7FB] =	sst s20;
	s10 =	sadd.s32 $0xC000, s18;
	s17 =	simm.s32 $0x3  }
0x30: {  	s22 =	sadd.s32 s12, s16;
	s23 =	sadd.s32 s12, s15;
	s12 =	sadd.s32 $0x10000, s18  }
.LBB2_7:
0x31: {  	s6 =	sadd.s32 $0x7C30, s5;
	[sflag:s17] =	ssyncadd.s32 $0xFFFFC000  }
0x32: {  	[tilespmem:s28], [sflag:$0x3] =	stream.linear.gather [hbm4b:s6+s4], $0x80, $0x38;
	[tilespmem:$0x1E200] =	vst v63  }
0x33: {  	_ =	swait.ge [sflag:s17], $0x80  }
0x34: {  	s8 =	sadd.s32 s19, s21;
	[sflag:s17] =	ssyncset.done $0x0  }
0x35: {  	s7 =	sadd.s32 $0x7C30, s8;
	[sflag:s17] =	ssyncadd.s32 $0xFFFFFF80  }
0x36: {  	[tilespmem:s29], [sflag:$0x3] =	stream.linear.gather [hbm4b:s7+s4], $0x80, $0x38;
	[tilespmem:$0x1E200] =	vst v63  }
0x37: {  	_ =	swait.ge [sflag:s17], $0x80  }
0x38: {  	[sflag:s17] =	ssyncset.done $0x0  }
0x39: {  	[sflag:s17] =	ssyncadd.s32 $0xFFFFFF80  }
0x3a: {  	[tilespmem:s30], [sflag:$0x2] =	stream.indirect.gather [hbm4b:s1+s25], $0x80, s28, s25, $0xb8;
	[tilespmem:$0x1E200] =	vst v63  }
0x3b: {  	_ =	swait.ge [sflag:s31], $0x4000  }
0x3c: {  	[sflag:s31] =	ssyncset.done $0x0  }
0x3d: {  	[sflag:s31] =	ssyncadd.s32 $0xFFFFC000  }
0x3e: {  	[spmem:s2] =	stream.indirect.scatter.add.f32 [tilespmem:s26], [sflag:$0x3], $0x80, s25, s25, $0xb8;
	[tilespmem:$0x1E200] =	vst v63  }
0x3f: {  	_ =	swait.ge [sflag:s17], $0x4000  }
0x40: {  	[sflag:s17] =	ssyncset.done $0x0  }
0x41: {  	s19 =	sadd.s32 $0x7C40, s5;
	[sflag:s17] =	ssyncadd.s32 $0xFFFFC000  }
0x42: {  	[tilespmem:s4], [sflag:$0x3] =	stream.linear.gather [hbm4b:s19+s4], $0x80, $0x38;
	[tilespmem:$0x1E200] =	vst v63  }
0x43: {  	_ =	swait.ge [sflag:s17], $0x80  }
0x44: {  	[sflag:s17] =	ssyncset.done $0x0  }
0x45: {  	s20 =	sadd.s32 $0x7C40, s8;
	[sflag:s17] =	ssyncadd.s32 $0xFFFFFF80  }
0x46: {  	[tilespmem:s25], [sflag:$0x3] =	stream.linear.gather [hbm4b:s20+s4], $0x80, $0x38;
	[tilespmem:$0x1E200] =	vst v63  }
0x47: {  	_ =	swait.ge [sflag:s17], $0x80  }
0x48: {  	[sflag:s17] =	ssyncset.done $0x0  }
0x49: {  	[sflag:s17] =	ssyncadd.s32 $0xFFFFFF80  }
0x4a: {  	[tilespmem:s26], [sflag:$0x1] =	stream.indirect.gather [hbm4b:s1+s25], $0x80, s4, s25, $0xb8;
	[tilespmem:$0x1E200] =	vst v63  }
0x4b: {  	_ =	swait.ge [sflag:s0], $0x4000  }
0x4c: {  	[sflag:s0] =	ssyncset.done $0x0  }
0x4d: {  	[sflag:s0] =	ssyncadd.s32 $0xFFFFC000  }
0x4e: {  	[spmem:s2] =	stream.indirect.scatter.add.f32 [tilespmem:s30], [sflag:$0x3], $0x80, s29, s25, $0xb8;
	[tilespmem:$0x1E200] =	vst v63  }
0x4f: {  	_ =	swait.ge [sflag:s17], $0x4000  }
0x50: {  	[sflag:s17] =	ssyncset.done $0x0  }
0x51: {  	s5 =	rddreg [dreg:$0x14];
	[sflag:s17] =	ssyncadd.s32 $0xFFFFC000  }
.LBB2_8:
0x52: {  	s5 =	sshrl.u32 s5, $0x3  }
0x53: {  	s6 =	sadd.s32 s15, s5  }
0x54: {  	[tilespmem:s28], [sflag:$0x3] =	stream.linear.gather [hbm4b:s6+s4], $0x80, $0x38;
	[tilespmem:$0x1E200] =	vst v63  }
0x55: {  	_ =	swait.ge [sflag:s17], $0x80  }
0x56: {  	[sflag:s17] =	ssyncset.done $0x0  }
0x57: {  	s5 =	sadd.s32 s16, s5;
	[sflag:s17] =	ssyncadd.s32 $0xFFFFFF80  }
0x58: {  	[tilespmem:s29], [sflag:$0x3] =	stream.linear.gather [hbm4b:s5+s4], $0x80, $0x38;
	[tilespmem:$0x1E200] =	vst v63  }
0x59: {  	_ =	swait.ge [sflag:s17], $0x80  }
0x5a: {  	[sflag:s17] =	ssyncset.done $0x0  }
0x5b: {  	[sflag:s17] =	ssyncadd.s32 $0xFFFFFF80  }
0x5c: {  	[tilespmem:s30], [sflag:$0x2] =	stream.indirect.gather [hbm4b:s1+s25], $0x80, s28, s25, $0xb8;
	[tilespmem:$0x1E200] =	vst v63  }
0x5d: {  	_ =	swait.ge [sflag:s31], $0x4000  }
0x5e: {  	[sflag:s31] =	ssyncset.done $0x0  }
0x5f: {  	[sflag:s31] =	ssyncadd.s32 $0xFFFFC000  }
0x60: {  	[spmem:s2] =	stream.indirect.scatter.add.f32 [tilespmem:s26], [sflag:$0x3], $0x80, s25, s25, $0xb8;
	[tilespmem:$0x1E200] =	vst v63  }
0x61: {  	_ =	swait.ge [sflag:s17], $0x4000  }
0x62: {  	[sflag:s17] =	ssyncset.done $0x0  }
0x63: {  	[sflag:s17] =	ssyncadd.s32 $0xFFFFC000  }
0x64: {  	_ =	swait.ge [sflag:s0], $0x4000  }
0x65: {  	[sflag:s0] =	ssyncset.done $0x0  }
0x66: {  	[sflag:s0] =	ssyncadd.s32 $0xFFFFC000  }
0x67: {  	[spmem:s2] =	stream.indirect.scatter.add.f32 [tilespmem:s30], [sflag:$0x3], $0x80, s29, s25, $0xb8;
	[tilespmem:$0x1E200] =	vst v63  }
0x68: {  	_ =	swait.ge [sflag:s17], $0x4000  }
0x69: {  	[sflag:s17] =	ssyncset.done $0x0  }
0x6a: {  	[sflag:s17] =	ssyncadd.s32 $0xFFFFC000  }
0x6b: {  	[bflag:$0x0] =	sbarrier.arrive $0xFFFF  }
0x6c: {  	[tilespmem:s14], [sflag:$0x3] =	stream.linear.gather [spmem:s18], $0x2000, $0x38;
	[tilespmem:$0x1E200] =	vst v63  }
0x6d: {  	_ =	swait.ge [sflag:s17], $0x2000  }
0x6e: {  	[sflag:s17] =	ssyncset.done $0x0  }
0x6f: {  	s6 =	rddreg [dreg:$0x4];
	[sflag:s17] =	ssyncadd.s32 $0xFFFFE000  }
0x70: {  	[hbm4b:s6+s4] =	stream.linear.scatter [tilespmem:s14], [sflag:$0x3], $0x2000, $0x38;
	[tilespmem:$0x1E200] =	vst v63  }
0x71: {  	_ =	swait.ge [sflag:s17], $0x2000  }
0x72: {  	[sflag:s17] =	ssyncset.done $0x0  }
0x73: {  	s7 =	rddreg [dreg:$0x16];
	[sflag:s17] =	ssyncadd.s32 $0xFFFFE000  }
0x74: {  	[tilespmem:s14], [sflag:$0x3] =	stream.linear.gather [spmem:s7], $0x2000, $0x38;
	[tilespmem:$0x1E200] =	vst v63  }
0x75: {  	_ =	swait.ge [sflag:s17], $0x2000  }
0x76: {  	[sflag:s17] =	ssyncset.done $0x0  }
0x77: {  	s8 =	rddreg [dreg:$0x5];
	[sflag:s17] =	ssyncadd.s32 $0xFFFFE000  }
0x78: {  	[hbm4b:s8+s4] =	stream.linear.scatter [tilespmem:s14], [sflag:$0x3], $0x2000, $0x38;
	[tilespmem:$0x1E200] =	vst v63  }
0x79: {  	_ =	swait.ge [sflag:s17], $0x2000  }
0x7a: {  	[sflag:s17] =	ssyncset.done $0x0  }
0x7b: {  	s19 =	rddreg [dreg:$0x17];
	[sflag:s17] =	ssyncadd.s32 $0xFFFFE000  }
0x7c: {  	[tilespmem:s14], [sflag:$0x3] =	stream.linear.gather [spmem:s19], $0x2000, $0x38;
	[tilespmem:$0x1E200] =	vst v63  }
0x7d: {  	_ =	swait.ge [sflag:s17], $0x2000  }
0x7e: {  	[sflag:s17] =	ssyncset.done $0x0  }
0x7f: {  	s20 =	rddreg [dreg:$0x6];
	[sflag:s17] =	ssyncadd.s32 $0xFFFFE000  }
0x80: {  	[hbm4b:s20+s4] =	stream.linear.scatter [tilespmem:s14], [sflag:$0x3], $0x2000, $0x38;
	[tilespmem:$0x1E200] =	vst v63  }
0x81: {  	_ =	swait.ge [sflag:s17], $0x2000  }
0x82: {  	[sflag:s17] =	ssyncset.done $0x0  }
0x83: {  	s6 =	rddreg [dreg:$0x18];
	[sflag:s17] =	ssyncadd.s32 $0xFFFFE000  }
0x84: {  	[tilespmem:s14], [sflag:$0x3] =	stream.linear.gather [spmem:s6], $0x2000, $0x38;
	[tilespmem:$0x1E200] =	vst v63  }
0x85: {  	_ =	swait.ge [sflag:s17], $0x2000  }
0x86: {  	[sflag:s17] =	ssyncset.done $0x0  }
0x87: {  	s7 =	rddreg [dreg:$0x7];
	[sflag:s17] =	ssyncadd.s32 $0xFFFFE000  }
0x88: {  	[hbm4b:s7+s4] =	stream.linear.scatter [tilespmem:s14], [sflag:$0x3], $0x2000, $0x38;
	[tilespmem:$0x1E200] =	vst v63  }
0x89: {  	_ =	swait.ge [sflag:s17], $0x2000  }
0x8a: {  	[sflag:s17] =	ssyncset.done $0x0  }
0x8b: {  	s8 =	rddreg [dreg:$0x19];
	[sflag:s17] =	ssyncadd.s32 $0xFFFFE000  }
0x8c: {  	[tilespmem:s14], [sflag:$0x3] =	stream.linear.gather [spmem:s8], $0x2000, $0x38;
	[tilespmem:$0x1E200] =	vst v63  }
0x8d: {  	_ =	swait.ge [sflag:s17], $0x2000  }
0x8e: {  	[sflag:s17] =	ssyncset.done $0x0  }
0x8f: {  	s19 =	rddreg [dreg:$0x8];
	[sflag:s17] =	ssyncadd.s32 $0xFFFFE000  }
0x90: {  	[hbm4b:s19+s4] =	stream.linear.scatter [tilespmem:s14], [sflag:$0x3], $0x2000, $0x38;
	[tilespmem:$0x1E200] =	vst v63  }
0x91: {  	_ =	swait.ge [sflag:s17], $0x2000  }
0x92: {  	[sflag:s17] =	ssyncset.done $0x0  }
0x93: {  	s20 =	rddreg [dreg:$0x1a];
	[sflag:s17] =	ssyncadd.s32 $0xFFFFE000  }
0x94: {  	[tilespmem:s14], [sflag:$0x3] =	stream.linear.gather [spmem:s20], $0x2000, $0x38;
	[tilespmem:$0x1E200] =	vst v63  }
0x95: {  	_ =	swait.ge [sflag:s17], $0x2000  }
0x96: {  	[sflag:s17] =	ssyncset.done $0x0  }
0x97: {  	s6 =	rddreg [dreg:$0x9];
	[sflag:s17] =	ssyncadd.s32 $0xFFFFE000  }
0x98: {  	[hbm4b:s6+s4] =	stream.linear.scatter [tilespmem:s14], [sflag:$0x3], $0x2000, $0x38;
	[tilespmem:$0x1E200] =	vst v63  }
0x99: {  	_ =	swait.ge [sflag:s17], $0x2000  }
0x9a: {  	[sflag:s17] =	ssyncset.done $0x0  }
0x9b: {  	s7 =	rddreg [dreg:$0x1b];
	[sflag:s17] =	ssyncadd.s32 $0xFFFFE000  }
0x9c: {  	[tilespmem:s14], [sflag:$0x3] =	stream.linear.gather [spmem:s7], $0x2000, $0x38;
	[tilespmem:$0x1E200] =	vst v63  }
0x9d: {  	_ =	swait.ge [sflag:s17], $0x2000  }
0x9e: {  	[sflag:s17] =	ssyncset.done $0x0  }
0x9f: {  	s8 =	rddreg [dreg:$0xa];
	[sflag:s17] =	ssyncadd.s32 $0xFFFFE000  }
0xa0: {  	[hbm4b:s8+s4] =	stream.linear.scatter [tilespmem:s14], [sflag:$0x3], $0x2000, $0x38;
	[tilespmem:$0x1E200] =	vst v63  }
0xa1: {  	_ =	swait.ge [sflag:s17], $0x2000  }
0xa2: {  	[sflag:s17] =	ssyncset.done $0x0  }
0xa3: {  	s19 =	rddreg [dreg:$0x1c];
	[sflag:s17] =	ssyncadd.s32 $0xFFFFE000  }
0xa4: {  	[tilespmem:s14], [sflag:$0x3] =	stream.linear.gather [spmem:s19], $0x2000, $0x38;
	[tilespmem:$0x1E200] =	vst v63  }
0xa5: {  	_ =	swait.ge [sflag:s17], $0x2000  }
0xa6: {  	[sflag:s17] =	ssyncset.done $0x0  }
0xa7: {  	s20 =	rddreg [dreg:$0xb];
	[sflag:s17] =	ssyncadd.s32 $0xFFFFE000  }
0xa8: {  	[hbm4b:s20+s4] =	stream.linear.scatter [tilespmem:s14], [sflag:$0x3], $0x2000, $0x38;
	[tilespmem:$0x1E200] =	vst v63  }
0xa9: {  	_ =	swait.ge [sflag:s17], $0x2000  }
0xaa: {  	[sflag:s17] =	ssyncset.done $0x0  }
0xab: {  	s6 =	rddreg [dreg:$0x1d];
	[sflag:s17] =	ssyncadd.s32 $0xFFFFE000  }
0xac: {  	[tilespmem:s14], [sflag:$0x3] =	stream.linear.gather [spmem:s6], $0x2000, $0x38;
	[tilespmem:$0x1E200] =	vst v63  }
0xad: {  	_ =	swait.ge [sflag:s17], $0x2000  }
0xae: {  	[sflag:s17] =	ssyncset.done $0x0  }
0xaf: {  	s7 =	rddreg [dreg:$0xc];
	[sflag:s17] =	ssyncadd.s32 $0xFFFFE000  }
0xb0: {  	[hbm4b:s7+s4] =	stream.linear.scatter [tilespmem:s14], [sflag:$0x3], $0x2000, $0x38;
	[tilespmem:$0x1E200] =	vst v63  }
0xb1: {  	_ =	swait.ge [sflag:s17], $0x2000  }
0xb2: {  	[sflag:s17] =	ssyncset.done $0x0  }
0xb3: {  	s8 =	rddreg [dreg:$0x1e];
	[sflag:s17] =	ssyncadd.s32 $0xFFFFE000  }
0xb4: {  	[tilespmem:s14], [sflag:$0x3] =	stream.linear.gather [spmem:s8], $0x2000, $0x38;
	[tilespmem:$0x1E200] =	vst v63  }
0xb5: {  	_ =	swait.ge [sflag:s17], $0x2000  }
0xb6: {  	[sflag:s17] =	ssyncset.done $0x0  }
0xb7: {  	s19 =	rddreg [dreg:$0xd];
	[sflag:s17] =	ssyncadd.s32 $0xFFFFE000  }
0xb8: {  	[hbm4b:s19+s4] =	stream.linear.scatter [tilespmem:s14], [sflag:$0x3], $0x2000, $0x38;
	[tilespmem:$0x1E200] =	vst v63  }
0xb9: {  	_ =	swait.ge [sflag:s17], $0x2000  }
0xba: {  	s3 =	sadd.s32 $0x1, s3;
	s20 =	rddreg [dreg:$0x15]  }
0xbb: {  	p1 =	sne.s32 s3, s20  }
.Ltmp1:
0xbc: {  	_ = 	snop;
	(pc) =	sbr.rel @!p1 .LBB2_9-.Ltmp1, $3  }
0xbd: {  	_ =	sdelay $0x1  }
0xbe: {  	[sflag:s17] =	ssyncset.done $0x0  }
0xbf: {  	[sflag:s17] =	ssyncadd.s32 $0xFFFFE000  }
.LBB2_1:
0xc0: {  	s5 =	rddreg [dreg:$0xe]  }
0xc1: {  	[tilespmem:s14], [sflag:$0x3] =	stream.linear.gather [hbm4b:s5+s4], $0x2000, $0x38;
	[tilespmem:$0x1E200] =	vst v63  }
0xc2: {  	_ =	swait.ge [sflag:s17], $0x2000  }
0xc3: {  	[sflag:s17] =	ssyncset.done $0x0  }
0xc4: {  	[sflag:s17] =	ssyncadd.s32 $0xFFFFE000  }
0xc5: {  	[spmem:s18] =	stream.linear.scatter [tilespmem:s14], [sflag:$0x3], $0x2000, $0x38;
	[tilespmem:$0x1E200] =	vst v63  }
0xc6: {  	_ =	swait.ge [sflag:s17], $0x2000  }
0xc7: {  	[sflag:s17] =	ssyncset.done $0x0  }
0xc8: {  	s7 =	rddreg [dreg:$0x1f];
	[sflag:s17] =	ssyncadd.s32 $0xFFFFE000  }
0xc9: {  	[spmem:s7] =	stream.linear.scatter [tilespmem:s14], [sflag:$0x3], $0x2000, $0x38;
	[tilespmem:$0x1E200] =	vst v63  }
0xca: {  	_ =	swait.ge [sflag:s17], $0x2000  }
0xcb: {  	s8 =	sld [smem:$0x7FB]  }
0xcc: {  	[sflag:s17] =	ssyncset.done $0x0  }
0xcd: {  	[sflag:s17] =	ssyncadd.s32 $0xFFFFE000  }
0xce: {  	[spmem:s8] =	stream.linear.scatter [tilespmem:s14], [sflag:$0x3], $0x2000, $0x38;
	[tilespmem:$0x1E200] =	vst v63  }
0xcf: {  	_ =	swait.ge [sflag:s17], $0x2000  }
0xd0: {  	s19 =	sld [smem:$0x7FC]  }
0xd1: {  	[sflag:s17] =	ssyncset.done $0x0  }
0xd2: {  	[sflag:s17] =	ssyncadd.s32 $0xFFFFE000  }
0xd3: {  	[spmem:s19] =	stream.linear.scatter [tilespmem:s14], [sflag:$0x3], $0x2000, $0x38;
	[tilespmem:$0x1E200] =	vst v63  }
0xd4: {  	_ =	swait.ge [sflag:s17], $0x2000  }
0xd5: {  	s20 =	sld [smem:$0x7FD]  }
0xd6: {  	[sflag:s17] =	ssyncset.done $0x0  }
0xd7: {  	[sflag:s17] =	ssyncadd.s32 $0xFFFFE000  }
0xd8: {  	[spmem:s20] =	stream.linear.scatter [tilespmem:s14], [sflag:$0x3], $0x2000, $0x38;
	[tilespmem:$0x1E200] =	vst v63  }
0xd9: {  	_ =	swait.ge [sflag:s17], $0x2000  }
0xda: {  	[sflag:s17] =	ssyncset.done $0x0  }
0xdb: {  	[sflag:s17] =	ssyncadd.s32 $0xFFFFE000  }
0xdc: {  	[spmem:s9] =	stream.linear.scatter [tilespmem:s14], [sflag:$0x3], $0x2000, $0x38;
	[tilespmem:$0x1E200] =	vst v63  }
0xdd: {  	_ =	swait.ge [sflag:s17], $0x2000  }
0xde: {  	[sflag:s17] =	ssyncset.done $0x0  }
0xdf: {  	[sflag:s17] =	ssyncadd.s32 $0xFFFFE000  }
0xe0: {  	[spmem:s10] =	stream.linear.scatter [tilespmem:s14], [sflag:$0x3], $0x2000, $0x38;
	[tilespmem:$0x1E200] =	vst v63  }
0xe1: {  	_ =	swait.ge [sflag:s17], $0x2000  }
0xe2: {  	[sflag:s17] =	ssyncset.done $0x0  }
0xe3: {  	[sflag:s17] =	ssyncadd.s32 $0xFFFFE000  }
0xe4: {  	[spmem:s11] =	stream.linear.scatter [tilespmem:s14], [sflag:$0x3], $0x2000, $0x38;
	[tilespmem:$0x1E200] =	vst v63  }
0xe5: {  	_ =	swait.ge [sflag:s17], $0x2000  }
0xe6: {  	[sflag:s17] =	ssyncset.done $0x0  }
0xe7: {  	[sflag:s17] =	ssyncadd.s32 $0xFFFFE000  }
0xe8: {  	[spmem:s12] =	stream.linear.scatter [tilespmem:s14], [sflag:$0x3], $0x2000, $0x38;
	[tilespmem:$0x1E200] =	vst v63  }
0xe9: {  	_ =	swait.ge [sflag:s17], $0x2000  }
0xea: {  	[sflag:s17] =	ssyncset.done $0x0  }
0xeb: {  	[sflag:s17] =	ssyncadd.s32 $0xFFFFE000  }
0xec: {  	[spmem:s13] =	stream.linear.scatter [tilespmem:s14], [sflag:$0x3], $0x2000, $0x38;
	[tilespmem:$0x1E200] =	vst v63  }
.Ltmp2:
0xed: {  	_ =	swait.ge [sflag:s17], $0x2000;
	(pc) =	sbr.rel @!p0 .LBB2_2-.Ltmp2, $3  }
0xee: {  	[sflag:s17] =	ssyncset.done $0x0  }
0xef: {  	[sflag:s17] =	ssyncadd.s32 $0xFFFFE000  }
0xf0: {  	[bflag:$0x0] =	sbarrier.arrive $0xFFFF;
	_ =	sdelay $0x1  }
0xf1: {  	s5 =	rddreg [dreg:$0x12]  }
0xf2: {  	[tilespmem:s4], [sflag:$0x3] =	stream.linear.gather [hbm4b:s5+s4], $0x80, $0x38;
	[tilespmem:$0x1E200] =	vst v63  }
0xf3: {  	_ =	swait.ge [sflag:s17], $0x80  }
0xf4: {  	[sflag:s17] =	ssyncset.done $0x0  }
0xf5: {  	s7 =	rddreg [dreg:$0x13];
	[sflag:s17] =	ssyncadd.s32 $0xFFFFFF80  }
0xf6: {  	[tilespmem:s25], [sflag:$0x3] =	stream.linear.gather [hbm4b:s7+s4], $0x80, $0x38;
	[tilespmem:$0x1E200] =	vst v63  }
0xf7: {  	_ =	swait.ge [sflag:s17], $0x80  }
0xf8: {  	[sflag:s17] =	ssyncset.done $0x0  }
0xf9: {  	s8 =	sadd.s32 $0xFFFFFDE0, s24;
	[sflag:s17] =	ssyncadd.s32 $0xFFFFFF80  }
0xfa: {  	[tilespmem:s26], [sflag:$0x1] =	stream.indirect.gather [hbm4b:s1+s25], $0x80, s4, s25, $0xb8;
	[tilespmem:$0x1E200] =	vst v63  }
0xfb: {  	s6 =	sadd.s32 $0x7C30, s8  }
0xfc: {  	[tilespmem:s28], [sflag:$0x3] =	stream.linear.gather [hbm4b:s6+s4], $0x80, $0x38;
	[tilespmem:$0x1E200] =	vst v63  }
0xfd: {  	_ =	swait.ge [sflag:s17], $0x80  }
0xfe: {  	s19 =	sadd.s32 $0xFFFFFDE0, s21;
	[sflag:s17] =	ssyncset.done $0x0  }
0xff: {  	s7 =	sadd.s32 $0x7C30, s19;
	[sflag:s17] =	ssyncadd.s32 $0xFFFFFF80  }
0x100: {  	[tilespmem:s29], [sflag:$0x3] =	stream.linear.gather [hbm4b:s7+s4], $0x80, $0x38;
	[tilespmem:$0x1E200] =	vst v63  }
0x101: {  	_ =	swait.ge [sflag:s17], $0x80  }
0x102: {  	[sflag:s17] =	ssyncset.done $0x0  }
0x103: {  	[sflag:s17] =	ssyncadd.s32 $0xFFFFFF80  }
0x104: {  	[tilespmem:s30], [sflag:$0x2] =	stream.indirect.gather [hbm4b:s1+s25], $0x80, s28, s25, $0xb8;
	[tilespmem:$0x1E200] =	vst v63  }
0x105: {  	_ =	swait.ge [sflag:s31], $0x4000  }
0x106: {  	[sflag:s31] =	ssyncset.done $0x0  }
0x107: {  	[sflag:s31] =	ssyncadd.s32 $0xFFFFC000  }
0x108: {  	[spmem:s2] =	stream.indirect.scatter.add.f32 [tilespmem:s26], [sflag:$0x3], $0x80, s25, s25, $0xb8;
	[tilespmem:$0x1E200] =	vst v63  }
0x109: {  	_ =	swait.ge [sflag:s17], $0x4000  }
0x10a: {  	[sflag:s17] =	ssyncset.done $0x0  }
0x10b: {  	s5 =	sadd.s32 $0x7C40, s8;
	[sflag:s17] =	ssyncadd.s32 $0xFFFFC000  }
0x10c: {  	[tilespmem:s4], [sflag:$0x3] =	stream.linear.gather [hbm4b:s5+s4], $0x80, $0x38;
	[tilespmem:$0x1E200] =	vst v63  }
0x10d: {  	_ =	swait.ge [sflag:s17], $0x80  }
0x10e: {  	[sflag:s17] =	ssyncset.done $0x0  }
0x10f: {  	s20 =	sadd.s32 $0x7C40, s19;
	[sflag:s17] =	ssyncadd.s32 $0xFFFFFF80  }
0x110: {  	[tilespmem:s25], [sflag:$0x3] =	stream.linear.gather [hbm4b:s20+s4], $0x80, $0x38;
	[tilespmem:$0x1E200] =	vst v63  }
0x111: {  	_ =	swait.ge [sflag:s17], $0x80  }
0x112: {  	[sflag:s17] =	ssyncset.done $0x0  }
0x113: {  	[sflag:s17] =	ssyncadd.s32 $0xFFFFFF80  }
0x114: {  	[tilespmem:s26], [sflag:$0x1] =	stream.indirect.gather [hbm4b:s1+s25], $0x80, s4, s25, $0xb8;
	[tilespmem:$0x1E200] =	vst v63  }
0x115: {  	_ =	swait.ge [sflag:s0], $0x4000  }
0x116: {  	[sflag:s0] =	ssyncset.done $0x0  }
0x117: {  	[sflag:s0] =	ssyncadd.s32 $0xFFFFC000  }
0x118: {  	[spmem:s2] =	stream.indirect.scatter.add.f32 [tilespmem:s30], [sflag:$0x3], $0x80, s29, s25, $0xb8;
	[tilespmem:$0x1E200] =	vst v63  }
0x119: {  	s19 =	simm.s32 $0xFFFFFE00;
	_ =	swait.ge [sflag:s17], $0x4000  }
0x11a: {  	s6 =	simm.s32 $0xFFFFFE20;
	s5 =	sadd.s32 $0xFFFFFE00, s24;
	[sflag:s17] =	ssyncset.done $0x0  }
.LBB2_6:
0x11b: {  	s7 =	sadd.s32 $0x7C30, s5  }
0x11c: {  	[sflag:s17] =	ssyncadd.s32 $0xFFFFC000;
	s8 =	smov.u32 s6;
	s20 =	sadd.s32 $0x20, s6  }
0x11d: {  	[tilespmem:s28], [sflag:$0x3] =	stream.linear.gather [hbm4b:s7+s4], $0x80, $0x38;
	[tilespmem:$0x1E200] =	vst v63  }
0x11e: {  	p1 =	sne.s32 s6, $0xFFFFFFE0;
	_ =	swait.ge [sflag:s17], $0x80  }
0x11f: {  	s6 =	sadd.s32 s19, s21;
	s19 =	smov.u32 s8;
	[sflag:s17] =	ssyncset.done $0x0  }
0x120: {  	s7 =	sadd.s32 $0x7C30, s6;
	[sflag:s17] =	ssyncadd.s32 $0xFFFFFF80  }
0x121: {  	[tilespmem:s29], [sflag:$0x3] =	stream.linear.gather [hbm4b:s7+s4], $0x80, $0x38;
	[tilespmem:$0x1E200] =	vst v63  }
0x122: {  	_ =	swait.ge [sflag:s17], $0x80  }
0x123: {  	[sflag:s17] =	ssyncset.done $0x0  }
0x124: {  	[sflag:s17] =	ssyncadd.s32 $0xFFFFFF80  }
0x125: {  	[tilespmem:s30], [sflag:$0x2] =	stream.indirect.gather [hbm4b:s1+s25], $0x80, s28, s25, $0xb8;
	[tilespmem:$0x1E200] =	vst v63  }
0x126: {  	_ =	swait.ge [sflag:s31], $0x4000  }
0x127: {  	[sflag:s31] =	ssyncset.done $0x0  }
0x128: {  	[sflag:s31] =	ssyncadd.s32 $0xFFFFC000  }
0x129: {  	[spmem:s2] =	stream.indirect.scatter.add.f32 [tilespmem:s26], [sflag:$0x3], $0x80, s25, s25, $0xb8;
	[tilespmem:$0x1E200] =	vst v63  }
0x12a: {  	_ =	swait.ge [sflag:s17], $0x4000  }
0x12b: {  	[sflag:s17] =	ssyncset.done $0x0  }
0x12c: {  	s5 =	sadd.s32 $0x7C40, s5;
	[sflag:s17] =	ssyncadd.s32 $0xFFFFC000  }
0x12d: {  	[tilespmem:s4], [sflag:$0x3] =	stream.linear.gather [hbm4b:s5+s4], $0x80, $0x38;
	[tilespmem:$0x1E200] =	vst v63  }
0x12e: {  	_ =	swait.ge [sflag:s17], $0x80  }
0x12f: {  	[sflag:s17] =	ssyncset.done $0x0  }
0x130: {  	s5 =	sadd.s32 $0x7C40, s6;
	[sflag:s17] =	ssyncadd.s32 $0xFFFFFF80  }
0x131: {  	[tilespmem:s25], [sflag:$0x3] =	stream.linear.gather [hbm4b:s5+s4], $0x80, $0x38;
	[tilespmem:$0x1E200] =	vst v63  }
0x132: {  	_ =	swait.ge [sflag:s17], $0x80  }
0x133: {  	[sflag:s17] =	ssyncset.done $0x0  }
0x134: {  	[sflag:s17] =	ssyncadd.s32 $0xFFFFFF80  }
0x135: {  	[tilespmem:s26], [sflag:$0x1] =	stream.indirect.gather [hbm4b:s1+s25], $0x80, s4, s25, $0xb8;
	[tilespmem:$0x1E200] =	vst v63  }
0x136: {  	_ =	swait.ge [sflag:s0], $0x4000  }
.Ltmp3:
0x137: {  	[sflag:s0] =	ssyncset.done $0x0;
	(pc) =	sbr.rel @p1 .LBB2_6-.Ltmp3, $4  }
0x138: {  	[sflag:s0] =	ssyncadd.s32 $0xFFFFC000  }
0x139: {  	[spmem:s2] =	stream.indirect.scatter.add.f32 [tilespmem:s30], [sflag:$0x3], $0x80, s29, s25, $0xb8;
	[tilespmem:$0x1E200] =	vst v63  }
0x13a: {  	_ =	swait.ge [sflag:s17], $0x4000  }
0x13b: {  	s6 =	smov.u32 s20;
	s5 =	sadd.s32 s19, s24;
	[sflag:s17] =	ssyncset.done $0x0  }
.Ltmp4:
0x13c: {  	_ = 	snop;
	(pc) =	sbr.rel .LBB2_7-.Ltmp4, $1  }
0x13d: {  	_ =	sdelay $0x3  }
.LBB2_2:
0x13e: {  	s5 =	rddreg [dreg:$0xf]  }
0x13f: {  	[tilespmem:s4], [sflag:$0x3] =	stream.linear.gather [hbm4b:s5+s4], $0x80, $0x38;
	[tilespmem:$0x1E200] =	vst v63  }
0x140: {  	_ =	swait.ge [sflag:s17], $0x80  }
0x141: {  	[sflag:s17] =	ssyncset.done $0x0  }
0x142: {  	s6 =	rddreg [dreg:$0x10];
	[sflag:s17] =	ssyncadd.s32 $0xFFFFFF80  }
0x143: {  	[tilespmem:s25], [sflag:$0x3] =	stream.linear.gather [hbm4b:s6+s4], $0x80, $0x38;
	[tilespmem:$0x1E200] =	vst v63  }
0x144: {  	_ =	swait.ge [sflag:s17], $0x80  }
0x145: {  	[sflag:s17] =	ssyncset.done $0x0  }
0x146: {  	s7 =	sadd.s32 $0xFFFFF880, s23;
	[sflag:s17] =	ssyncadd.s32 $0xFFFFFF80  }
0x147: {  	[tilespmem:s26], [sflag:$0x1] =	stream.indirect.gather [hbm4b:s1+s25], $0x80, s4, s25, $0xb8;
	[tilespmem:$0x1E200] =	vst v63  }
0x148: {  	s6 =	sadd.s32 $0x790, s7  }
0x149: {  	[tilespmem:s28], [sflag:$0x3] =	stream.linear.gather [hbm4b:s6+s4], $0x80, $0x38;
	[tilespmem:$0x1E200] =	vst v63  }
0x14a: {  	_ =	swait.ge [sflag:s17], $0x80  }
0x14b: {  	s8 =	sadd.s32 $0xFFFFF880, s22;
	[sflag:s17] =	ssyncset.done $0x0  }
0x14c: {  	s19 =	sadd.s32 $0x790, s8;
	[sflag:s17] =	ssyncadd.s32 $0xFFFFFF80  }
0x14d: {  	[tilespmem:s29], [sflag:$0x3] =	stream.linear.gather [hbm4b:s19+s4], $0x80, $0x38;
	[tilespmem:$0x1E200] =	vst v63  }
0x14e: {  	_ =	swait.ge [sflag:s17], $0x80  }
0x14f: {  	[sflag:s17] =	ssyncset.done $0x0  }
0x150: {  	[sflag:s17] =	ssyncadd.s32 $0xFFFFFF80  }
0x151: {  	[tilespmem:s30], [sflag:$0x2] =	stream.indirect.gather [hbm4b:s1+s25], $0x80, s28, s25, $0xb8;
	[tilespmem:$0x1E200] =	vst v63  }
0x152: {  	_ =	swait.ge [sflag:s31], $0x4000  }
0x153: {  	[sflag:s31] =	ssyncset.done $0x0  }
0x154: {  	[sflag:s31] =	ssyncadd.s32 $0xFFFFC000  }
0x155: {  	[spmem:s2] =	stream.indirect.scatter.add.f32 [tilespmem:s26], [sflag:$0x3], $0x80, s25, s25, $0xb8;
	[tilespmem:$0x1E200] =	vst v63  }
0x156: {  	_ =	swait.ge [sflag:s17], $0x4000  }
0x157: {  	[sflag:s17] =	ssyncset.done $0x0  }
0x158: {  	s5 =	sadd.s32 $0x7A0, s7;
	[sflag:s17] =	ssyncadd.s32 $0xFFFFC000  }
0x159: {  	[tilespmem:s4], [sflag:$0x3] =	stream.linear.gather [hbm4b:s5+s4], $0x80, $0x38;
	[tilespmem:$0x1E200] =	vst v63  }
0x15a: {  	_ =	swait.ge [sflag:s17], $0x80  }
0x15b: {  	[sflag:s17] =	ssyncset.done $0x0  }
0x15c: {  	s20 =	sadd.s32 $0x7A0, s8;
	[sflag:s17] =	ssyncadd.s32 $0xFFFFFF80  }
0x15d: {  	[tilespmem:s25], [sflag:$0x3] =	stream.linear.gather [hbm4b:s20+s4], $0x80, $0x38;
	[tilespmem:$0x1E200] =	vst v63  }
0x15e: {  	_ =	swait.ge [sflag:s17], $0x80  }
0x15f: {  	[sflag:s17] =	ssyncset.done $0x0  }
0x160: {  	[sflag:s17] =	ssyncadd.s32 $0xFFFFFF80  }
0x161: {  	[tilespmem:s26], [sflag:$0x1] =	stream.indirect.gather [hbm4b:s1+s25], $0x80, s4, s25, $0xb8;
	[tilespmem:$0x1E200] =	vst v63  }
0x162: {  	_ =	swait.ge [sflag:s0], $0x4000  }
0x163: {  	[sflag:s0] =	ssyncset.done $0x0  }
0x164: {  	[sflag:s0] =	ssyncadd.s32 $0xFFFFC000  }
0x165: {  	[spmem:s2] =	stream.indirect.scatter.add.f32 [tilespmem:s30], [sflag:$0x3], $0x80, s29, s25, $0xb8;
	[tilespmem:$0x1E200] =	vst v63  }
0x166: {  	s19 =	simm.s32 $0xFFFFF8A0;
	_ =	swait.ge [sflag:s17], $0x4000  }
0x167: {  	s5 =	sadd.s32 $0xFFFFF8A0, s23;
	s20 =	simm.s32 $0xFFFFF8C0;
	[sflag:s17] =	ssyncset.done $0x0  }
.LBB2_3:
0x168: {  	s7 =	sadd.s32 $0x790, s5  }
0x169: {  	[sflag:s17] =	ssyncadd.s32 $0xFFFFC000;
	s8 =	smov.u32 s20;
	s6 =	sadd.s32 $0x20, s20  }
0x16a: {  	[tilespmem:s28], [sflag:$0x3] =	stream.linear.gather [hbm4b:s7+s4], $0x80, $0x38;
	[tilespmem:$0x1E200] =	vst v63  }
0x16b: {  	p1 =	seq.s32 s20, $0xFFFFFFE0;
	_ =	swait.ge [sflag:s17], $0x80  }
0x16c: {  	s7 =	sadd.s32 s19, s22;
	s19 =	smov.u32 s8;
	[sflag:s17] =	ssyncset.done $0x0  }
0x16d: {  	s8 =	sadd.s32 $0x790, s7;
	[sflag:s17] =	ssyncadd.s32 $0xFFFFFF80  }
0x16e: {  	[tilespmem:s29], [sflag:$0x3] =	stream.linear.gather [hbm4b:s8+s4], $0x80, $0x38;
	[tilespmem:$0x1E200] =	vst v63  }
0x16f: {  	_ =	swait.ge [sflag:s17], $0x80  }
0x170: {  	[sflag:s17] =	ssyncset.done $0x0  }
0x171: {  	[sflag:s17] =	ssyncadd.s32 $0xFFFFFF80  }
0x172: {  	[tilespmem:s30], [sflag:$0x2] =	stream.indirect.gather [hbm4b:s1+s25], $0x80, s28, s25, $0xb8;
	[tilespmem:$0x1E200] =	vst v63  }
0x173: {  	_ =	swait.ge [sflag:s31], $0x4000  }
0x174: {  	[sflag:s31] =	ssyncset.done $0x0  }
0x175: {  	[sflag:s31] =	ssyncadd.s32 $0xFFFFC000  }
0x176: {  	[spmem:s2] =	stream.indirect.scatter.add.f32 [tilespmem:s26], [sflag:$0x3], $0x80, s25, s25, $0xb8;
	[tilespmem:$0x1E200] =	vst v63  }
0x177: {  	_ =	swait.ge [sflag:s17], $0x4000  }
0x178: {  	[sflag:s17] =	ssyncset.done $0x0  }
0x179: {  	s5 =	sadd.s32 $0x7A0, s5;
	[sflag:s17] =	ssyncadd.s32 $0xFFFFC000  }
0x17a: {  	[tilespmem:s4], [sflag:$0x3] =	stream.linear.gather [hbm4b:s5+s4], $0x80, $0x38;
	[tilespmem:$0x1E200] =	vst v63  }
0x17b: {  	_ =	swait.ge [sflag:s17], $0x80  }
0x17c: {  	[sflag:s17] =	ssyncset.done $0x0  }
0x17d: {  	s5 =	sadd.s32 $0x7A0, s7;
	[sflag:s17] =	ssyncadd.s32 $0xFFFFFF80  }
0x17e: {  	[tilespmem:s25], [sflag:$0x3] =	stream.linear.gather [hbm4b:s5+s4], $0x80, $0x38;
	[tilespmem:$0x1E200] =	vst v63  }
0x17f: {  	_ =	swait.ge [sflag:s17], $0x80  }
0x180: {  	[sflag:s17] =	ssyncset.done $0x0  }
0x181: {  	[sflag:s17] =	ssyncadd.s32 $0xFFFFFF80  }
0x182: {  	[tilespmem:s26], [sflag:$0x1] =	stream.indirect.gather [hbm4b:s1+s25], $0x80, s4, s25, $0xb8;
	[tilespmem:$0x1E200] =	vst v63  }
0x183: {  	_ =	swait.ge [sflag:s0], $0x4000  }
.Ltmp5:
0x184: {  	[sflag:s0] =	ssyncset.done $0x0;
	(pc) =	sbr.rel @!p1 .LBB2_3-.Ltmp5, $4  }
0x185: {  	[sflag:s0] =	ssyncadd.s32 $0xFFFFC000  }
0x186: {  	[spmem:s2] =	stream.indirect.scatter.add.f32 [tilespmem:s30], [sflag:$0x3], $0x80, s29, s25, $0xb8;
	[tilespmem:$0x1E200] =	vst v63  }
0x187: {  	_ =	swait.ge [sflag:s17], $0x4000  }
0x188: {  	s20 =	smov.u32 s6;
	s5 =	sadd.s32 s19, s23;
	[sflag:s17] =	ssyncset.done $0x0  }
0x189: {  	s6 =	sadd.s32 $0x790, s5;
	[sflag:s17] =	ssyncadd.s32 $0xFFFFC000  }
0x18a: {  	[tilespmem:s28], [sflag:$0x3] =	stream.linear.gather [hbm4b:s6+s4], $0x80, $0x38;
	[tilespmem:$0x1E200] =	vst v63  }
0x18b: {  	_ =	swait.ge [sflag:s17], $0x80  }
0x18c: {  	s8 =	sadd.s32 s19, s22;
	[sflag:s17] =	ssyncset.done $0x0  }
0x18d: {  	s7 =	sadd.s32 $0x790, s8;
	[sflag:s17] =	ssyncadd.s32 $0xFFFFFF80  }
0x18e: {  	[tilespmem:s29], [sflag:$0x3] =	stream.linear.gather [hbm4b:s7+s4], $0x80, $0x38;
	[tilespmem:$0x1E200] =	vst v63  }
0x18f: {  	_ =	swait.ge [sflag:s17], $0x80  }
0x190: {  	[sflag:s17] =	ssyncset.done $0x0  }
0x191: {  	[sflag:s17] =	ssyncadd.s32 $0xFFFFFF80  }
0x192: {  	[tilespmem:s30], [sflag:$0x2] =	stream.indirect.gather [hbm4b:s1+s25], $0x80, s28, s25, $0xb8;
	[tilespmem:$0x1E200] =	vst v63  }
0x193: {  	_ =	swait.ge [sflag:s31], $0x4000  }
0x194: {  	[sflag:s31] =	ssyncset.done $0x0  }
0x195: {  	[sflag:s31] =	ssyncadd.s32 $0xFFFFC000  }
0x196: {  	[spmem:s2] =	stream.indirect.scatter.add.f32 [tilespmem:s26], [sflag:$0x3], $0x80, s25, s25, $0xb8;
	[tilespmem:$0x1E200] =	vst v63  }
0x197: {  	_ =	swait.ge [sflag:s17], $0x4000  }
0x198: {  	[sflag:s17] =	ssyncset.done $0x0  }
0x199: {  	s19 =	sadd.s32 $0x7A0, s5;
	[sflag:s17] =	ssyncadd.s32 $0xFFFFC000  }
0x19a: {  	[tilespmem:s4], [sflag:$0x3] =	stream.linear.gather [hbm4b:s19+s4], $0x80, $0x38;
	[tilespmem:$0x1E200] =	vst v63  }
0x19b: {  	_ =	swait.ge [sflag:s17], $0x80  }
0x19c: {  	[sflag:s17] =	ssyncset.done $0x0  }
0x19d: {  	s20 =	sadd.s32 $0x7A0, s8;
	[sflag:s17] =	ssyncadd.s32 $0xFFFFFF80  }
0x19e: {  	[tilespmem:s25], [sflag:$0x3] =	stream.linear.gather [hbm4b:s20+s4], $0x80, $0x38;
	[tilespmem:$0x1E200] =	vst v63  }
0x19f: {  	_ =	swait.ge [sflag:s17], $0x80  }
0x1a0: {  	[sflag:s17] =	ssyncset.done $0x0  }
0x1a1: {  	[sflag:s17] =	ssyncadd.s32 $0xFFFFFF80  }
0x1a2: {  	[tilespmem:s26], [sflag:$0x1] =	stream.indirect.gather [hbm4b:s1+s25], $0x80, s4, s25, $0xb8;
	[tilespmem:$0x1E200] =	vst v63  }
0x1a3: {  	_ =	swait.ge [sflag:s0], $0x4000  }
0x1a4: {  	[sflag:s0] =	ssyncset.done $0x0  }
.Ltmp6:
0x1a5: {  	[sflag:s0] =	ssyncadd.s32 $0xFFFFC000;
	(pc) =	sbr.rel .LBB2_8-.Ltmp6, $4  }
0x1a6: {  	[spmem:s2] =	stream.indirect.scatter.add.f32 [tilespmem:s30], [sflag:$0x3], $0x80, s29, s25, $0xb8;
	[tilespmem:$0x1E200] =	vst v63  }
0x1a7: {  	_ =	swait.ge [sflag:s17], $0x4000  }
0x1a8: {  	[sflag:s17] =	ssyncset.done $0x0  }
0x1a9: {  	s5 =	rddreg [dreg:$0x11];
	[sflag:s17] =	ssyncadd.s32 $0xFFFFC000  }
.LBB2_9:
0x1aa: {  	_ =	sfence.sel $0x180000  }
0x1ab: {  	[bflag:$0x0] =	sbarrier.arrive $0xFFFF  }
0x1ac: {  	_ =	strace $0x90000053  }
0x1ad: {  	s0 =	stileid.u32;
	[bflag:$0x2] =	sbarrier.arrive $0xFFFF  }
0x1ae: {  	p0 =	sne.s32 s0, $0x0;
	s0 =	rddreg [dreg:$0x3]  }
0x1af: {  	s0 =	sadd.s32 @!p0 $0x100000, s0  }
0x1b0: {  	[sflag:s0] =	ssyncadd.tile.s32 @!p0 $0x1;
	_ =	shalt  }
.Lfunc_end2:
_tile_overlayer_lowered:
.L_overlay_start_2:
0x1b1: {  	(tag) =	ssettag $0x2  }
0x1b2: {  	s0 =	rddreg [dreg:$0x0];
	s2 =	stileid.u32  }
0x1b3: {  	s1 =	rddreg [dreg:$0x1];
	p0 =	sne.s32 s2, $0x0  }
0x1b4: {  	s3 =	rddreg [dreg:$0x2];
	[bflag:$0x3] =	sbarrier.arrive $0xFFFF;
	s2 =	simm.s32 @!p0 $0x1C03  }
0x1b5: {  	[timem:s3], [sflag:s2] =	dma.local @!p0 [hbm:s0], s1  }
0x1b6: {  	s0 =	simm.s32 @!p0 $0x3  }
0x1b7: {  	_ =	swait.ge @!p0 [sflag:s0], s1  }
0x1b8: {  	s1 =	ssub.s32 @!p0 $0x0, s1;
	[sflag:s0] =	ssyncset.done @!p0 $0x0  }
0x1b9: {  	[sflag:s0] =	ssyncadd.s32 @!p0 s1  }
0x1ba: {  	[bflag:$0x3] =	sbarrier.arrive $0xFFFF  }
0x1bb: {  	_ =	shalt  }

</sc_bundles>
